<compile_context>
chip_gen: v7x
topology: tpu7x:2x2x1
jax: 0.10.2.dev20260603
libtpu: 0.0.44.dev20260713+nightly
codegen_flags: <defaults>
</compile_context>

<pallas_src>
import functools

import jax
import jax.numpy as jnp
from jax import lax
from jax.experimental import pallas as pl
from jax.experimental.pallas import tpu as pltpu
from jax.experimental.pallas import tpu_sc as plsc

_N = 4096
_D = 128
_K = 256
_BN = 512
_GRID = _N // _BN
_THRESH = 1.0

_NW = 32
_RPW = _N // _NW
_L = 16


def _vsqrt16(x):
    x = jnp.maximum(x, jnp.float32(1e-20))
    xi = plsc.bitcast(x, jnp.int32)
    yi = jnp.int32(0x5F3759DF) - lax.shift_right_logical(xi, 1)
    y = plsc.bitcast(yi, jnp.float32)
    h = jnp.float32(0.5) * x
    for _ in range(3):
        y = y * (jnp.float32(1.5) - h * y * y)
    return x * y


def _sc_body(feat_hbm, asg_hbm, cent_hbm, out_hbm,
             idx_v, feat_v, cent_v, out_v):
    wid = lax.axis_index("s") * 2 + lax.axis_index("c")
    base = wid * _RPW
    pltpu.sync_copy(asg_hbm.at[pl.ds(base, _RPW)], idx_v)
    pltpu.sync_copy(cent_hbm, cent_v)
    pltpu.sync_copy(feat_hbm.at[pl.ds(base * _D, _RPW * _D)], feat_v)

    lanes = lax.iota(jnp.int32, _L)
    total = jnp.zeros((_L,), jnp.float32)
    for g in range(_RPW // _L):
        rbase = (jnp.int32(g * _L) + lanes) * jnp.int32(_D)
        abase = idx_v[pl.ds(g * _L, _L)] * jnp.int32(_D)

        def chunk(t, acc, rbase=rbase, abase=abase):
            for u in range(16):
                e = t * 16 + u
                off = lax.bitwise_and(lanes + e, jnp.int32(_D - 1))
                fv = plsc.load_gather(feat_v, [rbase + off])
                cv = plsc.load_gather(cent_v, [abase + off])
                dlt = fv - cv
                acc = acc + dlt * dlt
            return acc

        d2 = lax.fori_loop(0, _D // 16, chunk, jnp.zeros((_L,), jnp.float32))
        d = _vsqrt16(d2)
        total = total + jnp.maximum(jnp.float32(_THRESH) - d, 0.0)
    out_v[...] = total
    pltpu.sync_copy(out_v, out_hbm.at[wid])


_sc_assigned_term = functools.partial(
    pl.kernel,
    out_type=jax.ShapeDtypeStruct((_NW, _L), jnp.float32),
    mesh=plsc.VectorSubcoreMesh(core_axis_name="c", subcore_axis_name="s"),
    scratch_types=[
        pltpu.VMEM((_RPW,), jnp.int32),
        pltpu.VMEM((_RPW * _D,), jnp.float32),
        pltpu.VMEM((_K * _D,), jnp.float32),
        pltpu.VMEM((_L,), jnp.float32),
    ],
    compiler_params=pltpu.CompilerParams(needs_layout_passes=False),
)(_sc_body)


def _tc_body(f_ref, c_ref, a_ref, o_ref):
    i = pl.program_id(0)
    f = f_ref[...]
    c = c_ref[...]
    g = lax.dot_general(f, c, (((1,), (1,)), ((), ())),
                        preferred_element_type=jnp.float32)
    f2 = jnp.sum(f * f, axis=1, keepdims=True)
    c2 = jnp.sum(c * c, axis=1)[None, :]
    d2 = jnp.maximum(f2 + c2 - 2.0 * g, 0.0)
    d = jnp.sqrt(d2)
    a = a_ref[0, 0, :]
    cols = lax.broadcasted_iota(jnp.int32, (_BN, _K), 1)
    assigned = cols == a[:, None]
    inf = jnp.float32(jnp.inf)
    term_other = jnp.sum(jnp.where(assigned, inf,
                                   jnp.maximum(d - _THRESH, 0.0)))

    @pl.when(i == 0)
    def _init():
        o_ref[...] = jnp.zeros((1, 1), jnp.float32)

    o_ref[...] += term_other.reshape(1, 1)


def _combine_body(t_ref, p_ref, o_ref):
    sc_term = jnp.sum(p_ref[...])
    o_ref[...] = (t_ref[...] + sc_term) / jnp.float32(_N)


@jax.jit
def _run(features, assignments_i32, cluster_centers):
    feat_flat = features.reshape(-1)
    cent_flat = cluster_centers.reshape(-1)
    sc_parts = _sc_assigned_term(feat_flat, assignments_i32, cent_flat)
    a3 = assignments_i32.reshape(_GRID, 1, _BN)
    tc_sum = pl.pallas_call(
        _tc_body,
        grid=(_GRID,),
        in_specs=[
            pl.BlockSpec((_BN, _D), lambda i: (i, 0)),
            pl.BlockSpec((_K, _D), lambda i: (0, 0)),
            pl.BlockSpec((1, 1, _BN), lambda i: (i, 0, 0)),
        ],
        out_specs=pl.BlockSpec((1, 1), lambda i: (0, 0)),
        out_shape=jax.ShapeDtypeStruct((1, 1), jnp.float32),
    )(features, cluster_centers, a3)
    out = pl.pallas_call(
        _combine_body,
        out_shape=jax.ShapeDtypeStruct((1, 1), jnp.float32),
    )(tc_sum, sc_parts)
    return out[0, 0]


def kernel(features, cluster_assignments, cluster_centers):
    return _run(features, cluster_assignments.astype(jnp.int32),
                cluster_centers)

# --- scband reference (transcript-rebuilt; emitter-appended) ---
"""Pipeline reference for scband-cluster-loss-34308198761265 (READ-ONLY COPY).

The authoritative reference and input builder live on the scoring server;
editing this copy changes nothing except your own understanding.
"""

import jax, jax.numpy as jnp
import numpy as np

N = 4096
D = 128
K = 256
DIST_THRESHOLD = 1.0

def setup_inputs(seed: int = 0) -> dict:
    key = jax.random.key(seed)
    k1, k2, k3 = jax.random.split(key, 3)
    features = jax.random.normal(k1, (N, D), dtype=jnp.float32)
    cluster_assignments = jax.random.randint(k2, (N,), 0, K, dtype=jnp.int64) if jax.config.jax_enable_x64 else jax.random.randint(k2, (N,), 0, K, dtype=jnp.int32)
    cluster_centers = jax.random.normal(k3, (K, D), dtype=jnp.float32)
    return {"features": features, "cluster_assignments": cluster_assignments, "cluster_centers": cluster_centers}

def reference(features, cluster_assignments, cluster_centers):
    n = features.shape[0]
    # distance to assigned center (gather rows of cluster_centers)
    assigned = jnp.take(cluster_centers, cluster_assignments, axis=0)  # [N, D]
    dist_to_assigned_center = jnp.sqrt(jnp.sum((features - assigned) ** 2, axis=1))  # [N]
    # distance to every center: mimics the torch cat-of-per-center-norms -> [N, K]
    diff = features[:, None, :] - cluster_centers[None, :, :]  # [N, K, D]
    dist_to_other_centers = jnp.sqrt(jnp.sum(diff ** 2, axis=2))  # [N, K]
    # scatter_(1, assignments, inf): overwrite the assigned-center column with +inf
    dist_to_other_centers = dist_to_other_centers.at[jnp.arange(n), cluster_assignments].set(jnp.inf)
    loss = jnp.sum(jax.nn.relu(DIST_THRESHOLD - dist_to_assigned_center)) + jnp.sum(jax.nn.relu(dist_to_other_centers - DIST_THRESHOLD))
    return loss / n

if __name__ == "__main__":
    import jax
    _d = setup_inputs()
    print(jax.jit(kernel)(*tuple(_d.values())))

</pallas_src>

<mosaic_0001>
#map = affine_map<(d0, d1) -> (0)>
#map1 = affine_map<(d0, d1) -> (0, 0)>
module attributes {stable_mosaic.version = 14 : i64} {
  func.func @_sc_body(%arg0: i32, %arg1: i32, %arg2: memref<524288xf32, #tpu.memory_space<hbm>>, %arg3: memref<4096xi32, #tpu.memory_space<hbm>>, %arg4: memref<32768xf32, #tpu.memory_space<hbm>>, %arg5: memref<32x16xf32, #tpu.memory_space<hbm>>, %arg6: memref<128xi32, #tpu.memory_space<vmem>>, %arg7: memref<16384xf32, #tpu.memory_space<vmem>>, %arg8: memref<32768xf32, #tpu.memory_space<vmem>>, %arg9: memref<16xf32, #tpu.memory_space<vmem>>) attributes {dimension_semantics = [#tpu.dimension_semantics<core_parallel>, #tpu.dimension_semantics<subcore_parallel>], iteration_bounds = array<i64: 2, 16>, scalar_prefetch = 0 : i64, scratch_operands = 4 : i64, tpu.core_type = #tpu.core_type<sc_vector_subcore>, window_params = [{transform_indices = #map}, {transform_indices = #map}, {transform_indices = #map}, {transform_indices = #map1}]} {
    %mul3A = arith.constant 2 : i32
    %mul3A_0 = arith.muli %arg1, %mul3A : i32
    %add3A = arith.addi %mul3A_0, %arg0 : i32
    %mul3A_1 = arith.constant 128 : i32
    %mul3A_2 = arith.muli %add3A, %mul3A_1 : i32
    "tpu.region"() ({
      %run_scoped3A = tpu.sem_alloc : memref<!tpu.dma_semaphore, #tpu.memory_space<semaphore_mem>>
      %dma_start3A = tpu.memref_slice %arg3[%mul3A_2] : memref<4096xi32, #tpu.memory_space<hbm>> -> memref<128xi32, #tpu.memory_space<hbm>>
      %dma_start3A_473 = tpu.memref_slice %arg3[%mul3A_2] : memref<4096xi32, #tpu.memory_space<hbm>> -> memref<128xi32, #tpu.memory_space<hbm>>
      tpu.enqueue_dma source(%dma_start3A_473 : memref<128xi32, #tpu.memory_space<hbm>>) target(%arg6 : memref<128xi32, #tpu.memory_space<vmem>>) target_semaphore(%run_scoped3A : memref<!tpu.dma_semaphore, #tpu.memory_space<semaphore_mem>>)
      %dma_wait3A = tpu.memref_slice %arg3[%mul3A_2] : memref<4096xi32, #tpu.memory_space<hbm>> -> memref<128xi32, #tpu.memory_space<hbm>>
      %dma_wait3A_474 = tpu.memref_slice %arg3[%mul3A_2] : memref<4096xi32, #tpu.memory_space<hbm>> -> memref<128xi32, #tpu.memory_space<hbm>>
      tpu.wait_dma2 semaphore(%run_scoped3A : memref<!tpu.dma_semaphore, #tpu.memory_space<semaphore_mem>>) src(%dma_wait3A_474 : memref<128xi32, #tpu.memory_space<hbm>>) dst(%arg6 : memref<128xi32, #tpu.memory_space<vmem>>)
      tpu.yield
    }) : () -> ()
    "tpu.region"() ({
      %run_scoped3A = tpu.sem_alloc : memref<!tpu.dma_semaphore, #tpu.memory_space<semaphore_mem>>
      tpu.enqueue_dma source(%arg4 : memref<32768xf32, #tpu.memory_space<hbm>>) target(%arg8 : memref<32768xf32, #tpu.memory_space<vmem>>) target_semaphore(%run_scoped3A : memref<!tpu.dma_semaphore, #tpu.memory_space<semaphore_mem>>)
      tpu.wait_dma2 semaphore(%run_scoped3A : memref<!tpu.dma_semaphore, #tpu.memory_space<semaphore_mem>>) src(%arg4 : memref<32768xf32, #tpu.memory_space<hbm>>) dst(%arg8 : memref<32768xf32, #tpu.memory_space<vmem>>)
      tpu.yield
    }) : () -> ()
    %mul3A_3 = arith.constant 128 : i32
    %mul3A_4 = arith.muli %mul3A_2, %mul3A_3 : i32
    "tpu.region"() ({
      %run_scoped3A = tpu.sem_alloc : memref<!tpu.dma_semaphore, #tpu.memory_space<semaphore_mem>>
      %dma_start3A = tpu.memref_slice %arg2[%mul3A_4] : memref<524288xf32, #tpu.memory_space<hbm>> -> memref<16384xf32, #tpu.memory_space<hbm>>
      %dma_start3A_473 = tpu.memref_slice %arg2[%mul3A_4] : memref<524288xf32, #tpu.memory_space<hbm>> -> memref<16384xf32, #tpu.memory_space<hbm>>
      tpu.enqueue_dma source(%dma_start3A_473 : memref<16384xf32, #tpu.memory_space<hbm>>) target(%arg7 : memref<16384xf32, #tpu.memory_space<vmem>>) target_semaphore(%run_scoped3A : memref<!tpu.dma_semaphore, #tpu.memory_space<semaphore_mem>>)
      %dma_wait3A = tpu.memref_slice %arg2[%mul3A_4] : memref<524288xf32, #tpu.memory_space<hbm>> -> memref<16384xf32, #tpu.memory_space<hbm>>
      %dma_wait3A_474 = tpu.memref_slice %arg2[%mul3A_4] : memref<524288xf32, #tpu.memory_space<hbm>> -> memref<16384xf32, #tpu.memory_space<hbm>>
      tpu.wait_dma2 semaphore(%run_scoped3A : memref<!tpu.dma_semaphore, #tpu.memory_space<semaphore_mem>>) src(%dma_wait3A_474 : memref<16384xf32, #tpu.memory_space<hbm>>) dst(%arg7 : memref<16384xf32, #tpu.memory_space<vmem>>)
      tpu.yield
    }) : () -> ()
    %iota3A = tpu.iota {dimensions = array<i32: 0>} : vector<16xi32>
    %broadcast_in_dim3A = arith.constant 0.000000e+00 : f32
    %broadcast_in_dim3A_5 = vector.broadcast %broadcast_in_dim3A : f32 to vector<16xf32>
    %add3A_6 = arith.constant 0 : i32
    %add3A_7 = vector.broadcast %add3A_6 : i32 to vector<16xi32>
    %add3A_8 = arith.addi %add3A_7, %iota3A : vector<16xi32>
    %mul3A_9 = arith.constant 128 : i32
    %mul3A_10 = vector.broadcast %mul3A_9 : i32 to vector<16xi32>
    %mul3A_11 = arith.muli %add3A_8, %mul3A_10 : vector<16xi32>
    %get3A = arith.constant 0 : index
    %get3A_12 = tpu.vector_load %arg6[%get3A] {strides = array<i32>} : memref<128xi32, #tpu.memory_space<vmem>>, vector<16xi32>,
    %mul3A_13 = arith.constant 128 : i32
    %mul3A_14 = vector.broadcast %mul3A_13 : i32 to vector<16xi32>
    %mul3A_15 = arith.muli %get3A_12, %mul3A_14 : vector<16xi32>
    %broadcast_in_dim3A_16 = arith.constant 0.000000e+00 : f32
    %broadcast_in_dim3A_17 = vector.broadcast %broadcast_in_dim3A_16 : f32 to vector<16xf32>
    %scan3A = arith.constant 0 : i32
    %scan3A_18 = arith.constant 8 : i32
    %scan3A_19 = arith.addi %scan3A, %scan3A_18 : i32
    %scan3A_20 = arith.constant 1 : i32
    %scan3A_21 = scf.for %scan3A_473 = %scan3A to %scan3A_19 step %scan3A_20 iter_args(%scan3A_474 = %broadcast_in_dim3A_17) -> (vector<16xf32>)  : i32 {
      %mul3A_475 = arith.constant 16 : i32
      %mul3A_476 = arith.muli %scan3A_473, %mul3A_475 : i32
      %add3A_477 = arith.constant 0 : i32
      %add3A_478 = arith.addi %mul3A_476, %add3A_477 : i32
      %add3A_479 = vector.broadcast %add3A_478 : i32 to vector<16xi32>
      %add3A_480 = arith.addi %iota3A, %add3A_479 : vector<16xi32>
      %and3A = arith.constant 127 : i32
      %and3A_481 = vector.broadcast %and3A : i32 to vector<16xi32>
      %and3A_482 = arith.andi %add3A_480, %and3A_481 : vector<16xi32>
      %add3A_483 = arith.addi %mul3A_11, %and3A_482 : vector<16xi32>
      %gather3A = tpu.vector_load_idx %arg7[%add3A_483] : memref<16384xf32, #tpu.memory_space<vmem>>[vector<16xi32>], vector<16xf32>,
      %add3A_484 = arith.addi %mul3A_15, %and3A_482 : vector<16xi32>
      %gather3A_485 = tpu.vector_load_idx %arg8[%add3A_484] : memref<32768xf32, #tpu.memory_space<vmem>>[vector<16xi32>], vector<16xf32>,
      %sub3A_486 = arith.subf %gather3A, %gather3A_485 : vector<16xf32>
      %mul3A_487 = arith.mulf %sub3A_486, %sub3A_486 : vector<16xf32>
      %add3A_488 = arith.addf %scan3A_474, %mul3A_487 : vector<16xf32>
      %mul3A_489 = arith.constant 16 : i32
      %mul3A_490 = arith.muli %scan3A_473, %mul3A_489 : i32
      %add3A_491 = arith.constant 1 : i32
      %add3A_492 = arith.addi %mul3A_490, %add3A_491 : i32
      %add3A_493 = vector.broadcast %add3A_492 : i32 to vector<16xi32>
      %add3A_494 = arith.addi %iota3A, %add3A_493 : vector<16xi32>
      %and3A_495 = arith.constant 127 : i32
      %and3A_496 = vector.broadcast %and3A_495 : i32 to vector<16xi32>
      %and3A_497 = arith.andi %add3A_494, %and3A_496 : vector<16xi32>
      %add3A_498 = arith.addi %mul3A_11, %and3A_497 : vector<16xi32>
      %gather3A_499 = tpu.vector_load_idx %arg7[%add3A_498] : memref<16384xf32, #tpu.memory_space<vmem>>[vector<16xi32>], vector<16xf32>,
      %add3A_500 = arith.addi %mul3A_15, %and3A_497 : vector<16xi32>
      %gather3A_501 = tpu.vector_load_idx %arg8[%add3A_500] : memref<32768xf32, #tpu.memory_space<vmem>>[vector<16xi32>], vector<16xf32>,
      %sub3A_502 = arith.subf %gather3A_499, %gather3A_501 : vector<16xf32>
      %mul3A_503 = arith.mulf %sub3A_502, %sub3A_502 : vector<16xf32>
      %add3A_504 = arith.addf %add3A_488, %mul3A_503 : vector<16xf32>
      %mul3A_505 = arith.constant 16 : i32
      %mul3A_506 = arith.muli %scan3A_473, %mul3A_505 : i32
      %add3A_507 = arith.constant 2 : i32
      %add3A_508 = arith.addi %mul3A_506, %add3A_507 : i32
      %add3A_509 = vector.broadcast %add3A_508 : i32 to vector<16xi32>
      %add3A_510 = arith.addi %iota3A, %add3A_509 : vector<16xi32>
      %and3A_511 = arith.constant 127 : i32
      %and3A_512 = vector.broadcast %and3A_511 : i32 to vector<16xi32>
      %and3A_513 = arith.andi %add3A_510, %and3A_512 : vector<16xi32>
      %add3A_514 = arith.addi %mul3A_11, %and3A_513 : vector<16xi32>
      %gather3A_515 = tpu.vector_load_idx %arg7[%add3A_514] : memref<16384xf32, #tpu.memory_space<vmem>>[vector<16xi32>], vector<16xf32>,
      %add3A_516 = arith.addi %mul3A_15, %and3A_513 : vector<16xi32>
      %gather3A_517 = tpu.vector_load_idx %arg8[%add3A_516] : memref<32768xf32, #tpu.memory_space<vmem>>[vector<16xi32>], vector<16xf32>,
      %sub3A_518 = arith.subf %gather3A_515, %gather3A_517 : vector<16xf32>
      %mul3A_519 = arith.mulf %sub3A_518, %sub3A_518 : vector<16xf32>
      %add3A_520 = arith.addf %add3A_504, %mul3A_519 : vector<16xf32>
      %mul3A_521 = arith.constant 16 : i32
      %mul3A_522 = arith.muli %scan3A_473, %mul3A_521 : i32
      %add3A_523 = arith.constant 3 : i32
      %add3A_524 = arith.addi %mul3A_522, %add3A_523 : i32
      %add3A_525 = vector.broadcast %add3A_524 : i32 to vector<16xi32>
      %add3A_526 = arith.addi %iota3A, %add3A_525 : vector<16xi32>
      %and3A_527 = arith.constant 127 : i32
      %and3A_528 = vector.broadcast %and3A_527 : i32 to vector<16xi32>
      %and3A_529 = arith.andi %add3A_526, %and3A_528 : vector<16xi32>
      %add3A_530 = arith.addi %mul3A_11, %and3A_529 : vector<16xi32>
      %gather3A_531 = tpu.vector_load_idx %arg7[%add3A_530] : memref<16384xf32, #tpu.memory_space<vmem>>[vector<16xi32>], vector<16xf32>,
      %add3A_532 = arith.addi %mul3A_15, %and3A_529 : vector<16xi32>
      %gather3A_533 = tpu.vector_load_idx %arg8[%add3A_532] : memref<32768xf32, #tpu.memory_space<vmem>>[vector<16xi32>], vector<16xf32>,
      %sub3A_534 = arith.subf %gather3A_531, %gather3A_533 : vector<16xf32>
      %mul3A_535 = arith.mulf %sub3A_534, %sub3A_534 : vector<16xf32>
      %add3A_536 = arith.addf %add3A_520, %mul3A_535 : vector<16xf32>
      %mul3A_537 = arith.constant 16 : i32
      %mul3A_538 = arith.muli %scan3A_473, %mul3A_537 : i32
      %add3A_539 = arith.constant 4 : i32
      %add3A_540 = arith.addi %mul3A_538, %add3A_539 : i32
      %add3A_541 = vector.broadcast %add3A_540 : i32 to vector<16xi32>
      %add3A_542 = arith.addi %iota3A, %add3A_541 : vector<16xi32>
      %and3A_543 = arith.constant 127 : i32
      %and3A_544 = vector.broadcast %and3A_543 : i32 to vector<16xi32>
      %and3A_545 = arith.andi %add3A_542, %and3A_544 : vector<16xi32>
      %add3A_546 = arith.addi %mul3A_11, %and3A_545 : vector<16xi32>
      %gather3A_547 = tpu.vector_load_idx %arg7[%add3A_546] : memref<16384xf32, #tpu.memory_space<vmem>>[vector<16xi32>], vector<16xf32>,
      %add3A_548 = arith.addi %mul3A_15, %and3A_545 : vector<16xi32>
      %gather3A_549 = tpu.vector_load_idx %arg8[%add3A_548] : memref<32768xf32, #tpu.memory_space<vmem>>[vector<16xi32>], vector<16xf32>,
      %sub3A_550 = arith.subf %gather3A_547, %gather3A_549 : vector<16xf32>
      %mul3A_551 = arith.mulf %sub3A_550, %sub3A_550 : vector<16xf32>
      %add3A_552 = arith.addf %add3A_536, %mul3A_551 : vector<16xf32>
      %mul3A_553 = arith.constant 16 : i32
      %mul3A_554 = arith.muli %scan3A_473, %mul3A_553 : i32
      %add3A_555 = arith.constant 5 : i32
      %add3A_556 = arith.addi %mul3A_554, %add3A_555 : i32
      %add3A_557 = vector.broadcast %add3A_556 : i32 to vector<16xi32>
      %add3A_558 = arith.addi %iota3A, %add3A_557 : vector<16xi32>
      %and3A_559 = arith.constant 127 : i32
      %and3A_560 = vector.broadcast %and3A_559 : i32 to vector<16xi32>
      %and3A_561 = arith.andi %add3A_558, %and3A_560 : vector<16xi32>
      %add3A_562 = arith.addi %mul3A_11, %and3A_561 : vector<16xi32>
      %gather3A_563 = tpu.vector_load_idx %arg7[%add3A_562] : memref<16384xf32, #tpu.memory_space<vmem>>[vector<16xi32>], vector<16xf32>,
      %add3A_564 = arith.addi %mul3A_15, %and3A_561 : vector<16xi32>
      %gather3A_565 = tpu.vector_load_idx %arg8[%add3A_564] : memref<32768xf32, #tpu.memory_space<vmem>>[vector<16xi32>], vector<16xf32>,
      %sub3A_566 = arith.subf %gather3A_563, %gather3A_565 : vector<16xf32>
      %mul3A_567 = arith.mulf %sub3A_566, %sub3A_566 : vector<16xf32>
      %add3A_568 = arith.addf %add3A_552, %mul3A_567 : vector<16xf32>
      %mul3A_569 = arith.constant 16 : i32
      %mul3A_570 = arith.muli %scan3A_473, %mul3A_569 : i32
      %add3A_571 = arith.constant 6 : i32
      %add3A_572 = arith.addi %mul3A_570, %add3A_571 : i32
      %add3A_573 = vector.broadcast %add3A_572 : i32 to vector<16xi32>
      %add3A_574 = arith.addi %iota3A, %add3A_573 : vector<16xi32>
      %and3A_575 = arith.constant 127 : i32
      %and3A_576 = vector.broadcast %and3A_575 : i32 to vector<16xi32>
      %and3A_577 = arith.andi %add3A_574, %and3A_576 : vector<16xi32>
      %add3A_578 = arith.addi %mul3A_11, %and3A_577 : vector<16xi32>
      %gather3A_579 = tpu.vector_load_idx %arg7[%add3A_578] : memref<16384xf32, #tpu.memory_space<vmem>>[vector<16xi32>], vector<16xf32>,
      %add3A_580 = arith.addi %mul3A_15, %and3A_577 : vector<16xi32>
      %gather3A_581 = tpu.vector_load_idx %arg8[%add3A_580] : memref<32768xf32, #tpu.memory_space<vmem>>[vector<16xi32>], vector<16xf32>,
      %sub3A_582 = arith.subf %gather3A_579, %gather3A_581 : vector<16xf32>
      %mul3A_583 = arith.mulf %sub3A_582, %sub3A_582 : vector<16xf32>
      %add3A_584 = arith.addf %add3A_568, %mul3A_583 : vector<16xf32>
      %mul3A_585 = arith.constant 16 : i32
      %mul3A_586 = arith.muli %scan3A_473, %mul3A_585 : i32
      %add3A_587 = arith.constant 7 : i32
      %add3A_588 = arith.addi %mul3A_586, %add3A_587 : i32
      %add3A_589 = vector.broadcast %add3A_588 : i32 to vector<16xi32>
      %add3A_590 = arith.addi %iota3A, %add3A_589 : vector<16xi32>
      %and3A_591 = arith.constant 127 : i32
      %and3A_592 = vector.broadcast %and3A_591 : i32 to vector<16xi32>
      %and3A_593 = arith.andi %add3A_590, %and3A_592 : vector<16xi32>
      %add3A_594 = arith.addi %mul3A_11, %and3A_593 : vector<16xi32>
      %gather3A_595 = tpu.vector_load_idx %arg7[%add3A_594] : memref<16384xf32, #tpu.memory_space<vmem>>[vector<16xi32>], vector<16xf32>,
      %add3A_596 = arith.addi %mul3A_15, %and3A_593 : vector<16xi32>
      %gather3A_597 = tpu.vector_load_idx %arg8[%add3A_596] : memref<32768xf32, #tpu.memory_space<vmem>>[vector<16xi32>], vector<16xf32>,
      %sub3A_598 = arith.subf %gather3A_595, %gather3A_597 : vector<16xf32>
      %mul3A_599 = arith.mulf %sub3A_598, %sub3A_598 : vector<16xf32>
      %add3A_600 = arith.addf %add3A_584, %mul3A_599 : vector<16xf32>
      %mul3A_601 = arith.constant 16 : i32
      %mul3A_602 = arith.muli %scan3A_473, %mul3A_601 : i32
      %add3A_603 = arith.constant 8 : i32
      %add3A_604 = arith.addi %mul3A_602, %add3A_603 : i32
      %add3A_605 = vector.broadcast %add3A_604 : i32 to vector<16xi32>
      %add3A_606 = arith.addi %iota3A, %add3A_605 : vector<16xi32>
      %and3A_607 = arith.constant 127 : i32
      %and3A_608 = vector.broadcast %and3A_607 : i32 to vector<16xi32>
      %and3A_609 = arith.andi %add3A_606, %and3A_608 : vector<16xi32>
      %add3A_610 = arith.addi %mul3A_11, %and3A_609 : vector<16xi32>
      %gather3A_611 = tpu.vector_load_idx %arg7[%add3A_610] : memref<16384xf32, #tpu.memory_space<vmem>>[vector<16xi32>], vector<16xf32>,
      %add3A_612 = arith.addi %mul3A_15, %and3A_609 : vector<16xi32>
      %gather3A_613 = tpu.vector_load_idx %arg8[%add3A_612] : memref<32768xf32, #tpu.memory_space<vmem>>[vector<16xi32>], vector<16xf32>,
      %sub3A_614 = arith.subf %gather3A_611, %gather3A_613 : vector<16xf32>
      %mul3A_615 = arith.mulf %sub3A_614, %sub3A_614 : vector<16xf32>
      %add3A_616 = arith.addf %add3A_600, %mul3A_615 : vector<16xf32>
      %mul3A_617 = arith.constant 16 : i32
      %mul3A_618 = arith.muli %scan3A_473, %mul3A_617 : i32
      %add3A_619 = arith.constant 9 : i32
      %add3A_620 = arith.addi %mul3A_618, %add3A_619 : i32
      %add3A_621 = vector.broadcast %add3A_620 : i32 to vector<16xi32>
      %add3A_622 = arith.addi %iota3A, %add3A_621 : vector<16xi32>
      %and3A_623 = arith.constant 127 : i32
      %and3A_624 = vector.broadcast %and3A_623 : i32 to vector<16xi32>
      %and3A_625 = arith.andi %add3A_622, %and3A_624 : vector<16xi32>
      %add3A_626 = arith.addi %mul3A_11, %and3A_625 : vector<16xi32>
      %gather3A_627 = tpu.vector_load_idx %arg7[%add3A_626] : memref<16384xf32, #tpu.memory_space<vmem>>[vector<16xi32>], vector<16xf32>,
      %add3A_628 = arith.addi %mul3A_15, %and3A_625 : vector<16xi32>
      %gather3A_629 = tpu.vector_load_idx %arg8[%add3A_628] : memref<32768xf32, #tpu.memory_space<vmem>>[vector<16xi32>], vector<16xf32>,
      %sub3A_630 = arith.subf %gather3A_627, %gather3A_629 : vector<16xf32>
      %mul3A_631 = arith.mulf %sub3A_630, %sub3A_630 : vector<16xf32>
      %add3A_632 = arith.addf %add3A_616, %mul3A_631 : vector<16xf32>
      %mul3A_633 = arith.constant 16 : i32
      %mul3A_634 = arith.muli %scan3A_473, %mul3A_633 : i32
      %add3A_635 = arith.constant 10 : i32
      %add3A_636 = arith.addi %mul3A_634, %add3A_635 : i32
      %add3A_637 = vector.broadcast %add3A_636 : i32 to vector<16xi32>
      %add3A_638 = arith.addi %iota3A, %add3A_637 : vector<16xi32>
      %and3A_639 = arith.constant 127 : i32
      %and3A_640 = vector.broadcast %and3A_639 : i32 to vector<16xi32>
      %and3A_641 = arith.andi %add3A_638, %and3A_640 : vector<16xi32>
      %add3A_642 = arith.addi %mul3A_11, %and3A_641 : vector<16xi32>
      %gather3A_643 = tpu.vector_load_idx %arg7[%add3A_642] : memref<16384xf32, #tpu.memory_space<vmem>>[vector<16xi32>], vector<16xf32>,
      %add3A_644 = arith.addi %mul3A_15, %and3A_641 : vector<16xi32>
      %gather3A_645 = tpu.vector_load_idx %arg8[%add3A_644] : memref<32768xf32, #tpu.memory_space<vmem>>[vector<16xi32>], vector<16xf32>,
      %sub3A_646 = arith.subf %gather3A_643, %gather3A_645 : vector<16xf32>
      %mul3A_647 = arith.mulf %sub3A_646, %sub3A_646 : vector<16xf32>
      %add3A_648 = arith.addf %add3A_632, %mul3A_647 : vector<16xf32>
      %mul3A_649 = arith.constant 16 : i32
      %mul3A_650 = arith.muli %scan3A_473, %mul3A_649 : i32
      %add3A_651 = arith.constant 11 : i32
      %add3A_652 = arith.addi %mul3A_650, %add3A_651 : i32
      %add3A_653 = vector.broadcast %add3A_652 : i32 to vector<16xi32>
      %add3A_654 = arith.addi %iota3A, %add3A_653 : vector<16xi32>
      %and3A_655 = arith.constant 127 : i32
      %and3A_656 = vector.broadcast %and3A_655 : i32 to vector<16xi32>
      %and3A_657 = arith.andi %add3A_654, %and3A_656 : vector<16xi32>
      %add3A_658 = arith.addi %mul3A_11, %and3A_657 : vector<16xi32>
      %gather3A_659 = tpu.vector_load_idx %arg7[%add3A_658] : memref<16384xf32, #tpu.memory_space<vmem>>[vector<16xi32>], vector<16xf32>,
      %add3A_660 = arith.addi %mul3A_15, %and3A_657 : vector<16xi32>
      %gather3A_661 = tpu.vector_load_idx %arg8[%add3A_660] : memref<32768xf32, #tpu.memory_space<vmem>>[vector<16xi32>], vector<16xf32>,
      %sub3A_662 = arith.subf %gather3A_659, %gather3A_661 : vector<16xf32>
      %mul3A_663 = arith.mulf %sub3A_662, %sub3A_662 : vector<16xf32>
      %add3A_664 = arith.addf %add3A_648, %mul3A_663 : vector<16xf32>
      %mul3A_665 = arith.constant 16 : i32
      %mul3A_666 = arith.muli %scan3A_473, %mul3A_665 : i32
      %add3A_667 = arith.constant 12 : i32
      %add3A_668 = arith.addi %mul3A_666, %add3A_667 : i32
      %add3A_669 = vector.broadcast %add3A_668 : i32 to vector<16xi32>
      %add3A_670 = arith.addi %iota3A, %add3A_669 : vector<16xi32>
      %and3A_671 = arith.constant 127 : i32
      %and3A_672 = vector.broadcast %and3A_671 : i32 to vector<16xi32>
      %and3A_673 = arith.andi %add3A_670, %and3A_672 : vector<16xi32>
      %add3A_674 = arith.addi %mul3A_11, %and3A_673 : vector<16xi32>
      %gather3A_675 = tpu.vector_load_idx %arg7[%add3A_674] : memref<16384xf32, #tpu.memory_space<vmem>>[vector<16xi32>], vector<16xf32>,
      %add3A_676 = arith.addi %mul3A_15, %and3A_673 : vector<16xi32>
      %gather3A_677 = tpu.vector_load_idx %arg8[%add3A_676] : memref<32768xf32, #tpu.memory_space<vmem>>[vector<16xi32>], vector<16xf32>,
      %sub3A_678 = arith.subf %gather3A_675, %gather3A_677 : vector<16xf32>
      %mul3A_679 = arith.mulf %sub3A_678, %sub3A_678 : vector<16xf32>
      %add3A_680 = arith.addf %add3A_664, %mul3A_679 : vector<16xf32>
      %mul3A_681 = arith.constant 16 : i32
      %mul3A_682 = arith.muli %scan3A_473, %mul3A_681 : i32
      %add3A_683 = arith.constant 13 : i32
      %add3A_684 = arith.addi %mul3A_682, %add3A_683 : i32
      %add3A_685 = vector.broadcast %add3A_684 : i32 to vector<16xi32>
      %add3A_686 = arith.addi %iota3A, %add3A_685 : vector<16xi32>
      %and3A_687 = arith.constant 127 : i32
      %and3A_688 = vector.broadcast %and3A_687 : i32 to vector<16xi32>
      %and3A_689 = arith.andi %add3A_686, %and3A_688 : vector<16xi32>
      %add3A_690 = arith.addi %mul3A_11, %and3A_689 : vector<16xi32>
      %gather3A_691 = tpu.vector_load_idx %arg7[%add3A_690] : memref<16384xf32, #tpu.memory_space<vmem>>[vector<16xi32>], vector<16xf32>,
      %add3A_692 = arith.addi %mul3A_15, %and3A_689 : vector<16xi32>
      %gather3A_693 = tpu.vector_load_idx %arg8[%add3A_692] : memref<32768xf32, #tpu.memory_space<vmem>>[vector<16xi32>], vector<16xf32>,
      %sub3A_694 = arith.subf %gather3A_691, %gather3A_693 : vector<16xf32>
      %mul3A_695 = arith.mulf %sub3A_694, %sub3A_694 : vector<16xf32>
      %add3A_696 = arith.addf %add3A_680, %mul3A_695 : vector<16xf32>
      %mul3A_697 = arith.constant 16 : i32
      %mul3A_698 = arith.muli %scan3A_473, %mul3A_697 : i32
      %add3A_699 = arith.constant 14 : i32
      %add3A_700 = arith.addi %mul3A_698, %add3A_699 : i32
      %add3A_701 = vector.broadcast %add3A_700 : i32 to vector<16xi32>
      %add3A_702 = arith.addi %iota3A, %add3A_701 : vector<16xi32>
      %and3A_703 = arith.constant 127 : i32
      %and3A_704 = vector.broadcast %and3A_703 : i32 to vector<16xi32>
      %and3A_705 = arith.andi %add3A_702, %and3A_704 : vector<16xi32>
      %add3A_706 = arith.addi %mul3A_11, %and3A_705 : vector<16xi32>
      %gather3A_707 = tpu.vector_load_idx %arg7[%add3A_706] : memref<16384xf32, #tpu.memory_space<vmem>>[vector<16xi32>], vector<16xf32>,
      %add3A_708 = arith.addi %mul3A_15, %and3A_705 : vector<16xi32>
      %gather3A_709 = tpu.vector_load_idx %arg8[%add3A_708] : memref<32768xf32, #tpu.memory_space<vmem>>[vector<16xi32>], vector<16xf32>,
      %sub3A_710 = arith.subf %gather3A_707, %gather3A_709 : vector<16xf32>
      %mul3A_711 = arith.mulf %sub3A_710, %sub3A_710 : vector<16xf32>
      %add3A_712 = arith.addf %add3A_696, %mul3A_711 : vector<16xf32>
      %mul3A_713 = arith.constant 16 : i32
      %mul3A_714 = arith.muli %scan3A_473, %mul3A_713 : i32
      %add3A_715 = arith.constant 15 : i32
      %add3A_716 = arith.addi %mul3A_714, %add3A_715 : i32
      %add3A_717 = vector.broadcast %add3A_716 : i32 to vector<16xi32>
      %add3A_718 = arith.addi %iota3A, %add3A_717 : vector<16xi32>
      %and3A_719 = arith.constant 127 : i32
      %and3A_720 = vector.broadcast %and3A_719 : i32 to vector<16xi32>
      %and3A_721 = arith.andi %add3A_718, %and3A_720 : vector<16xi32>
      %add3A_722 = arith.addi %mul3A_11, %and3A_721 : vector<16xi32>
      %gather3A_723 = tpu.vector_load_idx %arg7[%add3A_722] : memref<16384xf32, #tpu.memory_space<vmem>>[vector<16xi32>], vector<16xf32>,
      %add3A_724 = arith.addi %mul3A_15, %and3A_721 : vector<16xi32>
      %gather3A_725 = tpu.vector_load_idx %arg8[%add3A_724] : memref<32768xf32, #tpu.memory_space<vmem>>[vector<16xi32>], vector<16xf32>,
      %sub3A_726 = arith.subf %gather3A_723, %gather3A_725 : vector<16xf32>
      %mul3A_727 = arith.mulf %sub3A_726, %sub3A_726 : vector<16xf32>
      %add3A_728 = arith.addf %add3A_712, %mul3A_727 : vector<16xf32>
      scf.yield %add3A_728 : vector<16xf32>
    }
    %scan3A_22 = arith.constant 8 : i32
    %max3A = arith.constant 9.99999968E-21 : f32
    %max3A_23 = vector.broadcast %max3A : f32 to vector<16xf32>
    %max3A_24 = arith.maximumf %scan3A_21, %max3A_23 : vector<16xf32>
    %bitcast3A = vector.bitcast %max3A_24 : vector<16xf32> to vector<16xi32>
    %shift_right_logical3A = arith.constant 1 : i32
    %shift_right_logical3A_25 = vector.broadcast %shift_right_logical3A : i32 to vector<16xi32>
    %shift_right_logical3A_26 = arith.shrui %bitcast3A, %shift_right_logical3A_25 : vector<16xi32>
    %sub3A = arith.constant 1597463007 : i32
    %sub3A_27 = vector.broadcast %sub3A : i32 to vector<16xi32>
    %sub3A_28 = arith.subi %sub3A_27, %shift_right_logical3A_26 : vector<16xi32>
    %bitcast3A_29 = vector.bitcast %sub3A_28 : vector<16xi32> to vector<16xf32>
    %mul3A_30 = arith.constant 5.000000e-01 : f32
    %mul3A_31 = vector.broadcast %mul3A_30 : f32 to vector<16xf32>
    %mul3A_32 = arith.mulf %mul3A_31, %max3A_24 : vector<16xf32>
    %mul3A_33 = arith.mulf %mul3A_32, %bitcast3A_29 : vector<16xf32>
    %mul3A_34 = arith.mulf %mul3A_33, %bitcast3A_29 : vector<16xf32>
    %sub3A_35 = arith.constant 1.500000e+00 : f32
    %sub3A_36 = vector.broadcast %sub3A_35 : f32 to vector<16xf32>
    %sub3A_37 = arith.subf %sub3A_36, %mul3A_34 : vector<16xf32>
    %mul3A_38 = arith.mulf %bitcast3A_29, %sub3A_37 : vector<16xf32>
    %mul3A_39 = arith.mulf %mul3A_32, %mul3A_38 : vector<16xf32>
    %mul3A_40 = arith.mulf %mul3A_39, %mul3A_38 : vector<16xf32>
    %sub3A_41 = arith.constant 1.500000e+00 : f32
    %sub3A_42 = vector.broadcast %sub3A_41 : f32 to vector<16xf32>
    %sub3A_43 = arith.subf %sub3A_42, %mul3A_40 : vector<16xf32>
    %mul3A_44 = arith.mulf %mul3A_38, %sub3A_43 : vector<16xf32>
    %mul3A_45 = arith.mulf %mul3A_32, %mul3A_44 : vector<16xf32>
    %mul3A_46 = arith.mulf %mul3A_45, %mul3A_44 : vector<16xf32>
    %sub3A_47 = arith.constant 1.500000e+00 : f32
    %sub3A_48 = vector.broadcast %sub3A_47 : f32 to vector<16xf32>
    %sub3A_49 = arith.subf %sub3A_48, %mul3A_46 : vector<16xf32>
    %mul3A_50 = arith.mulf %mul3A_44, %sub3A_49 : vector<16xf32>
    %mul3A_51 = arith.mulf %max3A_24, %mul3A_50 : vector<16xf32>
    %sub3A_52 = arith.constant 1.000000e+00 : f32
    %sub3A_53 = vector.broadcast %sub3A_52 : f32 to vector<16xf32>
    %sub3A_54 = arith.subf %sub3A_53, %mul3A_51 : vector<16xf32>
    %max3A_55 = arith.constant 0.000000e+00 : f32
    %max3A_56 = vector.broadcast %max3A_55 : f32 to vector<16xf32>
    %max3A_57 = arith.maximumf %sub3A_54, %max3A_56 : vector<16xf32>
    %add3A_58 = arith.addf %broadcast_in_dim3A_5, %max3A_57 : vector<16xf32>
    %add3A_59 = arith.constant 16 : i32
    %add3A_60 = vector.broadcast %add3A_59 : i32 to vector<16xi32>
    %add3A_61 = arith.addi %add3A_60, %iota3A : vector<16xi32>
    %mul3A_62 = arith.constant 128 : i32
    %mul3A_63 = vector.broadcast %mul3A_62 : i32 to vector<16xi32>
    %mul3A_64 = arith.muli %add3A_61, %mul3A_63 : vector<16xi32>
    %get3A_65 = arith.constant 16 : index
    %get3A_66 = tpu.vector_load %arg6[%get3A_65] {strides = array<i32>} : memref<128xi32, #tpu.memory_space<vmem>>, vector<16xi32>,
    %mul3A_67 = arith.constant 128 : i32
    %mul3A_68 = vector.broadcast %mul3A_67 : i32 to vector<16xi32>
    %mul3A_69 = arith.muli %get3A_66, %mul3A_68 : vector<16xi32>
    %broadcast_in_dim3A_70 = arith.constant 0.000000e+00 : f32
    %broadcast_in_dim3A_71 = vector.broadcast %broadcast_in_dim3A_70 : f32 to vector<16xf32>
    %scan3A_72 = arith.constant 0 : i32
    %scan3A_73 = arith.constant 8 : i32
    %scan3A_74 = arith.addi %scan3A_72, %scan3A_73 : i32
    %scan3A_75 = arith.constant 1 : i32
    %scan3A_76 = scf.for %scan3A_473 = %scan3A_72 to %scan3A_74 step %scan3A_75 iter_args(%scan3A_474 = %broadcast_in_dim3A_71) -> (vector<16xf32>)  : i32 {
      %mul3A_475 = arith.constant 16 : i32
      %mul3A_476 = arith.muli %scan3A_473, %mul3A_475 : i32
      %add3A_477 = arith.constant 0 : i32
      %add3A_478 = arith.addi %mul3A_476, %add3A_477 : i32
      %add3A_479 = vector.broadcast %add3A_478 : i32 to vector<16xi32>
      %add3A_480 = arith.addi %iota3A, %add3A_479 : vector<16xi32>
      %and3A = arith.constant 127 : i32
      %and3A_481 = vector.broadcast %and3A : i32 to vector<16xi32>
      %and3A_482 = arith.andi %add3A_480, %and3A_481 : vector<16xi32>
      %add3A_483 = arith.addi %mul3A_64, %and3A_482 : vector<16xi32>
      %gather3A = tpu.vector_load_idx %arg7[%add3A_483] : memref<16384xf32, #tpu.memory_space<vmem>>[vector<16xi32>], vector<16xf32>,
      %add3A_484 = arith.addi %mul3A_69, %and3A_482 : vector<16xi32>
      %gather3A_485 = tpu.vector_load_idx %arg8[%add3A_484] : memref<32768xf32, #tpu.memory_space<vmem>>[vector<16xi32>], vector<16xf32>,
      %sub3A_486 = arith.subf %gather3A, %gather3A_485 : vector<16xf32>
      %mul3A_487 = arith.mulf %sub3A_486, %sub3A_486 : vector<16xf32>
      %add3A_488 = arith.addf %scan3A_474, %mul3A_487 : vector<16xf32>
      %mul3A_489 = arith.constant 16 : i32
      %mul3A_490 = arith.muli %scan3A_473, %mul3A_489 : i32
      %add3A_491 = arith.constant 1 : i32
      %add3A_492 = arith.addi %mul3A_490, %add3A_491 : i32
      %add3A_493 = vector.broadcast %add3A_492 : i32 to vector<16xi32>
      %add3A_494 = arith.addi %iota3A, %add3A_493 : vector<16xi32>
      %and3A_495 = arith.constant 127 : i32
      %and3A_496 = vector.broadcast %and3A_495 : i32 to vector<16xi32>
      %and3A_497 = arith.andi %add3A_494, %and3A_496 : vector<16xi32>
      %add3A_498 = arith.addi %mul3A_64, %and3A_497 : vector<16xi32>
      %gather3A_499 = tpu.vector_load_idx %arg7[%add3A_498] : memref<16384xf32, #tpu.memory_space<vmem>>[vector<16xi32>], vector<16xf32>,
      %add3A_500 = arith.addi %mul3A_69, %and3A_497 : vector<16xi32>
      %gather3A_501 = tpu.vector_load_idx %arg8[%add3A_500] : memref<32768xf32, #tpu.memory_space<vmem>>[vector<16xi32>], vector<16xf32>,
      %sub3A_502 = arith.subf %gather3A_499, %gather3A_501 : vector<16xf32>
      %mul3A_503 = arith.mulf %sub3A_502, %sub3A_502 : vector<16xf32>
      %add3A_504 = arith.addf %add3A_488, %mul3A_503 : vector<16xf32>
      %mul3A_505 = arith.constant 16 : i32
      %mul3A_506 = arith.muli %scan3A_473, %mul3A_505 : i32
      %add3A_507 = arith.constant 2 : i32
      %add3A_508 = arith.addi %mul3A_506, %add3A_507 : i32
      %add3A_509 = vector.broadcast %add3A_508 : i32 to vector<16xi32>
      %add3A_510 = arith.addi %iota3A, %add3A_509 : vector<16xi32>
      %and3A_511 = arith.constant 127 : i32
      %and3A_512 = vector.broadcast %and3A_511 : i32 to vector<16xi32>
      %and3A_513 = arith.andi %add3A_510, %and3A_512 : vector<16xi32>
      %add3A_514 = arith.addi %mul3A_64, %and3A_513 : vector<16xi32>
      %gather3A_515 = tpu.vector_load_idx %arg7[%add3A_514] : memref<16384xf32, #tpu.memory_space<vmem>>[vector<16xi32>], vector<16xf32>,
      %add3A_516 = arith.addi %mul3A_69, %and3A_513 : vector<16xi32>
      %gather3A_517 = tpu.vector_load_idx %arg8[%add3A_516] : memref<32768xf32, #tpu.memory_space<vmem>>[vector<16xi32>], vector<16xf32>,
      %sub3A_518 = arith.subf %gather3A_515, %gather3A_517 : vector<16xf32>
      %mul3A_519 = arith.mulf %sub3A_518, %sub3A_518 : vector<16xf32>
      %add3A_520 = arith.addf %add3A_504, %mul3A_519 : vector<16xf32>
      %mul3A_521 = arith.constant 16 : i32
      %mul3A_522 = arith.muli %scan3A_473, %mul3A_521 : i32
      %add3A_523 = arith.constant 3 : i32
      %add3A_524 = arith.addi %mul3A_522, %add3A_523 : i32
      %add3A_525 = vector.broadcast %add3A_524 : i32 to vector<16xi32>
      %add3A_526 = arith.addi %iota3A, %add3A_525 : vector<16xi32>
      %and3A_527 = arith.constant 127 : i32
      %and3A_528 = vector.broadcast %and3A_527 : i32 to vector<16xi32>
      %and3A_529 = arith.andi %add3A_526, %and3A_528 : vector<16xi32>
      %add3A_530 = arith.addi %mul3A_64, %and3A_529 : vector<16xi32>
      %gather3A_531 = tpu.vector_load_idx %arg7[%add3A_530] : memref<16384xf32, #tpu.memory_space<vmem>>[vector<16xi32>], vector<16xf32>,
      %add3A_532 = arith.addi %mul3A_69, %and3A_529 : vector<16xi32>
      %gather3A_533 = tpu.vector_load_idx %arg8[%add3A_532] : memref<32768xf32, #tpu.memory_space<vmem>>[vector<16xi32>], vector<16xf32>,
      %sub3A_534 = arith.subf %gather3A_531, %gather3A_533 : vector<16xf32>
      %mul3A_535 = arith.mulf %sub3A_534, %sub3A_534 : vector<16xf32>
      %add3A_536 = arith.addf %add3A_520, %mul3A_535 : vector<16xf32>
      %mul3A_537 = arith.constant 16 : i32
      %mul3A_538 = arith.muli %scan3A_473, %mul3A_537 : i32
      %add3A_539 = arith.constant 4 : i32
      %add3A_540 = arith.addi %mul3A_538, %add3A_539 : i32
      %add3A_541 = vector.broadcast %add3A_540 : i32 to vector<16xi32>
      %add3A_542 = arith.addi %iota3A, %add3A_541 : vector<16xi32>
      %and3A_543 = arith.constant 127 : i32
      %and3A_544 = vector.broadcast %and3A_543 : i32 to vector<16xi32>
      %and3A_545 = arith.andi %add3A_542, %and3A_544 : vector<16xi32>
      %add3A_546 = arith.addi %mul3A_64, %and3A_545 : vector<16xi32>
      %gather3A_547 = tpu.vector_load_idx %arg7[%add3A_546] : memref<16384xf32, #tpu.memory_space<vmem>>[vector<16xi32>], vector<16xf32>,
      %add3A_548 = arith.addi %mul3A_69, %and3A_545 : vector<16xi32>
      %gather3A_549 = tpu.vector_load_idx %arg8[%add3A_548] : memref<32768xf32, #tpu.memory_space<vmem>>[vector<16xi32>], vector<16xf32>,
      %sub3A_550 = arith.subf %gather3A_547, %gather3A_549 : vector<16xf32>
      %mul3A_551 = arith.mulf %sub3A_550, %sub3A_550 : vector<16xf32>
      %add3A_552 = arith.addf %add3A_536, %mul3A_551 : vector<16xf32>
      %mul3A_553 = arith.constant 16 : i32
      %mul3A_554 = arith.muli %scan3A_473, %mul3A_553 : i32
      %add3A_555 = arith.constant 5 : i32
      %add3A_556 = arith.addi %mul3A_554, %add3A_555 : i32
      %add3A_557 = vector.broadcast %add3A_556 : i32 to vector<16xi32>
      %add3A_558 = arith.addi %iota3A, %add3A_557 : vector<16xi32>
      %and3A_559 = arith.constant 127 : i32
      %and3A_560 = vector.broadcast %and3A_559 : i32 to vector<16xi32>
      %and3A_561 = arith.andi %add3A_558, %and3A_560 : vector<16xi32>
      %add3A_562 = arith.addi %mul3A_64, %and3A_561 : vector<16xi32>
      %gather3A_563 = tpu.vector_load_idx %arg7[%add3A_562] : memref<16384xf32, #tpu.memory_space<vmem>>[vector<16xi32>], vector<16xf32>,
      %add3A_564 = arith.addi %mul3A_69, %and3A_561 : vector<16xi32>
      %gather3A_565 = tpu.vector_load_idx %arg8[%add3A_564] : memref<32768xf32, #tpu.memory_space<vmem>>[vector<16xi32>], vector<16xf32>,
      %sub3A_566 = arith.subf %gather3A_563, %gather3A_565 : vector<16xf32>
      %mul3A_567 = arith.mulf %sub3A_566, %sub3A_566 : vector<16xf32>
      %add3A_568 = arith.addf %add3A_552, %mul3A_567 : vector<16xf32>
      %mul3A_569 = arith.constant 16 : i32
      %mul3A_570 = arith.muli %scan3A_473, %mul3A_569 : i32
      %add3A_571 = arith.constant 6 : i32
      %add3A_572 = arith.addi %mul3A_570, %add3A_571 : i32
      %add3A_573 = vector.broadcast %add3A_572 : i32 to vector<16xi32>
      %add3A_574 = arith.addi %iota3A, %add3A_573 : vector<16xi32>
      %and3A_575 = arith.constant 127 : i32
      %and3A_576 = vector.broadcast %and3A_575 : i32 to vector<16xi32>
      %and3A_577 = arith.andi %add3A_574, %and3A_576 : vector<16xi32>
      %add3A_578 = arith.addi %mul3A_64, %and3A_577 : vector<16xi32>
      %gather3A_579 = tpu.vector_load_idx %arg7[%add3A_578] : memref<16384xf32, #tpu.memory_space<vmem>>[vector<16xi32>], vector<16xf32>,
      %add3A_580 = arith.addi %mul3A_69, %and3A_577 : vector<16xi32>
      %gather3A_581 = tpu.vector_load_idx %arg8[%add3A_580] : memref<32768xf32, #tpu.memory_space<vmem>>[vector<16xi32>], vector<16xf32>,
      %sub3A_582 = arith.subf %gather3A_579, %gather3A_581 : vector<16xf32>
      %mul3A_583 = arith.mulf %sub3A_582, %sub3A_582 : vector<16xf32>
      %add3A_584 = arith.addf %add3A_568, %mul3A_583 : vector<16xf32>
      %mul3A_585 = arith.constant 16 : i32
      %mul3A_586 = arith.muli %scan3A_473, %mul3A_585 : i32
      %add3A_587 = arith.constant 7 : i32
      %add3A_588 = arith.addi %mul3A_586, %add3A_587 : i32
      %add3A_589 = vector.broadcast %add3A_588 : i32 to vector<16xi32>
      %add3A_590 = arith.addi %iota3A, %add3A_589 : vector<16xi32>
      %and3A_591 = arith.constant 127 : i32
      %and3A_592 = vector.broadcast %and3A_591 : i32 to vector<16xi32>
      %and3A_593 = arith.andi %add3A_590, %and3A_592 : vector<16xi32>
      %add3A_594 = arith.addi %mul3A_64, %and3A_593 : vector<16xi32>
      %gather3A_595 = tpu.vector_load_idx %arg7[%add3A_594] : memref<16384xf32, #tpu.memory_space<vmem>>[vector<16xi32>], vector<16xf32>,
      %add3A_596 = arith.addi %mul3A_69, %and3A_593 : vector<16xi32>
      %gather3A_597 = tpu.vector_load_idx %arg8[%add3A_596] : memref<32768xf32, #tpu.memory_space<vmem>>[vector<16xi32>], vector<16xf32>,
      %sub3A_598 = arith.subf %gather3A_595, %gather3A_597 : vector<16xf32>
      %mul3A_599 = arith.mulf %sub3A_598, %sub3A_598 : vector<16xf32>
      %add3A_600 = arith.addf %add3A_584, %mul3A_599 : vector<16xf32>
      %mul3A_601 = arith.constant 16 : i32
      %mul3A_602 = arith.muli %scan3A_473, %mul3A_601 : i32
      %add3A_603 = arith.constant 8 : i32
      %add3A_604 = arith.addi %mul3A_602, %add3A_603 : i32
      %add3A_605 = vector.broadcast %add3A_604 : i32 to vector<16xi32>
      %add3A_606 = arith.addi %iota3A, %add3A_605 : vector<16xi32>
      %and3A_607 = arith.constant 127 : i32
      %and3A_608 = vector.broadcast %and3A_607 : i32 to vector<16xi32>
      %and3A_609 = arith.andi %add3A_606, %and3A_608 : vector<16xi32>
      %add3A_610 = arith.addi %mul3A_64, %and3A_609 : vector<16xi32>
      %gather3A_611 = tpu.vector_load_idx %arg7[%add3A_610] : memref<16384xf32, #tpu.memory_space<vmem>>[vector<16xi32>], vector<16xf32>,
      %add3A_612 = arith.addi %mul3A_69, %and3A_609 : vector<16xi32>
      %gather3A_613 = tpu.vector_load_idx %arg8[%add3A_612] : memref<32768xf32, #tpu.memory_space<vmem>>[vector<16xi32>], vector<16xf32>,
      %sub3A_614 = arith.subf %gather3A_611, %gather3A_613 : vector<16xf32>
      %mul3A_615 = arith.mulf %sub3A_614, %sub3A_614 : vector<16xf32>
      %add3A_616 = arith.addf %add3A_600, %mul3A_615 : vector<16xf32>
      %mul3A_617 = arith.constant 16 : i32
      %mul3A_618 = arith.muli %scan3A_473, %mul3A_617 : i32
      %add3A_619 = arith.constant 9 : i32
      %add3A_620 = arith.addi %mul3A_618, %add3A_619 : i32
      %add3A_621 = vector.broadcast %add3A_620 : i32 to vector<16xi32>
      %add3A_622 = arith.addi %iota3A, %add3A_621 : vector<16xi32>
      %and3A_623 = arith.constant 127 : i32
      %and3A_624 = vector.broadcast %and3A_623 : i32 to vector<16xi32>
      %and3A_625 = arith.andi %add3A_622, %and3A_624 : vector<16xi32>
      %add3A_626 = arith.addi %mul3A_64, %and3A_625 : vector<16xi32>
      %gather3A_627 = tpu.vector_load_idx %arg7[%add3A_626] : memref<16384xf32, #tpu.memory_space<vmem>>[vector<16xi32>], vector<16xf32>,
      %add3A_628 = arith.addi %mul3A_69, %and3A_625 : vector<16xi32>
      %gather3A_629 = tpu.vector_load_idx %arg8[%add3A_628] : memref<32768xf32, #tpu.memory_space<vmem>>[vector<16xi32>], vector<16xf32>,
      %sub3A_630 = arith.subf %gather3A_627, %gather3A_629 : vector<16xf32>
      %mul3A_631 = arith.mulf %sub3A_630, %sub3A_630 : vector<16xf32>
      %add3A_632 = arith.addf %add3A_616, %mul3A_631 : vector<16xf32>
      %mul3A_633 = arith.constant 16 : i32
      %mul3A_634 = arith.muli %scan3A_473, %mul3A_633 : i32
      %add3A_635 = arith.constant 10 : i32
      %add3A_636 = arith.addi %mul3A_634, %add3A_635 : i32
      %add3A_637 = vector.broadcast %add3A_636 : i32 to vector<16xi32>
      %add3A_638 = arith.addi %iota3A, %add3A_637 : vector<16xi32>
      %and3A_639 = arith.constant 127 : i32
      %and3A_640 = vector.broadcast %and3A_639 : i32 to vector<16xi32>
      %and3A_641 = arith.andi %add3A_638, %and3A_640 : vector<16xi32>
      %add3A_642 = arith.addi %mul3A_64, %and3A_641 : vector<16xi32>
      %gather3A_643 = tpu.vector_load_idx %arg7[%add3A_642] : memref<16384xf32, #tpu.memory_space<vmem>>[vector<16xi32>], vector<16xf32>,
      %add3A_644 = arith.addi %mul3A_69, %and3A_641 : vector<16xi32>
      %gather3A_645 = tpu.vector_load_idx %arg8[%add3A_644] : memref<32768xf32, #tpu.memory_space<vmem>>[vector<16xi32>], vector<16xf32>,
      %sub3A_646 = arith.subf %gather3A_643, %gather3A_645 : vector<16xf32>
      %mul3A_647 = arith.mulf %sub3A_646, %sub3A_646 : vector<16xf32>
      %add3A_648 = arith.addf %add3A_632, %mul3A_647 : vector<16xf32>
      %mul3A_649 = arith.constant 16 : i32
      %mul3A_650 = arith.muli %scan3A_473, %mul3A_649 : i32
      %add3A_651 = arith.constant 11 : i32
      %add3A_652 = arith.addi %mul3A_650, %add3A_651 : i32
      %add3A_653 = vector.broadcast %add3A_652 : i32 to vector<16xi32>
      %add3A_654 = arith.addi %iota3A, %add3A_653 : vector<16xi32>
      %and3A_655 = arith.constant 127 : i32
      %and3A_656 = vector.broadcast %and3A_655 : i32 to vector<16xi32>
      %and3A_657 = arith.andi %add3A_654, %and3A_656 : vector<16xi32>
      %add3A_658 = arith.addi %mul3A_64, %and3A_657 : vector<16xi32>
      %gather3A_659 = tpu.vector_load_idx %arg7[%add3A_658] : memref<16384xf32, #tpu.memory_space<vmem>>[vector<16xi32>], vector<16xf32>,
      %add3A_660 = arith.addi %mul3A_69, %and3A_657 : vector<16xi32>
      %gather3A_661 = tpu.vector_load_idx %arg8[%add3A_660] : memref<32768xf32, #tpu.memory_space<vmem>>[vector<16xi32>], vector<16xf32>,
      %sub3A_662 = arith.subf %gather3A_659, %gather3A_661 : vector<16xf32>
      %mul3A_663 = arith.mulf %sub3A_662, %sub3A_662 : vector<16xf32>
      %add3A_664 = arith.addf %add3A_648, %mul3A_663 : vector<16xf32>
      %mul3A_665 = arith.constant 16 : i32
      %mul3A_666 = arith.muli %scan3A_473, %mul3A_665 : i32
      %add3A_667 = arith.constant 12 : i32
      %add3A_668 = arith.addi %mul3A_666, %add3A_667 : i32
      %add3A_669 = vector.broadcast %add3A_668 : i32 to vector<16xi32>
      %add3A_670 = arith.addi %iota3A, %add3A_669 : vector<16xi32>
      %and3A_671 = arith.constant 127 : i32
      %and3A_672 = vector.broadcast %and3A_671 : i32 to vector<16xi32>
      %and3A_673 = arith.andi %add3A_670, %and3A_672 : vector<16xi32>
      %add3A_674 = arith.addi %mul3A_64, %and3A_673 : vector<16xi32>
      %gather3A_675 = tpu.vector_load_idx %arg7[%add3A_674] : memref<16384xf32, #tpu.memory_space<vmem>>[vector<16xi32>], vector<16xf32>,
      %add3A_676 = arith.addi %mul3A_69, %and3A_673 : vector<16xi32>
      %gather3A_677 = tpu.vector_load_idx %arg8[%add3A_676] : memref<32768xf32, #tpu.memory_space<vmem>>[vector<16xi32>], vector<16xf32>,
      %sub3A_678 = arith.subf %gather3A_675, %gather3A_677 : vector<16xf32>
      %mul3A_679 = arith.mulf %sub3A_678, %sub3A_678 : vector<16xf32>
      %add3A_680 = arith.addf %add3A_664, %mul3A_679 : vector<16xf32>
      %mul3A_681 = arith.constant 16 : i32
      %mul3A_682 = arith.muli %scan3A_473, %mul3A_681 : i32
      %add3A_683 = arith.constant 13 : i32
      %add3A_684 = arith.addi %mul3A_682, %add3A_683 : i32
      %add3A_685 = vector.broadcast %add3A_684 : i32 to vector<16xi32>
      %add3A_686 = arith.addi %iota3A, %add3A_685 : vector<16xi32>
      %and3A_687 = arith.constant 127 : i32
      %and3A_688 = vector.broadcast %and3A_687 : i32 to vector<16xi32>
      %and3A_689 = arith.andi %add3A_686, %and3A_688 : vector<16xi32>
      %add3A_690 = arith.addi %mul3A_64, %and3A_689 : vector<16xi32>
      %gather3A_691 = tpu.vector_load_idx %arg7[%add3A_690] : memref<16384xf32, #tpu.memory_space<vmem>>[vector<16xi32>], vector<16xf32>,
      %add3A_692 = arith.addi %mul3A_69, %and3A_689 : vector<16xi32>
      %gather3A_693 = tpu.vector_load_idx %arg8[%add3A_692] : memref<32768xf32, #tpu.memory_space<vmem>>[vector<16xi32>], vector<16xf32>,
      %sub3A_694 = arith.subf %gather3A_691, %gather3A_693 : vector<16xf32>
      %mul3A_695 = arith.mulf %sub3A_694, %sub3A_694 : vector<16xf32>
      %add3A_696 = arith.addf %add3A_680, %mul3A_695 : vector<16xf32>
      %mul3A_697 = arith.constant 16 : i32
      %mul3A_698 = arith.muli %scan3A_473, %mul3A_697 : i32
      %add3A_699 = arith.constant 14 : i32
      %add3A_700 = arith.addi %mul3A_698, %add3A_699 : i32
      %add3A_701 = vector.broadcast %add3A_700 : i32 to vector<16xi32>
      %add3A_702 = arith.addi %iota3A, %add3A_701 : vector<16xi32>
      %and3A_703 = arith.constant 127 : i32
      %and3A_704 = vector.broadcast %and3A_703 : i32 to vector<16xi32>
      %and3A_705 = arith.andi %add3A_702, %and3A_704 : vector<16xi32>
      %add3A_706 = arith.addi %mul3A_64, %and3A_705 : vector<16xi32>
      %gather3A_707 = tpu.vector_load_idx %arg7[%add3A_706] : memref<16384xf32, #tpu.memory_space<vmem>>[vector<16xi32>], vector<16xf32>,
      %add3A_708 = arith.addi %mul3A_69, %and3A_705 : vector<16xi32>
      %gather3A_709 = tpu.vector_load_idx %arg8[%add3A_708] : memref<32768xf32, #tpu.memory_space<vmem>>[vector<16xi32>], vector<16xf32>,
      %sub3A_710 = arith.subf %gather3A_707, %gather3A_709 : vector<16xf32>
      %mul3A_711 = arith.mulf %sub3A_710, %sub3A_710 : vector<16xf32>
      %add3A_712 = arith.addf %add3A_696, %mul3A_711 : vector<16xf32>
      %mul3A_713 = arith.constant 16 : i32
      %mul3A_714 = arith.muli %scan3A_473, %mul3A_713 : i32
      %add3A_715 = arith.constant 15 : i32
      %add3A_716 = arith.addi %mul3A_714, %add3A_715 : i32
      %add3A_717 = vector.broadcast %add3A_716 : i32 to vector<16xi32>
      %add3A_718 = arith.addi %iota3A, %add3A_717 : vector<16xi32>
      %and3A_719 = arith.constant 127 : i32
      %and3A_720 = vector.broadcast %and3A_719 : i32 to vector<16xi32>
      %and3A_721 = arith.andi %add3A_718, %and3A_720 : vector<16xi32>
      %add3A_722 = arith.addi %mul3A_64, %and3A_721 : vector<16xi32>
      %gather3A_723 = tpu.vector_load_idx %arg7[%add3A_722] : memref<16384xf32, #tpu.memory_space<vmem>>[vector<16xi32>], vector<16xf32>,
      %add3A_724 = arith.addi %mul3A_69, %and3A_721 : vector<16xi32>
      %gather3A_725 = tpu.vector_load_idx %arg8[%add3A_724] : memref<32768xf32, #tpu.memory_space<vmem>>[vector<16xi32>], vector<16xf32>,
      %sub3A_726 = arith.subf %gather3A_723, %gather3A_725 : vector<16xf32>
      %mul3A_727 = arith.mulf %sub3A_726, %sub3A_726 : vector<16xf32>
      %add3A_728 = arith.addf %add3A_712, %mul3A_727 : vector<16xf32>
      scf.yield %add3A_728 : vector<16xf32>
    }
    %scan3A_77 = arith.constant 8 : i32
    %max3A_78 = arith.constant 9.99999968E-21 : f32
    %max3A_79 = vector.broadcast %max3A_78 : f32 to vector<16xf32>
    %max3A_80 = arith.maximumf %scan3A_76, %max3A_79 : vector<16xf32>
    %bitcast3A_81 = vector.bitcast %max3A_80 : vector<16xf32> to vector<16xi32>
    %shift_right_logical3A_82 = arith.constant 1 : i32
    %shift_right_logical3A_83 = vector.broadcast %shift_right_logical3A_82 : i32 to vector<16xi32>
    %shift_right_logical3A_84 = arith.shrui %bitcast3A_81, %shift_right_logical3A_83 : vector<16xi32>
    %sub3A_85 = arith.constant 1597463007 : i32
    %sub3A_86 = vector.broadcast %sub3A_85 : i32 to vector<16xi32>
    %sub3A_87 = arith.subi %sub3A_86, %shift_right_logical3A_84 : vector<16xi32>
    %bitcast3A_88 = vector.bitcast %sub3A_87 : vector<16xi32> to vector<16xf32>
    %mul3A_89 = arith.constant 5.000000e-01 : f32
    %mul3A_90 = vector.broadcast %mul3A_89 : f32 to vector<16xf32>
    %mul3A_91 = arith.mulf %mul3A_90, %max3A_80 : vector<16xf32>
    %mul3A_92 = arith.mulf %mul3A_91, %bitcast3A_88 : vector<16xf32>
    %mul3A_93 = arith.mulf %mul3A_92, %bitcast3A_88 : vector<16xf32>
    %sub3A_94 = arith.constant 1.500000e+00 : f32
    %sub3A_95 = vector.broadcast %sub3A_94 : f32 to vector<16xf32>
    %sub3A_96 = arith.subf %sub3A_95, %mul3A_93 : vector<16xf32>
    %mul3A_97 = arith.mulf %bitcast3A_88, %sub3A_96 : vector<16xf32>
    %mul3A_98 = arith.mulf %mul3A_91, %mul3A_97 : vector<16xf32>
    %mul3A_99 = arith.mulf %mul3A_98, %mul3A_97 : vector<16xf32>
    %sub3A_100 = arith.constant 1.500000e+00 : f32
    %sub3A_101 = vector.broadcast %sub3A_100 : f32 to vector<16xf32>
    %sub3A_102 = arith.subf %sub3A_101, %mul3A_99 : vector<16xf32>
    %mul3A_103 = arith.mulf %mul3A_97, %sub3A_102 : vector<16xf32>
    %mul3A_104 = arith.mulf %mul3A_91, %mul3A_103 : vector<16xf32>
    %mul3A_105 = arith.mulf %mul3A_104, %mul3A_103 : vector<16xf32>
    %sub3A_106 = arith.constant 1.500000e+00 : f32
    %sub3A_107 = vector.broadcast %sub3A_106 : f32 to vector<16xf32>
    %sub3A_108 = arith.subf %sub3A_107, %mul3A_105 : vector<16xf32>
    %mul3A_109 = arith.mulf %mul3A_103, %sub3A_108 : vector<16xf32>
    %mul3A_110 = arith.mulf %max3A_80, %mul3A_109 : vector<16xf32>
    %sub3A_111 = arith.constant 1.000000e+00 : f32
    %sub3A_112 = vector.broadcast %sub3A_111 : f32 to vector<16xf32>
    %sub3A_113 = arith.subf %sub3A_112, %mul3A_110 : vector<16xf32>
    %max3A_114 = arith.constant 0.000000e+00 : f32
    %max3A_115 = vector.broadcast %max3A_114 : f32 to vector<16xf32>
    %max3A_116 = arith.maximumf %sub3A_113, %max3A_115 : vector<16xf32>
    %add3A_117 = arith.addf %add3A_58, %max3A_116 : vector<16xf32>
    %add3A_118 = arith.constant 32 : i32
    %add3A_119 = vector.broadcast %add3A_118 : i32 to vector<16xi32>
    %add3A_120 = arith.addi %add3A_119, %iota3A : vector<16xi32>
    %mul3A_121 = arith.constant 128 : i32
    %mul3A_122 = vector.broadcast %mul3A_121 : i32 to vector<16xi32>
    %mul3A_123 = arith.muli %add3A_120, %mul3A_122 : vector<16xi32>
    %get3A_124 = arith.constant 32 : index
    %get3A_125 = tpu.vector_load %arg6[%get3A_124] {strides = array<i32>} : memref<128xi32, #tpu.memory_space<vmem>>, vector<16xi32>,
    %mul3A_126 = arith.constant 128 : i32
    %mul3A_127 = vector.broadcast %mul3A_126 : i32 to vector<16xi32>
    %mul3A_128 = arith.muli %get3A_125, %mul3A_127 : vector<16xi32>
    %broadcast_in_dim3A_129 = arith.constant 0.000000e+00 : f32
    %broadcast_in_dim3A_130 = vector.broadcast %broadcast_in_dim3A_129 : f32 to vector<16xf32>
    %scan3A_131 = arith.constant 0 : i32
    %scan3A_132 = arith.constant 8 : i32
    %scan3A_133 = arith.addi %scan3A_131, %scan3A_132 : i32
    %scan3A_134 = arith.constant 1 : i32
    %scan3A_135 = scf.for %scan3A_473 = %scan3A_131 to %scan3A_133 step %scan3A_134 iter_args(%scan3A_474 = %broadcast_in_dim3A_130) -> (vector<16xf32>)  : i32 {
      %mul3A_475 = arith.constant 16 : i32
      %mul3A_476 = arith.muli %scan3A_473, %mul3A_475 : i32
      %add3A_477 = arith.constant 0 : i32
      %add3A_478 = arith.addi %mul3A_476, %add3A_477 : i32
      %add3A_479 = vector.broadcast %add3A_478 : i32 to vector<16xi32>
      %add3A_480 = arith.addi %iota3A, %add3A_479 : vector<16xi32>
      %and3A = arith.constant 127 : i32
      %and3A_481 = vector.broadcast %and3A : i32 to vector<16xi32>
      %and3A_482 = arith.andi %add3A_480, %and3A_481 : vector<16xi32>
      %add3A_483 = arith.addi %mul3A_123, %and3A_482 : vector<16xi32>
      %gather3A = tpu.vector_load_idx %arg7[%add3A_483] : memref<16384xf32, #tpu.memory_space<vmem>>[vector<16xi32>], vector<16xf32>,
      %add3A_484 = arith.addi %mul3A_128, %and3A_482 : vector<16xi32>
      %gather3A_485 = tpu.vector_load_idx %arg8[%add3A_484] : memref<32768xf32, #tpu.memory_space<vmem>>[vector<16xi32>], vector<16xf32>,
      %sub3A_486 = arith.subf %gather3A, %gather3A_485 : vector<16xf32>
      %mul3A_487 = arith.mulf %sub3A_486, %sub3A_486 : vector<16xf32>
      %add3A_488 = arith.addf %scan3A_474, %mul3A_487 : vector<16xf32>
      %mul3A_489 = arith.constant 16 : i32
      %mul3A_490 = arith.muli %scan3A_473, %mul3A_489 : i32
      %add3A_491 = arith.constant 1 : i32
      %add3A_492 = arith.addi %mul3A_490, %add3A_491 : i32
      %add3A_493 = vector.broadcast %add3A_492 : i32 to vector<16xi32>
      %add3A_494 = arith.addi %iota3A, %add3A_493 : vector<16xi32>
      %and3A_495 = arith.constant 127 : i32
      %and3A_496 = vector.broadcast %and3A_495 : i32 to vector<16xi32>
      %and3A_497 = arith.andi %add3A_494, %and3A_496 : vector<16xi32>
      %add3A_498 = arith.addi %mul3A_123, %and3A_497 : vector<16xi32>
      %gather3A_499 = tpu.vector_load_idx %arg7[%add3A_498] : memref<16384xf32, #tpu.memory_space<vmem>>[vector<16xi32>], vector<16xf32>,
      %add3A_500 = arith.addi %mul3A_128, %and3A_497 : vector<16xi32>
      %gather3A_501 = tpu.vector_load_idx %arg8[%add3A_500] : memref<32768xf32, #tpu.memory_space<vmem>>[vector<16xi32>], vector<16xf32>,
      %sub3A_502 = arith.subf %gather3A_499, %gather3A_501 : vector<16xf32>
      %mul3A_503 = arith.mulf %sub3A_502, %sub3A_502 : vector<16xf32>
      %add3A_504 = arith.addf %add3A_488, %mul3A_503 : vector<16xf32>
      %mul3A_505 = arith.constant 16 : i32
      %mul3A_506 = arith.muli %scan3A_473, %mul3A_505 : i32
      %add3A_507 = arith.constant 2 : i32
      %add3A_508 = arith.addi %mul3A_506, %add3A_507 : i32
      %add3A_509 = vector.broadcast %add3A_508 : i32 to vector<16xi32>
      %add3A_510 = arith.addi %iota3A, %add3A_509 : vector<16xi32>
      %and3A_511 = arith.constant 127 : i32
      %and3A_512 = vector.broadcast %and3A_511 : i32 to vector<16xi32>
      %and3A_513 = arith.andi %add3A_510, %and3A_512 : vector<16xi32>
      %add3A_514 = arith.addi %mul3A_123, %and3A_513 : vector<16xi32>
      %gather3A_515 = tpu.vector_load_idx %arg7[%add3A_514] : memref<16384xf32, #tpu.memory_space<vmem>>[vector<16xi32>], vector<16xf32>,
      %add3A_516 = arith.addi %mul3A_128, %and3A_513 : vector<16xi32>
      %gather3A_517 = tpu.vector_load_idx %arg8[%add3A_516] : memref<32768xf32, #tpu.memory_space<vmem>>[vector<16xi32>], vector<16xf32>,
      %sub3A_518 = arith.subf %gather3A_515, %gather3A_517 : vector<16xf32>
      %mul3A_519 = arith.mulf %sub3A_518, %sub3A_518 : vector<16xf32>
      %add3A_520 = arith.addf %add3A_504, %mul3A_519 : vector<16xf32>
      %mul3A_521 = arith.constant 16 : i32
      %mul3A_522 = arith.muli %scan3A_473, %mul3A_521 : i32
      %add3A_523 = arith.constant 3 : i32
      %add3A_524 = arith.addi %mul3A_522, %add3A_523 : i32
      %add3A_525 = vector.broadcast %add3A_524 : i32 to vector<16xi32>
      %add3A_526 = arith.addi %iota3A, %add3A_525 : vector<16xi32>
      %and3A_527 = arith.constant 127 : i32
      %and3A_528 = vector.broadcast %and3A_527 : i32 to vector<16xi32>
      %and3A_529 = arith.andi %add3A_526, %and3A_528 : vector<16xi32>
      %add3A_530 = arith.addi %mul3A_123, %and3A_529 : vector<16xi32>
      %gather3A_531 = tpu.vector_load_idx %arg7[%add3A_530] : memref<16384xf32, #tpu.memory_space<vmem>>[vector<16xi32>], vector<16xf32>,
      %add3A_532 = arith.addi %mul3A_128, %and3A_529 : vector<16xi32>
      %gather3A_533 = tpu.vector_load_idx %arg8[%add3A_532] : memref<32768xf32, #tpu.memory_space<vmem>>[vector<16xi32>], vector<16xf32>,
      %sub3A_534 = arith.subf %gather3A_531, %gather3A_533 : vector<16xf32>
      %mul3A_535 = arith.mulf %sub3A_534, %sub3A_534 : vector<16xf32>
      %add3A_536 = arith.addf %add3A_520, %mul3A_535 : vector<16xf32>
      %mul3A_537 = arith.constant 16 : i32
      %mul3A_538 = arith.muli %scan3A_473, %mul3A_537 : i32
      %add3A_539 = arith.constant 4 : i32
      %add3A_540 = arith.addi %mul3A_538, %add3A_539 : i32
      %add3A_541 = vector.broadcast %add3A_540 : i32 to vector<16xi32>
      %add3A_542 = arith.addi %iota3A, %add3A_541 : vector<16xi32>
      %and3A_543 = arith.constant 127 : i32
      %and3A_544 = vector.broadcast %and3A_543 : i32 to vector<16xi32>
      %and3A_545 = arith.andi %add3A_542, %and3A_544 : vector<16xi32>
      %add3A_546 = arith.addi %mul3A_123, %and3A_545 : vector<16xi32>
      %gather3A_547 = tpu.vector_load_idx %arg7[%add3A_546] : memref<16384xf32, #tpu.memory_space<vmem>>[vector<16xi32>], vector<16xf32>,
      %add3A_548 = arith.addi %mul3A_128, %and3A_545 : vector<16xi32>
      %gather3A_549 = tpu.vector_load_idx %arg8[%add3A_548] : memref<32768xf32, #tpu.memory_space<vmem>>[vector<16xi32>], vector<16xf32>,
      %sub3A_550 = arith.subf %gather3A_547, %gather3A_549 : vector<16xf32>
      %mul3A_551 = arith.mulf %sub3A_550, %sub3A_550 : vector<16xf32>
      %add3A_552 = arith.addf %add3A_536, %mul3A_551 : vector<16xf32>
      %mul3A_553 = arith.constant 16 : i32
      %mul3A_554 = arith.muli %scan3A_473, %mul3A_553 : i32
      %add3A_555 = arith.constant 5 : i32
      %add3A_556 = arith.addi %mul3A_554, %add3A_555 : i32
      %add3A_557 = vector.broadcast %add3A_556 : i32 to vector<16xi32>
      %add3A_558 = arith.addi %iota3A, %add3A_557 : vector<16xi32>
      %and3A_559 = arith.constant 127 : i32
      %and3A_560 = vector.broadcast %and3A_559 : i32 to vector<16xi32>
      %and3A_561 = arith.andi %add3A_558, %and3A_560 : vector<16xi32>
      %add3A_562 = arith.addi %mul3A_123, %and3A_561 : vector<16xi32>
      %gather3A_563 = tpu.vector_load_idx %arg7[%add3A_562] : memref<16384xf32, #tpu.memory_space<vmem>>[vector<16xi32>], vector<16xf32>,
      %add3A_564 = arith.addi %mul3A_128, %and3A_561 : vector<16xi32>
      %gather3A_565 = tpu.vector_load_idx %arg8[%add3A_564] : memref<32768xf32, #tpu.memory_space<vmem>>[vector<16xi32>], vector<16xf32>,
      %sub3A_566 = arith.subf %gather3A_563, %gather3A_565 : vector<16xf32>
      %mul3A_567 = arith.mulf %sub3A_566, %sub3A_566 : vector<16xf32>
      %add3A_568 = arith.addf %add3A_552, %mul3A_567 : vector<16xf32>
      %mul3A_569 = arith.constant 16 : i32
      %mul3A_570 = arith.muli %scan3A_473, %mul3A_569 : i32
      %add3A_571 = arith.constant 6 : i32
      %add3A_572 = arith.addi %mul3A_570, %add3A_571 : i32
      %add3A_573 = vector.broadcast %add3A_572 : i32 to vector<16xi32>
      %add3A_574 = arith.addi %iota3A, %add3A_573 : vector<16xi32>
      %and3A_575 = arith.constant 127 : i32
      %and3A_576 = vector.broadcast %and3A_575 : i32 to vector<16xi32>
      %and3A_577 = arith.andi %add3A_574, %and3A_576 : vector<16xi32>
      %add3A_578 = arith.addi %mul3A_123, %and3A_577 : vector<16xi32>
      %gather3A_579 = tpu.vector_load_idx %arg7[%add3A_578] : memref<16384xf32, #tpu.memory_space<vmem>>[vector<16xi32>], vector<16xf32>,
      %add3A_580 = arith.addi %mul3A_128, %and3A_577 : vector<16xi32>
      %gather3A_581 = tpu.vector_load_idx %arg8[%add3A_580] : memref<32768xf32, #tpu.memory_space<vmem>>[vector<16xi32>], vector<16xf32>,
      %sub3A_582 = arith.subf %gather3A_579, %gather3A_581 : vector<16xf32>
      %mul3A_583 = arith.mulf %sub3A_582, %sub3A_582 : vector<16xf32>
      %add3A_584 = arith.addf %add3A_568, %mul3A_583 : vector<16xf32>
      %mul3A_585 = arith.constant 16 : i32
      %mul3A_586 = arith.muli %scan3A_473, %mul3A_585 : i32
      %add3A_587 = arith.constant 7 : i32
      %add3A_588 = arith.addi %mul3A_586, %add3A_587 : i32
      %add3A_589 = vector.broadcast %add3A_588 : i32 to vector<16xi32>
      %add3A_590 = arith.addi %iota3A, %add3A_589 : vector<16xi32>
      %and3A_591 = arith.constant 127 : i32
      %and3A_592 = vector.broadcast %and3A_591 : i32 to vector<16xi32>
      %and3A_593 = arith.andi %add3A_590, %and3A_592 : vector<16xi32>
      %add3A_594 = arith.addi %mul3A_123, %and3A_593 : vector<16xi32>
      %gather3A_595 = tpu.vector_load_idx %arg7[%add3A_594] : memref<16384xf32, #tpu.memory_space<vmem>>[vector<16xi32>], vector<16xf32>,
      %add3A_596 = arith.addi %mul3A_128, %and3A_593 : vector<16xi32>
      %gather3A_597 = tpu.vector_load_idx %arg8[%add3A_596] : memref<32768xf32, #tpu.memory_space<vmem>>[vector<16xi32>], vector<16xf32>,
      %sub3A_598 = arith.subf %gather3A_595, %gather3A_597 : vector<16xf32>
      %mul3A_599 = arith.mulf %sub3A_598, %sub3A_598 : vector<16xf32>
      %add3A_600 = arith.addf %add3A_584, %mul3A_599 : vector<16xf32>
      %mul3A_601 = arith.constant 16 : i32
      %mul3A_602 = arith.muli %scan3A_473, %mul3A_601 : i32
      %add3A_603 = arith.constant 8 : i32
      %add3A_604 = arith.addi %mul3A_602, %add3A_603 : i32
      %add3A_605 = vector.broadcast %add3A_604 : i32 to vector<16xi32>
      %add3A_606 = arith.addi %iota3A, %add3A_605 : vector<16xi32>
      %and3A_607 = arith.constant 127 : i32
      %and3A_608 = vector.broadcast %and3A_607 : i32 to vector<16xi32>
      %and3A_609 = arith.andi %add3A_606, %and3A_608 : vector<16xi32>
      %add3A_610 = arith.addi %mul3A_123, %and3A_609 : vector<16xi32>
      %gather3A_611 = tpu.vector_load_idx %arg7[%add3A_610] : memref<16384xf32, #tpu.memory_space<vmem>>[vector<16xi32>], vector<16xf32>,
      %add3A_612 = arith.addi %mul3A_128, %and3A_609 : vector<16xi32>
      %gather3A_613 = tpu.vector_load_idx %arg8[%add3A_612] : memref<32768xf32, #tpu.memory_space<vmem>>[vector<16xi32>], vector<16xf32>,
      %sub3A_614 = arith.subf %gather3A_611, %gather3A_613 : vector<16xf32>
      %mul3A_615 = arith.mulf %sub3A_614, %sub3A_614 : vector<16xf32>
      %add3A_616 = arith.addf %add3A_600, %mul3A_615 : vector<16xf32>
      %mul3A_617 = arith.constant 16 : i32
      %mul3A_618 = arith.muli %scan3A_473, %mul3A_617 : i32
      %add3A_619 = arith.constant 9 : i32
      %add3A_620 = arith.addi %mul3A_618, %add3A_619 : i32
      %add3A_621 = vector.broadcast %add3A_620 : i32 to vector<16xi32>
      %add3A_622 = arith.addi %iota3A, %add3A_621 : vector<16xi32>
      %and3A_623 = arith.constant 127 : i32
      %and3A_624 = vector.broadcast %and3A_623 : i32 to vector<16xi32>
      %and3A_625 = arith.andi %add3A_622, %and3A_624 : vector<16xi32>
      %add3A_626 = arith.addi %mul3A_123, %and3A_625 : vector<16xi32>
      %gather3A_627 = tpu.vector_load_idx %arg7[%add3A_626] : memref<16384xf32, #tpu.memory_space<vmem>>[vector<16xi32>], vector<16xf32>,
      %add3A_628 = arith.addi %mul3A_128, %and3A_625 : vector<16xi32>
      %gather3A_629 = tpu.vector_load_idx %arg8[%add3A_628] : memref<32768xf32, #tpu.memory_space<vmem>>[vector<16xi32>], vector<16xf32>,
      %sub3A_630 = arith.subf %gather3A_627, %gather3A_629 : vector<16xf32>
      %mul3A_631 = arith.mulf %sub3A_630, %sub3A_630 : vector<16xf32>
      %add3A_632 = arith.addf %add3A_616, %mul3A_631 : vector<16xf32>
      %mul3A_633 = arith.constant 16 : i32
      %mul3A_634 = arith.muli %scan3A_473, %mul3A_633 : i32
      %add3A_635 = arith.constant 10 : i32
      %add3A_636 = arith.addi %mul3A_634, %add3A_635 : i32
      %add3A_637 = vector.broadcast %add3A_636 : i32 to vector<16xi32>
      %add3A_638 = arith.addi %iota3A, %add3A_637 : vector<16xi32>
      %and3A_639 = arith.constant 127 : i32
      %and3A_640 = vector.broadcast %and3A_639 : i32 to vector<16xi32>
      %and3A_641 = arith.andi %add3A_638, %and3A_640 : vector<16xi32>
      %add3A_642 = arith.addi %mul3A_123, %and3A_641 : vector<16xi32>
      %gather3A_643 = tpu.vector_load_idx %arg7[%add3A_642] : memref<16384xf32, #tpu.memory_space<vmem>>[vector<16xi32>], vector<16xf32>,
      %add3A_644 = arith.addi %mul3A_128, %and3A_641 : vector<16xi32>
      %gather3A_645 = tpu.vector_load_idx %arg8[%add3A_644] : memref<32768xf32, #tpu.memory_space<vmem>>[vector<16xi32>], vector<16xf32>,
      %sub3A_646 = arith.subf %gather3A_643, %gather3A_645 : vector<16xf32>
      %mul3A_647 = arith.mulf %sub3A_646, %sub3A_646 : vector<16xf32>
      %add3A_648 = arith.addf %add3A_632, %mul3A_647 : vector<16xf32>
      %mul3A_649 = arith.constant 16 : i32
      %mul3A_650 = arith.muli %scan3A_473, %mul3A_649 : i32
      %add3A_651 = arith.constant 11 : i32
      %add3A_652 = arith.addi %mul3A_650, %add3A_651 : i32
      %add3A_653 = vector.broadcast %add3A_652 : i32 to vector<16xi32>
      %add3A_654 = arith.addi %iota3A, %add3A_653 : vector<16xi32>
      %and3A_655 = arith.constant 127 : i32
      %and3A_656 = vector.broadcast %and3A_655 : i32 to vector<16xi32>
      %and3A_657 = arith.andi %add3A_654, %and3A_656 : vector<16xi32>
      %add3A_658 = arith.addi %mul3A_123, %and3A_657 : vector<16xi32>
      %gather3A_659 = tpu.vector_load_idx %arg7[%add3A_658] : memref<16384xf32, #tpu.memory_space<vmem>>[vector<16xi32>], vector<16xf32>,
      %add3A_660 = arith.addi %mul3A_128, %and3A_657 : vector<16xi32>
      %gather3A_661 = tpu.vector_load_idx %arg8[%add3A_660] : memref<32768xf32, #tpu.memory_space<vmem>>[vector<16xi32>], vector<16xf32>,
      %sub3A_662 = arith.subf %gather3A_659, %gather3A_661 : vector<16xf32>
      %mul3A_663 = arith.mulf %sub3A_662, %sub3A_662 : vector<16xf32>
      %add3A_664 = arith.addf %add3A_648, %mul3A_663 : vector<16xf32>
      %mul3A_665 = arith.constant 16 : i32
      %mul3A_666 = arith.muli %scan3A_473, %mul3A_665 : i32
      %add3A_667 = arith.constant 12 : i32
      %add3A_668 = arith.addi %mul3A_666, %add3A_667 : i32
      %add3A_669 = vector.broadcast %add3A_668 : i32 to vector<16xi32>
      %add3A_670 = arith.addi %iota3A, %add3A_669 : vector<16xi32>
      %and3A_671 = arith.constant 127 : i32
      %and3A_672 = vector.broadcast %and3A_671 : i32 to vector<16xi32>
      %and3A_673 = arith.andi %add3A_670, %and3A_672 : vector<16xi32>
      %add3A_674 = arith.addi %mul3A_123, %and3A_673 : vector<16xi32>
      %gather3A_675 = tpu.vector_load_idx %arg7[%add3A_674] : memref<16384xf32, #tpu.memory_space<vmem>>[vector<16xi32>], vector<16xf32>,
      %add3A_676 = arith.addi %mul3A_128, %and3A_673 : vector<16xi32>
      %gather3A_677 = tpu.vector_load_idx %arg8[%add3A_676] : memref<32768xf32, #tpu.memory_space<vmem>>[vector<16xi32>], vector<16xf32>,
      %sub3A_678 = arith.subf %gather3A_675, %gather3A_677 : vector<16xf32>
      %mul3A_679 = arith.mulf %sub3A_678, %sub3A_678 : vector<16xf32>
      %add3A_680 = arith.addf %add3A_664, %mul3A_679 : vector<16xf32>
      %mul3A_681 = arith.constant 16 : i32
      %mul3A_682 = arith.muli %scan3A_473, %mul3A_681 : i32
      %add3A_683 = arith.constant 13 : i32
      %add3A_684 = arith.addi %mul3A_682, %add3A_683 : i32
      %add3A_685 = vector.broadcast %add3A_684 : i32 to vector<16xi32>
      %add3A_686 = arith.addi %iota3A, %add3A_685 : vector<16xi32>
      %and3A_687 = arith.constant 127 : i32
      %and3A_688 = vector.broadcast %and3A_687 : i32 to vector<16xi32>
      %and3A_689 = arith.andi %add3A_686, %and3A_688 : vector<16xi32>
      %add3A_690 = arith.addi %mul3A_123, %and3A_689 : vector<16xi32>
      %gather3A_691 = tpu.vector_load_idx %arg7[%add3A_690] : memref<16384xf32, #tpu.memory_space<vmem>>[vector<16xi32>], vector<16xf32>,
      %add3A_692 = arith.addi %mul3A_128, %and3A_689 : vector<16xi32>
      %gather3A_693 = tpu.vector_load_idx %arg8[%add3A_692] : memref<32768xf32, #tpu.memory_space<vmem>>[vector<16xi32>], vector<16xf32>,
      %sub3A_694 = arith.subf %gather3A_691, %gather3A_693 : vector<16xf32>
      %mul3A_695 = arith.mulf %sub3A_694, %sub3A_694 : vector<16xf32>
      %add3A_696 = arith.addf %add3A_680, %mul3A_695 : vector<16xf32>
      %mul3A_697 = arith.constant 16 : i32
      %mul3A_698 = arith.muli %scan3A_473, %mul3A_697 : i32
      %add3A_699 = arith.constant 14 : i32
      %add3A_700 = arith.addi %mul3A_698, %add3A_699 : i32
      %add3A_701 = vector.broadcast %add3A_700 : i32 to vector<16xi32>
      %add3A_702 = arith.addi %iota3A, %add3A_701 : vector<16xi32>
      %and3A_703 = arith.constant 127 : i32
      %and3A_704 = vector.broadcast %and3A_703 : i32 to vector<16xi32>
      %and3A_705 = arith.andi %add3A_702, %and3A_704 : vector<16xi32>
      %add3A_706 = arith.addi %mul3A_123, %and3A_705 : vector<16xi32>
      %gather3A_707 = tpu.vector_load_idx %arg7[%add3A_706] : memref<16384xf32, #tpu.memory_space<vmem>>[vector<16xi32>], vector<16xf32>,
      %add3A_708 = arith.addi %mul3A_128, %and3A_705 : vector<16xi32>
      %gather3A_709 = tpu.vector_load_idx %arg8[%add3A_708] : memref<32768xf32, #tpu.memory_space<vmem>>[vector<16xi32>], vector<16xf32>,
      %sub3A_710 = arith.subf %gather3A_707, %gather3A_709 : vector<16xf32>
      %mul3A_711 = arith.mulf %sub3A_710, %sub3A_710 : vector<16xf32>
      %add3A_712 = arith.addf %add3A_696, %mul3A_711 : vector<16xf32>
      %mul3A_713 = arith.constant 16 : i32
      %mul3A_714 = arith.muli %scan3A_473, %mul3A_713 : i32
      %add3A_715 = arith.constant 15 : i32
      %add3A_716 = arith.addi %mul3A_714, %add3A_715 : i32
      %add3A_717 = vector.broadcast %add3A_716 : i32 to vector<16xi32>
      %add3A_718 = arith.addi %iota3A, %add3A_717 : vector<16xi32>
      %and3A_719 = arith.constant 127 : i32
      %and3A_720 = vector.broadcast %and3A_719 : i32 to vector<16xi32>
      %and3A_721 = arith.andi %add3A_718, %and3A_720 : vector<16xi32>
      %add3A_722 = arith.addi %mul3A_123, %and3A_721 : vector<16xi32>
      %gather3A_723 = tpu.vector_load_idx %arg7[%add3A_722] : memref<16384xf32, #tpu.memory_space<vmem>>[vector<16xi32>], vector<16xf32>,
      %add3A_724 = arith.addi %mul3A_128, %and3A_721 : vector<16xi32>
      %gather3A_725 = tpu.vector_load_idx %arg8[%add3A_724] : memref<32768xf32, #tpu.memory_space<vmem>>[vector<16xi32>], vector<16xf32>,
      %sub3A_726 = arith.subf %gather3A_723, %gather3A_725 : vector<16xf32>
      %mul3A_727 = arith.mulf %sub3A_726, %sub3A_726 : vector<16xf32>
      %add3A_728 = arith.addf %add3A_712, %mul3A_727 : vector<16xf32>
      scf.yield %add3A_728 : vector<16xf32>
    }
    %scan3A_136 = arith.constant 8 : i32
    %max3A_137 = arith.constant 9.99999968E-21 : f32
    %max3A_138 = vector.broadcast %max3A_137 : f32 to vector<16xf32>
    %max3A_139 = arith.maximumf %scan3A_135, %max3A_138 : vector<16xf32>
    %bitcast3A_140 = vector.bitcast %max3A_139 : vector<16xf32> to vector<16xi32>
    %shift_right_logical3A_141 = arith.constant 1 : i32
    %shift_right_logical3A_142 = vector.broadcast %shift_right_logical3A_141 : i32 to vector<16xi32>
    %shift_right_logical3A_143 = arith.shrui %bitcast3A_140, %shift_right_logical3A_142 : vector<16xi32>
    %sub3A_144 = arith.constant 1597463007 : i32
    %sub3A_145 = vector.broadcast %sub3A_144 : i32 to vector<16xi32>
    %sub3A_146 = arith.subi %sub3A_145, %shift_right_logical3A_143 : vector<16xi32>
    %bitcast3A_147 = vector.bitcast %sub3A_146 : vector<16xi32> to vector<16xf32>
    %mul3A_148 = arith.constant 5.000000e-01 : f32
    %mul3A_149 = vector.broadcast %mul3A_148 : f32 to vector<16xf32>
    %mul3A_150 = arith.mulf %mul3A_149, %max3A_139 : vector<16xf32>
    %mul3A_151 = arith.mulf %mul3A_150, %bitcast3A_147 : vector<16xf32>
    %mul3A_152 = arith.mulf %mul3A_151, %bitcast3A_147 : vector<16xf32>
    %sub3A_153 = arith.constant 1.500000e+00 : f32
    %sub3A_154 = vector.broadcast %sub3A_153 : f32 to vector<16xf32>
    %sub3A_155 = arith.subf %sub3A_154, %mul3A_152 : vector<16xf32>
    %mul3A_156 = arith.mulf %bitcast3A_147, %sub3A_155 : vector<16xf32>
    %mul3A_157 = arith.mulf %mul3A_150, %mul3A_156 : vector<16xf32>
    %mul3A_158 = arith.mulf %mul3A_157, %mul3A_156 : vector<16xf32>
    %sub3A_159 = arith.constant 1.500000e+00 : f32
    %sub3A_160 = vector.broadcast %sub3A_159 : f32 to vector<16xf32>
    %sub3A_161 = arith.subf %sub3A_160, %mul3A_158 : vector<16xf32>
    %mul3A_162 = arith.mulf %mul3A_156, %sub3A_161 : vector<16xf32>
    %mul3A_163 = arith.mulf %mul3A_150, %mul3A_162 : vector<16xf32>
    %mul3A_164 = arith.mulf %mul3A_163, %mul3A_162 : vector<16xf32>
    %sub3A_165 = arith.constant 1.500000e+00 : f32
    %sub3A_166 = vector.broadcast %sub3A_165 : f32 to vector<16xf32>
    %sub3A_167 = arith.subf %sub3A_166, %mul3A_164 : vector<16xf32>
    %mul3A_168 = arith.mulf %mul3A_162, %sub3A_167 : vector<16xf32>
    %mul3A_169 = arith.mulf %max3A_139, %mul3A_168 : vector<16xf32>
    %sub3A_170 = arith.constant 1.000000e+00 : f32
    %sub3A_171 = vector.broadcast %sub3A_170 : f32 to vector<16xf32>
    %sub3A_172 = arith.subf %sub3A_171, %mul3A_169 : vector<16xf32>
    %max3A_173 = arith.constant 0.000000e+00 : f32
    %max3A_174 = vector.broadcast %max3A_173 : f32 to vector<16xf32>
    %max3A_175 = arith.maximumf %sub3A_172, %max3A_174 : vector<16xf32>
    %add3A_176 = arith.addf %add3A_117, %max3A_175 : vector<16xf32>
    %add3A_177 = arith.constant 48 : i32
    %add3A_178 = vector.broadcast %add3A_177 : i32 to vector<16xi32>
    %add3A_179 = arith.addi %add3A_178, %iota3A : vector<16xi32>
    %mul3A_180 = arith.constant 128 : i32
    %mul3A_181 = vector.broadcast %mul3A_180 : i32 to vector<16xi32>
    %mul3A_182 = arith.muli %add3A_179, %mul3A_181 : vector<16xi32>
    %get3A_183 = arith.constant 48 : index
    %get3A_184 = tpu.vector_load %arg6[%get3A_183] {strides = array<i32>} : memref<128xi32, #tpu.memory_space<vmem>>, vector<16xi32>,
    %mul3A_185 = arith.constant 128 : i32
    %mul3A_186 = vector.broadcast %mul3A_185 : i32 to vector<16xi32>
    %mul3A_187 = arith.muli %get3A_184, %mul3A_186 : vector<16xi32>
    %broadcast_in_dim3A_188 = arith.constant 0.000000e+00 : f32
    %broadcast_in_dim3A_189 = vector.broadcast %broadcast_in_dim3A_188 : f32 to vector<16xf32>
    %scan3A_190 = arith.constant 0 : i32
    %scan3A_191 = arith.constant 8 : i32
    %scan3A_192 = arith.addi %scan3A_190, %scan3A_191 : i32
    %scan3A_193 = arith.constant 1 : i32
    %scan3A_194 = scf.for %scan3A_473 = %scan3A_190 to %scan3A_192 step %scan3A_193 iter_args(%scan3A_474 = %broadcast_in_dim3A_189) -> (vector<16xf32>)  : i32 {
      %mul3A_475 = arith.constant 16 : i32
      %mul3A_476 = arith.muli %scan3A_473, %mul3A_475 : i32
      %add3A_477 = arith.constant 0 : i32
      %add3A_478 = arith.addi %mul3A_476, %add3A_477 : i32
      %add3A_479 = vector.broadcast %add3A_478 : i32 to vector<16xi32>
      %add3A_480 = arith.addi %iota3A, %add3A_479 : vector<16xi32>
      %and3A = arith.constant 127 : i32
      %and3A_481 = vector.broadcast %and3A : i32 to vector<16xi32>
      %and3A_482 = arith.andi %add3A_480, %and3A_481 : vector<16xi32>
      %add3A_483 = arith.addi %mul3A_182, %and3A_482 : vector<16xi32>
      %gather3A = tpu.vector_load_idx %arg7[%add3A_483] : memref<16384xf32, #tpu.memory_space<vmem>>[vector<16xi32>], vector<16xf32>,
      %add3A_484 = arith.addi %mul3A_187, %and3A_482 : vector<16xi32>
      %gather3A_485 = tpu.vector_load_idx %arg8[%add3A_484] : memref<32768xf32, #tpu.memory_space<vmem>>[vector<16xi32>], vector<16xf32>,
      %sub3A_486 = arith.subf %gather3A, %gather3A_485 : vector<16xf32>
      %mul3A_487 = arith.mulf %sub3A_486, %sub3A_486 : vector<16xf32>
      %add3A_488 = arith.addf %scan3A_474, %mul3A_487 : vector<16xf32>
      %mul3A_489 = arith.constant 16 : i32
      %mul3A_490 = arith.muli %scan3A_473, %mul3A_489 : i32
      %add3A_491 = arith.constant 1 : i32
      %add3A_492 = arith.addi %mul3A_490, %add3A_491 : i32
      %add3A_493 = vector.broadcast %add3A_492 : i32 to vector<16xi32>
      %add3A_494 = arith.addi %iota3A, %add3A_493 : vector<16xi32>
      %and3A_495 = arith.constant 127 : i32
      %and3A_496 = vector.broadcast %and3A_495 : i32 to vector<16xi32>
      %and3A_497 = arith.andi %add3A_494, %and3A_496 : vector<16xi32>
      %add3A_498 = arith.addi %mul3A_182, %and3A_497 : vector<16xi32>
      %gather3A_499 = tpu.vector_load_idx %arg7[%add3A_498] : memref<16384xf32, #tpu.memory_space<vmem>>[vector<16xi32>], vector<16xf32>,
      %add3A_500 = arith.addi %mul3A_187, %and3A_497 : vector<16xi32>
      %gather3A_501 = tpu.vector_load_idx %arg8[%add3A_500] : memref<32768xf32, #tpu.memory_space<vmem>>[vector<16xi32>], vector<16xf32>,
      %sub3A_502 = arith.subf %gather3A_499, %gather3A_501 : vector<16xf32>
      %mul3A_503 = arith.mulf %sub3A_502, %sub3A_502 : vector<16xf32>
      %add3A_504 = arith.addf %add3A_488, %mul3A_503 : vector<16xf32>
      %mul3A_505 = arith.constant 16 : i32
      %mul3A_506 = arith.muli %scan3A_473, %mul3A_505 : i32
      %add3A_507 = arith.constant 2 : i32
      %add3A_508 = arith.addi %mul3A_506, %add3A_507 : i32
      %add3A_509 = vector.broadcast %add3A_508 : i32 to vector<16xi32>
      %add3A_510 = arith.addi %iota3A, %add3A_509 : vector<16xi32>
      %and3A_511 = arith.constant 127 : i32
      %and3A_512 = vector.broadcast %and3A_511 : i32 to vector<16xi32>
      %and3A_513 = arith.andi %add3A_510, %and3A_512 : vector<16xi32>
      %add3A_514 = arith.addi %mul3A_182, %and3A_513 : vector<16xi32>
      %gather3A_515 = tpu.vector_load_idx %arg7[%add3A_514] : memref<16384xf32, #tpu.memory_space<vmem>>[vector<16xi32>], vector<16xf32>,
      %add3A_516 = arith.addi %mul3A_187, %and3A_513 : vector<16xi32>
      %gather3A_517 = tpu.vector_load_idx %arg8[%add3A_516] : memref<32768xf32, #tpu.memory_space<vmem>>[vector<16xi32>], vector<16xf32>,
      %sub3A_518 = arith.subf %gather3A_515, %gather3A_517 : vector<16xf32>
      %mul3A_519 = arith.mulf %sub3A_518, %sub3A_518 : vector<16xf32>
      %add3A_520 = arith.addf %add3A_504, %mul3A_519 : vector<16xf32>
      %mul3A_521 = arith.constant 16 : i32
      %mul3A_522 = arith.muli %scan3A_473, %mul3A_521 : i32
      %add3A_523 = arith.constant 3 : i32
      %add3A_524 = arith.addi %mul3A_522, %add3A_523 : i32
      %add3A_525 = vector.broadcast %add3A_524 : i32 to vector<16xi32>
      %add3A_526 = arith.addi %iota3A, %add3A_525 : vector<16xi32>
      %and3A_527 = arith.constant 127 : i32
      %and3A_528 = vector.broadcast %and3A_527 : i32 to vector<16xi32>
      %and3A_529 = arith.andi %add3A_526, %and3A_528 : vector<16xi32>
      %add3A_530 = arith.addi %mul3A_182, %and3A_529 : vector<16xi32>
      %gather3A_531 = tpu.vector_load_idx %arg7[%add3A_530] : memref<16384xf32, #tpu.memory_space<vmem>>[vector<16xi32>], vector<16xf32>,
      %add3A_532 = arith.addi %mul3A_187, %and3A_529 : vector<16xi32>
      %gather3A_533 = tpu.vector_load_idx %arg8[%add3A_532] : memref<32768xf32, #tpu.memory_space<vmem>>[vector<16xi32>], vector<16xf32>,
      %sub3A_534 = arith.subf %gather3A_531, %gather3A_533 : vector<16xf32>
      %mul3A_535 = arith.mulf %sub3A_534, %sub3A_534 : vector<16xf32>
      %add3A_536 = arith.addf %add3A_520, %mul3A_535 : vector<16xf32>
      %mul3A_537 = arith.constant 16 : i32
      %mul3A_538 = arith.muli %scan3A_473, %mul3A_537 : i32
      %add3A_539 = arith.constant 4 : i32
      %add3A_540 = arith.addi %mul3A_538, %add3A_539 : i32
      %add3A_541 = vector.broadcast %add3A_540 : i32 to vector<16xi32>
      %add3A_542 = arith.addi %iota3A, %add3A_541 : vector<16xi32>
      %and3A_543 = arith.constant 127 : i32
      %and3A_544 = vector.broadcast %and3A_543 : i32 to vector<16xi32>
      %and3A_545 = arith.andi %add3A_542, %and3A_544 : vector<16xi32>
      %add3A_546 = arith.addi %mul3A_182, %and3A_545 : vector<16xi32>
      %gather3A_547 = tpu.vector_load_idx %arg7[%add3A_546] : memref<16384xf32, #tpu.memory_space<vmem>>[vector<16xi32>], vector<16xf32>,
      %add3A_548 = arith.addi %mul3A_187, %and3A_545 : vector<16xi32>
      %gather3A_549 = tpu.vector_load_idx %arg8[%add3A_548] : memref<32768xf32, #tpu.memory_space<vmem>>[vector<16xi32>], vector<16xf32>,
      %sub3A_550 = arith.subf %gather3A_547, %gather3A_549 : vector<16xf32>
      %mul3A_551 = arith.mulf %sub3A_550, %sub3A_550 : vector<16xf32>
      %add3A_552 = arith.addf %add3A_536, %mul3A_551 : vector<16xf32>
      %mul3A_553 = arith.constant 16 : i32
      %mul3A_554 = arith.muli %scan3A_473, %mul3A_553 : i32
      %add3A_555 = arith.constant 5 : i32
      %add3A_556 = arith.addi %mul3A_554, %add3A_555 : i32
      %add3A_557 = vector.broadcast %add3A_556 : i32 to vector<16xi32>
      %add3A_558 = arith.addi %iota3A, %add3A_557 : vector<16xi32>
      %and3A_559 = arith.constant 127 : i32
      %and3A_560 = vector.broadcast %and3A_559 : i32 to vector<16xi32>
      %and3A_561 = arith.andi %add3A_558, %and3A_560 : vector<16xi32>
      %add3A_562 = arith.addi %mul3A_182, %and3A_561 : vector<16xi32>
      %gather3A_563 = tpu.vector_load_idx %arg7[%add3A_562] : memref<16384xf32, #tpu.memory_space<vmem>>[vector<16xi32>], vector<16xf32>,
      %add3A_564 = arith.addi %mul3A_187, %and3A_561 : vector<16xi32>
      %gather3A_565 = tpu.vector_load_idx %arg8[%add3A_564] : memref<32768xf32, #tpu.memory_space<vmem>>[vector<16xi32>], vector<16xf32>,
      %sub3A_566 = arith.subf %gather3A_563, %gather3A_565 : vector<16xf32>
      %mul3A_567 = arith.mulf %sub3A_566, %sub3A_566 : vector<16xf32>
      %add3A_568 = arith.addf %add3A_552, %mul3A_567 : vector<16xf32>
      %mul3A_569 = arith.constant 16 : i32
      %mul3A_570 = arith.muli %scan3A_473, %mul3A_569 : i32
      %add3A_571 = arith.constant 6 : i32
      %add3A_572 = arith.addi %mul3A_570, %add3A_571 : i32
      %add3A_573 = vector.broadcast %add3A_572 : i32 to vector<16xi32>
      %add3A_574 = arith.addi %iota3A, %add3A_573 : vector<16xi32>
      %and3A_575 = arith.constant 127 : i32
      %and3A_576 = vector.broadcast %and3A_575 : i32 to vector<16xi32>
      %and3A_577 = arith.andi %add3A_574, %and3A_576 : vector<16xi32>
      %add3A_578 = arith.addi %mul3A_182, %and3A_577 : vector<16xi32>
      %gather3A_579 = tpu.vector_load_idx %arg7[%add3A_578] : memref<16384xf32, #tpu.memory_space<vmem>>[vector<16xi32>], vector<16xf32>,
      %add3A_580 = arith.addi %mul3A_187, %and3A_577 : vector<16xi32>
      %gather3A_581 = tpu.vector_load_idx %arg8[%add3A_580] : memref<32768xf32, #tpu.memory_space<vmem>>[vector<16xi32>], vector<16xf32>,
      %sub3A_582 = arith.subf %gather3A_579, %gather3A_581 : vector<16xf32>
      %mul3A_583 = arith.mulf %sub3A_582, %sub3A_582 : vector<16xf32>
      %add3A_584 = arith.addf %add3A_568, %mul3A_583 : vector<16xf32>
      %mul3A_585 = arith.constant 16 : i32
      %mul3A_586 = arith.muli %scan3A_473, %mul3A_585 : i32
      %add3A_587 = arith.constant 7 : i32
      %add3A_588 = arith.addi %mul3A_586, %add3A_587 : i32
      %add3A_589 = vector.broadcast %add3A_588 : i32 to vector<16xi32>
      %add3A_590 = arith.addi %iota3A, %add3A_589 : vector<16xi32>
      %and3A_591 = arith.constant 127 : i32
      %and3A_592 = vector.broadcast %and3A_591 : i32 to vector<16xi32>
      %and3A_593 = arith.andi %add3A_590, %and3A_592 : vector<16xi32>
      %add3A_594 = arith.addi %mul3A_182, %and3A_593 : vector<16xi32>
      %gather3A_595 = tpu.vector_load_idx %arg7[%add3A_594] : memref<16384xf32, #tpu.memory_space<vmem>>[vector<16xi32>], vector<16xf32>,
      %add3A_596 = arith.addi %mul3A_187, %and3A_593 : vector<16xi32>
      %gather3A_597 = tpu.vector_load_idx %arg8[%add3A_596] : memref<32768xf32, #tpu.memory_space<vmem>>[vector<16xi32>], vector<16xf32>,
      %sub3A_598 = arith.subf %gather3A_595, %gather3A_597 : vector<16xf32>
      %mul3A_599 = arith.mulf %sub3A_598, %sub3A_598 : vector<16xf32>
      %add3A_600 = arith.addf %add3A_584, %mul3A_599 : vector<16xf32>
      %mul3A_601 = arith.constant 16 : i32
      %mul3A_602 = arith.muli %scan3A_473, %mul3A_601 : i32
      %add3A_603 = arith.constant 8 : i32
      %add3A_604 = arith.addi %mul3A_602, %add3A_603 : i32
      %add3A_605 = vector.broadcast %add3A_604 : i32 to vector<16xi32>
      %add3A_606 = arith.addi %iota3A, %add3A_605 : vector<16xi32>
      %and3A_607 = arith.constant 127 : i32
      %and3A_608 = vector.broadcast %and3A_607 : i32 to vector<16xi32>
      %and3A_609 = arith.andi %add3A_606, %and3A_608 : vector<16xi32>
      %add3A_610 = arith.addi %mul3A_182, %and3A_609 : vector<16xi32>
      %gather3A_611 = tpu.vector_load_idx %arg7[%add3A_610] : memref<16384xf32, #tpu.memory_space<vmem>>[vector<16xi32>], vector<16xf32>,
      %add3A_612 = arith.addi %mul3A_187, %and3A_609 : vector<16xi32>
      %gather3A_613 = tpu.vector_load_idx %arg8[%add3A_612] : memref<32768xf32, #tpu.memory_space<vmem>>[vector<16xi32>], vector<16xf32>,
      %sub3A_614 = arith.subf %gather3A_611, %gather3A_613 : vector<16xf32>
      %mul3A_615 = arith.mulf %sub3A_614, %sub3A_614 : vector<16xf32>
      %add3A_616 = arith.addf %add3A_600, %mul3A_615 : vector<16xf32>
      %mul3A_617 = arith.constant 16 : i32
      %mul3A_618 = arith.muli %scan3A_473, %mul3A_617 : i32
      %add3A_619 = arith.constant 9 : i32
      %add3A_620 = arith.addi %mul3A_618, %add3A_619 : i32
      %add3A_621 = vector.broadcast %add3A_620 : i32 to vector<16xi32>
      %add3A_622 = arith.addi %iota3A, %add3A_621 : vector<16xi32>
      %and3A_623 = arith.constant 127 : i32
      %and3A_624 = vector.broadcast %and3A_623 : i32 to vector<16xi32>
      %and3A_625 = arith.andi %add3A_622, %and3A_624 : vector<16xi32>
      %add3A_626 = arith.addi %mul3A_182, %and3A_625 : vector<16xi32>
      %gather3A_627 = tpu.vector_load_idx %arg7[%add3A_626] : memref<16384xf32, #tpu.memory_space<vmem>>[vector<16xi32>], vector<16xf32>,
      %add3A_628 = arith.addi %mul3A_187, %and3A_625 : vector<16xi32>
      %gather3A_629 = tpu.vector_load_idx %arg8[%add3A_628] : memref<32768xf32, #tpu.memory_space<vmem>>[vector<16xi32>], vector<16xf32>,
      %sub3A_630 = arith.subf %gather3A_627, %gather3A_629 : vector<16xf32>
      %mul3A_631 = arith.mulf %sub3A_630, %sub3A_630 : vector<16xf32>
      %add3A_632 = arith.addf %add3A_616, %mul3A_631 : vector<16xf32>
      %mul3A_633 = arith.constant 16 : i32
      %mul3A_634 = arith.muli %scan3A_473, %mul3A_633 : i32
      %add3A_635 = arith.constant 10 : i32
      %add3A_636 = arith.addi %mul3A_634, %add3A_635 : i32
      %add3A_637 = vector.broadcast %add3A_636 : i32 to vector<16xi32>
      %add3A_638 = arith.addi %iota3A, %add3A_637 : vector<16xi32>
      %and3A_639 = arith.constant 127 : i32
      %and3A_640 = vector.broadcast %and3A_639 : i32 to vector<16xi32>
      %and3A_641 = arith.andi %add3A_638, %and3A_640 : vector<16xi32>
      %add3A_642 = arith.addi %mul3A_182, %and3A_641 : vector<16xi32>
      %gather3A_643 = tpu.vector_load_idx %arg7[%add3A_642] : memref<16384xf32, #tpu.memory_space<vmem>>[vector<16xi32>], vector<16xf32>,
      %add3A_644 = arith.addi %mul3A_187, %and3A_641 : vector<16xi32>
      %gather3A_645 = tpu.vector_load_idx %arg8[%add3A_644] : memref<32768xf32, #tpu.memory_space<vmem>>[vector<16xi32>], vector<16xf32>,
      %sub3A_646 = arith.subf %gather3A_643, %gather3A_645 : vector<16xf32>
      %mul3A_647 = arith.mulf %sub3A_646, %sub3A_646 : vector<16xf32>
      %add3A_648 = arith.addf %add3A_632, %mul3A_647 : vector<16xf32>
      %mul3A_649 = arith.constant 16 : i32
      %mul3A_650 = arith.muli %scan3A_473, %mul3A_649 : i32
      %add3A_651 = arith.constant 11 : i32
      %add3A_652 = arith.addi %mul3A_650, %add3A_651 : i32
      %add3A_653 = vector.broadcast %add3A_652 : i32 to vector<16xi32>
      %add3A_654 = arith.addi %iota3A, %add3A_653 : vector<16xi32>
      %and3A_655 = arith.constant 127 : i32
      %and3A_656 = vector.broadcast %and3A_655 : i32 to vector<16xi32>
      %and3A_657 = arith.andi %add3A_654, %and3A_656 : vector<16xi32>
      %add3A_658 = arith.addi %mul3A_182, %and3A_657 : vector<16xi32>
      %gather3A_659 = tpu.vector_load_idx %arg7[%add3A_658] : memref<16384xf32, #tpu.memory_space<vmem>>[vector<16xi32>], vector<16xf32>,
      %add3A_660 = arith.addi %mul3A_187, %and3A_657 : vector<16xi32>
      %gather3A_661 = tpu.vector_load_idx %arg8[%add3A_660] : memref<32768xf32, #tpu.memory_space<vmem>>[vector<16xi32>], vector<16xf32>,
      %sub3A_662 = arith.subf %gather3A_659, %gather3A_661 : vector<16xf32>
      %mul3A_663 = arith.mulf %sub3A_662, %sub3A_662 : vector<16xf32>
      %add3A_664 = arith.addf %add3A_648, %mul3A_663 : vector<16xf32>
      %mul3A_665 = arith.constant 16 : i32
      %mul3A_666 = arith.muli %scan3A_473, %mul3A_665 : i32
      %add3A_667 = arith.constant 12 : i32
      %add3A_668 = arith.addi %mul3A_666, %add3A_667 : i32
      %add3A_669 = vector.broadcast %add3A_668 : i32 to vector<16xi32>
      %add3A_670 = arith.addi %iota3A, %add3A_669 : vector<16xi32>
      %and3A_671 = arith.constant 127 : i32
      %and3A_672 = vector.broadcast %and3A_671 : i32 to vector<16xi32>
      %and3A_673 = arith.andi %add3A_670, %and3A_672 : vector<16xi32>
      %add3A_674 = arith.addi %mul3A_182, %and3A_673 : vector<16xi32>
      %gather3A_675 = tpu.vector_load_idx %arg7[%add3A_674] : memref<16384xf32, #tpu.memory_space<vmem>>[vector<16xi32>], vector<16xf32>,
      %add3A_676 = arith.addi %mul3A_187, %and3A_673 : vector<16xi32>
      %gather3A_677 = tpu.vector_load_idx %arg8[%add3A_676] : memref<32768xf32, #tpu.memory_space<vmem>>[vector<16xi32>], vector<16xf32>,
      %sub3A_678 = arith.subf %gather3A_675, %gather3A_677 : vector<16xf32>
      %mul3A_679 = arith.mulf %sub3A_678, %sub3A_678 : vector<16xf32>
      %add3A_680 = arith.addf %add3A_664, %mul3A_679 : vector<16xf32>
      %mul3A_681 = arith.constant 16 : i32
      %mul3A_682 = arith.muli %scan3A_473, %mul3A_681 : i32
      %add3A_683 = arith.constant 13 : i32
      %add3A_684 = arith.addi %mul3A_682, %add3A_683 : i32
      %add3A_685 = vector.broadcast %add3A_684 : i32 to vector<16xi32>
      %add3A_686 = arith.addi %iota3A, %add3A_685 : vector<16xi32>
      %and3A_687 = arith.constant 127 : i32
      %and3A_688 = vector.broadcast %and3A_687 : i32 to vector<16xi32>
      %and3A_689 = arith.andi %add3A_686, %and3A_688 : vector<16xi32>
      %add3A_690 = arith.addi %mul3A_182, %and3A_689 : vector<16xi32>
      %gather3A_691 = tpu.vector_load_idx %arg7[%add3A_690] : memref<16384xf32, #tpu.memory_space<vmem>>[vector<16xi32>], vector<16xf32>,
      %add3A_692 = arith.addi %mul3A_187, %and3A_689 : vector<16xi32>
      %gather3A_693 = tpu.vector_load_idx %arg8[%add3A_692] : memref<32768xf32, #tpu.memory_space<vmem>>[vector<16xi32>], vector<16xf32>,
      %sub3A_694 = arith.subf %gather3A_691, %gather3A_693 : vector<16xf32>
      %mul3A_695 = arith.mulf %sub3A_694, %sub3A_694 : vector<16xf32>
      %add3A_696 = arith.addf %add3A_680, %mul3A_695 : vector<16xf32>
      %mul3A_697 = arith.constant 16 : i32
      %mul3A_698 = arith.muli %scan3A_473, %mul3A_697 : i32
      %add3A_699 = arith.constant 14 : i32
      %add3A_700 = arith.addi %mul3A_698, %add3A_699 : i32
      %add3A_701 = vector.broadcast %add3A_700 : i32 to vector<16xi32>
      %add3A_702 = arith.addi %iota3A, %add3A_701 : vector<16xi32>
      %and3A_703 = arith.constant 127 : i32
      %and3A_704 = vector.broadcast %and3A_703 : i32 to vector<16xi32>
      %and3A_705 = arith.andi %add3A_702, %and3A_704 : vector<16xi32>
      %add3A_706 = arith.addi %mul3A_182, %and3A_705 : vector<16xi32>
      %gather3A_707 = tpu.vector_load_idx %arg7[%add3A_706] : memref<16384xf32, #tpu.memory_space<vmem>>[vector<16xi32>], vector<16xf32>,
      %add3A_708 = arith.addi %mul3A_187, %and3A_705 : vector<16xi32>
      %gather3A_709 = tpu.vector_load_idx %arg8[%add3A_708] : memref<32768xf32, #tpu.memory_space<vmem>>[vector<16xi32>], vector<16xf32>,
      %sub3A_710 = arith.subf %gather3A_707, %gather3A_709 : vector<16xf32>
      %mul3A_711 = arith.mulf %sub3A_710, %sub3A_710 : vector<16xf32>
      %add3A_712 = arith.addf %add3A_696, %mul3A_711 : vector<16xf32>
      %mul3A_713 = arith.constant 16 : i32
      %mul3A_714 = arith.muli %scan3A_473, %mul3A_713 : i32
      %add3A_715 = arith.constant 15 : i32
      %add3A_716 = arith.addi %mul3A_714, %add3A_715 : i32
      %add3A_717 = vector.broadcast %add3A_716 : i32 to vector<16xi32>
      %add3A_718 = arith.addi %iota3A, %add3A_717 : vector<16xi32>
      %and3A_719 = arith.constant 127 : i32
      %and3A_720 = vector.broadcast %and3A_719 : i32 to vector<16xi32>
      %and3A_721 = arith.andi %add3A_718, %and3A_720 : vector<16xi32>
      %add3A_722 = arith.addi %mul3A_182, %and3A_721 : vector<16xi32>
      %gather3A_723 = tpu.vector_load_idx %arg7[%add3A_722] : memref<16384xf32, #tpu.memory_space<vmem>>[vector<16xi32>], vector<16xf32>,
      %add3A_724 = arith.addi %mul3A_187, %and3A_721 : vector<16xi32>
      %gather3A_725 = tpu.vector_load_idx %arg8[%add3A_724] : memref<32768xf32, #tpu.memory_space<vmem>>[vector<16xi32>], vector<16xf32>,
      %sub3A_726 = arith.subf %gather3A_723, %gather3A_725 : vector<16xf32>
      %mul3A_727 = arith.mulf %sub3A_726, %sub3A_726 : vector<16xf32>
      %add3A_728 = arith.addf %add3A_712, %mul3A_727 : vector<16xf32>
      scf.yield %add3A_728 : vector<16xf32>
    }
    %scan3A_195 = arith.constant 8 : i32
    %max3A_196 = arith.constant 9.99999968E-21 : f32
    %max3A_197 = vector.broadcast %max3A_196 : f32 to vector<16xf32>
    %max3A_198 = arith.maximumf %scan3A_194, %max3A_197 : vector<16xf32>
    %bitcast3A_199 = vector.bitcast %max3A_198 : vector<16xf32> to vector<16xi32>
    %shift_right_logical3A_200 = arith.constant 1 : i32
    %shift_right_logical3A_201 = vector.broadcast %shift_right_logical3A_200 : i32 to vector<16xi32>
    %shift_right_logical3A_202 = arith.shrui %bitcast3A_199, %shift_right_logical3A_201 : vector<16xi32>
    %sub3A_203 = arith.constant 1597463007 : i32
    %sub3A_204 = vector.broadcast %sub3A_203 : i32 to vector<16xi32>
    %sub3A_205 = arith.subi %sub3A_204, %shift_right_logical3A_202 : vector<16xi32>
    %bitcast3A_206 = vector.bitcast %sub3A_205 : vector<16xi32> to vector<16xf32>
    %mul3A_207 = arith.constant 5.000000e-01 : f32
    %mul3A_208 = vector.broadcast %mul3A_207 : f32 to vector<16xf32>
    %mul3A_209 = arith.mulf %mul3A_208, %max3A_198 : vector<16xf32>
    %mul3A_210 = arith.mulf %mul3A_209, %bitcast3A_206 : vector<16xf32>
    %mul3A_211 = arith.mulf %mul3A_210, %bitcast3A_206 : vector<16xf32>
    %sub3A_212 = arith.constant 1.500000e+00 : f32
    %sub3A_213 = vector.broadcast %sub3A_212 : f32 to vector<16xf32>
    %sub3A_214 = arith.subf %sub3A_213, %mul3A_211 : vector<16xf32>
    %mul3A_215 = arith.mulf %bitcast3A_206, %sub3A_214 : vector<16xf32>
    %mul3A_216 = arith.mulf %mul3A_209, %mul3A_215 : vector<16xf32>
    %mul3A_217 = arith.mulf %mul3A_216, %mul3A_215 : vector<16xf32>
    %sub3A_218 = arith.constant 1.500000e+00 : f32
    %sub3A_219 = vector.broadcast %sub3A_218 : f32 to vector<16xf32>
    %sub3A_220 = arith.subf %sub3A_219, %mul3A_217 : vector<16xf32>
    %mul3A_221 = arith.mulf %mul3A_215, %sub3A_220 : vector<16xf32>
    %mul3A_222 = arith.mulf %mul3A_209, %mul3A_221 : vector<16xf32>
    %mul3A_223 = arith.mulf %mul3A_222, %mul3A_221 : vector<16xf32>
    %sub3A_224 = arith.constant 1.500000e+00 : f32
    %sub3A_225 = vector.broadcast %sub3A_224 : f32 to vector<16xf32>
    %sub3A_226 = arith.subf %sub3A_225, %mul3A_223 : vector<16xf32>
    %mul3A_227 = arith.mulf %mul3A_221, %sub3A_226 : vector<16xf32>
    %mul3A_228 = arith.mulf %max3A_198, %mul3A_227 : vector<16xf32>
    %sub3A_229 = arith.constant 1.000000e+00 : f32
    %sub3A_230 = vector.broadcast %sub3A_229 : f32 to vector<16xf32>
    %sub3A_231 = arith.subf %sub3A_230, %mul3A_228 : vector<16xf32>
    %max3A_232 = arith.constant 0.000000e+00 : f32
    %max3A_233 = vector.broadcast %max3A_232 : f32 to vector<16xf32>
    %max3A_234 = arith.maximumf %sub3A_231, %max3A_233 : vector<16xf32>
    %add3A_235 = arith.addf %add3A_176, %max3A_234 : vector<16xf32>
    %add3A_236 = arith.constant 64 : i32
    %add3A_237 = vector.broadcast %add3A_236 : i32 to vector<16xi32>
    %add3A_238 = arith.addi %add3A_237, %iota3A : vector<16xi32>
    %mul3A_239 = arith.constant 128 : i32
    %mul3A_240 = vector.broadcast %mul3A_239 : i32 to vector<16xi32>
    %mul3A_241 = arith.muli %add3A_238, %mul3A_240 : vector<16xi32>
    %get3A_242 = arith.constant 64 : index
    %get3A_243 = tpu.vector_load %arg6[%get3A_242] {strides = array<i32>} : memref<128xi32, #tpu.memory_space<vmem>>, vector<16xi32>,
    %mul3A_244 = arith.constant 128 : i32
    %mul3A_245 = vector.broadcast %mul3A_244 : i32 to vector<16xi32>
    %mul3A_246 = arith.muli %get3A_243, %mul3A_245 : vector<16xi32>
    %broadcast_in_dim3A_247 = arith.constant 0.000000e+00 : f32
    %broadcast_in_dim3A_248 = vector.broadcast %broadcast_in_dim3A_247 : f32 to vector<16xf32>
    %scan3A_249 = arith.constant 0 : i32
    %scan3A_250 = arith.constant 8 : i32
    %scan3A_251 = arith.addi %scan3A_249, %scan3A_250 : i32
    %scan3A_252 = arith.constant 1 : i32
    %scan3A_253 = scf.for %scan3A_473 = %scan3A_249 to %scan3A_251 step %scan3A_252 iter_args(%scan3A_474 = %broadcast_in_dim3A_248) -> (vector<16xf32>)  : i32 {
      %mul3A_475 = arith.constant 16 : i32
      %mul3A_476 = arith.muli %scan3A_473, %mul3A_475 : i32
      %add3A_477 = arith.constant 0 : i32
      %add3A_478 = arith.addi %mul3A_476, %add3A_477 : i32
      %add3A_479 = vector.broadcast %add3A_478 : i32 to vector<16xi32>
      %add3A_480 = arith.addi %iota3A, %add3A_479 : vector<16xi32>
      %and3A = arith.constant 127 : i32
      %and3A_481 = vector.broadcast %and3A : i32 to vector<16xi32>
      %and3A_482 = arith.andi %add3A_480, %and3A_481 : vector<16xi32>
      %add3A_483 = arith.addi %mul3A_241, %and3A_482 : vector<16xi32>
      %gather3A = tpu.vector_load_idx %arg7[%add3A_483] : memref<16384xf32, #tpu.memory_space<vmem>>[vector<16xi32>], vector<16xf32>,
      %add3A_484 = arith.addi %mul3A_246, %and3A_482 : vector<16xi32>
      %gather3A_485 = tpu.vector_load_idx %arg8[%add3A_484] : memref<32768xf32, #tpu.memory_space<vmem>>[vector<16xi32>], vector<16xf32>,
      %sub3A_486 = arith.subf %gather3A, %gather3A_485 : vector<16xf32>
      %mul3A_487 = arith.mulf %sub3A_486, %sub3A_486 : vector<16xf32>
      %add3A_488 = arith.addf %scan3A_474, %mul3A_487 : vector<16xf32>
      %mul3A_489 = arith.constant 16 : i32
      %mul3A_490 = arith.muli %scan3A_473, %mul3A_489 : i32
      %add3A_491 = arith.constant 1 : i32
      %add3A_492 = arith.addi %mul3A_490, %add3A_491 : i32
      %add3A_493 = vector.broadcast %add3A_492 : i32 to vector<16xi32>
      %add3A_494 = arith.addi %iota3A, %add3A_493 : vector<16xi32>
      %and3A_495 = arith.constant 127 : i32
      %and3A_496 = vector.broadcast %and3A_495 : i32 to vector<16xi32>
      %and3A_497 = arith.andi %add3A_494, %and3A_496 : vector<16xi32>
      %add3A_498 = arith.addi %mul3A_241, %and3A_497 : vector<16xi32>
      %gather3A_499 = tpu.vector_load_idx %arg7[%add3A_498] : memref<16384xf32, #tpu.memory_space<vmem>>[vector<16xi32>], vector<16xf32>,
      %add3A_500 = arith.addi %mul3A_246, %and3A_497 : vector<16xi32>
      %gather3A_501 = tpu.vector_load_idx %arg8[%add3A_500] : memref<32768xf32, #tpu.memory_space<vmem>>[vector<16xi32>], vector<16xf32>,
      %sub3A_502 = arith.subf %gather3A_499, %gather3A_501 : vector<16xf32>
      %mul3A_503 = arith.mulf %sub3A_502, %sub3A_502 : vector<16xf32>
      %add3A_504 = arith.addf %add3A_488, %mul3A_503 : vector<16xf32>
      %mul3A_505 = arith.constant 16 : i32
      %mul3A_506 = arith.muli %scan3A_473, %mul3A_505 : i32
      %add3A_507 = arith.constant 2 : i32
      %add3A_508 = arith.addi %mul3A_506, %add3A_507 : i32
      %add3A_509 = vector.broadcast %add3A_508 : i32 to vector<16xi32>
      %add3A_510 = arith.addi %iota3A, %add3A_509 : vector<16xi32>
      %and3A_511 = arith.constant 127 : i32
      %and3A_512 = vector.broadcast %and3A_511 : i32 to vector<16xi32>
      %and3A_513 = arith.andi %add3A_510, %and3A_512 : vector<16xi32>
      %add3A_514 = arith.addi %mul3A_241, %and3A_513 : vector<16xi32>
      %gather3A_515 = tpu.vector_load_idx %arg7[%add3A_514] : memref<16384xf32, #tpu.memory_space<vmem>>[vector<16xi32>], vector<16xf32>,
      %add3A_516 = arith.addi %mul3A_246, %and3A_513 : vector<16xi32>
      %gather3A_517 = tpu.vector_load_idx %arg8[%add3A_516] : memref<32768xf32, #tpu.memory_space<vmem>>[vector<16xi32>], vector<16xf32>,
      %sub3A_518 = arith.subf %gather3A_515, %gather3A_517 : vector<16xf32>
      %mul3A_519 = arith.mulf %sub3A_518, %sub3A_518 : vector<16xf32>
      %add3A_520 = arith.addf %add3A_504, %mul3A_519 : vector<16xf32>
      %mul3A_521 = arith.constant 16 : i32
      %mul3A_522 = arith.muli %scan3A_473, %mul3A_521 : i32
      %add3A_523 = arith.constant 3 : i32
      %add3A_524 = arith.addi %mul3A_522, %add3A_523 : i32
      %add3A_525 = vector.broadcast %add3A_524 : i32 to vector<16xi32>
      %add3A_526 = arith.addi %iota3A, %add3A_525 : vector<16xi32>
      %and3A_527 = arith.constant 127 : i32
      %and3A_528 = vector.broadcast %and3A_527 : i32 to vector<16xi32>
      %and3A_529 = arith.andi %add3A_526, %and3A_528 : vector<16xi32>
      %add3A_530 = arith.addi %mul3A_241, %and3A_529 : vector<16xi32>
      %gather3A_531 = tpu.vector_load_idx %arg7[%add3A_530] : memref<16384xf32, #tpu.memory_space<vmem>>[vector<16xi32>], vector<16xf32>,
      %add3A_532 = arith.addi %mul3A_246, %and3A_529 : vector<16xi32>
      %gather3A_533 = tpu.vector_load_idx %arg8[%add3A_532] : memref<32768xf32, #tpu.memory_space<vmem>>[vector<16xi32>], vector<16xf32>,
      %sub3A_534 = arith.subf %gather3A_531, %gather3A_533 : vector<16xf32>
      %mul3A_535 = arith.mulf %sub3A_534, %sub3A_534 : vector<16xf32>
      %add3A_536 = arith.addf %add3A_520, %mul3A_535 : vector<16xf32>
      %mul3A_537 = arith.constant 16 : i32
      %mul3A_538 = arith.muli %scan3A_473, %mul3A_537 : i32
      %add3A_539 = arith.constant 4 : i32
      %add3A_540 = arith.addi %mul3A_538, %add3A_539 : i32
      %add3A_541 = vector.broadcast %add3A_540 : i32 to vector<16xi32>
      %add3A_542 = arith.addi %iota3A, %add3A_541 : vector<16xi32>
      %and3A_543 = arith.constant 127 : i32
      %and3A_544 = vector.broadcast %and3A_543 : i32 to vector<16xi32>
      %and3A_545 = arith.andi %add3A_542, %and3A_544 : vector<16xi32>
      %add3A_546 = arith.addi %mul3A_241, %and3A_545 : vector<16xi32>
      %gather3A_547 = tpu.vector_load_idx %arg7[%add3A_546] : memref<16384xf32, #tpu.memory_space<vmem>>[vector<16xi32>], vector<16xf32>,
      %add3A_548 = arith.addi %mul3A_246, %and3A_545 : vector<16xi32>
      %gather3A_549 = tpu.vector_load_idx %arg8[%add3A_548] : memref<32768xf32, #tpu.memory_space<vmem>>[vector<16xi32>], vector<16xf32>,
      %sub3A_550 = arith.subf %gather3A_547, %gather3A_549 : vector<16xf32>
      %mul3A_551 = arith.mulf %sub3A_550, %sub3A_550 : vector<16xf32>
      %add3A_552 = arith.addf %add3A_536, %mul3A_551 : vector<16xf32>
      %mul3A_553 = arith.constant 16 : i32
      %mul3A_554 = arith.muli %scan3A_473, %mul3A_553 : i32
      %add3A_555 = arith.constant 5 : i32
      %add3A_556 = arith.addi %mul3A_554, %add3A_555 : i32
      %add3A_557 = vector.broadcast %add3A_556 : i32 to vector<16xi32>
      %add3A_558 = arith.addi %iota3A, %add3A_557 : vector<16xi32>
      %and3A_559 = arith.constant 127 : i32
      %and3A_560 = vector.broadcast %and3A_559 : i32 to vector<16xi32>
      %and3A_561 = arith.andi %add3A_558, %and3A_560 : vector<16xi32>
      %add3A_562 = arith.addi %mul3A_241, %and3A_561 : vector<16xi32>
      %gather3A_563 = tpu.vector_load_idx %arg7[%add3A_562] : memref<16384xf32, #tpu.memory_space<vmem>>[vector<16xi32>], vector<16xf32>,
      %add3A_564 = arith.addi %mul3A_246, %and3A_561 : vector<16xi32>
      %gather3A_565 = tpu.vector_load_idx %arg8[%add3A_564] : memref<32768xf32, #tpu.memory_space<vmem>>[vector<16xi32>], vector<16xf32>,
      %sub3A_566 = arith.subf %gather3A_563, %gather3A_565 : vector<16xf32>
      %mul3A_567 = arith.mulf %sub3A_566, %sub3A_566 : vector<16xf32>
      %add3A_568 = arith.addf %add3A_552, %mul3A_567 : vector<16xf32>
      %mul3A_569 = arith.constant 16 : i32
      %mul3A_570 = arith.muli %scan3A_473, %mul3A_569 : i32
      %add3A_571 = arith.constant 6 : i32
      %add3A_572 = arith.addi %mul3A_570, %add3A_571 : i32
      %add3A_573 = vector.broadcast %add3A_572 : i32 to vector<16xi32>
      %add3A_574 = arith.addi %iota3A, %add3A_573 : vector<16xi32>
      %and3A_575 = arith.constant 127 : i32
      %and3A_576 = vector.broadcast %and3A_575 : i32 to vector<16xi32>
      %and3A_577 = arith.andi %add3A_574, %and3A_576 : vector<16xi32>
      %add3A_578 = arith.addi %mul3A_241, %and3A_577 : vector<16xi32>
      %gather3A_579 = tpu.vector_load_idx %arg7[%add3A_578] : memref<16384xf32, #tpu.memory_space<vmem>>[vector<16xi32>], vector<16xf32>,
      %add3A_580 = arith.addi %mul3A_246, %and3A_577 : vector<16xi32>
      %gather3A_581 = tpu.vector_load_idx %arg8[%add3A_580] : memref<32768xf32, #tpu.memory_space<vmem>>[vector<16xi32>], vector<16xf32>,
      %sub3A_582 = arith.subf %gather3A_579, %gather3A_581 : vector<16xf32>
      %mul3A_583 = arith.mulf %sub3A_582, %sub3A_582 : vector<16xf32>
      %add3A_584 = arith.addf %add3A_568, %mul3A_583 : vector<16xf32>
      %mul3A_585 = arith.constant 16 : i32
      %mul3A_586 = arith.muli %scan3A_473, %mul3A_585 : i32
      %add3A_587 = arith.constant 7 : i32
      %add3A_588 = arith.addi %mul3A_586, %add3A_587 : i32
      %add3A_589 = vector.broadcast %add3A_588 : i32 to vector<16xi32>
      %add3A_590 = arith.addi %iota3A, %add3A_589 : vector<16xi32>
      %and3A_591 = arith.constant 127 : i32
      %and3A_592 = vector.broadcast %and3A_591 : i32 to vector<16xi32>
      %and3A_593 = arith.andi %add3A_590, %and3A_592 : vector<16xi32>
      %add3A_594 = arith.addi %mul3A_241, %and3A_593 : vector<16xi32>
      %gather3A_595 = tpu.vector_load_idx %arg7[%add3A_594] : memref<16384xf32, #tpu.memory_space<vmem>>[vector<16xi32>], vector<16xf32>,
      %add3A_596 = arith.addi %mul3A_246, %and3A_593 : vector<16xi32>
      %gather3A_597 = tpu.vector_load_idx %arg8[%add3A_596] : memref<32768xf32, #tpu.memory_space<vmem>>[vector<16xi32>], vector<16xf32>,
      %sub3A_598 = arith.subf %gather3A_595, %gather3A_597 : vector<16xf32>
      %mul3A_599 = arith.mulf %sub3A_598, %sub3A_598 : vector<16xf32>
      %add3A_600 = arith.addf %add3A_584, %mul3A_599 : vector<16xf32>
      %mul3A_601 = arith.constant 16 : i32
      %mul3A_602 = arith.muli %scan3A_473, %mul3A_601 : i32
      %add3A_603 = arith.constant 8 : i32
      %add3A_604 = arith.addi %mul3A_602, %add3A_603 : i32
      %add3A_605 = vector.broadcast %add3A_604 : i32 to vector<16xi32>
      %add3A_606 = arith.addi %iota3A, %add3A_605 : vector<16xi32>
      %and3A_607 = arith.constant 127 : i32
      %and3A_608 = vector.broadcast %and3A_607 : i32 to vector<16xi32>
      %and3A_609 = arith.andi %add3A_606, %and3A_608 : vector<16xi32>
      %add3A_610 = arith.addi %mul3A_241, %and3A_609 : vector<16xi32>
      %gather3A_611 = tpu.vector_load_idx %arg7[%add3A_610] : memref<16384xf32, #tpu.memory_space<vmem>>[vector<16xi32>], vector<16xf32>,
      %add3A_612 = arith.addi %mul3A_246, %and3A_609 : vector<16xi32>
      %gather3A_613 = tpu.vector_load_idx %arg8[%add3A_612] : memref<32768xf32, #tpu.memory_space<vmem>>[vector<16xi32>], vector<16xf32>,
      %sub3A_614 = arith.subf %gather3A_611, %gather3A_613 : vector<16xf32>
      %mul3A_615 = arith.mulf %sub3A_614, %sub3A_614 : vector<16xf32>
      %add3A_616 = arith.addf %add3A_600, %mul3A_615 : vector<16xf32>
      %mul3A_617 = arith.constant 16 : i32
      %mul3A_618 = arith.muli %scan3A_473, %mul3A_617 : i32
      %add3A_619 = arith.constant 9 : i32
      %add3A_620 = arith.addi %mul3A_618, %add3A_619 : i32
      %add3A_621 = vector.broadcast %add3A_620 : i32 to vector<16xi32>
      %add3A_622 = arith.addi %iota3A, %add3A_621 : vector<16xi32>
      %and3A_623 = arith.constant 127 : i32
      %and3A_624 = vector.broadcast %and3A_623 : i32 to vector<16xi32>
      %and3A_625 = arith.andi %add3A_622, %and3A_624 : vector<16xi32>
      %add3A_626 = arith.addi %mul3A_241, %and3A_625 : vector<16xi32>
      %gather3A_627 = tpu.vector_load_idx %arg7[%add3A_626] : memref<16384xf32, #tpu.memory_space<vmem>>[vector<16xi32>], vector<16xf32>,
      %add3A_628 = arith.addi %mul3A_246, %and3A_625 : vector<16xi32>
      %gather3A_629 = tpu.vector_load_idx %arg8[%add3A_628] : memref<32768xf32, #tpu.memory_space<vmem>>[vector<16xi32>], vector<16xf32>,
      %sub3A_630 = arith.subf %gather3A_627, %gather3A_629 : vector<16xf32>
      %mul3A_631 = arith.mulf %sub3A_630, %sub3A_630 : vector<16xf32>
      %add3A_632 = arith.addf %add3A_616, %mul3A_631 : vector<16xf32>
      %mul3A_633 = arith.constant 16 : i32
      %mul3A_634 = arith.muli %scan3A_473, %mul3A_633 : i32
      %add3A_635 = arith.constant 10 : i32
      %add3A_636 = arith.addi %mul3A_634, %add3A_635 : i32
      %add3A_637 = vector.broadcast %add3A_636 : i32 to vector<16xi32>
      %add3A_638 = arith.addi %iota3A, %add3A_637 : vector<16xi32>
      %and3A_639 = arith.constant 127 : i32
      %and3A_640 = vector.broadcast %and3A_639 : i32 to vector<16xi32>
      %and3A_641 = arith.andi %add3A_638, %and3A_640 : vector<16xi32>
      %add3A_642 = arith.addi %mul3A_241, %and3A_641 : vector<16xi32>
      %gather3A_643 = tpu.vector_load_idx %arg7[%add3A_642] : memref<16384xf32, #tpu.memory_space<vmem>>[vector<16xi32>], vector<16xf32>,
      %add3A_644 = arith.addi %mul3A_246, %and3A_641 : vector<16xi32>
      %gather3A_645 = tpu.vector_load_idx %arg8[%add3A_644] : memref<32768xf32, #tpu.memory_space<vmem>>[vector<16xi32>], vector<16xf32>,
      %sub3A_646 = arith.subf %gather3A_643, %gather3A_645 : vector<16xf32>
      %mul3A_647 = arith.mulf %sub3A_646, %sub3A_646 : vector<16xf32>
      %add3A_648 = arith.addf %add3A_632, %mul3A_647 : vector<16xf32>
      %mul3A_649 = arith.constant 16 : i32
      %mul3A_650 = arith.muli %scan3A_473, %mul3A_649 : i32
      %add3A_651 = arith.constant 11 : i32
      %add3A_652 = arith.addi %mul3A_650, %add3A_651 : i32
      %add3A_653 = vector.broadcast %add3A_652 : i32 to vector<16xi32>
      %add3A_654 = arith.addi %iota3A, %add3A_653 : vector<16xi32>
      %and3A_655 = arith.constant 127 : i32
      %and3A_656 = vector.broadcast %and3A_655 : i32 to vector<16xi32>
      %and3A_657 = arith.andi %add3A_654, %and3A_656 : vector<16xi32>
      %add3A_658 = arith.addi %mul3A_241, %and3A_657 : vector<16xi32>
      %gather3A_659 = tpu.vector_load_idx %arg7[%add3A_658] : memref<16384xf32, #tpu.memory_space<vmem>>[vector<16xi32>], vector<16xf32>,
      %add3A_660 = arith.addi %mul3A_246, %and3A_657 : vector<16xi32>
      %gather3A_661 = tpu.vector_load_idx %arg8[%add3A_660] : memref<32768xf32, #tpu.memory_space<vmem>>[vector<16xi32>], vector<16xf32>,
      %sub3A_662 = arith.subf %gather3A_659, %gather3A_661 : vector<16xf32>
      %mul3A_663 = arith.mulf %sub3A_662, %sub3A_662 : vector<16xf32>
      %add3A_664 = arith.addf %add3A_648, %mul3A_663 : vector<16xf32>
      %mul3A_665 = arith.constant 16 : i32
      %mul3A_666 = arith.muli %scan3A_473, %mul3A_665 : i32
      %add3A_667 = arith.constant 12 : i32
      %add3A_668 = arith.addi %mul3A_666, %add3A_667 : i32
      %add3A_669 = vector.broadcast %add3A_668 : i32 to vector<16xi32>
      %add3A_670 = arith.addi %iota3A, %add3A_669 : vector<16xi32>
      %and3A_671 = arith.constant 127 : i32
      %and3A_672 = vector.broadcast %and3A_671 : i32 to vector<16xi32>
      %and3A_673 = arith.andi %add3A_670, %and3A_672 : vector<16xi32>
      %add3A_674 = arith.addi %mul3A_241, %and3A_673 : vector<16xi32>
      %gather3A_675 = tpu.vector_load_idx %arg7[%add3A_674] : memref<16384xf32, #tpu.memory_space<vmem>>[vector<16xi32>], vector<16xf32>,
      %add3A_676 = arith.addi %mul3A_246, %and3A_673 : vector<16xi32>
      %gather3A_677 = tpu.vector_load_idx %arg8[%add3A_676] : memref<32768xf32, #tpu.memory_space<vmem>>[vector<16xi32>], vector<16xf32>,
      %sub3A_678 = arith.subf %gather3A_675, %gather3A_677 : vector<16xf32>
      %mul3A_679 = arith.mulf %sub3A_678, %sub3A_678 : vector<16xf32>
      %add3A_680 = arith.addf %add3A_664, %mul3A_679 : vector<16xf32>
      %mul3A_681 = arith.constant 16 : i32
      %mul3A_682 = arith.muli %scan3A_473, %mul3A_681 : i32
      %add3A_683 = arith.constant 13 : i32
      %add3A_684 = arith.addi %mul3A_682, %add3A_683 : i32
      %add3A_685 = vector.broadcast %add3A_684 : i32 to vector<16xi32>
      %add3A_686 = arith.addi %iota3A, %add3A_685 : vector<16xi32>
      %and3A_687 = arith.constant 127 : i32
      %and3A_688 = vector.broadcast %and3A_687 : i32 to vector<16xi32>
      %and3A_689 = arith.andi %add3A_686, %and3A_688 : vector<16xi32>
      %add3A_690 = arith.addi %mul3A_241, %and3A_689 : vector<16xi32>
      %gather3A_691 = tpu.vector_load_idx %arg7[%add3A_690] : memref<16384xf32, #tpu.memory_space<vmem>>[vector<16xi32>], vector<16xf32>,
      %add3A_692 = arith.addi %mul3A_246, %and3A_689 : vector<16xi32>
      %gather3A_693 = tpu.vector_load_idx %arg8[%add3A_692] : memref<32768xf32, #tpu.memory_space<vmem>>[vector<16xi32>], vector<16xf32>,
      %sub3A_694 = arith.subf %gather3A_691, %gather3A_693 : vector<16xf32>
      %mul3A_695 = arith.mulf %sub3A_694, %sub3A_694 : vector<16xf32>
      %add3A_696 = arith.addf %add3A_680, %mul3A_695 : vector<16xf32>
      %mul3A_697 = arith.constant 16 : i32
      %mul3A_698 = arith.muli %scan3A_473, %mul3A_697 : i32
      %add3A_699 = arith.constant 14 : i32
      %add3A_700 = arith.addi %mul3A_698, %add3A_699 : i32
      %add3A_701 = vector.broadcast %add3A_700 : i32 to vector<16xi32>
      %add3A_702 = arith.addi %iota3A, %add3A_701 : vector<16xi32>
      %and3A_703 = arith.constant 127 : i32
      %and3A_704 = vector.broadcast %and3A_703 : i32 to vector<16xi32>
      %and3A_705 = arith.andi %add3A_702, %and3A_704 : vector<16xi32>
      %add3A_706 = arith.addi %mul3A_241, %and3A_705 : vector<16xi32>
      %gather3A_707 = tpu.vector_load_idx %arg7[%add3A_706] : memref<16384xf32, #tpu.memory_space<vmem>>[vector<16xi32>], vector<16xf32>,
      %add3A_708 = arith.addi %mul3A_246, %and3A_705 : vector<16xi32>
      %gather3A_709 = tpu.vector_load_idx %arg8[%add3A_708] : memref<32768xf32, #tpu.memory_space<vmem>>[vector<16xi32>], vector<16xf32>,
      %sub3A_710 = arith.subf %gather3A_707, %gather3A_709 : vector<16xf32>
      %mul3A_711 = arith.mulf %sub3A_710, %sub3A_710 : vector<16xf32>
      %add3A_712 = arith.addf %add3A_696, %mul3A_711 : vector<16xf32>
      %mul3A_713 = arith.constant 16 : i32
      %mul3A_714 = arith.muli %scan3A_473, %mul3A_713 : i32
      %add3A_715 = arith.constant 15 : i32
      %add3A_716 = arith.addi %mul3A_714, %add3A_715 : i32
      %add3A_717 = vector.broadcast %add3A_716 : i32 to vector<16xi32>
      %add3A_718 = arith.addi %iota3A, %add3A_717 : vector<16xi32>
      %and3A_719 = arith.constant 127 : i32
      %and3A_720 = vector.broadcast %and3A_719 : i32 to vector<16xi32>
      %and3A_721 = arith.andi %add3A_718, %and3A_720 : vector<16xi32>
      %add3A_722 = arith.addi %mul3A_241, %and3A_721 : vector<16xi32>
      %gather3A_723 = tpu.vector_load_idx %arg7[%add3A_722] : memref<16384xf32, #tpu.memory_space<vmem>>[vector<16xi32>], vector<16xf32>,
      %add3A_724 = arith.addi %mul3A_246, %and3A_721 : vector<16xi32>
      %gather3A_725 = tpu.vector_load_idx %arg8[%add3A_724] : memref<32768xf32, #tpu.memory_space<vmem>>[vector<16xi32>], vector<16xf32>,
      %sub3A_726 = arith.subf %gather3A_723, %gather3A_725 : vector<16xf32>
      %mul3A_727 = arith.mulf %sub3A_726, %sub3A_726 : vector<16xf32>
      %add3A_728 = arith.addf %add3A_712, %mul3A_727 : vector<16xf32>
      scf.yield %add3A_728 : vector<16xf32>
    }
    %scan3A_254 = arith.constant 8 : i32
    %max3A_255 = arith.constant 9.99999968E-21 : f32
    %max3A_256 = vector.broadcast %max3A_255 : f32 to vector<16xf32>
    %max3A_257 = arith.maximumf %scan3A_253, %max3A_256 : vector<16xf32>
    %bitcast3A_258 = vector.bitcast %max3A_257 : vector<16xf32> to vector<16xi32>
    %shift_right_logical3A_259 = arith.constant 1 : i32
    %shift_right_logical3A_260 = vector.broadcast %shift_right_logical3A_259 : i32 to vector<16xi32>
    %shift_right_logical3A_261 = arith.shrui %bitcast3A_258, %shift_right_logical3A_260 : vector<16xi32>
    %sub3A_262 = arith.constant 1597463007 : i32
    %sub3A_263 = vector.broadcast %sub3A_262 : i32 to vector<16xi32>
    %sub3A_264 = arith.subi %sub3A_263, %shift_right_logical3A_261 : vector<16xi32>
    %bitcast3A_265 = vector.bitcast %sub3A_264 : vector<16xi32> to vector<16xf32>
    %mul3A_266 = arith.constant 5.000000e-01 : f32
    %mul3A_267 = vector.broadcast %mul3A_266 : f32 to vector<16xf32>
    %mul3A_268 = arith.mulf %mul3A_267, %max3A_257 : vector<16xf32>
    %mul3A_269 = arith.mulf %mul3A_268, %bitcast3A_265 : vector<16xf32>
    %mul3A_270 = arith.mulf %mul3A_269, %bitcast3A_265 : vector<16xf32>
    %sub3A_271 = arith.constant 1.500000e+00 : f32
    %sub3A_272 = vector.broadcast %sub3A_271 : f32 to vector<16xf32>
    %sub3A_273 = arith.subf %sub3A_272, %mul3A_270 : vector<16xf32>
    %mul3A_274 = arith.mulf %bitcast3A_265, %sub3A_273 : vector<16xf32>
    %mul3A_275 = arith.mulf %mul3A_268, %mul3A_274 : vector<16xf32>
    %mul3A_276 = arith.mulf %mul3A_275, %mul3A_274 : vector<16xf32>
    %sub3A_277 = arith.constant 1.500000e+00 : f32
    %sub3A_278 = vector.broadcast %sub3A_277 : f32 to vector<16xf32>
    %sub3A_279 = arith.subf %sub3A_278, %mul3A_276 : vector<16xf32>
    %mul3A_280 = arith.mulf %mul3A_274, %sub3A_279 : vector<16xf32>
    %mul3A_281 = arith.mulf %mul3A_268, %mul3A_280 : vector<16xf32>
    %mul3A_282 = arith.mulf %mul3A_281, %mul3A_280 : vector<16xf32>
    %sub3A_283 = arith.constant 1.500000e+00 : f32
    %sub3A_284 = vector.broadcast %sub3A_283 : f32 to vector<16xf32>
    %sub3A_285 = arith.subf %sub3A_284, %mul3A_282 : vector<16xf32>
    %mul3A_286 = arith.mulf %mul3A_280, %sub3A_285 : vector<16xf32>
    %mul3A_287 = arith.mulf %max3A_257, %mul3A_286 : vector<16xf32>
    %sub3A_288 = arith.constant 1.000000e+00 : f32
    %sub3A_289 = vector.broadcast %sub3A_288 : f32 to vector<16xf32>
    %sub3A_290 = arith.subf %sub3A_289, %mul3A_287 : vector<16xf32>
    %max3A_291 = arith.constant 0.000000e+00 : f32
    %max3A_292 = vector.broadcast %max3A_291 : f32 to vector<16xf32>
    %max3A_293 = arith.maximumf %sub3A_290, %max3A_292 : vector<16xf32>
    %add3A_294 = arith.addf %add3A_235, %max3A_293 : vector<16xf32>
    %add3A_295 = arith.constant 80 : i32
    %add3A_296 = vector.broadcast %add3A_295 : i32 to vector<16xi32>
    %add3A_297 = arith.addi %add3A_296, %iota3A : vector<16xi32>
    %mul3A_298 = arith.constant 128 : i32
    %mul3A_299 = vector.broadcast %mul3A_298 : i32 to vector<16xi32>
    %mul3A_300 = arith.muli %add3A_297, %mul3A_299 : vector<16xi32>
    %get3A_301 = arith.constant 80 : index
    %get3A_302 = tpu.vector_load %arg6[%get3A_301] {strides = array<i32>} : memref<128xi32, #tpu.memory_space<vmem>>, vector<16xi32>,
    %mul3A_303 = arith.constant 128 : i32
    %mul3A_304 = vector.broadcast %mul3A_303 : i32 to vector<16xi32>
    %mul3A_305 = arith.muli %get3A_302, %mul3A_304 : vector<16xi32>
    %broadcast_in_dim3A_306 = arith.constant 0.000000e+00 : f32
    %broadcast_in_dim3A_307 = vector.broadcast %broadcast_in_dim3A_306 : f32 to vector<16xf32>
    %scan3A_308 = arith.constant 0 : i32
    %scan3A_309 = arith.constant 8 : i32
    %scan3A_310 = arith.addi %scan3A_308, %scan3A_309 : i32
    %scan3A_311 = arith.constant 1 : i32
    %scan3A_312 = scf.for %scan3A_473 = %scan3A_308 to %scan3A_310 step %scan3A_311 iter_args(%scan3A_474 = %broadcast_in_dim3A_307) -> (vector<16xf32>)  : i32 {
      %mul3A_475 = arith.constant 16 : i32
      %mul3A_476 = arith.muli %scan3A_473, %mul3A_475 : i32
      %add3A_477 = arith.constant 0 : i32
      %add3A_478 = arith.addi %mul3A_476, %add3A_477 : i32
      %add3A_479 = vector.broadcast %add3A_478 : i32 to vector<16xi32>
      %add3A_480 = arith.addi %iota3A, %add3A_479 : vector<16xi32>
      %and3A = arith.constant 127 : i32
      %and3A_481 = vector.broadcast %and3A : i32 to vector<16xi32>
      %and3A_482 = arith.andi %add3A_480, %and3A_481 : vector<16xi32>
      %add3A_483 = arith.addi %mul3A_300, %and3A_482 : vector<16xi32>
      %gather3A = tpu.vector_load_idx %arg7[%add3A_483] : memref<16384xf32, #tpu.memory_space<vmem>>[vector<16xi32>], vector<16xf32>,
      %add3A_484 = arith.addi %mul3A_305, %and3A_482 : vector<16xi32>
      %gather3A_485 = tpu.vector_load_idx %arg8[%add3A_484] : memref<32768xf32, #tpu.memory_space<vmem>>[vector<16xi32>], vector<16xf32>,
      %sub3A_486 = arith.subf %gather3A, %gather3A_485 : vector<16xf32>
      %mul3A_487 = arith.mulf %sub3A_486, %sub3A_486 : vector<16xf32>
      %add3A_488 = arith.addf %scan3A_474, %mul3A_487 : vector<16xf32>
      %mul3A_489 = arith.constant 16 : i32
      %mul3A_490 = arith.muli %scan3A_473, %mul3A_489 : i32
      %add3A_491 = arith.constant 1 : i32
      %add3A_492 = arith.addi %mul3A_490, %add3A_491 : i32
      %add3A_493 = vector.broadcast %add3A_492 : i32 to vector<16xi32>
      %add3A_494 = arith.addi %iota3A, %add3A_493 : vector<16xi32>
      %and3A_495 = arith.constant 127 : i32
      %and3A_496 = vector.broadcast %and3A_495 : i32 to vector<16xi32>
      %and3A_497 = arith.andi %add3A_494, %and3A_496 : vector<16xi32>
      %add3A_498 = arith.addi %mul3A_300, %and3A_497 : vector<16xi32>
      %gather3A_499 = tpu.vector_load_idx %arg7[%add3A_498] : memref<16384xf32, #tpu.memory_space<vmem>>[vector<16xi32>], vector<16xf32>,
      %add3A_500 = arith.addi %mul3A_305, %and3A_497 : vector<16xi32>
      %gather3A_501 = tpu.vector_load_idx %arg8[%add3A_500] : memref<32768xf32, #tpu.memory_space<vmem>>[vector<16xi32>], vector<16xf32>,
      %sub3A_502 = arith.subf %gather3A_499, %gather3A_501 : vector<16xf32>
      %mul3A_503 = arith.mulf %sub3A_502, %sub3A_502 : vector<16xf32>
      %add3A_504 = arith.addf %add3A_488, %mul3A_503 : vector<16xf32>
      %mul3A_505 = arith.constant 16 : i32
      %mul3A_506 = arith.muli %scan3A_473, %mul3A_505 : i32
      %add3A_507 = arith.constant 2 : i32
      %add3A_508 = arith.addi %mul3A_506, %add3A_507 : i32
      %add3A_509 = vector.broadcast %add3A_508 : i32 to vector<16xi32>
      %add3A_510 = arith.addi %iota3A, %add3A_509 : vector<16xi32>
      %and3A_511 = arith.constant 127 : i32
      %and3A_512 = vector.broadcast %and3A_511 : i32 to vector<16xi32>
      %and3A_513 = arith.andi %add3A_510, %and3A_512 : vector<16xi32>
      %add3A_514 = arith.addi %mul3A_300, %and3A_513 : vector<16xi32>
      %gather3A_515 = tpu.vector_load_idx %arg7[%add3A_514] : memref<16384xf32, #tpu.memory_space<vmem>>[vector<16xi32>], vector<16xf32>,
      %add3A_516 = arith.addi %mul3A_305, %and3A_513 : vector<16xi32>
      %gather3A_517 = tpu.vector_load_idx %arg8[%add3A_516] : memref<32768xf32, #tpu.memory_space<vmem>>[vector<16xi32>], vector<16xf32>,
      %sub3A_518 = arith.subf %gather3A_515, %gather3A_517 : vector<16xf32>
      %mul3A_519 = arith.mulf %sub3A_518, %sub3A_518 : vector<16xf32>
      %add3A_520 = arith.addf %add3A_504, %mul3A_519 : vector<16xf32>
      %mul3A_521 = arith.constant 16 : i32
      %mul3A_522 = arith.muli %scan3A_473, %mul3A_521 : i32
      %add3A_523 = arith.constant 3 : i32
      %add3A_524 = arith.addi %mul3A_522, %add3A_523 : i32
      %add3A_525 = vector.broadcast %add3A_524 : i32 to vector<16xi32>
      %add3A_526 = arith.addi %iota3A, %add3A_525 : vector<16xi32>
      %and3A_527 = arith.constant 127 : i32
      %and3A_528 = vector.broadcast %and3A_527 : i32 to vector<16xi32>
      %and3A_529 = arith.andi %add3A_526, %and3A_528 : vector<16xi32>
      %add3A_530 = arith.addi %mul3A_300, %and3A_529 : vector<16xi32>
      %gather3A_531 = tpu.vector_load_idx %arg7[%add3A_530] : memref<16384xf32, #tpu.memory_space<vmem>>[vector<16xi32>], vector<16xf32>,
      %add3A_532 = arith.addi %mul3A_305, %and3A_529 : vector<16xi32>
      %gather3A_533 = tpu.vector_load_idx %arg8[%add3A_532] : memref<32768xf32, #tpu.memory_space<vmem>>[vector<16xi32>], vector<16xf32>,
      %sub3A_534 = arith.subf %gather3A_531, %gather3A_533 : vector<16xf32>
      %mul3A_535 = arith.mulf %sub3A_534, %sub3A_534 : vector<16xf32>
      %add3A_536 = arith.addf %add3A_520, %mul3A_535 : vector<16xf32>
      %mul3A_537 = arith.constant 16 : i32
      %mul3A_538 = arith.muli %scan3A_473, %mul3A_537 : i32
      %add3A_539 = arith.constant 4 : i32
      %add3A_540 = arith.addi %mul3A_538, %add3A_539 : i32
      %add3A_541 = vector.broadcast %add3A_540 : i32 to vector<16xi32>
      %add3A_542 = arith.addi %iota3A, %add3A_541 : vector<16xi32>
      %and3A_543 = arith.constant 127 : i32
      %and3A_544 = vector.broadcast %and3A_543 : i32 to vector<16xi32>
      %and3A_545 = arith.andi %add3A_542, %and3A_544 : vector<16xi32>
      %add3A_546 = arith.addi %mul3A_300, %and3A_545 : vector<16xi32>
      %gather3A_547 = tpu.vector_load_idx %arg7[%add3A_546] : memref<16384xf32, #tpu.memory_space<vmem>>[vector<16xi32>], vector<16xf32>,
      %add3A_548 = arith.addi %mul3A_305, %and3A_545 : vector<16xi32>
      %gather3A_549 = tpu.vector_load_idx %arg8[%add3A_548] : memref<32768xf32, #tpu.memory_space<vmem>>[vector<16xi32>], vector<16xf32>,
      %sub3A_550 = arith.subf %gather3A_547, %gather3A_549 : vector<16xf32>
      %mul3A_551 = arith.mulf %sub3A_550, %sub3A_550 : vector<16xf32>
      %add3A_552 = arith.addf %add3A_536, %mul3A_551 : vector<16xf32>
      %mul3A_553 = arith.constant 16 : i32
      %mul3A_554 = arith.muli %scan3A_473, %mul3A_553 : i32
      %add3A_555 = arith.constant 5 : i32
      %add3A_556 = arith.addi %mul3A_554, %add3A_555 : i32
      %add3A_557 = vector.broadcast %add3A_556 : i32 to vector<16xi32>
      %add3A_558 = arith.addi %iota3A, %add3A_557 : vector<16xi32>
      %and3A_559 = arith.constant 127 : i32
      %and3A_560 = vector.broadcast %and3A_559 : i32 to vector<16xi32>
      %and3A_561 = arith.andi %add3A_558, %and3A_560 : vector<16xi32>
      %add3A_562 = arith.addi %mul3A_300, %and3A_561 : vector<16xi32>
      %gather3A_563 = tpu.vector_load_idx %arg7[%add3A_562] : memref<16384xf32, #tpu.memory_space<vmem>>[vector<16xi32>], vector<16xf32>,
      %add3A_564 = arith.addi %mul3A_305, %and3A_561 : vector<16xi32>
      %gather3A_565 = tpu.vector_load_idx %arg8[%add3A_564] : memref<32768xf32, #tpu.memory_space<vmem>>[vector<16xi32>], vector<16xf32>,
      %sub3A_566 = arith.subf %gather3A_563, %gather3A_565 : vector<16xf32>
      %mul3A_567 = arith.mulf %sub3A_566, %sub3A_566 : vector<16xf32>
      %add3A_568 = arith.addf %add3A_552, %mul3A_567 : vector<16xf32>
      %mul3A_569 = arith.constant 16 : i32
      %mul3A_570 = arith.muli %scan3A_473, %mul3A_569 : i32
      %add3A_571 = arith.constant 6 : i32
      %add3A_572 = arith.addi %mul3A_570, %add3A_571 : i32
      %add3A_573 = vector.broadcast %add3A_572 : i32 to vector<16xi32>
      %add3A_574 = arith.addi %iota3A, %add3A_573 : vector<16xi32>
      %and3A_575 = arith.constant 127 : i32
      %and3A_576 = vector.broadcast %and3A_575 : i32 to vector<16xi32>
      %and3A_577 = arith.andi %add3A_574, %and3A_576 : vector<16xi32>
      %add3A_578 = arith.addi %mul3A_300, %and3A_577 : vector<16xi32>
      %gather3A_579 = tpu.vector_load_idx %arg7[%add3A_578] : memref<16384xf32, #tpu.memory_space<vmem>>[vector<16xi32>], vector<16xf32>,
      %add3A_580 = arith.addi %mul3A_305, %and3A_577 : vector<16xi32>
      %gather3A_581 = tpu.vector_load_idx %arg8[%add3A_580] : memref<32768xf32, #tpu.memory_space<vmem>>[vector<16xi32>], vector<16xf32>,
      %sub3A_582 = arith.subf %gather3A_579, %gather3A_581 : vector<16xf32>
      %mul3A_583 = arith.mulf %sub3A_582, %sub3A_582 : vector<16xf32>
      %add3A_584 = arith.addf %add3A_568, %mul3A_583 : vector<16xf32>
      %mul3A_585 = arith.constant 16 : i32
      %mul3A_586 = arith.muli %scan3A_473, %mul3A_585 : i32
      %add3A_587 = arith.constant 7 : i32
      %add3A_588 = arith.addi %mul3A_586, %add3A_587 : i32
      %add3A_589 = vector.broadcast %add3A_588 : i32 to vector<16xi32>
      %add3A_590 = arith.addi %iota3A, %add3A_589 : vector<16xi32>
      %and3A_591 = arith.constant 127 : i32
      %and3A_592 = vector.broadcast %and3A_591 : i32 to vector<16xi32>
      %and3A_593 = arith.andi %add3A_590, %and3A_592 : vector<16xi32>
      %add3A_594 = arith.addi %mul3A_300, %and3A_593 : vector<16xi32>
      %gather3A_595 = tpu.vector_load_idx %arg7[%add3A_594] : memref<16384xf32, #tpu.memory_space<vmem>>[vector<16xi32>], vector<16xf32>,
      %add3A_596 = arith.addi %mul3A_305, %and3A_593 : vector<16xi32>
      %gather3A_597 = tpu.vector_load_idx %arg8[%add3A_596] : memref<32768xf32, #tpu.memory_space<vmem>>[vector<16xi32>], vector<16xf32>,
      %sub3A_598 = arith.subf %gather3A_595, %gather3A_597 : vector<16xf32>
      %mul3A_599 = arith.mulf %sub3A_598, %sub3A_598 : vector<16xf32>
      %add3A_600 = arith.addf %add3A_584, %mul3A_599 : vector<16xf32>
      %mul3A_601 = arith.constant 16 : i32
      %mul3A_602 = arith.muli %scan3A_473, %mul3A_601 : i32
      %add3A_603 = arith.constant 8 : i32
      %add3A_604 = arith.addi %mul3A_602, %add3A_603 : i32
      %add3A_605 = vector.broadcast %add3A_604 : i32 to vector<16xi32>
      %add3A_606 = arith.addi %iota3A, %add3A_605 : vector<16xi32>
      %and3A_607 = arith.constant 127 : i32
      %and3A_608 = vector.broadcast %and3A_607 : i32 to vector<16xi32>
      %and3A_609 = arith.andi %add3A_606, %and3A_608 : vector<16xi32>
      %add3A_610 = arith.addi %mul3A_300, %and3A_609 : vector<16xi32>
      %gather3A_611 = tpu.vector_load_idx %arg7[%add3A_610] : memref<16384xf32, #tpu.memory_space<vmem>>[vector<16xi32>], vector<16xf32>,
      %add3A_612 = arith.addi %mul3A_305, %and3A_609 : vector<16xi32>
      %gather3A_613 = tpu.vector_load_idx %arg8[%add3A_612] : memref<32768xf32, #tpu.memory_space<vmem>>[vector<16xi32>], vector<16xf32>,
      %sub3A_614 = arith.subf %gather3A_611, %gather3A_613 : vector<16xf32>
      %mul3A_615 = arith.mulf %sub3A_614, %sub3A_614 : vector<16xf32>
      %add3A_616 = arith.addf %add3A_600, %mul3A_615 : vector<16xf32>
      %mul3A_617 = arith.constant 16 : i32
      %mul3A_618 = arith.muli %scan3A_473, %mul3A_617 : i32
      %add3A_619 = arith.constant 9 : i32
      %add3A_620 = arith.addi %mul3A_618, %add3A_619 : i32
      %add3A_621 = vector.broadcast %add3A_620 : i32 to vector<16xi32>
      %add3A_622 = arith.addi %iota3A, %add3A_621 : vector<16xi32>
      %and3A_623 = arith.constant 127 : i32
      %and3A_624 = vector.broadcast %and3A_623 : i32 to vector<16xi32>
      %and3A_625 = arith.andi %add3A_622, %and3A_624 : vector<16xi32>
      %add3A_626 = arith.addi %mul3A_300, %and3A_625 : vector<16xi32>
      %gather3A_627 = tpu.vector_load_idx %arg7[%add3A_626] : memref<16384xf32, #tpu.memory_space<vmem>>[vector<16xi32>], vector<16xf32>,
      %add3A_628 = arith.addi %mul3A_305, %and3A_625 : vector<16xi32>
      %gather3A_629 = tpu.vector_load_idx %arg8[%add3A_628] : memref<32768xf32, #tpu.memory_space<vmem>>[vector<16xi32>], vector<16xf32>,
      %sub3A_630 = arith.subf %gather3A_627, %gather3A_629 : vector<16xf32>
      %mul3A_631 = arith.mulf %sub3A_630, %sub3A_630 : vector<16xf32>
      %add3A_632 = arith.addf %add3A_616, %mul3A_631 : vector<16xf32>
      %mul3A_633 = arith.constant 16 : i32
      %mul3A_634 = arith.muli %scan3A_473, %mul3A_633 : i32
      %add3A_635 = arith.constant 10 : i32
      %add3A_636 = arith.addi %mul3A_634, %add3A_635 : i32
      %add3A_637 = vector.broadcast %add3A_636 : i32 to vector<16xi32>
      %add3A_638 = arith.addi %iota3A, %add3A_637 : vector<16xi32>
      %and3A_639 = arith.constant 127 : i32
      %and3A_640 = vector.broadcast %and3A_639 : i32 to vector<16xi32>
      %and3A_641 = arith.andi %add3A_638, %and3A_640 : vector<16xi32>
      %add3A_642 = arith.addi %mul3A_300, %and3A_641 : vector<16xi32>
      %gather3A_643 = tpu.vector_load_idx %arg7[%add3A_642] : memref<16384xf32, #tpu.memory_space<vmem>>[vector<16xi32>], vector<16xf32>,
      %add3A_644 = arith.addi %mul3A_305, %and3A_641 : vector<16xi32>
      %gather3A_645 = tpu.vector_load_idx %arg8[%add3A_644] : memref<32768xf32, #tpu.memory_space<vmem>>[vector<16xi32>], vector<16xf32>,
      %sub3A_646 = arith.subf %gather3A_643, %gather3A_645 : vector<16xf32>
      %mul3A_647 = arith.mulf %sub3A_646, %sub3A_646 : vector<16xf32>
      %add3A_648 = arith.addf %add3A_632, %mul3A_647 : vector<16xf32>
      %mul3A_649 = arith.constant 16 : i32
      %mul3A_650 = arith.muli %scan3A_473, %mul3A_649 : i32
      %add3A_651 = arith.constant 11 : i32
      %add3A_652 = arith.addi %mul3A_650, %add3A_651 : i32
      %add3A_653 = vector.broadcast %add3A_652 : i32 to vector<16xi32>
      %add3A_654 = arith.addi %iota3A, %add3A_653 : vector<16xi32>
      %and3A_655 = arith.constant 127 : i32
      %and3A_656 = vector.broadcast %and3A_655 : i32 to vector<16xi32>
      %and3A_657 = arith.andi %add3A_654, %and3A_656 : vector<16xi32>
      %add3A_658 = arith.addi %mul3A_300, %and3A_657 : vector<16xi32>
      %gather3A_659 = tpu.vector_load_idx %arg7[%add3A_658] : memref<16384xf32, #tpu.memory_space<vmem>>[vector<16xi32>], vector<16xf32>,
      %add3A_660 = arith.addi %mul3A_305, %and3A_657 : vector<16xi32>
      %gather3A_661 = tpu.vector_load_idx %arg8[%add3A_660] : memref<32768xf32, #tpu.memory_space<vmem>>[vector<16xi32>], vector<16xf32>,
      %sub3A_662 = arith.subf %gather3A_659, %gather3A_661 : vector<16xf32>
      %mul3A_663 = arith.mulf %sub3A_662, %sub3A_662 : vector<16xf32>
      %add3A_664 = arith.addf %add3A_648, %mul3A_663 : vector<16xf32>
      %mul3A_665 = arith.constant 16 : i32
      %mul3A_666 = arith.muli %scan3A_473, %mul3A_665 : i32
      %add3A_667 = arith.constant 12 : i32
      %add3A_668 = arith.addi %mul3A_666, %add3A_667 : i32
      %add3A_669 = vector.broadcast %add3A_668 : i32 to vector<16xi32>
      %add3A_670 = arith.addi %iota3A, %add3A_669 : vector<16xi32>
      %and3A_671 = arith.constant 127 : i32
      %and3A_672 = vector.broadcast %and3A_671 : i32 to vector<16xi32>
      %and3A_673 = arith.andi %add3A_670, %and3A_672 : vector<16xi32>
      %add3A_674 = arith.addi %mul3A_300, %and3A_673 : vector<16xi32>
      %gather3A_675 = tpu.vector_load_idx %arg7[%add3A_674] : memref<16384xf32, #tpu.memory_space<vmem>>[vector<16xi32>], vector<16xf32>,
      %add3A_676 = arith.addi %mul3A_305, %and3A_673 : vector<16xi32>
      %gather3A_677 = tpu.vector_load_idx %arg8[%add3A_676] : memref<32768xf32, #tpu.memory_space<vmem>>[vector<16xi32>], vector<16xf32>,
      %sub3A_678 = arith.subf %gather3A_675, %gather3A_677 : vector<16xf32>
      %mul3A_679 = arith.mulf %sub3A_678, %sub3A_678 : vector<16xf32>
      %add3A_680 = arith.addf %add3A_664, %mul3A_679 : vector<16xf32>
      %mul3A_681 = arith.constant 16 : i32
      %mul3A_682 = arith.muli %scan3A_473, %mul3A_681 : i32
      %add3A_683 = arith.constant 13 : i32
      %add3A_684 = arith.addi %mul3A_682, %add3A_683 : i32
      %add3A_685 = vector.broadcast %add3A_684 : i32 to vector<16xi32>
      %add3A_686 = arith.addi %iota3A, %add3A_685 : vector<16xi32>
      %and3A_687 = arith.constant 127 : i32
      %and3A_688 = vector.broadcast %and3A_687 : i32 to vector<16xi32>
      %and3A_689 = arith.andi %add3A_686, %and3A_688 : vector<16xi32>
      %add3A_690 = arith.addi %mul3A_300, %and3A_689 : vector<16xi32>
      %gather3A_691 = tpu.vector_load_idx %arg7[%add3A_690] : memref<16384xf32, #tpu.memory_space<vmem>>[vector<16xi32>], vector<16xf32>,
      %add3A_692 = arith.addi %mul3A_305, %and3A_689 : vector<16xi32>
      %gather3A_693 = tpu.vector_load_idx %arg8[%add3A_692] : memref<32768xf32, #tpu.memory_space<vmem>>[vector<16xi32>], vector<16xf32>,
      %sub3A_694 = arith.subf %gather3A_691, %gather3A_693 : vector<16xf32>
      %mul3A_695 = arith.mulf %sub3A_694, %sub3A_694 : vector<16xf32>
      %add3A_696 = arith.addf %add3A_680, %mul3A_695 : vector<16xf32>
      %mul3A_697 = arith.constant 16 : i32
      %mul3A_698 = arith.muli %scan3A_473, %mul3A_697 : i32
      %add3A_699 = arith.constant 14 : i32
      %add3A_700 = arith.addi %mul3A_698, %add3A_699 : i32
      %add3A_701 = vector.broadcast %add3A_700 : i32 to vector<16xi32>
      %add3A_702 = arith.addi %iota3A, %add3A_701 : vector<16xi32>
      %and3A_703 = arith.constant 127 : i32
      %and3A_704 = vector.broadcast %and3A_703 : i32 to vector<16xi32>
      %and3A_705 = arith.andi %add3A_702, %and3A_704 : vector<16xi32>
      %add3A_706 = arith.addi %mul3A_300, %and3A_705 : vector<16xi32>
      %gather3A_707 = tpu.vector_load_idx %arg7[%add3A_706] : memref<16384xf32, #tpu.memory_space<vmem>>[vector<16xi32>], vector<16xf32>,
      %add3A_708 = arith.addi %mul3A_305, %and3A_705 : vector<16xi32>
      %gather3A_709 = tpu.vector_load_idx %arg8[%add3A_708] : memref<32768xf32, #tpu.memory_space<vmem>>[vector<16xi32>], vector<16xf32>,
      %sub3A_710 = arith.subf %gather3A_707, %gather3A_709 : vector<16xf32>
      %mul3A_711 = arith.mulf %sub3A_710, %sub3A_710 : vector<16xf32>
      %add3A_712 = arith.addf %add3A_696, %mul3A_711 : vector<16xf32>
      %mul3A_713 = arith.constant 16 : i32
      %mul3A_714 = arith.muli %scan3A_473, %mul3A_713 : i32
      %add3A_715 = arith.constant 15 : i32
      %add3A_716 = arith.addi %mul3A_714, %add3A_715 : i32
      %add3A_717 = vector.broadcast %add3A_716 : i32 to vector<16xi32>
      %add3A_718 = arith.addi %iota3A, %add3A_717 : vector<16xi32>
      %and3A_719 = arith.constant 127 : i32
      %and3A_720 = vector.broadcast %and3A_719 : i32 to vector<16xi32>
      %and3A_721 = arith.andi %add3A_718, %and3A_720 : vector<16xi32>
      %add3A_722 = arith.addi %mul3A_300, %and3A_721 : vector<16xi32>
      %gather3A_723 = tpu.vector_load_idx %arg7[%add3A_722] : memref<16384xf32, #tpu.memory_space<vmem>>[vector<16xi32>], vector<16xf32>,
      %add3A_724 = arith.addi %mul3A_305, %and3A_721 : vector<16xi32>
      %gather3A_725 = tpu.vector_load_idx %arg8[%add3A_724] : memref<32768xf32, #tpu.memory_space<vmem>>[vector<16xi32>], vector<16xf32>,
      %sub3A_726 = arith.subf %gather3A_723, %gather3A_725 : vector<16xf32>
      %mul3A_727 = arith.mulf %sub3A_726, %sub3A_726 : vector<16xf32>
      %add3A_728 = arith.addf %add3A_712, %mul3A_727 : vector<16xf32>
      scf.yield %add3A_728 : vector<16xf32>
    }
    %scan3A_313 = arith.constant 8 : i32
    %max3A_314 = arith.constant 9.99999968E-21 : f32
    %max3A_315 = vector.broadcast %max3A_314 : f32 to vector<16xf32>
    %max3A_316 = arith.maximumf %scan3A_312, %max3A_315 : vector<16xf32>
    %bitcast3A_317 = vector.bitcast %max3A_316 : vector<16xf32> to vector<16xi32>
    %shift_right_logical3A_318 = arith.constant 1 : i32
    %shift_right_logical3A_319 = vector.broadcast %shift_right_logical3A_318 : i32 to vector<16xi32>
    %shift_right_logical3A_320 = arith.shrui %bitcast3A_317, %shift_right_logical3A_319 : vector<16xi32>
    %sub3A_321 = arith.constant 1597463007 : i32
    %sub3A_322 = vector.broadcast %sub3A_321 : i32 to vector<16xi32>
    %sub3A_323 = arith.subi %sub3A_322, %shift_right_logical3A_320 : vector<16xi32>
    %bitcast3A_324 = vector.bitcast %sub3A_323 : vector<16xi32> to vector<16xf32>
    %mul3A_325 = arith.constant 5.000000e-01 : f32
    %mul3A_326 = vector.broadcast %mul3A_325 : f32 to vector<16xf32>
    %mul3A_327 = arith.mulf %mul3A_326, %max3A_316 : vector<16xf32>
    %mul3A_328 = arith.mulf %mul3A_327, %bitcast3A_324 : vector<16xf32>
    %mul3A_329 = arith.mulf %mul3A_328, %bitcast3A_324 : vector<16xf32>
    %sub3A_330 = arith.constant 1.500000e+00 : f32
    %sub3A_331 = vector.broadcast %sub3A_330 : f32 to vector<16xf32>
    %sub3A_332 = arith.subf %sub3A_331, %mul3A_329 : vector<16xf32>
    %mul3A_333 = arith.mulf %bitcast3A_324, %sub3A_332 : vector<16xf32>
    %mul3A_334 = arith.mulf %mul3A_327, %mul3A_333 : vector<16xf32>
    %mul3A_335 = arith.mulf %mul3A_334, %mul3A_333 : vector<16xf32>
    %sub3A_336 = arith.constant 1.500000e+00 : f32
    %sub3A_337 = vector.broadcast %sub3A_336 : f32 to vector<16xf32>
    %sub3A_338 = arith.subf %sub3A_337, %mul3A_335 : vector<16xf32>
    %mul3A_339 = arith.mulf %mul3A_333, %sub3A_338 : vector<16xf32>
    %mul3A_340 = arith.mulf %mul3A_327, %mul3A_339 : vector<16xf32>
    %mul3A_341 = arith.mulf %mul3A_340, %mul3A_339 : vector<16xf32>
    %sub3A_342 = arith.constant 1.500000e+00 : f32
    %sub3A_343 = vector.broadcast %sub3A_342 : f32 to vector<16xf32>
    %sub3A_344 = arith.subf %sub3A_343, %mul3A_341 : vector<16xf32>
    %mul3A_345 = arith.mulf %mul3A_339, %sub3A_344 : vector<16xf32>
    %mul3A_346 = arith.mulf %max3A_316, %mul3A_345 : vector<16xf32>
    %sub3A_347 = arith.constant 1.000000e+00 : f32
    %sub3A_348 = vector.broadcast %sub3A_347 : f32 to vector<16xf32>
    %sub3A_349 = arith.subf %sub3A_348, %mul3A_346 : vector<16xf32>
    %max3A_350 = arith.constant 0.000000e+00 : f32
    %max3A_351 = vector.broadcast %max3A_350 : f32 to vector<16xf32>
    %max3A_352 = arith.maximumf %sub3A_349, %max3A_351 : vector<16xf32>
    %add3A_353 = arith.addf %add3A_294, %max3A_352 : vector<16xf32>
    %add3A_354 = arith.constant 96 : i32
    %add3A_355 = vector.broadcast %add3A_354 : i32 to vector<16xi32>
    %add3A_356 = arith.addi %add3A_355, %iota3A : vector<16xi32>
    %mul3A_357 = arith.constant 128 : i32
    %mul3A_358 = vector.broadcast %mul3A_357 : i32 to vector<16xi32>
    %mul3A_359 = arith.muli %add3A_356, %mul3A_358 : vector<16xi32>
    %get3A_360 = arith.constant 96 : index
    %get3A_361 = tpu.vector_load %arg6[%get3A_360] {strides = array<i32>} : memref<128xi32, #tpu.memory_space<vmem>>, vector<16xi32>,
    %mul3A_362 = arith.constant 128 : i32
    %mul3A_363 = vector.broadcast %mul3A_362 : i32 to vector<16xi32>
    %mul3A_364 = arith.muli %get3A_361, %mul3A_363 : vector<16xi32>
    %broadcast_in_dim3A_365 = arith.constant 0.000000e+00 : f32
    %broadcast_in_dim3A_366 = vector.broadcast %broadcast_in_dim3A_365 : f32 to vector<16xf32>
    %scan3A_367 = arith.constant 0 : i32
    %scan3A_368 = arith.constant 8 : i32
    %scan3A_369 = arith.addi %scan3A_367, %scan3A_368 : i32
    %scan3A_370 = arith.constant 1 : i32
    %scan3A_371 = scf.for %scan3A_473 = %scan3A_367 to %scan3A_369 step %scan3A_370 iter_args(%scan3A_474 = %broadcast_in_dim3A_366) -> (vector<16xf32>)  : i32 {
      %mul3A_475 = arith.constant 16 : i32
      %mul3A_476 = arith.muli %scan3A_473, %mul3A_475 : i32
      %add3A_477 = arith.constant 0 : i32
      %add3A_478 = arith.addi %mul3A_476, %add3A_477 : i32
      %add3A_479 = vector.broadcast %add3A_478 : i32 to vector<16xi32>
      %add3A_480 = arith.addi %iota3A, %add3A_479 : vector<16xi32>
      %and3A = arith.constant 127 : i32
      %and3A_481 = vector.broadcast %and3A : i32 to vector<16xi32>
      %and3A_482 = arith.andi %add3A_480, %and3A_481 : vector<16xi32>
      %add3A_483 = arith.addi %mul3A_359, %and3A_482 : vector<16xi32>
      %gather3A = tpu.vector_load_idx %arg7[%add3A_483] : memref<16384xf32, #tpu.memory_space<vmem>>[vector<16xi32>], vector<16xf32>,
      %add3A_484 = arith.addi %mul3A_364, %and3A_482 : vector<16xi32>
      %gather3A_485 = tpu.vector_load_idx %arg8[%add3A_484] : memref<32768xf32, #tpu.memory_space<vmem>>[vector<16xi32>], vector<16xf32>,
      %sub3A_486 = arith.subf %gather3A, %gather3A_485 : vector<16xf32>
      %mul3A_487 = arith.mulf %sub3A_486, %sub3A_486 : vector<16xf32>
      %add3A_488 = arith.addf %scan3A_474, %mul3A_487 : vector<16xf32>
      %mul3A_489 = arith.constant 16 : i32
      %mul3A_490 = arith.muli %scan3A_473, %mul3A_489 : i32
      %add3A_491 = arith.constant 1 : i32
      %add3A_492 = arith.addi %mul3A_490, %add3A_491 : i32
      %add3A_493 = vector.broadcast %add3A_492 : i32 to vector<16xi32>
      %add3A_494 = arith.addi %iota3A, %add3A_493 : vector<16xi32>
      %and3A_495 = arith.constant 127 : i32
      %and3A_496 = vector.broadcast %and3A_495 : i32 to vector<16xi32>
      %and3A_497 = arith.andi %add3A_494, %and3A_496 : vector<16xi32>
      %add3A_498 = arith.addi %mul3A_359, %and3A_497 : vector<16xi32>
      %gather3A_499 = tpu.vector_load_idx %arg7[%add3A_498] : memref<16384xf32, #tpu.memory_space<vmem>>[vector<16xi32>], vector<16xf32>,
      %add3A_500 = arith.addi %mul3A_364, %and3A_497 : vector<16xi32>
      %gather3A_501 = tpu.vector_load_idx %arg8[%add3A_500] : memref<32768xf32, #tpu.memory_space<vmem>>[vector<16xi32>], vector<16xf32>,
      %sub3A_502 = arith.subf %gather3A_499, %gather3A_501 : vector<16xf32>
      %mul3A_503 = arith.mulf %sub3A_502, %sub3A_502 : vector<16xf32>
      %add3A_504 = arith.addf %add3A_488, %mul3A_503 : vector<16xf32>
      %mul3A_505 = arith.constant 16 : i32
      %mul3A_506 = arith.muli %scan3A_473, %mul3A_505 : i32
      %add3A_507 = arith.constant 2 : i32
      %add3A_508 = arith.addi %mul3A_506, %add3A_507 : i32
      %add3A_509 = vector.broadcast %add3A_508 : i32 to vector<16xi32>
      %add3A_510 = arith.addi %iota3A, %add3A_509 : vector<16xi32>
      %and3A_511 = arith.constant 127 : i32
      %and3A_512 = vector.broadcast %and3A_511 : i32 to vector<16xi32>
      %and3A_513 = arith.andi %add3A_510, %and3A_512 : vector<16xi32>
      %add3A_514 = arith.addi %mul3A_359, %and3A_513 : vector<16xi32>
      %gather3A_515 = tpu.vector_load_idx %arg7[%add3A_514] : memref<16384xf32, #tpu.memory_space<vmem>>[vector<16xi32>], vector<16xf32>,
      %add3A_516 = arith.addi %mul3A_364, %and3A_513 : vector<16xi32>
      %gather3A_517 = tpu.vector_load_idx %arg8[%add3A_516] : memref<32768xf32, #tpu.memory_space<vmem>>[vector<16xi32>], vector<16xf32>,
      %sub3A_518 = arith.subf %gather3A_515, %gather3A_517 : vector<16xf32>
      %mul3A_519 = arith.mulf %sub3A_518, %sub3A_518 : vector<16xf32>
      %add3A_520 = arith.addf %add3A_504, %mul3A_519 : vector<16xf32>
      %mul3A_521 = arith.constant 16 : i32
      %mul3A_522 = arith.muli %scan3A_473, %mul3A_521 : i32
      %add3A_523 = arith.constant 3 : i32
      %add3A_524 = arith.addi %mul3A_522, %add3A_523 : i32
      %add3A_525 = vector.broadcast %add3A_524 : i32 to vector<16xi32>
      %add3A_526 = arith.addi %iota3A, %add3A_525 : vector<16xi32>
      %and3A_527 = arith.constant 127 : i32
      %and3A_528 = vector.broadcast %and3A_527 : i32 to vector<16xi32>
      %and3A_529 = arith.andi %add3A_526, %and3A_528 : vector<16xi32>
      %add3A_530 = arith.addi %mul3A_359, %and3A_529 : vector<16xi32>
      %gather3A_531 = tpu.vector_load_idx %arg7[%add3A_530] : memref<16384xf32, #tpu.memory_space<vmem>>[vector<16xi32>], vector<16xf32>,
      %add3A_532 = arith.addi %mul3A_364, %and3A_529 : vector<16xi32>
      %gather3A_533 = tpu.vector_load_idx %arg8[%add3A_532] : memref<32768xf32, #tpu.memory_space<vmem>>[vector<16xi32>], vector<16xf32>,
      %sub3A_534 = arith.subf %gather3A_531, %gather3A_533 : vector<16xf32>
      %mul3A_535 = arith.mulf %sub3A_534, %sub3A_534 : vector<16xf32>
      %add3A_536 = arith.addf %add3A_520, %mul3A_535 : vector<16xf32>
      %mul3A_537 = arith.constant 16 : i32
      %mul3A_538 = arith.muli %scan3A_473, %mul3A_537 : i32
      %add3A_539 = arith.constant 4 : i32
      %add3A_540 = arith.addi %mul3A_538, %add3A_539 : i32
      %add3A_541 = vector.broadcast %add3A_540 : i32 to vector<16xi32>
      %add3A_542 = arith.addi %iota3A, %add3A_541 : vector<16xi32>
      %and3A_543 = arith.constant 127 : i32
      %and3A_544 = vector.broadcast %and3A_543 : i32 to vector<16xi32>
      %and3A_545 = arith.andi %add3A_542, %and3A_544 : vector<16xi32>
      %add3A_546 = arith.addi %mul3A_359, %and3A_545 : vector<16xi32>
      %gather3A_547 = tpu.vector_load_idx %arg7[%add3A_546] : memref<16384xf32, #tpu.memory_space<vmem>>[vector<16xi32>], vector<16xf32>,
      %add3A_548 = arith.addi %mul3A_364, %and3A_545 : vector<16xi32>
      %gather3A_549 = tpu.vector_load_idx %arg8[%add3A_548] : memref<32768xf32, #tpu.memory_space<vmem>>[vector<16xi32>], vector<16xf32>,
      %sub3A_550 = arith.subf %gather3A_547, %gather3A_549 : vector<16xf32>
      %mul3A_551 = arith.mulf %sub3A_550, %sub3A_550 : vector<16xf32>
      %add3A_552 = arith.addf %add3A_536, %mul3A_551 : vector<16xf32>
      %mul3A_553 = arith.constant 16 : i32
      %mul3A_554 = arith.muli %scan3A_473, %mul3A_553 : i32
      %add3A_555 = arith.constant 5 : i32
      %add3A_556 = arith.addi %mul3A_554, %add3A_555 : i32
      %add3A_557 = vector.broadcast %add3A_556 : i32 to vector<16xi32>
      %add3A_558 = arith.addi %iota3A, %add3A_557 : vector<16xi32>
      %and3A_559 = arith.constant 127 : i32
      %and3A_560 = vector.broadcast %and3A_559 : i32 to vector<16xi32>
      %and3A_561 = arith.andi %add3A_558, %and3A_560 : vector<16xi32>
      %add3A_562 = arith.addi %mul3A_359, %and3A_561 : vector<16xi32>
      %gather3A_563 = tpu.vector_load_idx %arg7[%add3A_562] : memref<16384xf32, #tpu.memory_space<vmem>>[vector<16xi32>], vector<16xf32>,
      %add3A_564 = arith.addi %mul3A_364, %and3A_561 : vector<16xi32>
      %gather3A_565 = tpu.vector_load_idx %arg8[%add3A_564] : memref<32768xf32, #tpu.memory_space<vmem>>[vector<16xi32>], vector<16xf32>,
      %sub3A_566 = arith.subf %gather3A_563, %gather3A_565 : vector<16xf32>
      %mul3A_567 = arith.mulf %sub3A_566, %sub3A_566 : vector<16xf32>
      %add3A_568 = arith.addf %add3A_552, %mul3A_567 : vector<16xf32>
      %mul3A_569 = arith.constant 16 : i32
      %mul3A_570 = arith.muli %scan3A_473, %mul3A_569 : i32
      %add3A_571 = arith.constant 6 : i32
      %add3A_572 = arith.addi %mul3A_570, %add3A_571 : i32
      %add3A_573 = vector.broadcast %add3A_572 : i32 to vector<16xi32>
      %add3A_574 = arith.addi %iota3A, %add3A_573 : vector<16xi32>
      %and3A_575 = arith.constant 127 : i32
      %and3A_576 = vector.broadcast %and3A_575 : i32 to vector<16xi32>
      %and3A_577 = arith.andi %add3A_574, %and3A_576 : vector<16xi32>
      %add3A_578 = arith.addi %mul3A_359, %and3A_577 : vector<16xi32>
      %gather3A_579 = tpu.vector_load_idx %arg7[%add3A_578] : memref<16384xf32, #tpu.memory_space<vmem>>[vector<16xi32>], vector<16xf32>,
      %add3A_580 = arith.addi %mul3A_364, %and3A_577 : vector<16xi32>
      %gather3A_581 = tpu.vector_load_idx %arg8[%add3A_580] : memref<32768xf32, #tpu.memory_space<vmem>>[vector<16xi32>], vector<16xf32>,
      %sub3A_582 = arith.subf %gather3A_579, %gather3A_581 : vector<16xf32>
      %mul3A_583 = arith.mulf %sub3A_582, %sub3A_582 : vector<16xf32>
      %add3A_584 = arith.addf %add3A_568, %mul3A_583 : vector<16xf32>
      %mul3A_585 = arith.constant 16 : i32
      %mul3A_586 = arith.muli %scan3A_473, %mul3A_585 : i32
      %add3A_587 = arith.constant 7 : i32
      %add3A_588 = arith.addi %mul3A_586, %add3A_587 : i32
      %add3A_589 = vector.broadcast %add3A_588 : i32 to vector<16xi32>
      %add3A_590 = arith.addi %iota3A, %add3A_589 : vector<16xi32>
      %and3A_591 = arith.constant 127 : i32
      %and3A_592 = vector.broadcast %and3A_591 : i32 to vector<16xi32>
      %and3A_593 = arith.andi %add3A_590, %and3A_592 : vector<16xi32>
      %add3A_594 = arith.addi %mul3A_359, %and3A_593 : vector<16xi32>
      %gather3A_595 = tpu.vector_load_idx %arg7[%add3A_594] : memref<16384xf32, #tpu.memory_space<vmem>>[vector<16xi32>], vector<16xf32>,
      %add3A_596 = arith.addi %mul3A_364, %and3A_593 : vector<16xi32>
      %gather3A_597 = tpu.vector_load_idx %arg8[%add3A_596] : memref<32768xf32, #tpu.memory_space<vmem>>[vector<16xi32>], vector<16xf32>,
      %sub3A_598 = arith.subf %gather3A_595, %gather3A_597 : vector<16xf32>
      %mul3A_599 = arith.mulf %sub3A_598, %sub3A_598 : vector<16xf32>
      %add3A_600 = arith.addf %add3A_584, %mul3A_599 : vector<16xf32>
      %mul3A_601 = arith.constant 16 : i32
      %mul3A_602 = arith.muli %scan3A_473, %mul3A_601 : i32
      %add3A_603 = arith.constant 8 : i32
      %add3A_604 = arith.addi %mul3A_602, %add3A_603 : i32
      %add3A_605 = vector.broadcast %add3A_604 : i32 to vector<16xi32>
      %add3A_606 = arith.addi %iota3A, %add3A_605 : vector<16xi32>
      %and3A_607 = arith.constant 127 : i32
      %and3A_608 = vector.broadcast %and3A_607 : i32 to vector<16xi32>
      %and3A_609 = arith.andi %add3A_606, %and3A_608 : vector<16xi32>
      %add3A_610 = arith.addi %mul3A_359, %and3A_609 : vector<16xi32>
      %gather3A_611 = tpu.vector_load_idx %arg7[%add3A_610] : memref<16384xf32, #tpu.memory_space<vmem>>[vector<16xi32>], vector<16xf32>,
      %add3A_612 = arith.addi %mul3A_364, %and3A_609 : vector<16xi32>
      %gather3A_613 = tpu.vector_load_idx %arg8[%add3A_612] : memref<32768xf32, #tpu.memory_space<vmem>>[vector<16xi32>], vector<16xf32>,
      %sub3A_614 = arith.subf %gather3A_611, %gather3A_613 : vector<16xf32>
      %mul3A_615 = arith.mulf %sub3A_614, %sub3A_614 : vector<16xf32>
      %add3A_616 = arith.addf %add3A_600, %mul3A_615 : vector<16xf32>
      %mul3A_617 = arith.constant 16 : i32
      %mul3A_618 = arith.muli %scan3A_473, %mul3A_617 : i32
      %add3A_619 = arith.constant 9 : i32
      %add3A_620 = arith.addi %mul3A_618, %add3A_619 : i32
      %add3A_621 = vector.broadcast %add3A_620 : i32 to vector<16xi32>
      %add3A_622 = arith.addi %iota3A, %add3A_621 : vector<16xi32>
      %and3A_623 = arith.constant 127 : i32
      %and3A_624 = vector.broadcast %and3A_623 : i32 to vector<16xi32>
      %and3A_625 = arith.andi %add3A_622, %and3A_624 : vector<16xi32>
      %add3A_626 = arith.addi %mul3A_359, %and3A_625 : vector<16xi32>
      %gather3A_627 = tpu.vector_load_idx %arg7[%add3A_626] : memref<16384xf32, #tpu.memory_space<vmem>>[vector<16xi32>], vector<16xf32>,
      %add3A_628 = arith.addi %mul3A_364, %and3A_625 : vector<16xi32>
      %gather3A_629 = tpu.vector_load_idx %arg8[%add3A_628] : memref<32768xf32, #tpu.memory_space<vmem>>[vector<16xi32>], vector<16xf32>,
      %sub3A_630 = arith.subf %gather3A_627, %gather3A_629 : vector<16xf32>
      %mul3A_631 = arith.mulf %sub3A_630, %sub3A_630 : vector<16xf32>
      %add3A_632 = arith.addf %add3A_616, %mul3A_631 : vector<16xf32>
      %mul3A_633 = arith.constant 16 : i32
      %mul3A_634 = arith.muli %scan3A_473, %mul3A_633 : i32
      %add3A_635 = arith.constant 10 : i32
      %add3A_636 = arith.addi %mul3A_634, %add3A_635 : i32
      %add3A_637 = vector.broadcast %add3A_636 : i32 to vector<16xi32>
      %add3A_638 = arith.addi %iota3A, %add3A_637 : vector<16xi32>
      %and3A_639 = arith.constant 127 : i32
      %and3A_640 = vector.broadcast %and3A_639 : i32 to vector<16xi32>
      %and3A_641 = arith.andi %add3A_638, %and3A_640 : vector<16xi32>
      %add3A_642 = arith.addi %mul3A_359, %and3A_641 : vector<16xi32>
      %gather3A_643 = tpu.vector_load_idx %arg7[%add3A_642] : memref<16384xf32, #tpu.memory_space<vmem>>[vector<16xi32>], vector<16xf32>,
      %add3A_644 = arith.addi %mul3A_364, %and3A_641 : vector<16xi32>
      %gather3A_645 = tpu.vector_load_idx %arg8[%add3A_644] : memref<32768xf32, #tpu.memory_space<vmem>>[vector<16xi32>], vector<16xf32>,
      %sub3A_646 = arith.subf %gather3A_643, %gather3A_645 : vector<16xf32>
      %mul3A_647 = arith.mulf %sub3A_646, %sub3A_646 : vector<16xf32>
      %add3A_648 = arith.addf %add3A_632, %mul3A_647 : vector<16xf32>
      %mul3A_649 = arith.constant 16 : i32
      %mul3A_650 = arith.muli %scan3A_473, %mul3A_649 : i32
      %add3A_651 = arith.constant 11 : i32
      %add3A_652 = arith.addi %mul3A_650, %add3A_651 : i32
      %add3A_653 = vector.broadcast %add3A_652 : i32 to vector<16xi32>
      %add3A_654 = arith.addi %iota3A, %add3A_653 : vector<16xi32>
      %and3A_655 = arith.constant 127 : i32
      %and3A_656 = vector.broadcast %and3A_655 : i32 to vector<16xi32>
      %and3A_657 = arith.andi %add3A_654, %and3A_656 : vector<16xi32>
      %add3A_658 = arith.addi %mul3A_359, %and3A_657 : vector<16xi32>
      %gather3A_659 = tpu.vector_load_idx %arg7[%add3A_658] : memref<16384xf32, #tpu.memory_space<vmem>>[vector<16xi32>], vector<16xf32>,
      %add3A_660 = arith.addi %mul3A_364, %and3A_657 : vector<16xi32>
      %gather3A_661 = tpu.vector_load_idx %arg8[%add3A_660] : memref<32768xf32, #tpu.memory_space<vmem>>[vector<16xi32>], vector<16xf32>,
      %sub3A_662 = arith.subf %gather3A_659, %gather3A_661 : vector<16xf32>
      %mul3A_663 = arith.mulf %sub3A_662, %sub3A_662 : vector<16xf32>
      %add3A_664 = arith.addf %add3A_648, %mul3A_663 : vector<16xf32>
      %mul3A_665 = arith.constant 16 : i32
      %mul3A_666 = arith.muli %scan3A_473, %mul3A_665 : i32
      %add3A_667 = arith.constant 12 : i32
      %add3A_668 = arith.addi %mul3A_666, %add3A_667 : i32
      %add3A_669 = vector.broadcast %add3A_668 : i32 to vector<16xi32>
      %add3A_670 = arith.addi %iota3A, %add3A_669 : vector<16xi32>
      %and3A_671 = arith.constant 127 : i32
      %and3A_672 = vector.broadcast %and3A_671 : i32 to vector<16xi32>
      %and3A_673 = arith.andi %add3A_670, %and3A_672 : vector<16xi32>
      %add3A_674 = arith.addi %mul3A_359, %and3A_673 : vector<16xi32>
      %gather3A_675 = tpu.vector_load_idx %arg7[%add3A_674] : memref<16384xf32, #tpu.memory_space<vmem>>[vector<16xi32>], vector<16xf32>,
      %add3A_676 = arith.addi %mul3A_364, %and3A_673 : vector<16xi32>
      %gather3A_677 = tpu.vector_load_idx %arg8[%add3A_676] : memref<32768xf32, #tpu.memory_space<vmem>>[vector<16xi32>], vector<16xf32>,
      %sub3A_678 = arith.subf %gather3A_675, %gather3A_677 : vector<16xf32>
      %mul3A_679 = arith.mulf %sub3A_678, %sub3A_678 : vector<16xf32>
      %add3A_680 = arith.addf %add3A_664, %mul3A_679 : vector<16xf32>
      %mul3A_681 = arith.constant 16 : i32
      %mul3A_682 = arith.muli %scan3A_473, %mul3A_681 : i32
      %add3A_683 = arith.constant 13 : i32
      %add3A_684 = arith.addi %mul3A_682, %add3A_683 : i32
      %add3A_685 = vector.broadcast %add3A_684 : i32 to vector<16xi32>
      %add3A_686 = arith.addi %iota3A, %add3A_685 : vector<16xi32>
      %and3A_687 = arith.constant 127 : i32
      %and3A_688 = vector.broadcast %and3A_687 : i32 to vector<16xi32>
      %and3A_689 = arith.andi %add3A_686, %and3A_688 : vector<16xi32>
      %add3A_690 = arith.addi %mul3A_359, %and3A_689 : vector<16xi32>
      %gather3A_691 = tpu.vector_load_idx %arg7[%add3A_690] : memref<16384xf32, #tpu.memory_space<vmem>>[vector<16xi32>], vector<16xf32>,
      %add3A_692 = arith.addi %mul3A_364, %and3A_689 : vector<16xi32>
      %gather3A_693 = tpu.vector_load_idx %arg8[%add3A_692] : memref<32768xf32, #tpu.memory_space<vmem>>[vector<16xi32>], vector<16xf32>,
      %sub3A_694 = arith.subf %gather3A_691, %gather3A_693 : vector<16xf32>
      %mul3A_695 = arith.mulf %sub3A_694, %sub3A_694 : vector<16xf32>
      %add3A_696 = arith.addf %add3A_680, %mul3A_695 : vector<16xf32>
      %mul3A_697 = arith.constant 16 : i32
      %mul3A_698 = arith.muli %scan3A_473, %mul3A_697 : i32
      %add3A_699 = arith.constant 14 : i32
      %add3A_700 = arith.addi %mul3A_698, %add3A_699 : i32
      %add3A_701 = vector.broadcast %add3A_700 : i32 to vector<16xi32>
      %add3A_702 = arith.addi %iota3A, %add3A_701 : vector<16xi32>
      %and3A_703 = arith.constant 127 : i32
      %and3A_704 = vector.broadcast %and3A_703 : i32 to vector<16xi32>
      %and3A_705 = arith.andi %add3A_702, %and3A_704 : vector<16xi32>
      %add3A_706 = arith.addi %mul3A_359, %and3A_705 : vector<16xi32>
      %gather3A_707 = tpu.vector_load_idx %arg7[%add3A_706] : memref<16384xf32, #tpu.memory_space<vmem>>[vector<16xi32>], vector<16xf32>,
      %add3A_708 = arith.addi %mul3A_364, %and3A_705 : vector<16xi32>
      %gather3A_709 = tpu.vector_load_idx %arg8[%add3A_708] : memref<32768xf32, #tpu.memory_space<vmem>>[vector<16xi32>], vector<16xf32>,
      %sub3A_710 = arith.subf %gather3A_707, %gather3A_709 : vector<16xf32>
      %mul3A_711 = arith.mulf %sub3A_710, %sub3A_710 : vector<16xf32>
      %add3A_712 = arith.addf %add3A_696, %mul3A_711 : vector<16xf32>
      %mul3A_713 = arith.constant 16 : i32
      %mul3A_714 = arith.muli %scan3A_473, %mul3A_713 : i32
      %add3A_715 = arith.constant 15 : i32
      %add3A_716 = arith.addi %mul3A_714, %add3A_715 : i32
      %add3A_717 = vector.broadcast %add3A_716 : i32 to vector<16xi32>
      %add3A_718 = arith.addi %iota3A, %add3A_717 : vector<16xi32>
      %and3A_719 = arith.constant 127 : i32
      %and3A_720 = vector.broadcast %and3A_719 : i32 to vector<16xi32>
      %and3A_721 = arith.andi %add3A_718, %and3A_720 : vector<16xi32>
      %add3A_722 = arith.addi %mul3A_359, %and3A_721 : vector<16xi32>
      %gather3A_723 = tpu.vector_load_idx %arg7[%add3A_722] : memref<16384xf32, #tpu.memory_space<vmem>>[vector<16xi32>], vector<16xf32>,
      %add3A_724 = arith.addi %mul3A_364, %and3A_721 : vector<16xi32>
      %gather3A_725 = tpu.vector_load_idx %arg8[%add3A_724] : memref<32768xf32, #tpu.memory_space<vmem>>[vector<16xi32>], vector<16xf32>,
      %sub3A_726 = arith.subf %gather3A_723, %gather3A_725 : vector<16xf32>
      %mul3A_727 = arith.mulf %sub3A_726, %sub3A_726 : vector<16xf32>
      %add3A_728 = arith.addf %add3A_712, %mul3A_727 : vector<16xf32>
      scf.yield %add3A_728 : vector<16xf32>
    }
    %scan3A_372 = arith.constant 8 : i32
    %max3A_373 = arith.constant 9.99999968E-21 : f32
    %max3A_374 = vector.broadcast %max3A_373 : f32 to vector<16xf32>
    %max3A_375 = arith.maximumf %scan3A_371, %max3A_374 : vector<16xf32>
    %bitcast3A_376 = vector.bitcast %max3A_375 : vector<16xf32> to vector<16xi32>
    %shift_right_logical3A_377 = arith.constant 1 : i32
    %shift_right_logical3A_378 = vector.broadcast %shift_right_logical3A_377 : i32 to vector<16xi32>
    %shift_right_logical3A_379 = arith.shrui %bitcast3A_376, %shift_right_logical3A_378 : vector<16xi32>
    %sub3A_380 = arith.constant 1597463007 : i32
    %sub3A_381 = vector.broadcast %sub3A_380 : i32 to vector<16xi32>
    %sub3A_382 = arith.subi %sub3A_381, %shift_right_logical3A_379 : vector<16xi32>
    %bitcast3A_383 = vector.bitcast %sub3A_382 : vector<16xi32> to vector<16xf32>
    %mul3A_384 = arith.constant 5.000000e-01 : f32
    %mul3A_385 = vector.broadcast %mul3A_384 : f32 to vector<16xf32>
    %mul3A_386 = arith.mulf %mul3A_385, %max3A_375 : vector<16xf32>
    %mul3A_387 = arith.mulf %mul3A_386, %bitcast3A_383 : vector<16xf32>
    %mul3A_388 = arith.mulf %mul3A_387, %bitcast3A_383 : vector<16xf32>
    %sub3A_389 = arith.constant 1.500000e+00 : f32
    %sub3A_390 = vector.broadcast %sub3A_389 : f32 to vector<16xf32>
    %sub3A_391 = arith.subf %sub3A_390, %mul3A_388 : vector<16xf32>
    %mul3A_392 = arith.mulf %bitcast3A_383, %sub3A_391 : vector<16xf32>
    %mul3A_393 = arith.mulf %mul3A_386, %mul3A_392 : vector<16xf32>
    %mul3A_394 = arith.mulf %mul3A_393, %mul3A_392 : vector<16xf32>
    %sub3A_395 = arith.constant 1.500000e+00 : f32
    %sub3A_396 = vector.broadcast %sub3A_395 : f32 to vector<16xf32>
    %sub3A_397 = arith.subf %sub3A_396, %mul3A_394 : vector<16xf32>
    %mul3A_398 = arith.mulf %mul3A_392, %sub3A_397 : vector<16xf32>
    %mul3A_399 = arith.mulf %mul3A_386, %mul3A_398 : vector<16xf32>
    %mul3A_400 = arith.mulf %mul3A_399, %mul3A_398 : vector<16xf32>
    %sub3A_401 = arith.constant 1.500000e+00 : f32
    %sub3A_402 = vector.broadcast %sub3A_401 : f32 to vector<16xf32>
    %sub3A_403 = arith.subf %sub3A_402, %mul3A_400 : vector<16xf32>
    %mul3A_404 = arith.mulf %mul3A_398, %sub3A_403 : vector<16xf32>
    %mul3A_405 = arith.mulf %max3A_375, %mul3A_404 : vector<16xf32>
    %sub3A_406 = arith.constant 1.000000e+00 : f32
    %sub3A_407 = vector.broadcast %sub3A_406 : f32 to vector<16xf32>
    %sub3A_408 = arith.subf %sub3A_407, %mul3A_405 : vector<16xf32>
    %max3A_409 = arith.constant 0.000000e+00 : f32
    %max3A_410 = vector.broadcast %max3A_409 : f32 to vector<16xf32>
    %max3A_411 = arith.maximumf %sub3A_408, %max3A_410 : vector<16xf32>
    %add3A_412 = arith.addf %add3A_353, %max3A_411 : vector<16xf32>
    %add3A_413 = arith.constant 112 : i32
    %add3A_414 = vector.broadcast %add3A_413 : i32 to vector<16xi32>
    %add3A_415 = arith.addi %add3A_414, %iota3A : vector<16xi32>
    %mul3A_416 = arith.constant 128 : i32
    %mul3A_417 = vector.broadcast %mul3A_416 : i32 to vector<16xi32>
    %mul3A_418 = arith.muli %add3A_415, %mul3A_417 : vector<16xi32>
    %get3A_419 = arith.constant 112 : index
    %get3A_420 = tpu.vector_load %arg6[%get3A_419] {strides = array<i32>} : memref<128xi32, #tpu.memory_space<vmem>>, vector<16xi32>,
    %mul3A_421 = arith.constant 128 : i32
    %mul3A_422 = vector.broadcast %mul3A_421 : i32 to vector<16xi32>
    %mul3A_423 = arith.muli %get3A_420, %mul3A_422 : vector<16xi32>
    %broadcast_in_dim3A_424 = arith.constant 0.000000e+00 : f32
    %broadcast_in_dim3A_425 = vector.broadcast %broadcast_in_dim3A_424 : f32 to vector<16xf32>
    %scan3A_426 = arith.constant 0 : i32
    %scan3A_427 = arith.constant 8 : i32
    %scan3A_428 = arith.addi %scan3A_426, %scan3A_427 : i32
    %scan3A_429 = arith.constant 1 : i32
    %scan3A_430 = scf.for %scan3A_473 = %scan3A_426 to %scan3A_428 step %scan3A_429 iter_args(%scan3A_474 = %broadcast_in_dim3A_425) -> (vector<16xf32>)  : i32 {
      %mul3A_475 = arith.constant 16 : i32
      %mul3A_476 = arith.muli %scan3A_473, %mul3A_475 : i32
      %add3A_477 = arith.constant 0 : i32
      %add3A_478 = arith.addi %mul3A_476, %add3A_477 : i32
      %add3A_479 = vector.broadcast %add3A_478 : i32 to vector<16xi32>
      %add3A_480 = arith.addi %iota3A, %add3A_479 : vector<16xi32>
      %and3A = arith.constant 127 : i32
      %and3A_481 = vector.broadcast %and3A : i32 to vector<16xi32>
      %and3A_482 = arith.andi %add3A_480, %and3A_481 : vector<16xi32>
      %add3A_483 = arith.addi %mul3A_418, %and3A_482 : vector<16xi32>
      %gather3A = tpu.vector_load_idx %arg7[%add3A_483] : memref<16384xf32, #tpu.memory_space<vmem>>[vector<16xi32>], vector<16xf32>,
      %add3A_484 = arith.addi %mul3A_423, %and3A_482 : vector<16xi32>
      %gather3A_485 = tpu.vector_load_idx %arg8[%add3A_484] : memref<32768xf32, #tpu.memory_space<vmem>>[vector<16xi32>], vector<16xf32>,
      %sub3A_486 = arith.subf %gather3A, %gather3A_485 : vector<16xf32>
      %mul3A_487 = arith.mulf %sub3A_486, %sub3A_486 : vector<16xf32>
      %add3A_488 = arith.addf %scan3A_474, %mul3A_487 : vector<16xf32>
      %mul3A_489 = arith.constant 16 : i32
      %mul3A_490 = arith.muli %scan3A_473, %mul3A_489 : i32
      %add3A_491 = arith.constant 1 : i32
      %add3A_492 = arith.addi %mul3A_490, %add3A_491 : i32
      %add3A_493 = vector.broadcast %add3A_492 : i32 to vector<16xi32>
      %add3A_494 = arith.addi %iota3A, %add3A_493 : vector<16xi32>
      %and3A_495 = arith.constant 127 : i32
      %and3A_496 = vector.broadcast %and3A_495 : i32 to vector<16xi32>
      %and3A_497 = arith.andi %add3A_494, %and3A_496 : vector<16xi32>
      %add3A_498 = arith.addi %mul3A_418, %and3A_497 : vector<16xi32>
      %gather3A_499 = tpu.vector_load_idx %arg7[%add3A_498] : memref<16384xf32, #tpu.memory_space<vmem>>[vector<16xi32>], vector<16xf32>,
      %add3A_500 = arith.addi %mul3A_423, %and3A_497 : vector<16xi32>
      %gather3A_501 = tpu.vector_load_idx %arg8[%add3A_500] : memref<32768xf32, #tpu.memory_space<vmem>>[vector<16xi32>], vector<16xf32>,
      %sub3A_502 = arith.subf %gather3A_499, %gather3A_501 : vector<16xf32>
      %mul3A_503 = arith.mulf %sub3A_502, %sub3A_502 : vector<16xf32>
      %add3A_504 = arith.addf %add3A_488, %mul3A_503 : vector<16xf32>
      %mul3A_505 = arith.constant 16 : i32
      %mul3A_506 = arith.muli %scan3A_473, %mul3A_505 : i32
      %add3A_507 = arith.constant 2 : i32
      %add3A_508 = arith.addi %mul3A_506, %add3A_507 : i32
      %add3A_509 = vector.broadcast %add3A_508 : i32 to vector<16xi32>
      %add3A_510 = arith.addi %iota3A, %add3A_509 : vector<16xi32>
      %and3A_511 = arith.constant 127 : i32
      %and3A_512 = vector.broadcast %and3A_511 : i32 to vector<16xi32>
      %and3A_513 = arith.andi %add3A_510, %and3A_512 : vector<16xi32>
      %add3A_514 = arith.addi %mul3A_418, %and3A_513 : vector<16xi32>
      %gather3A_515 = tpu.vector_load_idx %arg7[%add3A_514] : memref<16384xf32, #tpu.memory_space<vmem>>[vector<16xi32>], vector<16xf32>,
      %add3A_516 = arith.addi %mul3A_423, %and3A_513 : vector<16xi32>
      %gather3A_517 = tpu.vector_load_idx %arg8[%add3A_516] : memref<32768xf32, #tpu.memory_space<vmem>>[vector<16xi32>], vector<16xf32>,
      %sub3A_518 = arith.subf %gather3A_515, %gather3A_517 : vector<16xf32>
      %mul3A_519 = arith.mulf %sub3A_518, %sub3A_518 : vector<16xf32>
      %add3A_520 = arith.addf %add3A_504, %mul3A_519 : vector<16xf32>
      %mul3A_521 = arith.constant 16 : i32
      %mul3A_522 = arith.muli %scan3A_473, %mul3A_521 : i32
      %add3A_523 = arith.constant 3 : i32
      %add3A_524 = arith.addi %mul3A_522, %add3A_523 : i32
      %add3A_525 = vector.broadcast %add3A_524 : i32 to vector<16xi32>
      %add3A_526 = arith.addi %iota3A, %add3A_525 : vector<16xi32>
      %and3A_527 = arith.constant 127 : i32
      %and3A_528 = vector.broadcast %and3A_527 : i32 to vector<16xi32>
      %and3A_529 = arith.andi %add3A_526, %and3A_528 : vector<16xi32>
      %add3A_530 = arith.addi %mul3A_418, %and3A_529 : vector<16xi32>
      %gather3A_531 = tpu.vector_load_idx %arg7[%add3A_530] : memref<16384xf32, #tpu.memory_space<vmem>>[vector<16xi32>], vector<16xf32>,
      %add3A_532 = arith.addi %mul3A_423, %and3A_529 : vector<16xi32>
      %gather3A_533 = tpu.vector_load_idx %arg8[%add3A_532] : memref<32768xf32, #tpu.memory_space<vmem>>[vector<16xi32>], vector<16xf32>,
      %sub3A_534 = arith.subf %gather3A_531, %gather3A_533 : vector<16xf32>
      %mul3A_535 = arith.mulf %sub3A_534, %sub3A_534 : vector<16xf32>
      %add3A_536 = arith.addf %add3A_520, %mul3A_535 : vector<16xf32>
      %mul3A_537 = arith.constant 16 : i32
      %mul3A_538 = arith.muli %scan3A_473, %mul3A_537 : i32
      %add3A_539 = arith.constant 4 : i32
      %add3A_540 = arith.addi %mul3A_538, %add3A_539 : i32
      %add3A_541 = vector.broadcast %add3A_540 : i32 to vector<16xi32>
      %add3A_542 = arith.addi %iota3A, %add3A_541 : vector<16xi32>
      %and3A_543 = arith.constant 127 : i32
      %and3A_544 = vector.broadcast %and3A_543 : i32 to vector<16xi32>
      %and3A_545 = arith.andi %add3A_542, %and3A_544 : vector<16xi32>
      %add3A_546 = arith.addi %mul3A_418, %and3A_545 : vector<16xi32>
      %gather3A_547 = tpu.vector_load_idx %arg7[%add3A_546] : memref<16384xf32, #tpu.memory_space<vmem>>[vector<16xi32>], vector<16xf32>,
      %add3A_548 = arith.addi %mul3A_423, %and3A_545 : vector<16xi32>
      %gather3A_549 = tpu.vector_load_idx %arg8[%add3A_548] : memref<32768xf32, #tpu.memory_space<vmem>>[vector<16xi32>], vector<16xf32>,
      %sub3A_550 = arith.subf %gather3A_547, %gather3A_549 : vector<16xf32>
      %mul3A_551 = arith.mulf %sub3A_550, %sub3A_550 : vector<16xf32>
      %add3A_552 = arith.addf %add3A_536, %mul3A_551 : vector<16xf32>
      %mul3A_553 = arith.constant 16 : i32
      %mul3A_554 = arith.muli %scan3A_473, %mul3A_553 : i32
      %add3A_555 = arith.constant 5 : i32
      %add3A_556 = arith.addi %mul3A_554, %add3A_555 : i32
      %add3A_557 = vector.broadcast %add3A_556 : i32 to vector<16xi32>
      %add3A_558 = arith.addi %iota3A, %add3A_557 : vector<16xi32>
      %and3A_559 = arith.constant 127 : i32
      %and3A_560 = vector.broadcast %and3A_559 : i32 to vector<16xi32>
      %and3A_561 = arith.andi %add3A_558, %and3A_560 : vector<16xi32>
      %add3A_562 = arith.addi %mul3A_418, %and3A_561 : vector<16xi32>
      %gather3A_563 = tpu.vector_load_idx %arg7[%add3A_562] : memref<16384xf32, #tpu.memory_space<vmem>>[vector<16xi32>], vector<16xf32>,
      %add3A_564 = arith.addi %mul3A_423, %and3A_561 : vector<16xi32>
      %gather3A_565 = tpu.vector_load_idx %arg8[%add3A_564] : memref<32768xf32, #tpu.memory_space<vmem>>[vector<16xi32>], vector<16xf32>,
      %sub3A_566 = arith.subf %gather3A_563, %gather3A_565 : vector<16xf32>
      %mul3A_567 = arith.mulf %sub3A_566, %sub3A_566 : vector<16xf32>
      %add3A_568 = arith.addf %add3A_552, %mul3A_567 : vector<16xf32>
      %mul3A_569 = arith.constant 16 : i32
      %mul3A_570 = arith.muli %scan3A_473, %mul3A_569 : i32
      %add3A_571 = arith.constant 6 : i32
      %add3A_572 = arith.addi %mul3A_570, %add3A_571 : i32
      %add3A_573 = vector.broadcast %add3A_572 : i32 to vector<16xi32>
      %add3A_574 = arith.addi %iota3A, %add3A_573 : vector<16xi32>
      %and3A_575 = arith.constant 127 : i32
      %and3A_576 = vector.broadcast %and3A_575 : i32 to vector<16xi32>
      %and3A_577 = arith.andi %add3A_574, %and3A_576 : vector<16xi32>
      %add3A_578 = arith.addi %mul3A_418, %and3A_577 : vector<16xi32>
      %gather3A_579 = tpu.vector_load_idx %arg7[%add3A_578] : memref<16384xf32, #tpu.memory_space<vmem>>[vector<16xi32>], vector<16xf32>,
      %add3A_580 = arith.addi %mul3A_423, %and3A_577 : vector<16xi32>
      %gather3A_581 = tpu.vector_load_idx %arg8[%add3A_580] : memref<32768xf32, #tpu.memory_space<vmem>>[vector<16xi32>], vector<16xf32>,
      %sub3A_582 = arith.subf %gather3A_579, %gather3A_581 : vector<16xf32>
      %mul3A_583 = arith.mulf %sub3A_582, %sub3A_582 : vector<16xf32>
      %add3A_584 = arith.addf %add3A_568, %mul3A_583 : vector<16xf32>
      %mul3A_585 = arith.constant 16 : i32
      %mul3A_586 = arith.muli %scan3A_473, %mul3A_585 : i32
      %add3A_587 = arith.constant 7 : i32
      %add3A_588 = arith.addi %mul3A_586, %add3A_587 : i32
      %add3A_589 = vector.broadcast %add3A_588 : i32 to vector<16xi32>
      %add3A_590 = arith.addi %iota3A, %add3A_589 : vector<16xi32>
      %and3A_591 = arith.constant 127 : i32
      %and3A_592 = vector.broadcast %and3A_591 : i32 to vector<16xi32>
      %and3A_593 = arith.andi %add3A_590, %and3A_592 : vector<16xi32>
      %add3A_594 = arith.addi %mul3A_418, %and3A_593 : vector<16xi32>
      %gather3A_595 = tpu.vector_load_idx %arg7[%add3A_594] : memref<16384xf32, #tpu.memory_space<vmem>>[vector<16xi32>], vector<16xf32>,
      %add3A_596 = arith.addi %mul3A_423, %and3A_593 : vector<16xi32>
      %gather3A_597 = tpu.vector_load_idx %arg8[%add3A_596] : memref<32768xf32, #tpu.memory_space<vmem>>[vector<16xi32>], vector<16xf32>,
      %sub3A_598 = arith.subf %gather3A_595, %gather3A_597 : vector<16xf32>
      %mul3A_599 = arith.mulf %sub3A_598, %sub3A_598 : vector<16xf32>
      %add3A_600 = arith.addf %add3A_584, %mul3A_599 : vector<16xf32>
      %mul3A_601 = arith.constant 16 : i32
      %mul3A_602 = arith.muli %scan3A_473, %mul3A_601 : i32
      %add3A_603 = arith.constant 8 : i32
      %add3A_604 = arith.addi %mul3A_602, %add3A_603 : i32
      %add3A_605 = vector.broadcast %add3A_604 : i32 to vector<16xi32>
      %add3A_606 = arith.addi %iota3A, %add3A_605 : vector<16xi32>
      %and3A_607 = arith.constant 127 : i32
      %and3A_608 = vector.broadcast %and3A_607 : i32 to vector<16xi32>
      %and3A_609 = arith.andi %add3A_606, %and3A_608 : vector<16xi32>
      %add3A_610 = arith.addi %mul3A_418, %and3A_609 : vector<16xi32>
      %gather3A_611 = tpu.vector_load_idx %arg7[%add3A_610] : memref<16384xf32, #tpu.memory_space<vmem>>[vector<16xi32>], vector<16xf32>,
      %add3A_612 = arith.addi %mul3A_423, %and3A_609 : vector<16xi32>
      %gather3A_613 = tpu.vector_load_idx %arg8[%add3A_612] : memref<32768xf32, #tpu.memory_space<vmem>>[vector<16xi32>], vector<16xf32>,
      %sub3A_614 = arith.subf %gather3A_611, %gather3A_613 : vector<16xf32>
      %mul3A_615 = arith.mulf %sub3A_614, %sub3A_614 : vector<16xf32>
      %add3A_616 = arith.addf %add3A_600, %mul3A_615 : vector<16xf32>
      %mul3A_617 = arith.constant 16 : i32
      %mul3A_618 = arith.muli %scan3A_473, %mul3A_617 : i32
      %add3A_619 = arith.constant 9 : i32
      %add3A_620 = arith.addi %mul3A_618, %add3A_619 : i32
      %add3A_621 = vector.broadcast %add3A_620 : i32 to vector<16xi32>
      %add3A_622 = arith.addi %iota3A, %add3A_621 : vector<16xi32>
      %and3A_623 = arith.constant 127 : i32
      %and3A_624 = vector.broadcast %and3A_623 : i32 to vector<16xi32>
      %and3A_625 = arith.andi %add3A_622, %and3A_624 : vector<16xi32>
      %add3A_626 = arith.addi %mul3A_418, %and3A_625 : vector<16xi32>
      %gather3A_627 = tpu.vector_load_idx %arg7[%add3A_626] : memref<16384xf32, #tpu.memory_space<vmem>>[vector<16xi32>], vector<16xf32>,
      %add3A_628 = arith.addi %mul3A_423, %and3A_625 : vector<16xi32>
      %gather3A_629 = tpu.vector_load_idx %arg8[%add3A_628] : memref<32768xf32, #tpu.memory_space<vmem>>[vector<16xi32>], vector<16xf32>,
      %sub3A_630 = arith.subf %gather3A_627, %gather3A_629 : vector<16xf32>
      %mul3A_631 = arith.mulf %sub3A_630, %sub3A_630 : vector<16xf32>
      %add3A_632 = arith.addf %add3A_616, %mul3A_631 : vector<16xf32>
      %mul3A_633 = arith.constant 16 : i32
      %mul3A_634 = arith.muli %scan3A_473, %mul3A_633 : i32
      %add3A_635 = arith.constant 10 : i32
      %add3A_636 = arith.addi %mul3A_634, %add3A_635 : i32
      %add3A_637 = vector.broadcast %add3A_636 : i32 to vector<16xi32>
      %add3A_638 = arith.addi %iota3A, %add3A_637 : vector<16xi32>
      %and3A_639 = arith.constant 127 : i32
      %and3A_640 = vector.broadcast %and3A_639 : i32 to vector<16xi32>
      %and3A_641 = arith.andi %add3A_638, %and3A_640 : vector<16xi32>
      %add3A_642 = arith.addi %mul3A_418, %and3A_641 : vector<16xi32>
      %gather3A_643 = tpu.vector_load_idx %arg7[%add3A_642] : memref<16384xf32, #tpu.memory_space<vmem>>[vector<16xi32>], vector<16xf32>,
      %add3A_644 = arith.addi %mul3A_423, %and3A_641 : vector<16xi32>
      %gather3A_645 = tpu.vector_load_idx %arg8[%add3A_644] : memref<32768xf32, #tpu.memory_space<vmem>>[vector<16xi32>], vector<16xf32>,
      %sub3A_646 = arith.subf %gather3A_643, %gather3A_645 : vector<16xf32>
      %mul3A_647 = arith.mulf %sub3A_646, %sub3A_646 : vector<16xf32>
      %add3A_648 = arith.addf %add3A_632, %mul3A_647 : vector<16xf32>
      %mul3A_649 = arith.constant 16 : i32
      %mul3A_650 = arith.muli %scan3A_473, %mul3A_649 : i32
      %add3A_651 = arith.constant 11 : i32
      %add3A_652 = arith.addi %mul3A_650, %add3A_651 : i32
      %add3A_653 = vector.broadcast %add3A_652 : i32 to vector<16xi32>
      %add3A_654 = arith.addi %iota3A, %add3A_653 : vector<16xi32>
      %and3A_655 = arith.constant 127 : i32
      %and3A_656 = vector.broadcast %and3A_655 : i32 to vector<16xi32>
      %and3A_657 = arith.andi %add3A_654, %and3A_656 : vector<16xi32>
      %add3A_658 = arith.addi %mul3A_418, %and3A_657 : vector<16xi32>
      %gather3A_659 = tpu.vector_load_idx %arg7[%add3A_658] : memref<16384xf32, #tpu.memory_space<vmem>>[vector<16xi32>], vector<16xf32>,
      %add3A_660 = arith.addi %mul3A_423, %and3A_657 : vector<16xi32>
      %gather3A_661 = tpu.vector_load_idx %arg8[%add3A_660] : memref<32768xf32, #tpu.memory_space<vmem>>[vector<16xi32>], vector<16xf32>,
      %sub3A_662 = arith.subf %gather3A_659, %gather3A_661 : vector<16xf32>
      %mul3A_663 = arith.mulf %sub3A_662, %sub3A_662 : vector<16xf32>
      %add3A_664 = arith.addf %add3A_648, %mul3A_663 : vector<16xf32>
      %mul3A_665 = arith.constant 16 : i32
      %mul3A_666 = arith.muli %scan3A_473, %mul3A_665 : i32
      %add3A_667 = arith.constant 12 : i32
      %add3A_668 = arith.addi %mul3A_666, %add3A_667 : i32
      %add3A_669 = vector.broadcast %add3A_668 : i32 to vector<16xi32>
      %add3A_670 = arith.addi %iota3A, %add3A_669 : vector<16xi32>
      %and3A_671 = arith.constant 127 : i32
      %and3A_672 = vector.broadcast %and3A_671 : i32 to vector<16xi32>
      %and3A_673 = arith.andi %add3A_670, %and3A_672 : vector<16xi32>
      %add3A_674 = arith.addi %mul3A_418, %and3A_673 : vector<16xi32>
      %gather3A_675 = tpu.vector_load_idx %arg7[%add3A_674] : memref<16384xf32, #tpu.memory_space<vmem>>[vector<16xi32>], vector<16xf32>,
      %add3A_676 = arith.addi %mul3A_423, %and3A_673 : vector<16xi32>
      %gather3A_677 = tpu.vector_load_idx %arg8[%add3A_676] : memref<32768xf32, #tpu.memory_space<vmem>>[vector<16xi32>], vector<16xf32>,
      %sub3A_678 = arith.subf %gather3A_675, %gather3A_677 : vector<16xf32>
      %mul3A_679 = arith.mulf %sub3A_678, %sub3A_678 : vector<16xf32>
      %add3A_680 = arith.addf %add3A_664, %mul3A_679 : vector<16xf32>
      %mul3A_681 = arith.constant 16 : i32
      %mul3A_682 = arith.muli %scan3A_473, %mul3A_681 : i32
      %add3A_683 = arith.constant 13 : i32
      %add3A_684 = arith.addi %mul3A_682, %add3A_683 : i32
      %add3A_685 = vector.broadcast %add3A_684 : i32 to vector<16xi32>
      %add3A_686 = arith.addi %iota3A, %add3A_685 : vector<16xi32>
      %and3A_687 = arith.constant 127 : i32
      %and3A_688 = vector.broadcast %and3A_687 : i32 to vector<16xi32>
      %and3A_689 = arith.andi %add3A_686, %and3A_688 : vector<16xi32>
      %add3A_690 = arith.addi %mul3A_418, %and3A_689 : vector<16xi32>
      %gather3A_691 = tpu.vector_load_idx %arg7[%add3A_690] : memref<16384xf32, #tpu.memory_space<vmem>>[vector<16xi32>], vector<16xf32>,
      %add3A_692 = arith.addi %mul3A_423, %and3A_689 : vector<16xi32>
      %gather3A_693 = tpu.vector_load_idx %arg8[%add3A_692] : memref<32768xf32, #tpu.memory_space<vmem>>[vector<16xi32>], vector<16xf32>,
      %sub3A_694 = arith.subf %gather3A_691, %gather3A_693 : vector<16xf32>
      %mul3A_695 = arith.mulf %sub3A_694, %sub3A_694 : vector<16xf32>
      %add3A_696 = arith.addf %add3A_680, %mul3A_695 : vector<16xf32>
      %mul3A_697 = arith.constant 16 : i32
      %mul3A_698 = arith.muli %scan3A_473, %mul3A_697 : i32
      %add3A_699 = arith.constant 14 : i32
      %add3A_700 = arith.addi %mul3A_698, %add3A_699 : i32
      %add3A_701 = vector.broadcast %add3A_700 : i32 to vector<16xi32>
      %add3A_702 = arith.addi %iota3A, %add3A_701 : vector<16xi32>
      %and3A_703 = arith.constant 127 : i32
      %and3A_704 = vector.broadcast %and3A_703 : i32 to vector<16xi32>
      %and3A_705 = arith.andi %add3A_702, %and3A_704 : vector<16xi32>
      %add3A_706 = arith.addi %mul3A_418, %and3A_705 : vector<16xi32>
      %gather3A_707 = tpu.vector_load_idx %arg7[%add3A_706] : memref<16384xf32, #tpu.memory_space<vmem>>[vector<16xi32>], vector<16xf32>,
      %add3A_708 = arith.addi %mul3A_423, %and3A_705 : vector<16xi32>
      %gather3A_709 = tpu.vector_load_idx %arg8[%add3A_708] : memref<32768xf32, #tpu.memory_space<vmem>>[vector<16xi32>], vector<16xf32>,
      %sub3A_710 = arith.subf %gather3A_707, %gather3A_709 : vector<16xf32>
      %mul3A_711 = arith.mulf %sub3A_710, %sub3A_710 : vector<16xf32>
      %add3A_712 = arith.addf %add3A_696, %mul3A_711 : vector<16xf32>
      %mul3A_713 = arith.constant 16 : i32
      %mul3A_714 = arith.muli %scan3A_473, %mul3A_713 : i32
      %add3A_715 = arith.constant 15 : i32
      %add3A_716 = arith.addi %mul3A_714, %add3A_715 : i32
      %add3A_717 = vector.broadcast %add3A_716 : i32 to vector<16xi32>
      %add3A_718 = arith.addi %iota3A, %add3A_717 : vector<16xi32>
      %and3A_719 = arith.constant 127 : i32
      %and3A_720 = vector.broadcast %and3A_719 : i32 to vector<16xi32>
      %and3A_721 = arith.andi %add3A_718, %and3A_720 : vector<16xi32>
      %add3A_722 = arith.addi %mul3A_418, %and3A_721 : vector<16xi32>
      %gather3A_723 = tpu.vector_load_idx %arg7[%add3A_722] : memref<16384xf32, #tpu.memory_space<vmem>>[vector<16xi32>], vector<16xf32>,
      %add3A_724 = arith.addi %mul3A_423, %and3A_721 : vector<16xi32>
      %gather3A_725 = tpu.vector_load_idx %arg8[%add3A_724] : memref<32768xf32, #tpu.memory_space<vmem>>[vector<16xi32>], vector<16xf32>,
      %sub3A_726 = arith.subf %gather3A_723, %gather3A_725 : vector<16xf32>
      %mul3A_727 = arith.mulf %sub3A_726, %sub3A_726 : vector<16xf32>
      %add3A_728 = arith.addf %add3A_712, %mul3A_727 : vector<16xf32>
      scf.yield %add3A_728 : vector<16xf32>
    }
    %scan3A_431 = arith.constant 8 : i32
    %max3A_432 = arith.constant 9.99999968E-21 : f32
    %max3A_433 = vector.broadcast %max3A_432 : f32 to vector<16xf32>
    %max3A_434 = arith.maximumf %scan3A_430, %max3A_433 : vector<16xf32>
    %bitcast3A_435 = vector.bitcast %max3A_434 : vector<16xf32> to vector<16xi32>
    %shift_right_logical3A_436 = arith.constant 1 : i32
    %shift_right_logical3A_437 = vector.broadcast %shift_right_logical3A_436 : i32 to vector<16xi32>
    %shift_right_logical3A_438 = arith.shrui %bitcast3A_435, %shift_right_logical3A_437 : vector<16xi32>
    %sub3A_439 = arith.constant 1597463007 : i32
    %sub3A_440 = vector.broadcast %sub3A_439 : i32 to vector<16xi32>
    %sub3A_441 = arith.subi %sub3A_440, %shift_right_logical3A_438 : vector<16xi32>
    %bitcast3A_442 = vector.bitcast %sub3A_441 : vector<16xi32> to vector<16xf32>
    %mul3A_443 = arith.constant 5.000000e-01 : f32
    %mul3A_444 = vector.broadcast %mul3A_443 : f32 to vector<16xf32>
    %mul3A_445 = arith.mulf %mul3A_444, %max3A_434 : vector<16xf32>
    %mul3A_446 = arith.mulf %mul3A_445, %bitcast3A_442 : vector<16xf32>
    %mul3A_447 = arith.mulf %mul3A_446, %bitcast3A_442 : vector<16xf32>
    %sub3A_448 = arith.constant 1.500000e+00 : f32
    %sub3A_449 = vector.broadcast %sub3A_448 : f32 to vector<16xf32>
    %sub3A_450 = arith.subf %sub3A_449, %mul3A_447 : vector<16xf32>
    %mul3A_451 = arith.mulf %bitcast3A_442, %sub3A_450 : vector<16xf32>
    %mul3A_452 = arith.mulf %mul3A_445, %mul3A_451 : vector<16xf32>
    %mul3A_453 = arith.mulf %mul3A_452, %mul3A_451 : vector<16xf32>
    %sub3A_454 = arith.constant 1.500000e+00 : f32
    %sub3A_455 = vector.broadcast %sub3A_454 : f32 to vector<16xf32>
    %sub3A_456 = arith.subf %sub3A_455, %mul3A_453 : vector<16xf32>
    %mul3A_457 = arith.mulf %mul3A_451, %sub3A_456 : vector<16xf32>
    %mul3A_458 = arith.mulf %mul3A_445, %mul3A_457 : vector<16xf32>
    %mul3A_459 = arith.mulf %mul3A_458, %mul3A_457 : vector<16xf32>
    %sub3A_460 = arith.constant 1.500000e+00 : f32
    %sub3A_461 = vector.broadcast %sub3A_460 : f32 to vector<16xf32>
    %sub3A_462 = arith.subf %sub3A_461, %mul3A_459 : vector<16xf32>
    %mul3A_463 = arith.mulf %mul3A_457, %sub3A_462 : vector<16xf32>
    %mul3A_464 = arith.mulf %max3A_434, %mul3A_463 : vector<16xf32>
    %sub3A_465 = arith.constant 1.000000e+00 : f32
    %sub3A_466 = vector.broadcast %sub3A_465 : f32 to vector<16xf32>
    %sub3A_467 = arith.subf %sub3A_466, %mul3A_464 : vector<16xf32>
    %max3A_468 = arith.constant 0.000000e+00 : f32
    %max3A_469 = vector.broadcast %max3A_468 : f32 to vector<16xf32>
    %max3A_470 = arith.maximumf %sub3A_467, %max3A_469 : vector<16xf32>
    %add3A_471 = arith.addf %add3A_412, %max3A_470 : vector<16xf32>
    %swap3A = arith.constant 0 : index
    %swap3A_472 = tpu.vector_load %arg9[%swap3A] {strides = array<i32>} : memref<16xf32, #tpu.memory_space<vmem>>, vector<16xf32>,
    tpu.vector_store %arg9[%swap3A], %add3A_471 {strides = array<i32>} : memref<16xf32, #tpu.memory_space<vmem>>, vector<16xf32>,
    "tpu.region"() ({
      %run_scoped3A = tpu.sem_alloc : memref<!tpu.dma_semaphore, #tpu.memory_space<semaphore_mem>>
      %dma_start3A = arith.constant 0 : i32
      %dma_start3A_473 = tpu.memref_slice %arg5[%add3A, %dma_start3A] : memref<32x16xf32, #tpu.memory_space<hbm>> -> memref<1x16xf32, #tpu.memory_space<hbm>>
      %dma_start3A_474 = tpu.memref_squeeze %dma_start3A_473 : memref<1x16xf32, #tpu.memory_space<hbm>> -> memref<16xf32, #tpu.memory_space<hbm>>
      %dma_start3A_475 = arith.constant 0 : i32
      %dma_start3A_476 = tpu.memref_slice %arg5[%add3A, %dma_start3A_475] : memref<32x16xf32, #tpu.memory_space<hbm>> -> memref<1x16xf32, #tpu.memory_space<hbm>>
      %dma_start3A_477 = tpu.memref_squeeze %dma_start3A_476 : memref<1x16xf32, #tpu.memory_space<hbm>> -> memref<16xf32, #tpu.memory_space<hbm>>
      tpu.enqueue_dma source(%arg9 : memref<16xf32, #tpu.memory_space<vmem>>) target(%dma_start3A_477 : memref<16xf32, #tpu.memory_space<hbm>>) target_semaphore(%run_scoped3A : memref<!tpu.dma_semaphore, #tpu.memory_space<semaphore_mem>>)
      %dma_wait3A = arith.constant 0 : i32
      %dma_wait3A_478 = tpu.memref_slice %arg5[%add3A, %dma_wait3A] : memref<32x16xf32, #tpu.memory_space<hbm>> -> memref<1x16xf32, #tpu.memory_space<hbm>>
      %dma_wait3A_479 = tpu.memref_squeeze %dma_wait3A_478 : memref<1x16xf32, #tpu.memory_space<hbm>> -> memref<16xf32, #tpu.memory_space<hbm>>
      %dma_wait3A_480 = arith.constant 0 : i32
      %dma_wait3A_481 = tpu.memref_slice %arg5[%add3A, %dma_wait3A_480] : memref<32x16xf32, #tpu.memory_space<hbm>> -> memref<1x16xf32, #tpu.memory_space<hbm>>
      %dma_wait3A_482 = tpu.memref_squeeze %dma_wait3A_481 : memref<1x16xf32, #tpu.memory_space<hbm>> -> memref<16xf32, #tpu.memory_space<hbm>>
      tpu.wait_dma2 semaphore(%run_scoped3A : memref<!tpu.dma_semaphore, #tpu.memory_space<semaphore_mem>>) src(%arg9 : memref<16xf32, #tpu.memory_space<vmem>>) dst(%dma_wait3A_482 : memref<16xf32, #tpu.memory_space<hbm>>)
      tpu.yield
    }) : () -> ()
    return
  }
}

module attributes {stable_mosaic.version = 14 : i64} {
  func.func @_tc_body(%arg0: i32, %arg1: memref<512x128xf32, #tpu.memory_space<vmem>>, %arg2: memref<256x128xf32, #tpu.memory_space<vmem>>, %arg3: memref<1x1x512xi32, #tpu.memory_space<vmem>>, %arg4: memref<1x1xf32, #tpu.memory_space<vmem>>) attributes {dimension_semantics = [#tpu.dimension_semantics<arbitrary>], iteration_bounds = array<i64: 8>, scalar_prefetch = 0 : i64, scratch_operands = 0 : i64, tpu.core_type = #tpu.core_type<tc>, window_params = [{transform_indices = @transform_0, window_bounds = array<i64: 512, 128>}, {pipeline_mode = #tpu.pipeline_mode<synchronous>, transform_indices = @transform_1, window_bounds = array<i64: 256, 128>}, {transform_indices = @transform_2, window_bounds = array<i64: 1, 1, 512>}, {pipeline_mode = #tpu.pipeline_mode<synchronous>, transform_indices = @transform_3, window_bounds = array<i64: 1, 1>}]} {
    %get3A = arith.constant 0 : index
    %get3A_0 = arith.constant 0 : index
    %get3A_1 = vector.load %arg1[%get3A, %get3A_0] : memref<512x128xf32, #tpu.memory_space<vmem>>, vector<512x128xf32>
    %get3A_2 = arith.constant 0 : index
    %get3A_3 = arith.constant 0 : index
    %get3A_4 = vector.load %arg2[%get3A_2, %get3A_3] : memref<256x128xf32, #tpu.memory_space<vmem>>, vector<256x128xf32>
    %dot_general3A = arith.constant dense<0.000000e+00> : vector<512x256xf32>
    %dot_general3A_5 = tpu.matmul %get3A_1, %get3A_4, %dot_general3A {dimension_numbers = #tpu.dot_dimension_numbers<[1], [1], [0], [0], [0, 0, 1, 0], [], []>, transpose_lhs_hint = false} : vector<512x128xf32>, vector<256x128xf32>, vector<512x256xf32> -> vector<512x256xf32>
    %mul3A = arith.mulf %get3A_1, %get3A_1 : vector<512x128xf32>
    %reduce_sum3A = arith.constant dense<0.000000e+00> : vector<512xf32>
    %reduce_sum3A_6 = vector.multi_reduction <add>, %mul3A, %reduce_sum3A [1] : vector<512x128xf32> to vector<512xf32>
    %broadcast_in_dim3A = vector.shape_cast %reduce_sum3A_6 : vector<512xf32> to vector<512x1xf32>
    %mul3A_7 = arith.mulf %get3A_4, %get3A_4 : vector<256x128xf32>
    %reduce_sum3A_8 = arith.constant dense<0.000000e+00> : vector<256xf32>
    %reduce_sum3A_9 = vector.multi_reduction <add>, %mul3A_7, %reduce_sum3A_8 [1] : vector<256x128xf32> to vector<256xf32>
    %broadcast_in_dim3A_10 = vector.shape_cast %reduce_sum3A_9 : vector<256xf32> to vector<1x256xf32>
    %add3A = vector.broadcast %broadcast_in_dim3A : vector<512x1xf32> to vector<512x256xf32>
    %add3A_11 = vector.broadcast %broadcast_in_dim3A_10 : vector<1x256xf32> to vector<512x256xf32>
    %add3A_12 = arith.addf %add3A, %add3A_11 : vector<512x256xf32>
    %mul3A_13 = arith.constant 2.000000e+00 : f32
    %mul3A_14 = vector.broadcast %mul3A_13 : f32 to vector<512x256xf32>
    %mul3A_15 = arith.mulf %mul3A_14, %dot_general3A_5 : vector<512x256xf32>
    %sub3A = arith.subf %add3A_12, %mul3A_15 : vector<512x256xf32>
    %max3A = arith.constant 0.000000e+00 : f32
    %max3A_16 = vector.broadcast %max3A : f32 to vector<512x256xf32>
    %max3A_17 = arith.maximumf %sub3A, %max3A_16 : vector<512x256xf32>
    %sqrt3A = math.sqrt %max3A_17 : vector<512x256xf32>
    %get3A_18 = arith.constant 0 : index
    %get3A_19 = arith.constant 0 : index
    %get3A_20 = arith.constant 0 : index
    %get3A_21 = vector.load %arg3[%get3A_18, %get3A_19, %get3A_20] : memref<1x1x512xi32, #tpu.memory_space<vmem>>, vector<1x1x512xi32>
    %get3A_22 = vector.shape_cast %get3A_21 : vector<1x1x512xi32> to vector<512xi32>
    %iota3A = tpu.iota {dimensions = array<i32: 1>} : vector<512x256xi32>
    %broadcast_in_dim3A_23 = vector.shape_cast %get3A_22 : vector<512xi32> to vector<512x1xi32>
    %eq3A = vector.broadcast %broadcast_in_dim3A_23 : vector<512x1xi32> to vector<512x256xi32>
    %eq3A_24 = arith.cmpi eq, %iota3A, %eq3A : vector<512x256xi32>
    %sub3A_25 = arith.constant 1.000000e+00 : f32
    %sub3A_26 = vector.broadcast %sub3A_25 : f32 to vector<512x256xf32>
    %sub3A_27 = arith.subf %sqrt3A, %sub3A_26 : vector<512x256xf32>
    %max3A_28 = arith.constant 0.000000e+00 : f32
    %max3A_29 = vector.broadcast %max3A_28 : f32 to vector<512x256xf32>
    %max3A_30 = arith.maximumf %sub3A_27, %max3A_29 : vector<512x256xf32>
    %jit3A = arith.constant 0x7F800000 : f32
    %broadcast_in_dim3A_31 = vector.broadcast %jit3A : f32 to vector<512x256xf32>
    %select_n3A = arith.select %eq3A_24, %broadcast_in_dim3A_31, %max3A_30 : vector<512x256xi1>, vector<512x256xf32>
    %reduce_sum3A_32 = vector.shape_cast %select_n3A : vector<512x256xf32> to vector<1x512x256xf32>
    %reduce_sum3A_33 = arith.constant dense<0.000000e+00> : vector<1xf32>
    %reduce_sum3A_34 = vector.multi_reduction <add>, %reduce_sum3A_32, %reduce_sum3A_33 [1, 2] : vector<1x512x256xf32> to vector<1xf32>
    %reduce_sum3A_35 = vector.shape_cast %reduce_sum3A_34 : vector<1xf32> to vector<1x1x1xf32>
    %reduce_sum3A_36 = vector.extract %reduce_sum3A_35[0, 0, 0] : f32 from vector<1x1x1xf32>
    %eq3A_37 = arith.constant 0 : i32
    %eq3A_38 = arith.cmpi eq, %arg0, %eq3A_37 : i32
    %convert_element_type3A = arith.extui %eq3A_38 : i1 to i32
    %cond3A = arith.constant 0 : i32
    %cond3A_39 = arith.cmpi ne, %convert_element_type3A, %cond3A : i32
    scf.if %cond3A_39 {
      %broadcast_in_dim3A_46 = arith.constant 0.000000e+00 : f32
      %broadcast_in_dim3A_47 = vector.broadcast %broadcast_in_dim3A_46 : f32 to vector<1x1xf32>
      %swap3A_48 = arith.constant 0 : index
      %swap3A_49 = arith.constant 0 : index
      %swap3A_50 = vector.load %arg4[%swap3A_48, %swap3A_49] : memref<1x1xf32, #tpu.memory_space<vmem>>, vector<1x1xf32>
      tpu.vector_store %arg4[%swap3A_48, %swap3A_49], %broadcast_in_dim3A_47 {strides = array<i32>} : memref<1x1xf32, #tpu.memory_space<vmem>>, vector<1x1xf32>,
    } else {
    }
    %get3A_40 = arith.constant 0 : index
    %get3A_41 = arith.constant 0 : index
    %get3A_42 = vector.load %arg4[%get3A_40, %get3A_41] : memref<1x1xf32, #tpu.memory_space<vmem>>, vector<1x1xf32>
    %reshape3A = vector.broadcast %reduce_sum3A_36 : f32 to vector<1x1xf32>
    %add3A_43 = arith.addf %get3A_42, %reshape3A : vector<1x1xf32>
    %swap3A = arith.constant 0 : index
    %swap3A_44 = arith.constant 0 : index
    %swap3A_45 = vector.load %arg4[%swap3A, %swap3A_44] : memref<1x1xf32, #tpu.memory_space<vmem>>, vector<1x1xf32>
    tpu.vector_store %arg4[%swap3A, %swap3A_44], %add3A_43 {strides = array<i32>} : memref<1x1xf32, #tpu.memory_space<vmem>>, vector<1x1xf32>,
    return
  }
  func.func @transform_0(%arg0: i32) -> (i32, i32) {
    %c0_i32 = arith.constant 0 : i32
    %c0_i32_0 = arith.constant 0 : i32
    return %arg0, %c0_i32 : i32, i32
  }
  func.func @transform_1(%arg0: i32) -> (i32, i32) {
    %c0_i32 = arith.constant 0 : i32
    %c0_i32_0 = arith.constant 0 : i32
    %c0_i32_1 = arith.constant 0 : i32
    return %c0_i32, %c0_i32_0 : i32, i32
  }
  func.func @transform_2(%arg0: i32) -> (i32, i32, i32) {
    %c0_i32 = arith.constant 0 : i32
    %c0_i32_0 = arith.constant 0 : i32
    %c0_i32_1 = arith.constant 0 : i32
    return %arg0, %c0_i32, %c0_i32_0 : i32, i32, i32
  }
  func.func @transform_3(%arg0: i32) -> (i32, i32) {
    %c0_i32 = arith.constant 0 : i32
    %c0_i32_0 = arith.constant 0 : i32
    %c0_i32_1 = arith.constant 0 : i32
    return %c0_i32, %c0_i32_0 : i32, i32
  }
}

module attributes {stable_mosaic.version = 14 : i64} {
  func.func @_combine_body(%arg0: memref<1x1xf32, #tpu.memory_space<vmem>>, %arg1: memref<32x16xf32, #tpu.memory_space<vmem>>, %arg2: memref<1x1xf32, #tpu.memory_space<vmem>>) attributes {dimension_semantics = [], scalar_prefetch = 0 : i64, scratch_operands = 0 : i64, tpu.core_type = #tpu.core_type<tc>} {
    %get3A = arith.constant 0 : index
    %get3A_0 = arith.constant 0 : index
    %get3A_1 = vector.load %arg1[%get3A, %get3A_0] : memref<32x16xf32, #tpu.memory_space<vmem>>, vector<32x16xf32>
    %reduce_sum3A = vector.shape_cast %get3A_1 : vector<32x16xf32> to vector<1x32x16xf32>
    %reduce_sum3A_2 = arith.constant dense<0.000000e+00> : vector<1xf32>
    %reduce_sum3A_3 = vector.multi_reduction <add>, %reduce_sum3A, %reduce_sum3A_2 [1, 2] : vector<1x32x16xf32> to vector<1xf32>
    %reduce_sum3A_4 = vector.shape_cast %reduce_sum3A_3 : vector<1xf32> to vector<1x1x1xf32>
    %reduce_sum3A_5 = vector.extract %reduce_sum3A_4[0, 0, 0] : f32 from vector<1x1x1xf32>
    %get3A_6 = arith.constant 0 : index
    %get3A_7 = arith.constant 0 : index
    %get3A_8 = vector.load %arg0[%get3A_6, %get3A_7] : memref<1x1xf32, #tpu.memory_space<vmem>>, vector<1x1xf32>
    %add3A = vector.broadcast %reduce_sum3A_5 : f32 to vector<1x1xf32>
    %add3A_9 = arith.addf %get3A_8, %add3A : vector<1x1xf32>
    %div3A = arith.constant 4.096000e+03 : f32
    %div3A_10 = vector.broadcast %div3A : f32 to vector<1x1xf32>
    %div3A_11 = arith.divf %add3A_9, %div3A_10 : vector<1x1xf32>
    %swap3A = arith.constant 0 : index
    %swap3A_12 = arith.constant 0 : index
    %swap3A_13 = vector.load %arg2[%swap3A, %swap3A_12] : memref<1x1xf32, #tpu.memory_space<vmem>>, vector<1x1xf32>
    tpu.vector_store %arg2[%swap3A, %swap3A_12], %div3A_11 {strides = array<i32>} : memref<1x1xf32, #tpu.memory_space<vmem>>, vector<1x1xf32>,
    return
  }
}

</mosaic_0001>

<sc_bundles>
// kernel: _run.5.cloned.1.call-start
scs
__scs_entry_jumppad:
0x0: {  	(pc) =	sbr.rel $0x88, $3  }
0x1: {  	(tag) =	ssettag $0x0;
	lr =	simm.s32 $0x1  }
0x2: {  	[smem:$0x3F9E] =	sst lr;
	_ =	strace $0xD0000000  }
0x3: {  	_ = 	snop  }
0x4: {  	_ = 	snop  }
0x5: {  	_ = 	snop  }
0x6: {  	_ = 	snop  }
0x7: {  	_ = 	snop  }
__scs_overlays_trampoline_lowered:
0x8: {  	[smem:$0x3FAD] =	sst s0  }
0x9: {  	[smem:$0x3FAE] =	sst s1  }
0xa: {  	[smem:$0x3FAF] =	sst s2  }
0xb: {  	[smem:$0x3FB0] =	sst s3  }
0xc: {  	[smem:$0x3FB1] =	sst s4  }
0xd: {  	[smem:$0x3FB2] =	sst s5  }
0xe: {  	[smem:$0x3FB3] =	sst s6  }
0xf: {  	[smem:$0x3FB4] =	sst s7  }
0x10: {  	[smem:$0x3FB5] =	sst s8  }
0x11: {  	[smem:$0x3FB6] =	sst s9;
	s0 =	simm.s32 @!p0 $0x0  }
0x12: {  	s1 =	sld [smem:$0x3F9C];
	s0 =	simm.s32 @p0 $0x1  }
0x13: {  	[smem:$0x3FB7] =	sst s0;
	s0 =	simm.s32 @!p1 $0x0  }
0x14: {  	s2 =	sld [smem:$0x3F9B];
	s0 =	simm.s32 @p1 $0x1  }
0x15: {  	[smem:$0x3FB8] =	sst s0;
	s0 =	simm.s32 @!p2 $0x0  }
0x16: {  	s3 =	sld [smem:$0x3FDB];
	s0 =	simm.s32 @p2 $0x1  }
0x17: {  	s4 =	simm.s32 $0x1BF5;
	[smem:$0x3FBA] =	sst s0  }
0x18: {  	s0 =	sld [smem:$0x3F9D];
	_ =	swait.ge [sflag:s4], $0x0  }
0x19: {  	s7 =	sld [smem:$0x3F9E]  }
0x1a: {  	s8 =	sadd.s32 $0xFFFFE003, lr  }
0x1b: {  	s9 =	sadd.s32 $0xFFFFFEF7, lr;
	s5 =	simm.s32 $0xFFFFFFFF;
	p2 =	slt.u32 s8, $0xFFFFF086  }
0x1c: {  	p1 =	slt.u32 s9, $0xF7A;
	s5 =	simm.s32 @!p2 $0x0  }
0x1d: {  	s5 =	simm.s32 @p1 $0x1;
	p0 =	seq.s32 s7, s2  }
0x1e: {  	s7 =	smul.u32 @!p0 $0xF7A, s2;
	p2 =	seq.s32 @!p0 s5, $0x0  }
0x1f: {  	s9 =	smul.u32 $0xF7A, s1;
	s8 =	simm.s32 @!p0 $0x1BF5;
	p2 =	por !p2, p0  }
0x20: {  	[sflag:s8] =	ssyncset.s32 @!p0 $0xFFFFF086;
	s6 =	sadd.s32 @!p0 s3, s7;
	s7 =	simm.s32 @!p0 $0x108  }
0x21: {  	s3 =	sadd.s32 s3, s9;
	s6 =	sadd.s32 @!p0 $0x88, s6;
	s7 =	simm.s32 @p2 $0x1082  }
0x22: {  	[simem:s7], [sflag:s8] =	dma.local @!p0 [hbm:s6], $0xF7A  }
0x23: {  	s9 =	sor.u32 $0xD0000000, s2;
	s6 =	simm.s32 $0x108;
	_ =	swait.ge @!p0 [sflag:s8], $0x0  }
0x24: {  	s3 =	sadd.s32 $0x88, s3;
	s6 =	simm.s32 @!p1 $0x1082;
	[sflag:s4] =	ssyncset.s32 $0xFFFFF086  }
0x25: {  	[simem:s6], [sflag:s4] =	dma.local [hbm:s3], $0xF7A  }
0x26: {  	[smem:$0x3F9E] =	sst s1;
	(tag) =	ssettag s2;
	_ =	strace s9  }
0x27: {  	s1 =	sld [smem:$0x3FAE]  }
0x28: {  	s2 =	sld [smem:$0x3FAF]  }
0x29: {  	s4 =	sld [smem:$0x3FB1]  }
0x2a: {  	p0 =	seq.s32 s5, $0x0;
	s5 =	sld [smem:$0x3FB2]  }
0x2b: {  	s6 =	sld [smem:$0x3FB3]  }
0x2c: {  	s7 =	sld [smem:$0x3FB4]  }
0x2d: {  	s3 =	simm.s32 $0x108;
	s8 =	sld [smem:$0x3FB5]  }
0x2e: {  	s3 =	simm.s32 @!p0 $0x1082;
	s9 =	sld [smem:$0x3FB6]  }
0x2f: {  	lr =	sadd.s32 s0, s3;
	s0 =	sld [smem:$0x3FAD]  }
0x30: {  	s3 =	sld [smem:$0x3FB0]  }
0x31: {  	[smem:$0x3FB9] =	sst s10  }
0x32: {  	s10 =	sld [smem:$0x3FB7];
	_ =	sdelay $0x3  }
0x33: {  	p0 =	seq.s32 s10, $0x1;
	s10 =	sld [smem:$0x3FB9];
	_ =	sdelay $0x3  }
0x34: {  	[smem:$0x3FB9] =	sst s10  }
0x35: {  	s10 =	sld [smem:$0x3FB8];
	_ =	sdelay $0x3  }
0x36: {  	p1 =	seq.s32 s10, $0x1;
	s10 =	sld [smem:$0x3FB9];
	_ =	sdelay $0x3  }
0x37: {  	[smem:$0x3FB9] =	sst s10  }
0x38: {  	s10 =	sld [smem:$0x3FBA]  }
0x39: {  	_ = 	snop;
	(pc) =	sbr.ind lr, $3  }
0x3a: {  	_ = 	snop  }
0x3b: {  	_ = 	snop  }
0x3c: {  	p2 =	seq.s32 s10, $0x1;
	s10 =	sld [smem:$0x3FB9]  }
0x3d: {  	_ =	shalt  }
0x3e: {  	_ =	shalt  }
0x3f: {  	_ =	shalt  }
0x40: {  	_ =	shalt  }
0x41: {  	_ =	shalt  }
0x42: {  	_ =	shalt  }
0x43: {  	_ =	shalt  }
0x44: {  	_ =	shalt  }
0x45: {  	_ =	shalt  }
0x46: {  	_ =	shalt  }
0x47: {  	_ =	shalt  }
0x48: {  	_ =	shalt  }
0x49: {  	_ =	shalt  }
0x4a: {  	_ =	shalt  }
0x4b: {  	_ =	shalt  }
0x4c: {  	_ =	shalt  }
0x4d: {  	_ =	shalt  }
0x4e: {  	_ =	shalt  }
0x4f: {  	_ =	shalt  }
0x50: {  	_ =	shalt  }
0x51: {  	_ =	shalt  }
0x52: {  	_ =	shalt  }
0x53: {  	_ =	shalt  }
0x54: {  	_ =	shalt  }
0x55: {  	_ =	shalt  }
0x56: {  	_ =	shalt  }
0x57: {  	_ =	shalt  }
0x58: {  	_ =	shalt  }
0x59: {  	_ =	shalt  }
0x5a: {  	_ =	shalt  }
0x5b: {  	_ =	shalt  }
0x5c: {  	_ =	shalt  }
0x5d: {  	_ =	shalt  }
0x5e: {  	_ =	shalt  }
0x5f: {  	_ =	shalt  }
0x60: {  	_ =	shalt  }
0x61: {  	_ =	shalt  }
0x62: {  	_ =	shalt  }
0x63: {  	_ =	shalt  }
0x64: {  	_ =	shalt  }
0x65: {  	_ =	shalt  }
0x66: {  	_ =	shalt  }
0x67: {  	_ =	shalt  }
0x68: {  	_ =	shalt  }
0x69: {  	_ =	shalt  }
0x6a: {  	_ =	shalt  }
0x6b: {  	_ =	shalt  }
0x6c: {  	_ =	shalt  }
0x6d: {  	_ =	shalt  }
0x6e: {  	_ =	shalt  }
0x6f: {  	_ =	shalt  }
0x70: {  	_ =	shalt  }
0x71: {  	_ =	shalt  }
0x72: {  	_ =	shalt  }
0x73: {  	_ =	shalt  }
0x74: {  	_ =	shalt  }
0x75: {  	_ =	shalt  }
0x76: {  	_ =	shalt  }
0x77: {  	_ =	shalt  }
0x78: {  	_ =	shalt  }
0x79: {  	_ =	shalt  }
0x7a: {  	_ =	shalt  }
0x7b: {  	_ =	shalt  }
0x7c: {  	_ =	shalt  }
0x7d: {  	_ =	shalt  }
0x7e: {  	_ =	shalt  }
0x7f: {  	_ =	shalt  }
0x80: {  	_ =	shalt  }
0x81: {  	_ =	shalt  }
0x82: {  	_ =	shalt  }
0x83: {  	_ =	shalt  }
0x84: {  	_ =	shalt  }
0x85: {  	_ =	shalt  }
0x86: {  	_ =	shalt  }
0x87: {  	_ =	shalt  }
.Lfunc_end0:
.L_simem_size_0:
called_computation_lowered:
.L_overlay_start_0:
0x88: {  	s2 =	sld [smem:$0x3FD9]  }
0x89: {  	s3 =	sld [smem:$0x3FFE];
	_ =	sdelay $0x1  }
0x8a: {  	s1 =	srdreg.scid  }
0x8b: {  	s0 =	sand.u32 $0x1, s1  }
0x8c: {  	s17 =	sshll.u32 s0, $0xA;
	s2 =	sadd.s32 s3, s2  }
0x8d: {  	s2 =	sadd.s32 s2, s17  }
0x8e: {  	[smem:$0x3FC5] =	sst s2  }
0x8f: {  	_ = 	snop  }
0x90: {  	s2 =	sld [smem:$0x3FC9]  }
0x91: {  	s18 =	sld [smem:$0x3FC8]  }
0x92: {  	s4 =	sld [smem:$0x3FC7];
	(tm) =	ssettm $0x1  }
0x93: {  	s5 =	sld [smem:$0x3FFB];
	_ =	sdelay $0x3  }
0x94: {  	_ =	strace s5  }
0x95: {  	s5 =	sld [smem:$0x3FFC];
	_ =	sdelay $0x3  }
0x96: {  	_ =	strace s5  }
0x97: {  	s5 =	sld [smem:$0x3FFD];
	_ =	sdelay $0x3  }
0x98: {  	_ =	strace s5  }
0x99: {  	_ =	strace $0x8FFFFFFF  }
0x9a: {  	s19 =	sld [smem:$0x3FDB];
	_ =	sdelay $0x1  }
0x9b: {  	s6 =	simm.s32 $_scs_section_size  }
0x9c: {  	s7 =	simm.s32 $_size__tile_overlayer_lowered;
	s8 =	simm.s32 $_tile_overlayer_lowered  }
0x9d: {  	s22 =	simm.s32 $0x1BFF;
	s21 =	sshll.u32 s8, $0x1;
	s5 =	sadd.s32 s6, s19  }
0x9e: {  	s9 =	simm.s32 $0x0;
	s20 =	sshll.u32 s7, $0x1;
	s7 =	sadd.s32 s21, s5  }
0x9f: {  	[timem:s9], [sflag:s22] =	dma.local [hbm:s7], s20  }
0xa0: {  	_ =	swait.ge [sflag:s22], s20  }
0xa1: {  	s6 =	ssub.s32 $0x0, s20;
	[sflag:s22] =	ssyncset.done $0x0  }
0xa2: {  	[sflag:s22] =	ssyncadd.s32 s6;
	_ =	sdelay $0x1  }
0xa3: {  	s23 =	simm.s32 $0x1B8B  }
0xa4: {  	_ =	swait.ge [sflag:s23], $0x1  }
0xa5: {  	[sflag:s23] =	ssyncset.done $0x0  }
0xa6: {  	s25 =	simm.s32 $0x1B8E;
	s24 =	sld [smem:$0x3FFE];
	[sflag:s23] =	ssyncadd.s32 $0xFFFFFFFF  }
0xa7: {  	s26 =	simm.s32 $execute0_lowered;
	[smem:$0x3FD2] =	sst s25  }
0xa8: {  	s7 =	sshll.u32 s26, $0x1;
	_ =	strace $0x80000046;
	[dreg:$0x1] =	wrdreg $0xFFFFFFFF  }
0xa9: {  	s28 =	simm.s32 $_size_execute0_lowered;
	s5 =	sadd.s32 s5, s7;
	[dreg:$0x0] =	wrdreg $0x0  }
0xaa: {  	s7 =	sshll.u32 s28, $0x1;
	[dreg:$0x2] =	wrdreg s5  }
0xab: {  	[dreg:$0x3] =	wrdreg s7  }
0xac: {  	[dreg:$0x4] =	wrdreg $0xC0  }
0xad: {  	_ =	task [dreg:s9], $0x5FFFF  }
0xae: {  	[dreg:$0x1] =	wrdreg $0xFFFFFFFF  }
0xaf: {  	[dreg:$0x0] =	wrdreg $0x60  }
0xb0: {  	[dreg:$0x2] =	wrdreg s2  }
0xb1: {  	[dreg:$0x3] =	wrdreg s18  }
0xb2: {  	[dreg:$0x4] =	wrdreg s4  }
0xb3: {  	[dreg:$0x5] =	wrdreg s24  }
0xb4: {  	[dreg:$0x6] =	wrdreg $0x9  }
0xb5: {  	_ =	task.clear_ibuf [dreg:s9], $0x7FFFF;
	_ =	strace $0x90000046  }
0xb6: {  	s29 =	simm.s32 $0x9;
	_ =	strace $0x80000048  }
0xb7: {  	_ =	swait.ge [sflag:s29], $0x1  }
0xb8: {  	[sflag:s29] =	ssyncadd.s32 $0xFFFFFFFF  }
0xb9: {  	_ =	strace $0x90000048  }
0xba: {  	_ =	sfence  }
0xbb: {  	s30 =	sld [smem:$0x0];
	_ =	sdelay $0x2  }
0xbc: {  	s31 =	sshll.u32 s1, $0xD;
	s1 =	sshrl.u32 s1, $0x2  }
0xbd: {  	s3 =	sand.u32 $0x4000, s31;
	s1 =	sadd.s32 s1, s30  }
0xbe: {  	s0 =	sor.u32 s3, s0;
	s1 =	sshll.u32 s1, $0x11  }
0xbf: {  	s0 =	sor.u32 s1, s0  }
0xc0: {  	s0 =	sadd.s32 $0x8F2B, s0  }
0xc1: {  	[sflag:s0] =	ssyncadd.remote.s32 $0x1  }
0xc2: {  	_ =	sfence.sel $0xFFFF  }
0xc3: {  	[dreg:$0x0] =	wrdreg $0xFFFFFFFF;
	(pc) =	sbr.abs _section_cstart, $3  }
0xc4: {  	[dreg:$0x1] =	wrdreg $0xFFFFFFFF  }
0xc5: {  	_ =	task.clear_ibuf [dreg:s9], $0x2FFFF;
	_ =	strace $0x9FFFFFFF  }
0xc6: {  	(tm) =	ssettm $0x7FFFFFFF  }
0xc7: {  	_ =	shalt  }
tec
execute0_lowered:
.L_overlay_start_1:
0x0: {  	(tag) =	ssettag $0x1  }
0x1: {  	s5 =	rddreg [dreg:$0x0]  }
0x2: {  	s4 =	rddreg [dreg:$0x1]  }
0x3: {  	s2 =	rddreg [dreg:$0x2]  }
0x4: {  	s6 =	rddreg [dreg:$0x3]  }
0x5: {  	s0 =	rddreg [dreg:$0x4]  }
0x6: {  	s7 =	srdreg.scid;
	s1 =	stileid.u32  }
0x7: {  	s3 =	simm.s32 $0x0;
	s11 =	simm.s32 $0xC080;
	s12 =	simm.s32 $0x0  }
0x8: {  	s7 =	sand.u32 $0x1, s7;
	s8 =	sshll.u32 s1, $0x1;
	[smem:$0x7FF] =	sst s3  }
0x9: {  	s8 =	sor.u32 s7, s8;
	s7 =	ssub.s32 $0x2, s7;
	_ =	strace $0x80000047  }
0xa: {  	v0 =	vlaneseq.u32;
	s9 =	sshll.u32 s8, $0x4;
	s10 =	sshrl.u32 s7, $0x1;
	s8 =	sshll.u32 s8, $0xB  }
0xb: {  	v1 =	vmul.u32 $0x81, v0;
	v2 =	vmul.u32 $0x80, v0;
	s6 =	sadd.s32 s9, s6;
	s7 =	ssub.s32 s7, s10;
	s4 =	sadd.s32 s4, s9  }
0xc: {  	s5 =	sadd.s32 s5, s8;
	s8 =	simm.s32 $0x1;
	s9 =	simm.s32 $0x4080  }
0xd: {  	v3 =	vor.u32 $0x800, v1;
	v4 =	vor.u32 $0x800, v2;
	s10 =	simm.s32 $0x80;
	s6 =	sadd.s32 $0xC00, s6;
	s7 =	smax.u32 s7, $0x1  }
.LBB2_1:
0xe: {  	[tilespmem:s3], [sflag:$0x1] =	stream.linear.gather [hbm4b:s4+s3], $0x80, $0x38;
	[tilespmem:$0xC100] =	vst v63  }
0xf: {  	_ =	swait.ge [sflag:s8], $0x80  }
0x10: {  	[sflag:s8] =	ssyncset.done $0x0  }
0x11: {  	[sflag:s8] =	ssyncadd.s32 $0xFFFFFF80  }
0x12: {  	[tilespmem:s9], [sflag:$0x1] =	stream.linear.gather [hbm4b:s2+s3], $0x8000, $0x38;
	[tilespmem:$0xC100] =	vst v63  }
0x13: {  	_ =	swait.ge [sflag:s8], $0x8000  }
0x14: {  	[sflag:s8] =	ssyncset.done $0x0  }
0x15: {  	[sflag:s8] =	ssyncadd.s32 $0xFFFF8000  }
0x16: {  	[tilespmem:s10], [sflag:$0x1] =	stream.linear.gather [hbm4b:s5+s3], $0x4000, $0x38;
	[tilespmem:$0xC100] =	vst v63  }
0x17: {  	_ =	swait.ge [sflag:s8], $0x4000  }
0x18: {  	[sflag:s8] =	ssyncset.done $0x0  }
0x19: {  	[sflag:s8] =	ssyncadd.s32 $0xFFFFC000  }
0x1a: {  	v5 =	vld [tilespmem:$0x0];
	_ =	sdelay $0x2  }
0x1b: {  	s13 =	simm.s32 $0x1  }
0x1c: {  	s14 =	simm.s32 $0x0;
	v7 =	vadd.s32 s13, v0  }
0x1d: {  	v8 =	vor.u32 s14, v1;
	v7 =	vand.u32 $0x7F, v7;
	v5 =	vshll.u32 v5, $0x7  }
0x1e: {  	v13 =	vor.u32 v2, v7;
	v6 =	vor.u32 v0, v5  }
0x1f: {  	s15 =	simm.s32 $0x2;
	v10 =	vor.u32 s14, v6  }
0x20: {  	s26 =	simm.s32 $0xE;
	v12 =	vadd.s32 s15, v0;
	v7 =	vor.u32 v5, v7  }
0x21: {  	v9 =	vimm.f32 $0.0e+00;
	s28 =	simm.s32 $0xF;
	s30 =	simm.s32 $0x3;
	v11 =	vadd.s32 s26, v0;
	v12 =	vand.u32 $0x7F, v12  }
0x22: {  	s29 =	simm.s32 $0x4;
	v14 =	vadd.s32 s28, v0;
	v16 =	vadd.s32 s30, v0;
	v17 =	vor.u32 v2, v12;
	v8 =	vld.idx.msk [tilespmem:v8+s10+$0x0], $0xffff  }
0x23: {  	s31 =	simm.s32 $0xC;
	s16 =	simm.s32 $0xD;
	v15 =	vadd.s32 s29, v0;
	v16 =	vand.u32 $0x7F, v16;
	v13 =	vld.idx.msk [tilespmem:v13+s10+$0x0], $0xffff;
	v12 =	vor.u32 v5, v12  }
0x24: {  	s17 =	simm.s32 $0xB;
	v18 =	vadd.s32 s31, v0;
	v19 =	vadd.s32 s16, v0;
	v20 =	vor.u32 v2, v16;
	v10 =	vld.idx.msk [tilespmem:v10+s9+$0x0], $0xffff  }
0x25: {  	s18 =	simm.s32 $0x5;
	s19 =	simm.s32 $0xA;
	v21 =	vadd.s32 s17, v0;
	v15 =	vand.u32 $0x7F, v15;
	v16 =	vor.u32 v5, v16;
	v7 =	vld.idx.msk [tilespmem:v7+s9+$0x0], $0xffff  }
0x26: {  	s20 =	simm.s32 $0x6;
	v22 =	vadd.s32 s18, v0;
	v24 =	vadd.s32 s19, v0;
	v23 =	vor.u32 v2, v15  }
0x27: {  	s21 =	simm.s32 $0x9;
	s22 =	simm.s32 $0x8;
	v26 =	vadd.s32 s20, v0;
	v22 =	vand.u32 $0x7F, v22;
	v17 =	vld.idx.msk [tilespmem:v17+s10+$0x0], $0xffff;
	v15 =	vor.u32 v5, v15  }
0x28: {  	v27 =	vadd.s32 s21, v0;
	v28 =	vadd.s32 s22, v0;
	v25 =	vor.u32 v2, v22;
	v12 =	vld.idx.msk [tilespmem:v12+s9+$0x0], $0xffff  }
0x29: {  	s23 =	simm.s32 $0x7;
	v26 =	vand.u32 $0x7F, v26;
	v20 =	vld.idx.msk [tilespmem:v20+s10+$0x0], $0xffff;
	v22 =	vor.u32 v5, v22;
	v8 =	vsub.f32 v8, v10  }
0x2a: {  	v29 =	vor.u32 v2, v26;
	v16 =	vld.idx.msk [tilespmem:v16+s9+$0x0], $0xffff;
	v7 =	vsub.f32 v13, v7;
	v10 =	vadd.s32 s23, v0  }
0x2b: {  	v23 =	vld.idx.msk [tilespmem:v23+s10+$0x0], $0xffff;
	v26 =	vor.u32 v5, v26;
	v10 =	vand.u32 $0x7F, v10;
	v8 =	vmul.f32 v8, v8  }
0x2c: {  	v28 =	vand.u32 $0x7F, v28;
	v13 =	vld.idx.msk [tilespmem:v15+s9+$0x0], $0xffff;
	v7 =	vmul.f32 v7, v7;
	v15 =	vor.u32 v2, v10  }
0x2d: {  	v25 =	vld.idx.msk [tilespmem:v25+s10+$0x0], $0xffff;
	v10 =	vor.u32 v5, v10;
	v8 =	vadd.f32 v8, v9;
	v9 =	vsub.f32 v17, v12  }
0x2e: {  	v27 =	vand.u32 $0x7F, v27;
	v12 =	vor.u32 v2, v28;
	v17 =	vld.idx.msk [tilespmem:v22+s9+$0x0], $0xffff;
	v22 =	vor.u32 v5, v28  }
0x2f: {  	v29 =	vld.idx.msk [tilespmem:v29+s10+$0x0], $0xffff;
	v7 =	vadd.f32 v7, v8;
	v8 =	vmul.f32 v9, v9;
	v9 =	vsub.f32 v20, v16  }
0x30: {  	v62 =	vor.u32 v2, v27;
	v16 =	vand.u32 $0x7F, v24;
	v20 =	vld.idx.msk [tilespmem:v26+s9+$0x0], $0xffff;
	v24 =	vor.u32 v5, v27  }
0x31: {  	v15 =	vld.idx.msk [tilespmem:v15+s10+$0x0], $0xffff;
	v7 =	vadd.f32 v8, v7;
	v8 =	vmul.f32 v9, v9;
	v9 =	vsub.f32 v23, v13  }
0x32: {  	v21 =	vand.u32 $0x7F, v21;
	v10 =	vld.idx.msk [tilespmem:v10+s9+$0x0], $0xffff;
	v13 =	vor.u32 v2, v16;
	v16 =	vor.u32 v5, v16  }
0x33: {  	v12 =	vld.idx.msk [tilespmem:v12+s10+$0x0], $0xffff;
	v7 =	vadd.f32 v8, v7;
	v8 =	vmul.f32 v9, v9;
	v9 =	vsub.f32 v25, v17  }
0x34: {  	v19 =	vand.u32 $0x7F, v19;
	v23 =	vor.u32 v2, v21;
	v17 =	vand.u32 $0x7F, v18;
	v18 =	vld.idx.msk [tilespmem:v22+s9+$0x0], $0xffff  }
0x35: {  	v21 =	vor.u32 v5, v21;
	v22 =	vld.idx.msk [tilespmem:v62+s10+$0x0], $0xffff;
	v7 =	vadd.f32 v8, v7;
	v8 =	vmul.f32 v9, v9  }
0x36: {  	v14 =	vand.u32 $0x7F, v14;
	v25 =	vor.u32 v2, v19;
	v24 =	vld.idx.msk [tilespmem:v24+s9+$0x0], $0xffff;
	v9 =	vsub.f32 v29, v20  }
0x37: {  	v20 =	vor.u32 v2, v17;
	v17 =	vor.u32 v5, v17;
	v13 =	vld.idx.msk [tilespmem:v13+s10+$0x0], $0xffff;
	v7 =	vadd.f32 v8, v7  }
0x38: {  	v8 =	vmul.f32 v9, v9;
	v9 =	vsub.f32 v15, v10;
	v10 =	vand.u32 $0x7F, v11;
	v11 =	vld.idx.msk [tilespmem:v16+s9+$0x0], $0xffff  }
0x39: {  	v15 =	vor.u32 v5, v19;
	v16 =	vld.idx.msk [tilespmem:v23+s10+$0x0], $0xffff;
	v23 =	vor.u32 v2, v14  }
0x3a: {  	v19 =	vld.idx.msk [tilespmem:v21+s9+$0x0], $0xffff;
	v7 =	vadd.f32 v8, v7;
	v8 =	vmul.f32 v9, v9;
	v9 =	vsub.f32 v12, v18  }
0x3b: {  	v21 =	vor.u32 v5, v10;
	v18 =	vor.u32 v2, v10;
	v12 =	vld.idx.msk [tilespmem:v25+s10+$0x0], $0xffff  }
0x3c: {  	s24 =	simm.s32 $0x1E;
	s28 =	simm.s32 $0x11;
	v22 =	vsub.f32 v22, v24;
	v20 =	vld.idx.msk [tilespmem:v20+s10+$0x0], $0xffff;
	v10 =	vadd.f32 v8, v7;
	v9 =	vmul.f32 v9, v9  }
0x3d: {  	v63 =	vadd.s32 s28, v0;
	v27 =	vor.u32 v5, v14;
	v26 =	vld.idx.msk [tilespmem:v17+s9+$0x0], $0xffff;
	v8 =	vadd.s32 s24, v0  }
0x3e: {  	s25 =	simm.s32 $0x14;
	s13 =	simm.s32 $0x1F;
	v22 =	vmul.f32 v22, v22;
	v24 =	vsub.f32 v13, v11;
	v14 =	vld.idx.msk [tilespmem:v15+s9+$0x0], $0xffff;
	v17 =	vadd.f32 v9, v10  }
0x3f: {  	v7 =	vadd.s32 s13, v0;
	v11 =	vadd.s32 s25, v0;
	v19 =	vsub.f32 v16, v19;
	v15 =	vld.idx.msk [tilespmem:v23+s10+$0x0], $0xffff  }
0x40: {  	s26 =	simm.s32 $0x1C;
	s16 =	simm.s32 $0x1D;
	s29 =	simm.s32 $0x12;
	v23 =	vand.u32 $0x7F, v63;
	v13 =	vld.idx.msk [tilespmem:v18+s10+$0x0], $0xffff;
	v18 =	vadd.f32 v22, v17;
	v22 =	vmul.f32 v24, v24  }
0x41: {  	v10 =	vadd.s32 s26, v0;
	v9 =	vadd.s32 s16, v0;
	v16 =	vld.idx.msk [tilespmem:v21+s9+$0x0], $0xffff;
	v21 =	vadd.s32 s29, v0  }
0x42: {  	s30 =	simm.s32 $0x13;
	s31 =	simm.s32 $0x10;
	v24 =	vmul.f32 v19, v19;
	v25 =	vsub.f32 v20, v26;
	v22 =	vadd.f32 v22, v18  }
0x43: {  	s14 =	simm.s32 $0x2F;
	v17 =	vadd.s32 s30, v0;
	v20 =	vor.u32 s31, v1;
	v19 =	vor.u32 s31, v6;
	v18 =	vld.idx.msk [tilespmem:v27+s9+$0x0], $0xffff  }
.LBB2_2:
0x44: {  	p0 =	sne.s32 s14, $0x7F;
	v22 =	vadd.f32 v24, v22;
	v24 =	vmul.f32 v25, v25;
	v12 =	vsub.f32 v12, v14  }
0x45: {  	v14 =	vor.u32 v2, v23;
	v23 =	vor.u32 v5, v23;
	v21 =	vand.u32 $0x7F, v21  }
0x46: {  	v13 =	vsub.f32 v13, v16;
	v22 =	vadd.f32 v24, v22;
	v12 =	vmul.f32 v12, v12  }
0x47: {  	v17 =	vand.u32 $0x7F, v17;
	v16 =	vor.u32 v2, v21;
	v21 =	vor.u32 v5, v21  }
0x48: {  	s15 =	sadd.s32 $0xFFFFFFFC, s13;
	v13 =	vmul.f32 v13, v13;
	v15 =	vsub.f32 v15, v18;
	v20 =	vld.idx.msk [tilespmem:v20+s10+$0x0], $0xffff;
	v12 =	vadd.f32 v12, v22  }
0x49: {  	v11 =	vand.u32 $0x7F, v11;
	v22 =	vadd.s32 s15, v0;
	v18 =	vld.idx.msk [tilespmem:v19+s9+$0x0], $0xffff;
	v19 =	vor.u32 v2, v17  }
0x4a: {  	s16 =	sadd.s32 $0xFFFFFFFB, s13;
	s15 =	sadd.s32 $0xFFFFFFF6, s13;
	v17 =	vor.u32 v5, v17;
	v14 =	vld.idx.msk [tilespmem:v14+s10+$0x0], $0xffff;
	v12 =	vadd.f32 v13, v12;
	v13 =	vmul.f32 v15, v15  }
0x4b: {  	v25 =	vadd.s32 s16, v0;
	v24 =	vadd.s32 s15, v0;
	v15 =	vld.idx.msk [tilespmem:v23+s9+$0x0], $0xffff;
	v23 =	vor.u32 v2, v11  }
0x4c: {  	s16 =	sadd.s32 $0xFFFFFFFA, s13;
	s15 =	sadd.s32 $0xFFFFFFF7, s13;
	v24 =	vand.u32 $0x7F, v24;
	v11 =	vor.u32 v5, v11;
	v16 =	vld.idx.msk [tilespmem:v16+s10+$0x0], $0xffff;
	v12 =	vadd.f32 v13, v12  }
0x4d: {  	v27 =	vadd.s32 s16, v0;
	v26 =	vadd.s32 s15, v0;
	s15 =	sadd.s32 $0xFFFFFFF9, s13;
	v13 =	vld.idx.msk [tilespmem:v21+s9+$0x0], $0xffff;
	v21 =	vor.u32 v2, v24  }
0x4e: {  	s16 =	sadd.s32 $0xFFFFFFF8, s13;
	s13 =	smov.u32 s14;
	v26 =	vand.u32 $0x7F, v26;
	v28 =	vadd.s32 s15, v0;
	v24 =	vor.u32 v5, v24;
	v19 =	vld.idx.msk [tilespmem:v19+s10+$0x0], $0xffff  }
0x4f: {  	v29 =	vadd.s32 s16, v0;
	v18 =	vsub.f32 v20, v18;
	v20 =	vor.u32 v2, v26;
	v17 =	vld.idx.msk [tilespmem:v17+s9+$0x0], $0xffff  }
0x50: {  	v29 =	vand.u32 $0x7F, v29;
	v28 =	vand.u32 $0x7F, v28;
	v26 =	vor.u32 v5, v26;
	v23 =	vld.idx.msk [tilespmem:v23+s10+$0x0], $0xffff  }
0x51: {  	v18 =	vmul.f32 v18, v18;
	v14 =	vsub.f32 v14, v15;
	v15 =	vor.u32 v2, v29;
	v11 =	vld.idx.msk [tilespmem:v11+s9+$0x0], $0xffff  }
0x52: {  	v27 =	vand.u32 $0x7F, v27;
	v30 =	vor.u32 v2, v28;
	v29 =	vor.u32 v5, v29;
	v21 =	vld.idx.msk [tilespmem:v21+s10+$0x0], $0xffff  }
0x53: {  	v12 =	vadd.f32 v18, v12;
	v14 =	vmul.f32 v14, v14;
	v13 =	vsub.f32 v16, v13;
	v16 =	vld.idx.msk [tilespmem:v24+s9+$0x0], $0xffff  }
0x54: {  	v25 =	vand.u32 $0x7F, v25;
	v24 =	vor.u32 v2, v27;
	v18 =	vld.idx.msk [tilespmem:v20+s10+$0x0], $0xffff;
	v20 =	vor.u32 v5, v28  }
0x55: {  	v12 =	vadd.f32 v14, v12;
	v13 =	vmul.f32 v13, v13;
	v14 =	vsub.f32 v19, v17;
	v17 =	vld.idx.msk [tilespmem:v26+s9+$0x0], $0xffff  }
0x56: {  	v22 =	vand.u32 $0x7F, v22;
	v19 =	vor.u32 v5, v27;
	v26 =	vor.u32 v2, v25;
	v15 =	vld.idx.msk [tilespmem:v15+s10+$0x0], $0xffff  }
0x57: {  	v12 =	vadd.f32 v13, v12;
	v13 =	vmul.f32 v14, v14;
	v11 =	vsub.f32 v23, v11;
	v14 =	vld.idx.msk [tilespmem:v29+s9+$0x0], $0xffff  }
0x58: {  	v10 =	vand.u32 $0x7F, v10;
	v27 =	vor.u32 v2, v22;
	v25 =	vor.u32 v5, v25;
	v23 =	vld.idx.msk [tilespmem:v30+s10+$0x0], $0xffff  }
0x59: {  	v12 =	vadd.f32 v13, v12;
	v11 =	vmul.f32 v11, v11;
	v13 =	vsub.f32 v21, v16;
	v16 =	vld.idx.msk [tilespmem:v20+s9+$0x0], $0xffff  }
0x5a: {  	v9 =	vand.u32 $0x7F, v9;
	v21 =	vor.u32 v5, v22;
	v22 =	vor.u32 v2, v10;
	v20 =	vld.idx.msk [tilespmem:v24+s10+$0x0], $0xffff  }
0x5b: {  	v11 =	vadd.f32 v11, v12;
	v12 =	vmul.f32 v13, v13;
	v13 =	vsub.f32 v18, v17;
	v17 =	vld.idx.msk [tilespmem:v19+s9+$0x0], $0xffff  }
0x5c: {  	v8 =	vand.u32 $0x7F, v8;
	v10 =	vor.u32 v5, v10;
	v19 =	vor.u32 v2, v9;
	v18 =	vld.idx.msk [tilespmem:v26+s10+$0x0], $0xffff  }
0x5d: {  	v11 =	vadd.f32 v12, v11;
	v12 =	vmul.f32 v13, v13;
	v13 =	vsub.f32 v15, v14;
	v14 =	vld.idx.msk [tilespmem:v25+s9+$0x0], $0xffff  }
0x5e: {  	v24 =	vor.u32 v2, v8;
	v9 =	vor.u32 v5, v9;
	v25 =	vand.u32 $0x7F, v7;
	v15 =	vld.idx.msk [tilespmem:v27+s10+$0x0], $0xffff  }
0x5f: {  	v7 =	vadd.f32 v12, v11;
	v11 =	vmul.f32 v13, v13;
	v12 =	vsub.f32 v23, v16;
	v16 =	vld.idx.msk [tilespmem:v21+s9+$0x0], $0xffff  }
0x60: {  	v21 =	vor.u32 v5, v8;
	v23 =	vld.idx.msk [tilespmem:v22+s10+$0x0], $0xffff;
	v22 =	vor.u32 v2, v25  }
0x61: {  	s15 =	sadd.s32 $0xFFFFFFFF, s14;
	v11 =	vadd.f32 v11, v7;
	v13 =	vmul.f32 v12, v12;
	v17 =	vsub.f32 v20, v17;
	v20 =	vld.idx.msk [tilespmem:v10+s9+$0x0], $0xffff  }
0x62: {  	v8 =	vadd.s32 s15, v0;
	v7 =	vadd.s32 s14, v0;
	v12 =	vld.idx.msk [tilespmem:v19+s10+$0x0], $0xffff;
	v19 =	vor.u32 v5, v25  }
0x63: {  	s17 =	sadd.s32 $0xFFFFFFFE, s14;
	s16 =	sadd.s32 $0xFFFFFFFD, s14;
	s15 =	sadd.s32 $0xFFFFFFF5, s14;
	v25 =	vadd.f32 v13, v11;
	v17 =	vmul.f32 v17, v17;
	v18 =	vsub.f32 v18, v14;
	v14 =	vld.idx.msk [tilespmem:v9+s9+$0x0], $0xffff  }
.Ltmp0:
0x64: {  	v10 =	vadd.s32 s16, v0;
	v11 =	vadd.s32 s15, v0;
	v9 =	vadd.s32 s17, v0;
	v13 =	vld.idx.msk [tilespmem:v24+s10+$0x0], $0xffff;
	(pc) =	sbr.rel @p0 .LBB2_2-.Ltmp0, $4  }
0x65: {  	s16 =	sadd.s32 $0xFFFFFFF3, s14;
	s15 =	sadd.s32 $0xFFFFFFF2, s14;
	s17 =	sadd.s32 $0xFFFFFFF4, s14;
	v24 =	vadd.f32 v17, v25;
	v18 =	vmul.f32 v18, v18;
	v25 =	vsub.f32 v15, v16;
	v16 =	vld.idx.msk [tilespmem:v21+s9+$0x0], $0xffff  }
0x66: {  	v26 =	vadd.s32 s15, v0;
	v17 =	vadd.s32 s17, v0;
	v21 =	vadd.s32 s16, v0;
	v15 =	vld.idx.msk [tilespmem:v22+s10+$0x0], $0xffff  }
0x67: {  	s15 =	sadd.s32 $0xFFFFFFF1, s14;
	v22 =	vadd.f32 v18, v24;
	v24 =	vmul.f32 v25, v25;
	v25 =	vsub.f32 v23, v20;
	v18 =	vld.idx.msk [tilespmem:v19+s9+$0x0], $0xffff  }
0x68: {  	s14 =	sadd.s32 $0x10, s14;
	v20 =	vor.u32 s15, v1;
	v23 =	vand.u32 $0x7F, v26;
	v19 =	vor.u32 s15, v6  }
0x69: {  	v6 =	vadd.f32 v24, v22;
	v22 =	vmul.f32 v25, v25  }
0x6a: {  	v12 =	vsub.f32 v12, v14;
	v14 =	vor.u32 v2, v23;
	v21 =	vand.u32 $0x7F, v21  }
0x6b: {  	v13 =	vsub.f32 v13, v16;
	v16 =	vor.u32 v2, v21  }
0x6c: {  	v6 =	vadd.f32 v22, v6;
	v12 =	vmul.f32 v12, v12;
	v22 =	vor.u32 v5, v23  }
0x6d: {  	v17 =	vand.u32 $0x7F, v17;
	v19 =	vld.idx.msk [tilespmem:v19+s9+$0x0], $0xffff;
	v11 =	vand.u32 $0x7F, v11;
	s15 =	sadd.s32 $0xFFFFFFFB, s13;
	v21 =	vor.u32 v5, v21  }
0x6e: {  	v24 =	vadd.s32 s15, v0;
	v23 =	vor.u32 v2, v11;
	v6 =	vadd.f32 v12, v6;
	v12 =	vld.idx.msk [tilespmem:v20+s10+$0x0], $0xffff  }
0x6f: {  	s19 =	sadd.s32 $0xFFFFFFF7, s13;
	v13 =	vmul.f32 v13, v13;
	v15 =	vsub.f32 v15, v18;
	v18 =	vor.u32 v2, v17;
	v14 =	vld.idx.msk [tilespmem:v14+s10+$0x0], $0xffff  }
0x70: {  	s18 =	sadd.s32 $0xFFFFFFF6, s13;
	v25 =	vadd.s32 s19, v0;
	v11 =	vor.u32 v5, v11;
	v17 =	vor.u32 v5, v17;
	v16 =	vld.idx.msk [tilespmem:v16+s10+$0x0], $0xffff  }
0x71: {  	s20 =	sadd.s32 $0xFFFFFFFA, s13;
	s21 =	sadd.s32 $0xFFFFFFF9, s13;
	v6 =	vadd.f32 v13, v6;
	v13 =	vmul.f32 v15, v15;
	v15 =	vadd.s32 s18, v0;
	v22 =	vld.idx.msk [tilespmem:v22+s9+$0x0], $0xffff  }
0x72: {  	s22 =	sadd.s32 $0xFFFFFFF8, s13;
	v26 =	vadd.s32 s20, v0;
	v27 =	vadd.s32 s21, v0;
	v21 =	vld.idx.msk [tilespmem:v21+s9+$0x0], $0xffff;
	v15 =	vand.u32 $0x7F, v15  }
0x73: {  	v28 =	vadd.s32 s22, v0;
	v23 =	vld.idx.msk [tilespmem:v23+s10+$0x0], $0xffff;
	v6 =	vadd.f32 v13, v6;
	v13 =	vor.u32 v2, v15  }
0x74: {  	s14 =	sadd.s32 $0xFFFFFFFC, s13;
	v25 =	vand.u32 $0x7F, v25;
	v15 =	vor.u32 v5, v15;
	v18 =	vld.idx.msk [tilespmem:v18+s10+$0x0], $0xffff;
	v12 =	vsub.f32 v12, v19  }
0x75: {  	v28 =	vand.u32 $0x7F, v28;
	v20 =	vadd.s32 s14, v0;
	v17 =	vld.idx.msk [tilespmem:v17+s9+$0x0], $0xffff;
	v19 =	vor.u32 v2, v25  }
0x76: {  	v11 =	vld.idx.msk [tilespmem:v11+s9+$0x0], $0xffff;
	v25 =	vor.u32 v5, v25;
	v12 =	vmul.f32 v12, v12;
	v14 =	vsub.f32 v14, v22  }
0x77: {  	v22 =	vand.u32 $0x7F, v27;
	v27 =	vor.u32 v2, v28;
	v28 =	vor.u32 v5, v28  }
0x78: {  	v13 =	vld.idx.msk [tilespmem:v13+s10+$0x0], $0xffff;
	v6 =	vadd.f32 v12, v6;
	v12 =	vmul.f32 v14, v14;
	v14 =	vsub.f32 v16, v21  }
0x79: {  	v15 =	vld.idx.msk [tilespmem:v15+s9+$0x0], $0xffff;
	v16 =	vor.u32 v2, v22;
	v21 =	vand.u32 $0x7F, v26;
	v22 =	vor.u32 v5, v22  }
0x7a: {  	v19 =	vld.idx.msk [tilespmem:v19+s10+$0x0], $0xffff;
	v6 =	vadd.f32 v12, v6;
	v12 =	vmul.f32 v14, v14;
	v14 =	vsub.f32 v18, v17  }
0x7b: {  	v11 =	vsub.f32 v23, v11;
	v17 =	vor.u32 v2, v21;
	v18 =	vand.u32 $0x7F, v24;
	v24 =	vld.idx.msk [tilespmem:v25+s9+$0x0], $0xffff  }
0x7c: {  	v21 =	vor.u32 v5, v21;
	v25 =	vld.idx.msk [tilespmem:v27+s10+$0x0], $0xffff;
	v6 =	vadd.f32 v12, v6;
	v12 =	vmul.f32 v14, v14  }
0x7d: {  	v20 =	vand.u32 $0x7F, v20;
	v11 =	vmul.f32 v11, v11;
	v23 =	vld.idx.msk [tilespmem:v28+s9+$0x0], $0xffff;
	v14 =	vor.u32 v2, v18  }
0x7e: {  	v18 =	vor.u32 v5, v18;
	v16 =	vld.idx.msk [tilespmem:v16+s10+$0x0], $0xffff;
	v6 =	vadd.f32 v12, v6;
	v12 =	vsub.f32 v13, v15  }
0x7f: {  	v10 =	vand.u32 $0x7F, v10;
	v13 =	vor.u32 v2, v20;
	v15 =	vld.idx.msk [tilespmem:v22+s9+$0x0], $0xffff;
	v20 =	vor.u32 v5, v20  }
0x80: {  	v17 =	vld.idx.msk [tilespmem:v17+s10+$0x0], $0xffff;
	v6 =	vadd.f32 v11, v6;
	v11 =	vmul.f32 v12, v12;
	v12 =	vsub.f32 v19, v24  }
0x81: {  	v9 =	vand.u32 $0x7F, v9;
	v21 =	vld.idx.msk [tilespmem:v21+s9+$0x0], $0xffff;
	v19 =	vor.u32 v2, v10;
	v10 =	vor.u32 v5, v10  }
0x82: {  	v14 =	vld.idx.msk [tilespmem:v14+s10+$0x0], $0xffff;
	v6 =	vadd.f32 v11, v6;
	v11 =	vmul.f32 v12, v12;
	v12 =	vsub.f32 v25, v23  }
0x83: {  	v8 =	vand.u32 $0x7F, v8;
	v22 =	vor.u32 v2, v9;
	v9 =	vor.u32 v5, v9;
	v18 =	vld.idx.msk [tilespmem:v18+s9+$0x0], $0xffff  }
0x84: {  	v13 =	vld.idx.msk [tilespmem:v13+s10+$0x0], $0xffff;
	v6 =	vadd.f32 v11, v6;
	v11 =	vmul.f32 v12, v12;
	v12 =	vsub.f32 v16, v15  }
0x85: {  	v7 =	vand.u32 $0x7F, v7;
	v15 =	vor.u32 v2, v8;
	v16 =	vld.idx.msk [tilespmem:v20+s9+$0x0], $0xffff;
	v8 =	vor.u32 v5, v8  }
0x86: {  	v19 =	vld.idx.msk [tilespmem:v19+s10+$0x0], $0xffff;
	v6 =	vadd.f32 v11, v6;
	v11 =	vmul.f32 v12, v12;
	v12 =	vsub.f32 v17, v21  }
0x87: {  	v5 =	vor.u32 v5, v7;
	v10 =	vld.idx.msk [tilespmem:v10+s9+$0x0], $0xffff;
	v17 =	vor.u32 v2, v7  }
0x88: {  	v9 =	vld.idx.msk [tilespmem:v9+s9+$0x0], $0xffff;
	v6 =	vadd.f32 v11, v6;
	v11 =	vmul.f32 v12, v12;
	v12 =	vsub.f32 v14, v18  }
0x89: {  	v7 =	vld.idx.msk [tilespmem:v22+s10+$0x0], $0xffff  }
0x8a: {  	v14 =	vld.idx.msk [tilespmem:v15+s10+$0x0], $0xffff;
	v6 =	vadd.f32 v11, v6;
	v11 =	vmul.f32 v12, v12;
	v12 =	vsub.f32 v13, v16  }
0x8b: {  	v8 =	vld.idx.msk [tilespmem:v8+s9+$0x0], $0xffff  }
0x8c: {  	v5 =	vld.idx.msk [tilespmem:v5+s9+$0x0], $0xffff;
	v10 =	vsub.f32 v19, v10;
	v6 =	vadd.f32 v11, v6;
	v11 =	vmul.f32 v12, v12  }
0x8d: {  	v13 =	vld.idx.msk [tilespmem:v17+s10+$0x0], $0xffff  }
0x8e: {  	v7 =	vsub.f32 v7, v9;
	v10 =	vmul.f32 v10, v10;
	v6 =	vadd.f32 v11, v6;
	_ =	sdelay $0x1  }
0x8f: {  	v7 =	vmul.f32 v7, v7;
	v8 =	vsub.f32 v14, v8;
	v6 =	vadd.f32 v10, v6  }
0x90: {  	v9 =	vld [tilespmem:$0x10]  }
0x91: {  	v5 =	vsub.f32 v13, v5;
	v6 =	vadd.f32 v7, v6;
	v7 =	vmul.f32 v8, v8  }
0x92: {  	s23 =	simm.s32 $0x1  }
0x93: {  	v5 =	vmul.f32 v5, v5;
	v8 =	vadd.s32 s23, v0;
	v6 =	vadd.f32 v7, v6  }
0x94: {  	v8 =	vand.u32 $0x7F, v8  }
0x95: {  	s24 =	simm.s32 $0x0;
	v14 =	vor.u32 v4, v8;
	v5 =	vadd.f32 v5, v6;
	v6 =	vshll.u32 v9, $0x7  }
0x96: {  	v9 =	vor.u32 s24, v3;
	v7 =	vor.u32 v0, v6  }
0x97: {  	s26 =	simm.s32 $0x2;
	v11 =	vor.u32 s24, v7  }
0x98: {  	s21 =	simm.s32 $0x9;
	s22 =	simm.s32 $0x8;
	v13 =	vadd.s32 s26, v0;
	v8 =	vor.u32 v6, v8  }
0x99: {  	s30 =	simm.s32 $0x3;
	v60 =	vadd.s32 s21, v0;
	v29 =	vadd.s32 s22, v0;
	v13 =	vand.u32 $0x7F, v13  }
0x9a: {  	s20 =	simm.s32 $0x6;
	v29 =	vand.u32 $0x7F, v29;
	v17 =	vadd.s32 s30, v0;
	v18 =	vor.u32 v4, v13;
	v14 =	vld.idx.msk [tilespmem:v14+s10+$0x0], $0xffff  }
0x9b: {  	s29 =	simm.s32 $0x4;
	v27 =	vadd.s32 s20, v0;
	v17 =	vand.u32 $0x7F, v17;
	v13 =	vor.u32 v6, v13;
	v9 =	vld.idx.msk [tilespmem:v9+s10+$0x0], $0xffff  }
0x9c: {  	v28 =	vand.u32 $0x7F, v60;
	v16 =	vadd.s32 s29, v0;
	v21 =	vor.u32 v4, v17;
	v11 =	vld.idx.msk [tilespmem:v11+s9+$0x0], $0xffff  }
0x9d: {  	s18 =	simm.s32 $0x5;
	v27 =	vand.u32 $0x7F, v27;
	v16 =	vand.u32 $0x7F, v16;
	v17 =	vor.u32 v6, v17;
	v8 =	vld.idx.msk [tilespmem:v8+s9+$0x0], $0xffff  }
0x9e: {  	v61 =	vor.u32 v4, v28;
	v23 =	vadd.s32 s18, v0;
	v24 =	vor.u32 v4, v16  }
0x9f: {  	s16 =	simm.s32 $0xD;
	s19 =	simm.s32 $0xA;
	v30 =	vor.u32 v4, v27;
	v23 =	vand.u32 $0x7F, v23;
	v18 =	vld.idx.msk [tilespmem:v18+s10+$0x0], $0xffff;
	v16 =	vor.u32 v6, v16  }
0xa0: {  	v25 =	vadd.s32 s19, v0;
	v20 =	vadd.s32 s16, v0;
	v26 =	vor.u32 v4, v23;
	v13 =	vld.idx.msk [tilespmem:v13+s9+$0x0], $0xffff  }
0xa1: {  	s17 =	simm.s32 $0xB;
	v20 =	vand.u32 $0x7F, v20;
	s23 =	simm.s32 $0x7;
	v21 =	vld.idx.msk [tilespmem:v21+s10+$0x0], $0xffff;
	v23 =	vor.u32 v6, v23;
	v9 =	vsub.f32 v9, v11  }
0xa2: {  	v22 =	vadd.s32 s17, v0;
	v17 =	vld.idx.msk [tilespmem:v17+s9+$0x0], $0xffff;
	v8 =	vsub.f32 v14, v8;
	v11 =	vadd.s32 s23, v0  }
0xa3: {  	v24 =	vld.idx.msk [tilespmem:v24+s10+$0x0], $0xffff;
	v27 =	vor.u32 v6, v27;
	v11 =	vand.u32 $0x7F, v11;
	v9 =	vmul.f32 v9, v9  }
0xa4: {  	v10 =	vimm.f32 $0.0e+00;
	v14 =	vld.idx.msk [tilespmem:v16+s9+$0x0], $0xffff;
	v8 =	vmul.f32 v8, v8;
	v16 =	vor.u32 v4, v11  }
0xa5: {  	v26 =	vld.idx.msk [tilespmem:v26+s10+$0x0], $0xffff;
	v11 =	vor.u32 v6, v11;
	v9 =	vadd.f32 v9, v10;
	v10 =	vsub.f32 v18, v13  }
0xa6: {  	v22 =	vand.u32 $0x7F, v22;
	v13 =	vor.u32 v4, v29;
	v18 =	vld.idx.msk [tilespmem:v23+s9+$0x0], $0xffff;
	v23 =	vor.u32 v6, v29  }
0xa7: {  	s28 =	simm.s32 $0xF;
	v30 =	vld.idx.msk [tilespmem:v30+s10+$0x0], $0xffff;
	v8 =	vadd.f32 v8, v9;
	v9 =	vmul.f32 v10, v10;
	v10 =	vsub.f32 v21, v17  }
0xa8: {  	v15 =	vadd.s32 s28, v0;
	v17 =	vand.u32 $0x7F, v25;
	v21 =	vld.idx.msk [tilespmem:v27+s9+$0x0], $0xffff;
	v25 =	vor.u32 v6, v28  }
0xa9: {  	s31 =	simm.s32 $0xC;
	v16 =	vld.idx.msk [tilespmem:v16+s10+$0x0], $0xffff;
	v8 =	vadd.f32 v9, v8;
	v9 =	vmul.f32 v10, v10;
	v10 =	vsub.f32 v24, v14  }
0xaa: {  	v19 =	vadd.s32 s31, v0;
	v11 =	vld.idx.msk [tilespmem:v11+s9+$0x0], $0xffff;
	v14 =	vor.u32 v4, v17;
	v17 =	vor.u32 v6, v17  }
0xab: {  	v13 =	vld.idx.msk [tilespmem:v13+s10+$0x0], $0xffff;
	v8 =	vadd.f32 v9, v8;
	v9 =	vmul.f32 v10, v10;
	v10 =	vsub.f32 v26, v18  }
0xac: {  	v15 =	vand.u32 $0x7F, v15;
	v24 =	vor.u32 v4, v22;
	v18 =	vand.u32 $0x7F, v19;
	v19 =	vld.idx.msk [tilespmem:v23+s9+$0x0], $0xffff  }
0xad: {  	s25 =	simm.s32 $0xE;
	v22 =	vor.u32 v6, v22;
	v23 =	vld.idx.msk [tilespmem:v61+s10+$0x0], $0xffff;
	v8 =	vadd.f32 v9, v8;
	v9 =	vmul.f32 v10, v10  }
0xae: {  	v12 =	vadd.s32 s25, v0;
	v26 =	vor.u32 v4, v20;
	v25 =	vld.idx.msk [tilespmem:v25+s9+$0x0], $0xffff;
	v10 =	vsub.f32 v30, v21  }
0xaf: {  	v21 =	vor.u32 v4, v18;
	v18 =	vor.u32 v6, v18;
	v14 =	vld.idx.msk [tilespmem:v14+s10+$0x0], $0xffff;
	v8 =	vadd.f32 v9, v8  }
0xb0: {  	v9 =	vmul.f32 v10, v10;
	v10 =	vsub.f32 v16, v11;
	v11 =	vand.u32 $0x7F, v12;
	v12 =	vld.idx.msk [tilespmem:v17+s9+$0x0], $0xffff  }
0xb1: {  	v16 =	vor.u32 v6, v20;
	v17 =	vld.idx.msk [tilespmem:v24+s10+$0x0], $0xffff;
	v24 =	vor.u32 v4, v15  }
0xb2: {  	v20 =	vld.idx.msk [tilespmem:v22+s9+$0x0], $0xffff;
	v8 =	vadd.f32 v9, v8;
	v9 =	vmul.f32 v10, v10;
	v10 =	vsub.f32 v13, v19  }
0xb3: {  	v22 =	vor.u32 v6, v11;
	v19 =	vor.u32 v4, v11;
	v13 =	vld.idx.msk [tilespmem:v26+s10+$0x0], $0xffff  }
0xb4: {  	s28 =	simm.s32 $0x11;
	s24 =	simm.s32 $0x1E;
	v23 =	vsub.f32 v23, v25;
	v21 =	vld.idx.msk [tilespmem:v21+s10+$0x0], $0xffff;
	v11 =	vadd.f32 v9, v8;
	v10 =	vmul.f32 v10, v10  }
0xb5: {  	v63 =	vadd.s32 s28, v0;
	v62 =	vor.u32 v6, v15;
	v27 =	vld.idx.msk [tilespmem:v18+s9+$0x0], $0xffff;
	v9 =	vadd.s32 s24, v0  }
0xb6: {  	s13 =	simm.s32 $0x1F;
	s25 =	simm.s32 $0x14;
	v23 =	vmul.f32 v23, v23;
	v25 =	vsub.f32 v14, v12;
	v15 =	vld.idx.msk [tilespmem:v16+s9+$0x0], $0xffff;
	v18 =	vadd.f32 v10, v11  }
0xb7: {  	v8 =	vadd.s32 s13, v0;
	v12 =	vadd.s32 s25, v0;
	v20 =	vsub.f32 v17, v20;
	v16 =	vld.idx.msk [tilespmem:v24+s10+$0x0], $0xffff  }
0xb8: {  	s16 =	simm.s32 $0x1D;
	s29 =	simm.s32 $0x12;
	s26 =	simm.s32 $0x1C;
	v24 =	vand.u32 $0x7F, v63;
	v14 =	vld.idx.msk [tilespmem:v19+s10+$0x0], $0xffff;
	v19 =	vadd.f32 v23, v18;
	v23 =	vmul.f32 v25, v25  }
0xb9: {  	v11 =	vadd.s32 s26, v0;
	v10 =	vadd.s32 s16, v0;
	v17 =	vld.idx.msk [tilespmem:v22+s9+$0x0], $0xffff;
	v22 =	vadd.s32 s29, v0  }
0xba: {  	s31 =	simm.s32 $0x10;
	s30 =	simm.s32 $0x13;
	v25 =	vmul.f32 v20, v20;
	v26 =	vsub.f32 v21, v27;
	v23 =	vadd.f32 v23, v19  }
0xbb: {  	s14 =	simm.s32 $0x2F;
	v18 =	vadd.s32 s30, v0;
	v21 =	vor.u32 s31, v3;
	v20 =	vor.u32 s31, v7;
	v19 =	vld.idx.msk [tilespmem:v62+s9+$0x0], $0xffff  }
.LBB2_4:
0xbc: {  	p0 =	sne.s32 s14, $0x7F;
	v23 =	vadd.f32 v25, v23;
	v25 =	vmul.f32 v26, v26;
	v13 =	vsub.f32 v13, v15  }
0xbd: {  	v15 =	vor.u32 v4, v24;
	v24 =	vor.u32 v6, v24;
	v22 =	vand.u32 $0x7F, v22  }
0xbe: {  	v14 =	vsub.f32 v14, v17;
	v23 =	vadd.f32 v25, v23;
	v13 =	vmul.f32 v13, v13  }
0xbf: {  	v18 =	vand.u32 $0x7F, v18;
	v17 =	vor.u32 v4, v22;
	v22 =	vor.u32 v6, v22  }
0xc0: {  	s15 =	sadd.s32 $0xFFFFFFFC, s13;
	v14 =	vmul.f32 v14, v14;
	v16 =	vsub.f32 v16, v19;
	v21 =	vld.idx.msk [tilespmem:v21+s10+$0x0], $0xffff;
	v13 =	vadd.f32 v13, v23  }
0xc1: {  	v12 =	vand.u32 $0x7F, v12;
	v23 =	vadd.s32 s15, v0;
	v19 =	vld.idx.msk [tilespmem:v20+s9+$0x0], $0xffff;
	v20 =	vor.u32 v4, v18  }
0xc2: {  	s16 =	sadd.s32 $0xFFFFFFFB, s13;
	s15 =	sadd.s32 $0xFFFFFFF6, s13;
	v18 =	vor.u32 v6, v18;
	v15 =	vld.idx.msk [tilespmem:v15+s10+$0x0], $0xffff;
	v13 =	vadd.f32 v14, v13;
	v14 =	vmul.f32 v16, v16  }
0xc3: {  	v26 =	vadd.s32 s16, v0;
	v25 =	vadd.s32 s15, v0;
	v16 =	vld.idx.msk [tilespmem:v24+s9+$0x0], $0xffff;
	v24 =	vor.u32 v4, v12  }
0xc4: {  	s16 =	sadd.s32 $0xFFFFFFFA, s13;
	s15 =	sadd.s32 $0xFFFFFFF7, s13;
	v25 =	vand.u32 $0x7F, v25;
	v12 =	vor.u32 v6, v12;
	v17 =	vld.idx.msk [tilespmem:v17+s10+$0x0], $0xffff;
	v13 =	vadd.f32 v14, v13  }
0xc5: {  	v28 =	vadd.s32 s16, v0;
	v27 =	vadd.s32 s15, v0;
	s15 =	sadd.s32 $0xFFFFFFF9, s13;
	v14 =	vld.idx.msk [tilespmem:v22+s9+$0x0], $0xffff;
	v22 =	vor.u32 v4, v25  }
0xc6: {  	s16 =	sadd.s32 $0xFFFFFFF8, s13;
	s13 =	smov.u32 s14;
	v27 =	vand.u32 $0x7F, v27;
	v29 =	vadd.s32 s15, v0;
	v25 =	vor.u32 v6, v25;
	v20 =	vld.idx.msk [tilespmem:v20+s10+$0x0], $0xffff  }
0xc7: {  	v30 =	vadd.s32 s16, v0;
	v19 =	vsub.f32 v21, v19;
	v21 =	vor.u32 v4, v27;
	v18 =	vld.idx.msk [tilespmem:v18+s9+$0x0], $0xffff  }
0xc8: {  	v30 =	vand.u32 $0x7F, v30;
	v29 =	vand.u32 $0x7F, v29;
	v27 =	vor.u32 v6, v27;
	v24 =	vld.idx.msk [tilespmem:v24+s10+$0x0], $0xffff  }
0xc9: {  	v19 =	vmul.f32 v19, v19;
	v15 =	vsub.f32 v15, v16;
	v16 =	vor.u32 v4, v30;
	v12 =	vld.idx.msk [tilespmem:v12+s9+$0x0], $0xffff  }
0xca: {  	v28 =	vand.u32 $0x7F, v28;
	v31 =	vor.u32 v4, v29;
	v30 =	vor.u32 v6, v30;
	v22 =	vld.idx.msk [tilespmem:v22+s10+$0x0], $0xffff  }
0xcb: {  	v13 =	vadd.f32 v19, v13;
	v15 =	vmul.f32 v15, v15;
	v14 =	vsub.f32 v17, v14;
	v17 =	vld.idx.msk [tilespmem:v25+s9+$0x0], $0xffff  }
0xcc: {  	v26 =	vand.u32 $0x7F, v26;
	v25 =	vor.u32 v4, v28;
	v19 =	vld.idx.msk [tilespmem:v21+s10+$0x0], $0xffff;
	v21 =	vor.u32 v6, v29  }
0xcd: {  	v13 =	vadd.f32 v15, v13;
	v14 =	vmul.f32 v14, v14;
	v15 =	vsub.f32 v20, v18;
	v18 =	vld.idx.msk [tilespmem:v27+s9+$0x0], $0xffff  }
0xce: {  	v23 =	vand.u32 $0x7F, v23;
	v20 =	vor.u32 v6, v28;
	v27 =	vor.u32 v4, v26;
	v16 =	vld.idx.msk [tilespmem:v16+s10+$0x0], $0xffff  }
0xcf: {  	v13 =	vadd.f32 v14, v13;
	v14 =	vmul.f32 v15, v15;
	v12 =	vsub.f32 v24, v12;
	v15 =	vld.idx.msk [tilespmem:v30+s9+$0x0], $0xffff  }
0xd0: {  	v11 =	vand.u32 $0x7F, v11;
	v28 =	vor.u32 v4, v23;
	v26 =	vor.u32 v6, v26;
	v24 =	vld.idx.msk [tilespmem:v31+s10+$0x0], $0xffff  }
0xd1: {  	v13 =	vadd.f32 v14, v13;
	v12 =	vmul.f32 v12, v12;
	v14 =	vsub.f32 v22, v17;
	v17 =	vld.idx.msk [tilespmem:v21+s9+$0x0], $0xffff  }
0xd2: {  	v10 =	vand.u32 $0x7F, v10;
	v22 =	vor.u32 v6, v23;
	v23 =	vor.u32 v4, v11;
	v21 =	vld.idx.msk [tilespmem:v25+s10+$0x0], $0xffff  }
0xd3: {  	v12 =	vadd.f32 v12, v13;
	v13 =	vmul.f32 v14, v14;
	v14 =	vsub.f32 v19, v18;
	v18 =	vld.idx.msk [tilespmem:v20+s9+$0x0], $0xffff  }
0xd4: {  	v9 =	vand.u32 $0x7F, v9;
	v11 =	vor.u32 v6, v11;
	v20 =	vor.u32 v4, v10;
	v19 =	vld.idx.msk [tilespmem:v27+s10+$0x0], $0xffff  }
0xd5: {  	v12 =	vadd.f32 v13, v12;
	v13 =	vmul.f32 v14, v14;
	v14 =	vsub.f32 v16, v15;
	v15 =	vld.idx.msk [tilespmem:v26+s9+$0x0], $0xffff  }
0xd6: {  	v25 =	vor.u32 v4, v9;
	v10 =	vor.u32 v6, v10;
	v26 =	vand.u32 $0x7F, v8;
	v16 =	vld.idx.msk [tilespmem:v28+s10+$0x0], $0xffff  }
0xd7: {  	v8 =	vadd.f32 v13, v12;
	v12 =	vmul.f32 v14, v14;
	v13 =	vsub.f32 v24, v17;
	v17 =	vld.idx.msk [tilespmem:v22+s9+$0x0], $0xffff  }
0xd8: {  	v22 =	vor.u32 v6, v9;
	v24 =	vld.idx.msk [tilespmem:v23+s10+$0x0], $0xffff;
	v23 =	vor.u32 v4, v26  }
0xd9: {  	s15 =	sadd.s32 $0xFFFFFFFF, s14;
	v12 =	vadd.f32 v12, v8;
	v14 =	vmul.f32 v13, v13;
	v18 =	vsub.f32 v21, v18;
	v21 =	vld.idx.msk [tilespmem:v11+s9+$0x0], $0xffff  }
0xda: {  	v9 =	vadd.s32 s15, v0;
	v8 =	vadd.s32 s14, v0;
	v13 =	vld.idx.msk [tilespmem:v20+s10+$0x0], $0xffff;
	v20 =	vor.u32 v6, v26  }
0xdb: {  	s17 =	sadd.s32 $0xFFFFFFFE, s14;
	s16 =	sadd.s32 $0xFFFFFFFD, s14;
	s15 =	sadd.s32 $0xFFFFFFF5, s14;
	v26 =	vadd.f32 v14, v12;
	v18 =	vmul.f32 v18, v18;
	v19 =	vsub.f32 v19, v15;
	v15 =	vld.idx.msk [tilespmem:v10+s9+$0x0], $0xffff  }
.Ltmp1:
0xdc: {  	v11 =	vadd.s32 s16, v0;
	v12 =	vadd.s32 s15, v0;
	v10 =	vadd.s32 s17, v0;
	v14 =	vld.idx.msk [tilespmem:v25+s10+$0x0], $0xffff;
	(pc) =	sbr.rel @p0 .LBB2_4-.Ltmp1, $4  }
0xdd: {  	s16 =	sadd.s32 $0xFFFFFFF3, s14;
	s15 =	sadd.s32 $0xFFFFFFF2, s14;
	s17 =	sadd.s32 $0xFFFFFFF4, s14;
	v25 =	vadd.f32 v18, v26;
	v19 =	vmul.f32 v19, v19;
	v26 =	vsub.f32 v16, v17;
	v17 =	vld.idx.msk [tilespmem:v22+s9+$0x0], $0xffff  }
0xde: {  	v27 =	vadd.s32 s15, v0;
	v18 =	vadd.s32 s17, v0;
	v22 =	vadd.s32 s16, v0;
	v16 =	vld.idx.msk [tilespmem:v23+s10+$0x0], $0xffff  }
0xdf: {  	s15 =	sadd.s32 $0xFFFFFFF1, s14;
	v23 =	vadd.f32 v19, v25;
	v25 =	vmul.f32 v26, v26;
	v26 =	vsub.f32 v24, v21;
	v19 =	vld.idx.msk [tilespmem:v20+s9+$0x0], $0xffff  }
0xe0: {  	s14 =	sadd.s32 $0x10, s14;
	v21 =	vor.u32 s15, v3;
	v24 =	vand.u32 $0x7F, v27;
	v20 =	vor.u32 s15, v7  }
0xe1: {  	v7 =	vadd.f32 v25, v23;
	v23 =	vmul.f32 v26, v26  }
0xe2: {  	v13 =	vsub.f32 v13, v15;
	v15 =	vor.u32 v4, v24;
	v22 =	vand.u32 $0x7F, v22  }
0xe3: {  	v14 =	vsub.f32 v14, v17;
	v17 =	vor.u32 v4, v22  }
0xe4: {  	v7 =	vadd.f32 v23, v7;
	v13 =	vmul.f32 v13, v13;
	v23 =	vor.u32 v6, v24  }
0xe5: {  	v18 =	vand.u32 $0x7F, v18;
	v20 =	vld.idx.msk [tilespmem:v20+s9+$0x0], $0xffff;
	v12 =	vand.u32 $0x7F, v12;
	s15 =	sadd.s32 $0xFFFFFFFB, s13;
	v22 =	vor.u32 v6, v22  }
0xe6: {  	v25 =	vadd.s32 s15, v0;
	v24 =	vor.u32 v4, v12;
	v7 =	vadd.f32 v13, v7;
	v13 =	vld.idx.msk [tilespmem:v21+s10+$0x0], $0xffff  }
0xe7: {  	s23 =	sadd.s32 $0xFFFFFFF7, s13;
	v14 =	vmul.f32 v14, v14;
	v16 =	vsub.f32 v16, v19;
	v19 =	vor.u32 v4, v18;
	v15 =	vld.idx.msk [tilespmem:v15+s10+$0x0], $0xffff  }
0xe8: {  	s22 =	sadd.s32 $0xFFFFFFF6, s13;
	v26 =	vadd.s32 s23, v0;
	v12 =	vor.u32 v6, v12;
	v18 =	vor.u32 v6, v18;
	v17 =	vld.idx.msk [tilespmem:v17+s10+$0x0], $0xffff  }
0xe9: {  	s24 =	sadd.s32 $0xFFFFFFFA, s13;
	s26 =	sadd.s32 $0xFFFFFFF8, s13;
	v7 =	vadd.f32 v14, v7;
	v14 =	vmul.f32 v16, v16;
	v16 =	vadd.s32 s22, v0;
	v23 =	vld.idx.msk [tilespmem:v23+s9+$0x0], $0xffff  }
0xea: {  	v27 =	vadd.s32 s24, v0;
	v29 =	vadd.s32 s26, v0;
	v22 =	vld.idx.msk [tilespmem:v22+s9+$0x0], $0xffff;
	v16 =	vand.u32 $0x7F, v16  }
0xeb: {  	v26 =	vand.u32 $0x7F, v26;
	v24 =	vld.idx.msk [tilespmem:v24+s10+$0x0], $0xffff;
	v7 =	vadd.f32 v14, v7;
	v14 =	vor.u32 v4, v16  }
0xec: {  	s25 =	sadd.s32 $0xFFFFFFF9, s13;
	v29 =	vand.u32 $0x7F, v29;
	v16 =	vor.u32 v6, v16;
	v19 =	vld.idx.msk [tilespmem:v19+s10+$0x0], $0xffff;
	v13 =	vsub.f32 v13, v20  }
0xed: {  	v28 =	vadd.s32 s25, v0;
	v53 =	vor.u32 v4, v29;
	v18 =	vld.idx.msk [tilespmem:v18+s9+$0x0], $0xffff;
	v20 =	vor.u32 v4, v26  }
0xee: {  	s14 =	sadd.s32 $0xFFFFFFFC, s13;
	v12 =	vld.idx.msk [tilespmem:v12+s9+$0x0], $0xffff;
	v26 =	vor.u32 v6, v26;
	v13 =	vmul.f32 v13, v13;
	v15 =	vsub.f32 v15, v23  }
0xef: {  	v29 =	vor.u32 v6, v29;
	v21 =	vadd.s32 s14, v0;
	v23 =	vand.u32 $0x7F, v28  }
0xf0: {  	v14 =	vld.idx.msk [tilespmem:v14+s10+$0x0], $0xffff;
	v7 =	vadd.f32 v13, v7;
	v13 =	vmul.f32 v15, v15;
	v15 =	vsub.f32 v17, v22  }
0xf1: {  	v16 =	vld.idx.msk [tilespmem:v16+s9+$0x0], $0xffff;
	v17 =	vor.u32 v4, v23;
	v22 =	vand.u32 $0x7F, v27;
	v23 =	vor.u32 v6, v23  }
0xf2: {  	v20 =	vld.idx.msk [tilespmem:v20+s10+$0x0], $0xffff;
	v7 =	vadd.f32 v13, v7;
	v13 =	vmul.f32 v15, v15;
	v15 =	vsub.f32 v19, v18  }
0xf3: {  	v12 =	vsub.f32 v24, v12;
	v18 =	vor.u32 v4, v22;
	v19 =	vand.u32 $0x7F, v25;
	v25 =	vld.idx.msk [tilespmem:v26+s9+$0x0], $0xffff  }
0xf4: {  	v24 =	vld.idx.msk [tilespmem:v29+s9+$0x0], $0xffff;
	v22 =	vor.u32 v6, v22;
	v7 =	vadd.f32 v13, v7;
	v13 =	vmul.f32 v15, v15  }
0xf5: {  	v21 =	vand.u32 $0x7F, v21;
	v12 =	vmul.f32 v12, v12;
	v26 =	vld.idx.msk [tilespmem:v53+s10+$0x0], $0xffff;
	v15 =	vor.u32 v4, v19  }
0xf6: {  	v19 =	vor.u32 v6, v19;
	v17 =	vld.idx.msk [tilespmem:v17+s10+$0x0], $0xffff;
	v7 =	vadd.f32 v13, v7;
	v13 =	vsub.f32 v14, v16  }
0xf7: {  	v11 =	vand.u32 $0x7F, v11;
	v14 =	vor.u32 v4, v21;
	v16 =	vld.idx.msk [tilespmem:v23+s9+$0x0], $0xffff;
	v21 =	vor.u32 v6, v21  }
0xf8: {  	v18 =	vld.idx.msk [tilespmem:v18+s10+$0x0], $0xffff;
	v7 =	vadd.f32 v12, v7;
	v12 =	vmul.f32 v13, v13;
	v13 =	vsub.f32 v20, v25  }
0xf9: {  	v10 =	vand.u32 $0x7F, v10;
	v22 =	vld.idx.msk [tilespmem:v22+s9+$0x0], $0xffff;
	v20 =	vor.u32 v4, v11;
	v11 =	vor.u32 v6, v11  }
0xfa: {  	v15 =	vld.idx.msk [tilespmem:v15+s10+$0x0], $0xffff;
	v7 =	vadd.f32 v12, v7;
	v12 =	vmul.f32 v13, v13;
	v13 =	vsub.f32 v26, v24  }
0xfb: {  	v9 =	vand.u32 $0x7F, v9;
	v23 =	vor.u32 v4, v10;
	v10 =	vor.u32 v6, v10;
	v19 =	vld.idx.msk [tilespmem:v19+s9+$0x0], $0xffff  }
0xfc: {  	v14 =	vld.idx.msk [tilespmem:v14+s10+$0x0], $0xffff;
	v7 =	vadd.f32 v12, v7;
	v12 =	vmul.f32 v13, v13;
	v13 =	vsub.f32 v17, v16  }
0xfd: {  	v8 =	vand.u32 $0x7F, v8;
	v16 =	vor.u32 v4, v9;
	v17 =	vld.idx.msk [tilespmem:v21+s9+$0x0], $0xffff;
	v9 =	vor.u32 v6, v9  }
0xfe: {  	v20 =	vld.idx.msk [tilespmem:v20+s10+$0x0], $0xffff;
	v7 =	vadd.f32 v12, v7;
	v12 =	vmul.f32 v13, v13;
	v13 =	vsub.f32 v18, v22  }
0xff: {  	v6 =	vor.u32 v6, v8;
	v11 =	vld.idx.msk [tilespmem:v11+s9+$0x0], $0xffff  }
0x100: {  	v21 =	vld.idx.msk [tilespmem:v23+s10+$0x0], $0xffff;
	v7 =	vadd.f32 v12, v7;
	v12 =	vmul.f32 v13, v13;
	v13 =	vsub.f32 v15, v19  }
0x101: {  	v18 =	vor.u32 v4, v8;
	v8 =	vld.idx.msk [tilespmem:v10+s9+$0x0], $0xffff  }
0x102: {  	v10 =	vld.idx.msk [tilespmem:v16+s10+$0x0], $0xffff;
	v7 =	vadd.f32 v12, v7;
	v12 =	vmul.f32 v13, v13;
	v13 =	vsub.f32 v14, v17  }
0x103: {  	v9 =	vld.idx.msk [tilespmem:v9+s9+$0x0], $0xffff  }
0x104: {  	v11 =	vsub.f32 v20, v11;
	v7 =	vadd.f32 v12, v7;
	v12 =	vmul.f32 v13, v13  }
0x105: {  	v6 =	vld.idx.msk [tilespmem:v6+s9+$0x0], $0xffff  }
0x106: {  	v8 =	vsub.f32 v21, v8;
	v13 =	vld.idx.msk [tilespmem:v18+s10+$0x0], $0xffff;
	v11 =	vmul.f32 v11, v11;
	v7 =	vadd.f32 v12, v7  }
0x107: {  	v12 =	vld [tilespmem:$0x20]  }
0x108: {  	v8 =	vmul.f32 v8, v8;
	v9 =	vsub.f32 v10, v9;
	v7 =	vadd.f32 v11, v7;
	_ =	sdelay $0x1  }
0x109: {  	v7 =	vadd.f32 v8, v7;
	v8 =	vmul.f32 v9, v9  }
0x10a: {  	v11 =	vsub.f32 v13, v6  }
0x10b: {  	s28 =	simm.s32 $0x1;
	s29 =	simm.s32 $0x0;
	v9 =	vor.u32 $0x1000, v1;
	v6 =	vadd.f32 v8, v7;
	v7 =	vshll.u32 v12, $0x7  }
0x10c: {  	v13 =	vor.u32 s29, v9;
	v12 =	vadd.s32 s28, v0;
	v10 =	vor.u32 v0, v7  }
0x10d: {  	s30 =	simm.s32 $0x2;
	v8 =	vor.u32 $0x1000, v2;
	v12 =	vand.u32 $0x7F, v12;
	v14 =	vor.u32 s29, v10  }
0x10e: {  	v16 =	vadd.s32 s30, v0;
	v17 =	vor.u32 v8, v12  }
0x10f: {  	s16 =	simm.s32 $0x3;
	v16 =	vand.u32 $0x7F, v16;
	v12 =	vor.u32 v7, v12  }
0x110: {  	s19 =	simm.s32 $0x4;
	v21 =	vadd.s32 s16, v0;
	v20 =	vor.u32 v8, v16  }
0x111: {  	s23 =	simm.s32 $0x6;
	v24 =	vadd.s32 s19, v0;
	v21 =	vand.u32 $0x7F, v21;
	v16 =	vor.u32 v7, v16;
	v13 =	vld.idx.msk [tilespmem:v13+s10+$0x0], $0xffff  }
0x112: {  	s24 =	simm.s32 $0x9;
	s25 =	simm.s32 $0x8;
	v31 =	vadd.s32 s23, v0;
	v24 =	vand.u32 $0x7F, v24;
	v25 =	vor.u32 v8, v21;
	v14 =	vld.idx.msk [tilespmem:v14+s9+$0x0], $0xffff  }
0x113: {  	s20 =	simm.s32 $0x5;
	s26 =	simm.s32 $0x7;
	v32 =	vadd.s32 s24, v0;
	v33 =	vadd.s32 s25, v0;
	v54 =	vor.u32 v8, v24;
	v17 =	vld.idx.msk [tilespmem:v17+s10+$0x0], $0xffff  }
0x114: {  	v34 =	vadd.s32 s26, v0;
	v26 =	vadd.s32 s20, v0;
	v21 =	vor.u32 v7, v21;
	v12 =	vld.idx.msk [tilespmem:v12+s9+$0x0], $0xffff  }
0x115: {  	v31 =	vand.u32 $0x7F, v31;
	s22 =	simm.s32 $0xA;
	v26 =	vand.u32 $0x7F, v26;
	v24 =	vor.u32 v7, v24;
	v20 =	vld.idx.msk [tilespmem:v20+s10+$0x0], $0xffff  }
0x116: {  	s21 =	simm.s32 $0xB;
	v34 =	vand.u32 $0x7F, v34;
	v55 =	vadd.s32 s22, v0;
	v30 =	vor.u32 v8, v26;
	v16 =	vld.idx.msk [tilespmem:v16+s9+$0x0], $0xffff  }
0x117: {  	v27 =	vadd.s32 s21, v0;
	v26 =	vor.u32 v7, v26;
	v25 =	vld.idx.msk [tilespmem:v25+s10+$0x0], $0xffff;
	v13 =	vsub.f32 v13, v14  }
0x118: {  	v27 =	vand.u32 $0x7F, v27;
	v15 =	vimm.f32 $0.0e+00;
	v56 =	vor.u32 v8, v34;
	v28 =	vld.idx.msk [tilespmem:v54+s10+$0x0], $0xffff  }
0x119: {  	v14 =	vld.idx.msk [tilespmem:v21+s9+$0x0], $0xffff;
	v21 =	vor.u32 v8, v31;
	v12 =	vsub.f32 v17, v12;
	v13 =	vmul.f32 v13, v13  }
0x11a: {  	v34 =	vor.u32 v7, v34;
	v24 =	vld.idx.msk [tilespmem:v24+s9+$0x0], $0xffff;
	v31 =	vor.u32 v7, v31;
	v17 =	vand.u32 $0x7F, v33  }
0x11b: {  	s18 =	simm.s32 $0xD;
	v30 =	vld.idx.msk [tilespmem:v30+s10+$0x0], $0xffff;
	v12 =	vmul.f32 v12, v12;
	v13 =	vadd.f32 v13, v15;
	v15 =	vsub.f32 v20, v16  }
0x11c: {  	v23 =	vadd.s32 s18, v0;
	v26 =	vld.idx.msk [tilespmem:v26+s9+$0x0], $0xffff;
	v16 =	vor.u32 v8, v17;
	v20 =	vand.u32 $0x7F, v32  }
0x11d: {  	s17 =	simm.s32 $0xC;
	v58 =	vld.idx.msk [tilespmem:v56+s10+$0x0], $0xffff;
	v17 =	vor.u32 v7, v17;
	v12 =	vadd.f32 v12, v13;
	v13 =	vmul.f32 v15, v15  }
0x11e: {  	v22 =	vadd.s32 s17, v0;
	v21 =	vld.idx.msk [tilespmem:v21+s10+$0x0], $0xffff;
	v14 =	vsub.f32 v25, v14;
	v15 =	vor.u32 v8, v20  }
0x11f: {  	v25 =	vand.u32 $0x7F, v55;
	v57 =	vld.idx.msk [tilespmem:v31+s9+$0x0], $0xffff;
	v20 =	vor.u32 v7, v20;
	v12 =	vadd.f32 v13, v12  }
0x120: {  	v59 =	vld.idx.msk [tilespmem:v34+s9+$0x0], $0xffff;
	v13 =	vmul.f32 v14, v14;
	v14 =	vsub.f32 v28, v24;
	v24 =	vor.u32 v8, v25  }
0x121: {  	v23 =	vand.u32 $0x7F, v23;
	v22 =	vand.u32 $0x7F, v22;
	v25 =	vor.u32 v7, v25;
	v16 =	vld.idx.msk [tilespmem:v16+s10+$0x0], $0xffff  }
0x122: {  	s15 =	simm.s32 $0xE;
	v17 =	vld.idx.msk [tilespmem:v17+s9+$0x0], $0xffff;
	v12 =	vadd.f32 v13, v12;
	v13 =	vmul.f32 v14, v14;
	v14 =	vsub.f32 v30, v26  }
0x123: {  	v19 =	vadd.s32 s15, v0;
	v26 =	vor.u32 v8, v27;
	v27 =	vor.u32 v7, v27;
	v15 =	vld.idx.msk [tilespmem:v15+s10+$0x0], $0xffff  }
0x124: {  	v20 =	vld.idx.msk [tilespmem:v20+s9+$0x0], $0xffff;
	v12 =	vadd.f32 v13, v12;
	v13 =	vmul.f32 v14, v14;
	v14 =	vsub.f32 v21, v57  }
0x125: {  	v19 =	vand.u32 $0x7F, v19;
	v21 =	vor.u32 v8, v22;
	v22 =	vor.u32 v7, v22;
	v24 =	vld.idx.msk [tilespmem:v24+s10+$0x0], $0xffff  }
0x126: {  	s31 =	simm.s32 $0xF;
	v25 =	vld.idx.msk [tilespmem:v25+s9+$0x0], $0xffff;
	v12 =	vadd.f32 v13, v12;
	v13 =	vmul.f32 v14, v14;
	v14 =	vsub.f32 v58, v59  }
0x127: {  	v18 =	vadd.s32 s31, v0;
	v60 =	vor.u32 v8, v23;
	v23 =	vor.u32 v7, v23  }
0x128: {  	v26 =	vld.idx.msk [tilespmem:v26+s10+$0x0], $0xffff;
	v12 =	vadd.f32 v13, v12;
	v13 =	vmul.f32 v14, v14;
	v14 =	vsub.f32 v16, v17  }
0x129: {  	v16 =	vor.u32 v8, v19;
	v17 =	vand.u32 $0x7F, v18;
	v18 =	vld.idx.msk [tilespmem:v27+s9+$0x0], $0xffff;
	v19 =	vor.u32 v7, v19  }
0x12a: {  	v21 =	vld.idx.msk [tilespmem:v21+s10+$0x0], $0xffff;
	v12 =	vadd.f32 v13, v12;
	v13 =	vmul.f32 v14, v14;
	v14 =	vsub.f32 v15, v20  }
0x12b: {  	v11 =	vmul.f32 v11, v11;
	v22 =	vld.idx.msk [tilespmem:v22+s9+$0x0], $0xffff;
	v20 =	vor.u32 v8, v17;
	v15 =	vsub.f32 v24, v25  }
0x12c: {  	s13 =	simm.s32 $0x1F;
	s28 =	simm.s32 $0x1E;
	v27 =	vld.idx.msk [tilespmem:v60+s10+$0x0], $0xffff;
	v24 =	vor.u32 v7, v17;
	v13 =	vadd.f32 v13, v12;
	v14 =	vmul.f32 v14, v14  }
0x12d: {  	v6 =	vadd.f32 v11, v6;
	v11 =	vadd.s32 s13, v0;
	v25 =	vld.idx.msk [tilespmem:v23+s9+$0x0], $0xffff;
	v12 =	vadd.s32 s28, v0  }
0x12e: {  	s30 =	simm.s32 $0x1C;
	s16 =	simm.s32 $0x1D;
	s29 =	simm.s32 $0x11;
	v61 =	vmul.f32 v15, v15;
	v18 =	vsub.f32 v26, v18;
	v15 =	vld.idx.msk [tilespmem:v16+s10+$0x0], $0xffff;
	v23 =	vadd.f32 v14, v13  }
0x12f: {  	v26 =	vadd.s32 s29, v0;
	v17 =	vld.idx.msk [tilespmem:v19+s9+$0x0], $0xffff;
	v14 =	vadd.s32 s30, v0;
	v13 =	vadd.s32 s16, v0  }
0x130: {  	s15 =	simm.s32 $0x10;
	s31 =	simm.s32 $0x12;
	v63 =	vsub.f32 v21, v22;
	v62 =	vmul.f32 v18, v18;
	v16 =	vld.idx.msk [tilespmem:v20+s10+$0x0], $0xffff;
	v23 =	vadd.f32 v61, v23  }
0x131: {  	v21 =	vadd.s32 s31, v0;
	v18 =	vor.u32 s15, v9;
	v20 =	vand.u32 $0x7F, v26;
	v19 =	vld.idx.msk [tilespmem:v24+s9+$0x0], $0xffff  }
0x132: {  	s14 =	simm.s32 $0x2F;
	v24 =	vsub.f32 v27, v25;
	v22 =	vadd.f32 v62, v23;
	v23 =	vmul.f32 v63, v63  }
.LBB2_6:
0x133: {  	p0 =	sne.s32 s14, $0x7F;
	v25 =	vor.u32 s15, v10;
	v26 =	vor.u32 v8, v20;
	v21 =	vand.u32 $0x7F, v21  }
0x134: {  	s15 =	sadd.s32 $0xFFFFFFF4, s13;
	v15 =	vsub.f32 v15, v17;
	v22 =	vadd.f32 v23, v22;
	v23 =	vmul.f32 v24, v24  }
0x135: {  	v17 =	vor.u32 v7, v20;
	v20 =	vor.u32 v8, v21;
	v24 =	vadd.s32 s15, v0  }
0x136: {  	s15 =	sadd.s32 $0xFFFFFFF5, s13;
	v15 =	vmul.f32 v15, v15;
	v16 =	vsub.f32 v16, v19;
	v22 =	vadd.f32 v23, v22  }
0x137: {  	v19 =	vor.u32 v7, v21;
	v21 =	vand.u32 $0x7F, v24;
	v23 =	vadd.s32 s15, v0;
	v18 =	vld.idx.msk [tilespmem:v18+s10+$0x0], $0xffff  }
0x138: {  	s15 =	sadd.s32 $0xFFFFFFFC, s13;
	v16 =	vmul.f32 v16, v16;
	v24 =	vld.idx.msk [tilespmem:v25+s9+$0x0], $0xffff;
	v25 =	vor.u32 v8, v21;
	v15 =	vadd.f32 v15, v22  }
0x139: {  	s16 =	sadd.s32 $0xFFFFFFF6, s13;
	v23 =	vand.u32 $0x7F, v23;
	v21 =	vor.u32 v7, v21;
	v22 =	vld.idx.msk [tilespmem:v26+s10+$0x0], $0xffff;
	v26 =	vadd.s32 s15, v0  }
0x13a: {  	v28 =	vadd.s32 s16, v0;
	v27 =	vor.u32 v8, v23;
	s15 =	sadd.s32 $0xFFFFFFFB, s13;
	v17 =	vld.idx.msk [tilespmem:v17+s9+$0x0], $0xffff;
	v15 =	vadd.f32 v16, v15  }
0x13b: {  	s17 =	sadd.s32 $0xFFFFFFFA, s13;
	s16 =	sadd.s32 $0xFFFFFFF7, s13;
	v16 =	vld.idx.msk [tilespmem:v20+s10+$0x0], $0xffff;
	v20 =	vor.u32 v7, v23;
	v23 =	vand.u32 $0x7F, v28;
	v28 =	vadd.s32 s15, v0  }
0x13c: {  	v31 =	vadd.s32 s17, v0;
	v30 =	vadd.s32 s16, v0;
	s15 =	sadd.s32 $0xFFFFFFF9, s13;
	v19 =	vld.idx.msk [tilespmem:v19+s9+$0x0], $0xffff;
	v29 =	vor.u32 v8, v23  }
0x13d: {  	s16 =	sadd.s32 $0xFFFFFFF8, s13;
	v30 =	vand.u32 $0x7F, v30;
	s13 =	smov.u32 s14;
	v23 =	vor.u32 v7, v23;
	v32 =	vadd.s32 s15, v0;
	v25 =	vld.idx.msk [tilespmem:v25+s10+$0x0], $0xffff  }
0x13e: {  	v33 =	vadd.s32 s16, v0;
	v18 =	vsub.f32 v18, v24;
	v24 =	vor.u32 v8, v30;
	v21 =	vld.idx.msk [tilespmem:v21+s9+$0x0], $0xffff  }
0x13f: {  	v33 =	vand.u32 $0x7F, v33;
	v30 =	vor.u32 v7, v30;
	v32 =	vand.u32 $0x7F, v32;
	v27 =	vld.idx.msk [tilespmem:v27+s10+$0x0], $0xffff  }
0x140: {  	v18 =	vmul.f32 v18, v18;
	v17 =	vsub.f32 v22, v17;
	v22 =	vor.u32 v8, v33;
	v20 =	vld.idx.msk [tilespmem:v20+s9+$0x0], $0xffff  }
0x141: {  	v31 =	vand.u32 $0x7F, v31;
	v34 =	vor.u32 v8, v32;
	v33 =	vor.u32 v7, v33;
	v29 =	vld.idx.msk [tilespmem:v29+s10+$0x0], $0xffff  }
0x142: {  	v15 =	vadd.f32 v18, v15;
	v17 =	vmul.f32 v17, v17;
	v16 =	vsub.f32 v16, v19;
	v18 =	vld.idx.msk [tilespmem:v23+s9+$0x0], $0xffff  }
0x143: {  	v28 =	vand.u32 $0x7F, v28;
	v23 =	vor.u32 v7, v32;
	v19 =	vld.idx.msk [tilespmem:v24+s10+$0x0], $0xffff;
	v24 =	vor.u32 v8, v31  }
0x144: {  	v15 =	vadd.f32 v17, v15;
	v16 =	vmul.f32 v16, v16;
	v17 =	vsub.f32 v25, v21;
	v21 =	vld.idx.msk [tilespmem:v30+s9+$0x0], $0xffff  }
0x145: {  	v26 =	vand.u32 $0x7F, v26;
	v25 =	vor.u32 v7, v31;
	v30 =	vor.u32 v8, v28;
	v22 =	vld.idx.msk [tilespmem:v22+s10+$0x0], $0xffff  }
0x146: {  	v15 =	vadd.f32 v16, v15;
	v16 =	vmul.f32 v17, v17;
	v17 =	vsub.f32 v27, v20;
	v20 =	vld.idx.msk [tilespmem:v33+s9+$0x0], $0xffff  }
0x147: {  	v14 =	vand.u32 $0x7F, v14;
	v31 =	vor.u32 v8, v26;
	v28 =	vor.u32 v7, v28;
	v27 =	vld.idx.msk [tilespmem:v34+s10+$0x0], $0xffff  }
0x148: {  	v15 =	vadd.f32 v16, v15;
	v16 =	vmul.f32 v17, v17;
	v17 =	vsub.f32 v29, v18;
	v18 =	vld.idx.msk [tilespmem:v23+s9+$0x0], $0xffff  }
0x149: {  	v13 =	vand.u32 $0x7F, v13;
	v23 =	vld.idx.msk [tilespmem:v24+s10+$0x0], $0xffff;
	v24 =	vor.u32 v7, v26;
	v26 =	vor.u32 v8, v14  }
0x14a: {  	v15 =	vadd.f32 v16, v15;
	v16 =	vmul.f32 v17, v17;
	v17 =	vsub.f32 v19, v21;
	v19 =	vld.idx.msk [tilespmem:v25+s9+$0x0], $0xffff  }
0x14b: {  	v12 =	vand.u32 $0x7F, v12;
	v14 =	vor.u32 v7, v14;
	v25 =	vor.u32 v8, v13;
	v21 =	vld.idx.msk [tilespmem:v30+s10+$0x0], $0xffff  }
0x14c: {  	v15 =	vadd.f32 v16, v15;
	v16 =	vmul.f32 v17, v17;
	v17 =	vsub.f32 v22, v20;
	v20 =	vld.idx.msk [tilespmem:v28+s9+$0x0], $0xffff  }
0x14d: {  	v29 =	vand.u32 $0x7F, v11;
	v13 =	vor.u32 v7, v13;
	v28 =	vor.u32 v8, v12;
	v22 =	vld.idx.msk [tilespmem:v31+s10+$0x0], $0xffff  }
0x14e: {  	v11 =	vadd.f32 v16, v15;
	v15 =	vmul.f32 v17, v17;
	v16 =	vsub.f32 v27, v18;
	v17 =	vld.idx.msk [tilespmem:v24+s9+$0x0], $0xffff  }
0x14f: {  	v24 =	vor.u32 v7, v12;
	v18 =	vld.idx.msk [tilespmem:v26+s10+$0x0], $0xffff;
	v26 =	vor.u32 v8, v29  }
0x150: {  	v12 =	vadd.f32 v15, v11;
	v15 =	vmul.f32 v16, v16;
	v16 =	vsub.f32 v23, v19;
	v19 =	vld.idx.msk [tilespmem:v14+s9+$0x0], $0xffff  }
0x151: {  	v11 =	vadd.s32 s14, v0;
	v23 =	vor.u32 v7, v29;
	v25 =	vld.idx.msk [tilespmem:v25+s10+$0x0], $0xffff  }
0x152: {  	s15 =	sadd.s32 $0xFFFFFFFF, s14;
	v14 =	vadd.f32 v15, v12;
	v16 =	vmul.f32 v16, v16;
	v20 =	vsub.f32 v21, v20;
	v27 =	vld.idx.msk [tilespmem:v13+s9+$0x0], $0xffff  }
0x153: {  	s17 =	sadd.s32 $0xFFFFFFFE, s14;
	v12 =	vadd.s32 s15, v0;
	v15 =	vld.idx.msk [tilespmem:v28+s10+$0x0], $0xffff  }
.Ltmp2:
0x154: {  	s16 =	sadd.s32 $0xFFFFFFFD, s14;
	s15 =	sadd.s32 $0xFFFFFFF2, s14;
	v21 =	vadd.f32 v16, v14;
	v20 =	vmul.f32 v20, v20;
	v22 =	vsub.f32 v22, v17;
	v17 =	vld.idx.msk [tilespmem:v24+s9+$0x0], $0xffff;
	(pc) =	sbr.rel @p0 .LBB2_6-.Ltmp2, $4  }
0x155: {  	v13 =	vadd.s32 s17, v0;
	v14 =	vadd.s32 s16, v0;
	v24 =	vadd.s32 s15, v0;
	v16 =	vld.idx.msk [tilespmem:v26+s10+$0x0], $0xffff  }
0x156: {  	s16 =	sadd.s32 $0xFFFFFFF3, s14;
	s15 =	sadd.s32 $0xFFFFFFF1, s14;
	v26 =	vadd.f32 v20, v21;
	v22 =	vmul.f32 v22, v22;
	v28 =	vsub.f32 v18, v19;
	v19 =	vld.idx.msk [tilespmem:v23+s9+$0x0], $0xffff  }
0x157: {  	v18 =	vor.u32 s15, v9;
	v20 =	vand.u32 $0x7F, v24;
	v21 =	vadd.s32 s16, v0  }
0x158: {  	s14 =	sadd.s32 $0x10, s14;
	v22 =	vadd.f32 v22, v26;
	v23 =	vmul.f32 v28, v28;
	v24 =	vsub.f32 v25, v27  }
0x159: {  	v9 =	vor.u32 s15, v10  }
0x15a: {  	v10 =	vor.u32 v8, v20;
	v21 =	vand.u32 $0x7F, v21;
	v15 =	vsub.f32 v15, v17  }
0x15b: {  	s14 =	sadd.s32 $0xFFFFFFF4, s13;
	v17 =	vor.u32 v7, v20;
	v22 =	vadd.f32 v23, v22;
	v23 =	vmul.f32 v24, v24  }
0x15c: {  	s22 =	sadd.s32 $0xFFFFFFF6, s13;
	s24 =	sadd.s32 $0xFFFFFFF7, s13;
	v20 =	vor.u32 v8, v21;
	v24 =	vadd.s32 s14, v0;
	v21 =	vor.u32 v7, v21  }
0x15d: {  	v25 =	vadd.s32 s22, v0;
	v28 =	vadd.s32 s24, v0;
	v15 =	vmul.f32 v15, v15  }
0x15e: {  	s20 =	sadd.s32 $0xFFFFFFF5, s13;
	v18 =	vld.idx.msk [tilespmem:v18+s10+$0x0], $0xffff;
	v16 =	vsub.f32 v16, v19;
	v19 =	vand.u32 $0x7F, v24;
	v22 =	vadd.f32 v23, v22  }
0x15f: {  	v23 =	vadd.s32 s20, v0;
	v24 =	vor.u32 v8, v19;
	v19 =	vor.u32 v7, v19;
	v9 =	vld.idx.msk [tilespmem:v9+s9+$0x0], $0xffff  }
0x160: {  	s16 =	sadd.s32 $0xFFFFFFFA, s13;
	s25 =	sadd.s32 $0xFFFFFFF9, s13;
	v16 =	vmul.f32 v16, v16;
	v15 =	vadd.f32 v15, v22;
	v10 =	vld.idx.msk [tilespmem:v10+s10+$0x0], $0xffff;
	v22 =	vand.u32 $0x7F, v23  }
0x161: {  	v29 =	vadd.s32 s16, v0;
	v30 =	vadd.s32 s25, v0;
	v17 =	vld.idx.msk [tilespmem:v17+s9+$0x0], $0xffff;
	v26 =	vor.u32 v8, v22  }
0x162: {  	s26 =	sadd.s32 $0xFFFFFFF8, s13;
	v20 =	vld.idx.msk [tilespmem:v20+s10+$0x0], $0xffff;
	v22 =	vor.u32 v7, v22;
	v15 =	vadd.f32 v16, v15;
	v16 =	vand.u32 $0x7F, v25  }
0x163: {  	v31 =	vadd.s32 s26, v0;
	v28 =	vand.u32 $0x7F, v28;
	v21 =	vld.idx.msk [tilespmem:v21+s9+$0x0], $0xffff;
	v27 =	vor.u32 v8, v16  }
0x164: {  	v31 =	vand.u32 $0x7F, v31;
	v16 =	vor.u32 v7, v16;
	v24 =	vld.idx.msk [tilespmem:v24+s10+$0x0], $0xffff;
	v9 =	vsub.f32 v18, v9  }
0x165: {  	v49 =	vor.u32 v8, v31;
	v31 =	vor.u32 v7, v31;
	v18 =	vld.idx.msk [tilespmem:v19+s9+$0x0], $0xffff;
	v19 =	vor.u32 v8, v28  }
0x166: {  	s21 =	sadd.s32 $0xFFFFFFFC, s13;
	s23 =	sadd.s32 $0xFFFFFFFB, s13;
	v28 =	vor.u32 v7, v28;
	v10 =	vsub.f32 v10, v17;
	v26 =	vld.idx.msk [tilespmem:v26+s10+$0x0], $0xffff;
	v9 =	vmul.f32 v9, v9  }
0x167: {  	v23 =	vadd.s32 s21, v0;
	v25 =	vadd.s32 s23, v0;
	v17 =	vand.u32 $0x7F, v30;
	v22 =	vld.idx.msk [tilespmem:v22+s9+$0x0], $0xffff  }
0x168: {  	v10 =	vmul.f32 v10, v10;
	v27 =	vld.idx.msk [tilespmem:v27+s10+$0x0], $0xffff;
	v9 =	vadd.f32 v9, v15;
	v15 =	vsub.f32 v20, v21  }
0x169: {  	v16 =	vld.idx.msk [tilespmem:v16+s9+$0x0], $0xffff;
	v20 =	vor.u32 v8, v17;
	v21 =	vand.u32 $0x7F, v29;
	v17 =	vor.u32 v7, v17  }
0x16a: {  	v19 =	vld.idx.msk [tilespmem:v19+s10+$0x0], $0xffff;
	v9 =	vadd.f32 v10, v9;
	v10 =	vmul.f32 v15, v15;
	v15 =	vsub.f32 v24, v18  }
0x16b: {  	v18 =	vor.u32 v8, v21;
	v24 =	vand.u32 $0x7F, v25;
	v25 =	vld.idx.msk [tilespmem:v28+s9+$0x0], $0xffff;
	v21 =	vor.u32 v7, v21  }
0x16c: {  	v50 =	vld.idx.msk [tilespmem:v49+s10+$0x0], $0xffff;
	v9 =	vadd.f32 v10, v9;
	v10 =	vmul.f32 v15, v15;
	v15 =	vsub.f32 v26, v22  }
0x16d: {  	v23 =	vand.u32 $0x7F, v23;
	v22 =	vor.u32 v8, v24;
	v26 =	vld.idx.msk [tilespmem:v31+s9+$0x0], $0xffff;
	v24 =	vor.u32 v7, v24  }
0x16e: {  	v20 =	vld.idx.msk [tilespmem:v20+s10+$0x0], $0xffff;
	v9 =	vadd.f32 v10, v9;
	v10 =	vmul.f32 v15, v15;
	v15 =	vsub.f32 v27, v16  }
0x16f: {  	v14 =	vand.u32 $0x7F, v14;
	v17 =	vld.idx.msk [tilespmem:v17+s9+$0x0], $0xffff;
	v16 =	vor.u32 v8, v23;
	v23 =	vor.u32 v7, v23  }
0x170: {  	v18 =	vld.idx.msk [tilespmem:v18+s10+$0x0], $0xffff;
	v9 =	vadd.f32 v10, v9;
	v10 =	vmul.f32 v15, v15;
	v15 =	vsub.f32 v19, v25  }
0x171: {  	v13 =	vand.u32 $0x7F, v13;
	v21 =	vld.idx.msk [tilespmem:v21+s9+$0x0], $0xffff;
	v19 =	vor.u32 v8, v14;
	v14 =	vor.u32 v7, v14  }
0x172: {  	v22 =	vld.idx.msk [tilespmem:v22+s10+$0x0], $0xffff;
	v9 =	vadd.f32 v10, v9;
	v10 =	vmul.f32 v15, v15;
	v15 =	vsub.f32 v50, v26  }
0x173: {  	v12 =	vand.u32 $0x7F, v12;
	v25 =	vor.u32 v8, v13;
	v13 =	vor.u32 v7, v13;
	v24 =	vld.idx.msk [tilespmem:v24+s9+$0x0], $0xffff  }
0x174: {  	v16 =	vld.idx.msk [tilespmem:v16+s10+$0x0], $0xffff;
	v9 =	vadd.f32 v10, v9;
	v10 =	vmul.f32 v15, v15;
	v15 =	vsub.f32 v20, v17  }
0x175: {  	v11 =	vand.u32 $0x7F, v11;
	v17 =	vor.u32 v8, v12;
	v20 =	vld.idx.msk [tilespmem:v23+s9+$0x0], $0xffff;
	v12 =	vor.u32 v7, v12  }
0x176: {  	v19 =	vld.idx.msk [tilespmem:v19+s10+$0x0], $0xffff;
	v9 =	vadd.f32 v10, v9;
	v10 =	vmul.f32 v15, v15;
	v15 =	vsub.f32 v18, v21  }
0x177: {  	v8 =	vor.u32 v8, v11;
	v7 =	vor.u32 v7, v11;
	v14 =	vld.idx.msk [tilespmem:v14+s9+$0x0], $0xffff  }
0x178: {  	v11 =	vld.idx.msk [tilespmem:v13+s9+$0x0], $0xffff;
	v9 =	vadd.f32 v10, v9;
	v10 =	vmul.f32 v15, v15;
	v15 =	vsub.f32 v22, v24  }
0x179: {  	v18 =	vld.idx.msk [tilespmem:v25+s10+$0x0], $0xffff  }
0x17a: {  	v13 =	vld.idx.msk [tilespmem:v17+s10+$0x0], $0xffff;
	v9 =	vadd.f32 v10, v9;
	v10 =	vmul.f32 v15, v15;
	v15 =	vsub.f32 v16, v20  }
0x17b: {  	v12 =	vld.idx.msk [tilespmem:v12+s9+$0x0], $0xffff  }
0x17c: {  	v14 =	vsub.f32 v19, v14;
	v9 =	vadd.f32 v10, v9;
	v10 =	vmul.f32 v15, v15  }
0x17d: {  	v8 =	vld.idx.msk [tilespmem:v8+s10+$0x0], $0xffff  }
0x17e: {  	v7 =	vld.idx.msk [tilespmem:v7+s9+$0x0], $0xffff;
	v11 =	vsub.f32 v18, v11;
	v9 =	vadd.f32 v10, v9;
	v10 =	vmul.f32 v14, v14  }
0x17f: {  	v14 =	vld [tilespmem:$0x30]  }
0x180: {  	v9 =	vadd.f32 v10, v9;
	v10 =	vmul.f32 v11, v11;
	v11 =	vsub.f32 v13, v12;
	_ =	sdelay $0x1  }
0x181: {  	v9 =	vadd.f32 v10, v9;
	v10 =	vmul.f32 v11, v11  }
0x182: {  	v12 =	vsub.f32 v8, v7  }
0x183: {  	s28 =	simm.s32 $0x1;
	s29 =	simm.s32 $0x0;
	v8 =	vshll.u32 v14, $0x7;
	v7 =	vadd.f32 v10, v9;
	v10 =	vor.u32 $0x1800, v1  }
0x184: {  	v13 =	vadd.s32 s28, v0;
	v11 =	vor.u32 v0, v8;
	v14 =	vor.u32 s29, v10  }
0x185: {  	s30 =	simm.s32 $0x2;
	v13 =	vand.u32 $0x7F, v13;
	v9 =	vor.u32 $0x1800, v2;
	v15 =	vor.u32 s29, v11  }
0x186: {  	v17 =	vadd.s32 s30, v0;
	v18 =	vor.u32 v9, v13  }
0x187: {  	s15 =	simm.s32 $0x3;
	v17 =	vand.u32 $0x7F, v17;
	v13 =	vor.u32 v8, v13  }
0x188: {  	s18 =	simm.s32 $0x4;
	v22 =	vadd.s32 s15, v0;
	v21 =	vor.u32 v9, v17  }
0x189: {  	s22 =	simm.s32 $0x6;
	v25 =	vadd.s32 s18, v0;
	v22 =	vand.u32 $0x7F, v22;
	v17 =	vor.u32 v8, v17;
	v14 =	vld.idx.msk [tilespmem:v14+s10+$0x0], $0xffff  }
0x18a: {  	s24 =	simm.s32 $0x8;
	s25 =	simm.s32 $0x7;
	v32 =	vadd.s32 s22, v0;
	v25 =	vand.u32 $0x7F, v25;
	v26 =	vor.u32 v9, v22;
	v15 =	vld.idx.msk [tilespmem:v15+s9+$0x0], $0xffff  }
0x18b: {  	s19 =	simm.s32 $0x5;
	v34 =	vadd.s32 s24, v0;
	v35 =	vadd.s32 s25, v0;
	v52 =	vor.u32 v9, v25;
	v18 =	vld.idx.msk [tilespmem:v18+s10+$0x0], $0xffff  }
0x18c: {  	v32 =	vand.u32 $0x7F, v32;
	v27 =	vadd.s32 s19, v0;
	v22 =	vor.u32 v8, v22;
	v13 =	vld.idx.msk [tilespmem:v13+s9+$0x0], $0xffff  }
0x18d: {  	s20 =	simm.s32 $0xB;
	v35 =	vand.u32 $0x7F, v35;
	s21 =	simm.s32 $0xA;
	v27 =	vand.u32 $0x7F, v27;
	v25 =	vor.u32 v8, v25;
	v21 =	vld.idx.msk [tilespmem:v21+s10+$0x0], $0xffff  }
0x18e: {  	v51 =	vadd.s32 s20, v0;
	v53 =	vadd.s32 s21, v0;
	s23 =	simm.s32 $0x9;
	v54 =	vor.u32 v9, v27;
	v17 =	vld.idx.msk [tilespmem:v17+s9+$0x0], $0xffff  }
0x18f: {  	v33 =	vadd.s32 s23, v0;
	v27 =	vor.u32 v8, v27;
	v26 =	vld.idx.msk [tilespmem:v26+s10+$0x0], $0xffff;
	v14 =	vsub.f32 v14, v15  }
0x190: {  	v28 =	vand.u32 $0x7F, v51;
	v16 =	vimm.f32 $0.0e+00;
	v55 =	vor.u32 v9, v35;
	v29 =	vld.idx.msk [tilespmem:v52+s10+$0x0], $0xffff  }
0x191: {  	v15 =	vld.idx.msk [tilespmem:v22+s9+$0x0], $0xffff;
	v22 =	vor.u32 v9, v32;
	v13 =	vsub.f32 v18, v13;
	v14 =	vmul.f32 v14, v14  }
0x192: {  	v35 =	vor.u32 v8, v35;
	v25 =	vld.idx.msk [tilespmem:v25+s9+$0x0], $0xffff;
	v32 =	vor.u32 v8, v32;
	v18 =	vand.u32 $0x7F, v34  }
0x193: {  	s16 =	simm.s32 $0xC;
	v31 =	vld.idx.msk [tilespmem:v54+s10+$0x0], $0xffff;
	v13 =	vmul.f32 v13, v13;
	v14 =	vadd.f32 v14, v16;
	v16 =	vsub.f32 v21, v17  }
0x194: {  	v23 =	vadd.s32 s16, v0;
	v27 =	vld.idx.msk [tilespmem:v27+s9+$0x0], $0xffff;
	v17 =	vor.u32 v9, v18;
	v21 =	vand.u32 $0x7F, v33  }
0x195: {  	s17 =	simm.s32 $0xD;
	v57 =	vld.idx.msk [tilespmem:v55+s10+$0x0], $0xffff;
	v18 =	vor.u32 v8, v18;
	v13 =	vadd.f32 v13, v14;
	v14 =	vmul.f32 v16, v16  }
0x196: {  	v24 =	vadd.s32 s17, v0;
	v22 =	vld.idx.msk [tilespmem:v22+s10+$0x0], $0xffff;
	v15 =	vsub.f32 v26, v15;
	v16 =	vor.u32 v9, v21  }
0x197: {  	v26 =	vand.u32 $0x7F, v53;
	v56 =	vld.idx.msk [tilespmem:v32+s9+$0x0], $0xffff;
	v21 =	vor.u32 v8, v21;
	v13 =	vadd.f32 v14, v13  }
0x198: {  	v58 =	vld.idx.msk [tilespmem:v35+s9+$0x0], $0xffff;
	v14 =	vmul.f32 v15, v15;
	v15 =	vsub.f32 v29, v25;
	v25 =	vor.u32 v9, v26  }
0x199: {  	v23 =	vand.u32 $0x7F, v23;
	v24 =	vand.u32 $0x7F, v24;
	v26 =	vor.u32 v8, v26;
	v17 =	vld.idx.msk [tilespmem:v17+s10+$0x0], $0xffff  }
0x19a: {  	s31 =	simm.s32 $0xF;
	v18 =	vld.idx.msk [tilespmem:v18+s9+$0x0], $0xffff;
	v13 =	vadd.f32 v14, v13;
	v14 =	vmul.f32 v15, v15;
	v15 =	vsub.f32 v31, v27  }
0x19b: {  	v19 =	vadd.s32 s31, v0;
	v27 =	vor.u32 v9, v28;
	v28 =	vor.u32 v8, v28;
	v16 =	vld.idx.msk [tilespmem:v16+s10+$0x0], $0xffff  }
0x19c: {  	s14 =	simm.s32 $0xE;
	v21 =	vld.idx.msk [tilespmem:v21+s9+$0x0], $0xffff;
	v13 =	vadd.f32 v14, v13;
	v14 =	vmul.f32 v15, v15;
	v15 =	vsub.f32 v22, v56  }
0x19d: {  	v20 =	vadd.s32 s14, v0;
	v22 =	vor.u32 v9, v23;
	v23 =	vor.u32 v8, v23;
	v25 =	vld.idx.msk [tilespmem:v25+s10+$0x0], $0xffff  }
0x19e: {  	v26 =	vld.idx.msk [tilespmem:v26+s9+$0x0], $0xffff;
	v13 =	vadd.f32 v14, v13;
	v14 =	vmul.f32 v15, v15;
	v15 =	vsub.f32 v57, v58  }
0x19f: {  	v20 =	vand.u32 $0x7F, v20;
	v59 =	vor.u32 v9, v24;
	v24 =	vor.u32 v8, v24  }
0x1a0: {  	v27 =	vld.idx.msk [tilespmem:v27+s10+$0x0], $0xffff;
	v13 =	vadd.f32 v14, v13;
	v14 =	vmul.f32 v15, v15;
	v15 =	vsub.f32 v17, v18  }
0x1a1: {  	v17 =	vor.u32 v9, v20;
	v18 =	vand.u32 $0x7F, v19;
	v19 =	vld.idx.msk [tilespmem:v28+s9+$0x0], $0xffff;
	v20 =	vor.u32 v8, v20  }
0x1a2: {  	v22 =	vld.idx.msk [tilespmem:v22+s10+$0x0], $0xffff;
	v13 =	vadd.f32 v14, v13;
	v14 =	vmul.f32 v15, v15;
	v15 =	vsub.f32 v16, v21  }
0x1a3: {  	v12 =	vmul.f32 v12, v12;
	v23 =	vld.idx.msk [tilespmem:v23+s9+$0x0], $0xffff;
	v21 =	vor.u32 v9, v18;
	v16 =	vsub.f32 v25, v26  }
0x1a4: {  	s13 =	simm.s32 $0x1F;
	s26 =	simm.s32 $0x1E;
	v60 =	vld.idx.msk [tilespmem:v59+s10+$0x0], $0xffff;
	v25 =	vor.u32 v8, v18;
	v14 =	vadd.f32 v14, v13;
	v15 =	vmul.f32 v15, v15  }
0x1a5: {  	v7 =	vadd.f32 v12, v7;
	v12 =	vadd.s32 s13, v0;
	v26 =	vld.idx.msk [tilespmem:v24+s9+$0x0], $0xffff;
	v13 =	vadd.s32 s26, v0  }
0x1a6: {  	s30 =	simm.s32 $0x1D;
	s28 =	simm.s32 $0x11;
	s29 =	simm.s32 $0x1C;
	v61 =	vmul.f32 v16, v16;
	v19 =	vsub.f32 v27, v19;
	v16 =	vld.idx.msk [tilespmem:v17+s10+$0x0], $0xffff;
	v24 =	vadd.f32 v15, v14  }
0x1a7: {  	v27 =	vadd.s32 s28, v0;
	v18 =	vld.idx.msk [tilespmem:v20+s9+$0x0], $0xffff;
	v15 =	vadd.s32 s29, v0;
	v14 =	vadd.s32 s30, v0  }
0x1a8: {  	s15 =	simm.s32 $0x10;
	s31 =	simm.s32 $0x12;
	v63 =	vsub.f32 v22, v23;
	v62 =	vmul.f32 v19, v19;
	v17 =	vld.idx.msk [tilespmem:v21+s10+$0x0], $0xffff;
	v24 =	vadd.f32 v61, v24  }
0x1a9: {  	v22 =	vadd.s32 s31, v0;
	v19 =	vor.u32 s15, v10;
	v21 =	vand.u32 $0x7F, v27;
	v20 =	vld.idx.msk [tilespmem:v25+s9+$0x0], $0xffff  }
0x1aa: {  	s14 =	simm.s32 $0x2F;
	v25 =	vsub.f32 v60, v26;
	v23 =	vadd.f32 v62, v24;
	v24 =	vmul.f32 v63, v63  }
.LBB2_8:
0x1ab: {  	p0 =	sne.s32 s14, $0x7F;
	v26 =	vor.u32 s15, v11;
	v27 =	vor.u32 v9, v21;
	v22 =	vand.u32 $0x7F, v22  }
0x1ac: {  	s15 =	sadd.s32 $0xFFFFFFF4, s13;
	v16 =	vsub.f32 v16, v18;
	v23 =	vadd.f32 v24, v23;
	v24 =	vmul.f32 v25, v25  }
0x1ad: {  	v18 =	vor.u32 v8, v21;
	v21 =	vor.u32 v9, v22;
	v25 =	vadd.s32 s15, v0  }
0x1ae: {  	s15 =	sadd.s32 $0xFFFFFFF5, s13;
	v16 =	vmul.f32 v16, v16;
	v17 =	vsub.f32 v17, v20;
	v23 =	vadd.f32 v24, v23  }
0x1af: {  	v20 =	vor.u32 v8, v22;
	v22 =	vand.u32 $0x7F, v25;
	v24 =	vadd.s32 s15, v0;
	v19 =	vld.idx.msk [tilespmem:v19+s10+$0x0], $0xffff  }
0x1b0: {  	s15 =	sadd.s32 $0xFFFFFFFC, s13;
	v17 =	vmul.f32 v17, v17;
	v25 =	vld.idx.msk [tilespmem:v26+s9+$0x0], $0xffff;
	v26 =	vor.u32 v9, v22;
	v16 =	vadd.f32 v16, v23  }
0x1b1: {  	s16 =	sadd.s32 $0xFFFFFFF6, s13;
	v24 =	vand.u32 $0x7F, v24;
	v22 =	vor.u32 v8, v22;
	v23 =	vld.idx.msk [tilespmem:v27+s10+$0x0], $0xffff;
	v27 =	vadd.s32 s15, v0  }
0x1b2: {  	v29 =	vadd.s32 s16, v0;
	v28 =	vor.u32 v9, v24;
	s15 =	sadd.s32 $0xFFFFFFFB, s13;
	v18 =	vld.idx.msk [tilespmem:v18+s9+$0x0], $0xffff;
	v16 =	vadd.f32 v17, v16  }
0x1b3: {  	s17 =	sadd.s32 $0xFFFFFFFA, s13;
	s16 =	sadd.s32 $0xFFFFFFF7, s13;
	v17 =	vld.idx.msk [tilespmem:v21+s10+$0x0], $0xffff;
	v21 =	vor.u32 v8, v24;
	v24 =	vand.u32 $0x7F, v29;
	v29 =	vadd.s32 s15, v0  }
0x1b4: {  	v32 =	vadd.s32 s17, v0;
	v31 =	vadd.s32 s16, v0;
	s15 =	sadd.s32 $0xFFFFFFF9, s13;
	v20 =	vld.idx.msk [tilespmem:v20+s9+$0x0], $0xffff;
	v30 =	vor.u32 v9, v24  }
0x1b5: {  	s16 =	sadd.s32 $0xFFFFFFF8, s13;
	v31 =	vand.u32 $0x7F, v31;
	s13 =	smov.u32 s14;
	v24 =	vor.u32 v8, v24;
	v33 =	vadd.s32 s15, v0;
	v26 =	vld.idx.msk [tilespmem:v26+s10+$0x0], $0xffff  }
0x1b6: {  	v34 =	vadd.s32 s16, v0;
	v19 =	vsub.f32 v19, v25;
	v25 =	vor.u32 v9, v31;
	v22 =	vld.idx.msk [tilespmem:v22+s9+$0x0], $0xffff  }
0x1b7: {  	v34 =	vand.u32 $0x7F, v34;
	v31 =	vor.u32 v8, v31;
	v33 =	vand.u32 $0x7F, v33;
	v28 =	vld.idx.msk [tilespmem:v28+s10+$0x0], $0xffff  }
0x1b8: {  	v19 =	vmul.f32 v19, v19;
	v18 =	vsub.f32 v23, v18;
	v23 =	vor.u32 v9, v34;
	v21 =	vld.idx.msk [tilespmem:v21+s9+$0x0], $0xffff  }
0x1b9: {  	v32 =	vand.u32 $0x7F, v32;
	v35 =	vor.u32 v9, v33;
	v34 =	vor.u32 v8, v34;
	v30 =	vld.idx.msk [tilespmem:v30+s10+$0x0], $0xffff  }
0x1ba: {  	v16 =	vadd.f32 v19, v16;
	v18 =	vmul.f32 v18, v18;
	v17 =	vsub.f32 v17, v20;
	v19 =	vld.idx.msk [tilespmem:v24+s9+$0x0], $0xffff  }
0x1bb: {  	v29 =	vand.u32 $0x7F, v29;
	v24 =	vor.u32 v8, v33;
	v20 =	vld.idx.msk [tilespmem:v25+s10+$0x0], $0xffff;
	v25 =	vor.u32 v9, v32  }
0x1bc: {  	v16 =	vadd.f32 v18, v16;
	v17 =	vmul.f32 v17, v17;
	v18 =	vsub.f32 v26, v22;
	v22 =	vld.idx.msk [tilespmem:v31+s9+$0x0], $0xffff  }
0x1bd: {  	v27 =	vand.u32 $0x7F, v27;
	v26 =	vor.u32 v8, v32;
	v31 =	vor.u32 v9, v29;
	v23 =	vld.idx.msk [tilespmem:v23+s10+$0x0], $0xffff  }
0x1be: {  	v16 =	vadd.f32 v17, v16;
	v17 =	vmul.f32 v18, v18;
	v18 =	vsub.f32 v28, v21;
	v21 =	vld.idx.msk [tilespmem:v34+s9+$0x0], $0xffff  }
0x1bf: {  	v15 =	vand.u32 $0x7F, v15;
	v32 =	vor.u32 v9, v27;
	v29 =	vor.u32 v8, v29;
	v28 =	vld.idx.msk [tilespmem:v35+s10+$0x0], $0xffff  }
0x1c0: {  	v16 =	vadd.f32 v17, v16;
	v17 =	vmul.f32 v18, v18;
	v18 =	vsub.f32 v30, v19;
	v19 =	vld.idx.msk [tilespmem:v24+s9+$0x0], $0xffff  }
0x1c1: {  	v14 =	vand.u32 $0x7F, v14;
	v24 =	vld.idx.msk [tilespmem:v25+s10+$0x0], $0xffff;
	v25 =	vor.u32 v8, v27;
	v27 =	vor.u32 v9, v15  }
0x1c2: {  	v16 =	vadd.f32 v17, v16;
	v17 =	vmul.f32 v18, v18;
	v18 =	vsub.f32 v20, v22;
	v20 =	vld.idx.msk [tilespmem:v26+s9+$0x0], $0xffff  }
0x1c3: {  	v13 =	vand.u32 $0x7F, v13;
	v15 =	vor.u32 v8, v15;
	v26 =	vor.u32 v9, v14;
	v22 =	vld.idx.msk [tilespmem:v31+s10+$0x0], $0xffff  }
0x1c4: {  	v16 =	vadd.f32 v17, v16;
	v17 =	vmul.f32 v18, v18;
	v18 =	vsub.f32 v23, v21;
	v21 =	vld.idx.msk [tilespmem:v29+s9+$0x0], $0xffff  }
0x1c5: {  	v30 =	vand.u32 $0x7F, v12;
	v14 =	vor.u32 v8, v14;
	v29 =	vor.u32 v9, v13;
	v23 =	vld.idx.msk [tilespmem:v32+s10+$0x0], $0xffff  }
0x1c6: {  	v12 =	vadd.f32 v17, v16;
	v16 =	vmul.f32 v18, v18;
	v17 =	vsub.f32 v28, v19;
	v18 =	vld.idx.msk [tilespmem:v25+s9+$0x0], $0xffff  }
0x1c7: {  	v25 =	vor.u32 v8, v13;
	v19 =	vld.idx.msk [tilespmem:v27+s10+$0x0], $0xffff;
	v27 =	vor.u32 v9, v30  }
0x1c8: {  	v13 =	vadd.f32 v16, v12;
	v16 =	vmul.f32 v17, v17;
	v17 =	vsub.f32 v24, v20;
	v20 =	vld.idx.msk [tilespmem:v15+s9+$0x0], $0xffff  }
0x1c9: {  	v12 =	vadd.s32 s14, v0;
	v24 =	vor.u32 v8, v30;
	v26 =	vld.idx.msk [tilespmem:v26+s10+$0x0], $0xffff  }
0x1ca: {  	s15 =	sadd.s32 $0xFFFFFFFF, s14;
	v15 =	vadd.f32 v16, v13;
	v17 =	vmul.f32 v17, v17;
	v21 =	vsub.f32 v22, v21;
	v28 =	vld.idx.msk [tilespmem:v14+s9+$0x0], $0xffff  }
0x1cb: {  	s17 =	sadd.s32 $0xFFFFFFFE, s14;
	v13 =	vadd.s32 s15, v0;
	v16 =	vld.idx.msk [tilespmem:v29+s10+$0x0], $0xffff  }
.Ltmp3:
0x1cc: {  	s16 =	sadd.s32 $0xFFFFFFFD, s14;
	s15 =	sadd.s32 $0xFFFFFFF2, s14;
	v22 =	vadd.f32 v17, v15;
	v21 =	vmul.f32 v21, v21;
	v23 =	vsub.f32 v23, v18;
	v18 =	vld.idx.msk [tilespmem:v25+s9+$0x0], $0xffff;
	(pc) =	sbr.rel @p0 .LBB2_8-.Ltmp3, $4  }
0x1cd: {  	v14 =	vadd.s32 s17, v0;
	v15 =	vadd.s32 s16, v0;
	v25 =	vadd.s32 s15, v0;
	v17 =	vld.idx.msk [tilespmem:v27+s10+$0x0], $0xffff  }
0x1ce: {  	s16 =	sadd.s32 $0xFFFFFFF3, s14;
	s15 =	sadd.s32 $0xFFFFFFF1, s14;
	v27 =	vadd.f32 v21, v22;
	v23 =	vmul.f32 v23, v23;
	v29 =	vsub.f32 v19, v20;
	v20 =	vld.idx.msk [tilespmem:v24+s9+$0x0], $0xffff  }
0x1cf: {  	v19 =	vor.u32 s15, v10;
	v21 =	vand.u32 $0x7F, v25;
	v22 =	vadd.s32 s16, v0  }
0x1d0: {  	s14 =	sadd.s32 $0x10, s14;
	v23 =	vadd.f32 v23, v27;
	v24 =	vmul.f32 v29, v29;
	v25 =	vsub.f32 v26, v28  }
0x1d1: {  	v10 =	vor.u32 s15, v11  }
0x1d2: {  	v11 =	vor.u32 v9, v21;
	v22 =	vand.u32 $0x7F, v22;
	v16 =	vsub.f32 v16, v18  }
0x1d3: {  	s14 =	sadd.s32 $0xFFFFFFF4, s13;
	v18 =	vor.u32 v8, v21;
	v23 =	vadd.f32 v24, v23;
	v24 =	vmul.f32 v25, v25  }
0x1d4: {  	s22 =	sadd.s32 $0xFFFFFFF6, s13;
	s24 =	sadd.s32 $0xFFFFFFF7, s13;
	v21 =	vor.u32 v9, v22;
	v25 =	vadd.s32 s14, v0;
	v22 =	vor.u32 v8, v22  }
0x1d5: {  	v26 =	vadd.s32 s22, v0;
	v29 =	vadd.s32 s24, v0;
	v16 =	vmul.f32 v16, v16  }
0x1d6: {  	s20 =	sadd.s32 $0xFFFFFFF5, s13;
	v19 =	vld.idx.msk [tilespmem:v19+s10+$0x0], $0xffff;
	v17 =	vsub.f32 v17, v20;
	v20 =	vand.u32 $0x7F, v25;
	v23 =	vadd.f32 v24, v23  }
0x1d7: {  	v24 =	vadd.s32 s20, v0;
	v25 =	vor.u32 v9, v20;
	v20 =	vor.u32 v8, v20;
	v10 =	vld.idx.msk [tilespmem:v10+s9+$0x0], $0xffff  }
0x1d8: {  	s16 =	sadd.s32 $0xFFFFFFFA, s13;
	s25 =	sadd.s32 $0xFFFFFFF9, s13;
	v17 =	vmul.f32 v17, v17;
	v16 =	vadd.f32 v16, v23;
	v11 =	vld.idx.msk [tilespmem:v11+s10+$0x0], $0xffff;
	v23 =	vand.u32 $0x7F, v24  }
0x1d9: {  	v30 =	vadd.s32 s16, v0;
	v31 =	vadd.s32 s25, v0;
	v18 =	vld.idx.msk [tilespmem:v18+s9+$0x0], $0xffff;
	v27 =	vor.u32 v9, v23  }
0x1da: {  	s26 =	sadd.s32 $0xFFFFFFF8, s13;
	v21 =	vld.idx.msk [tilespmem:v21+s10+$0x0], $0xffff;
	v23 =	vor.u32 v8, v23;
	v16 =	vadd.f32 v17, v16;
	v17 =	vand.u32 $0x7F, v26  }
0x1db: {  	v32 =	vadd.s32 s26, v0;
	v29 =	vand.u32 $0x7F, v29;
	v22 =	vld.idx.msk [tilespmem:v22+s9+$0x0], $0xffff;
	v28 =	vor.u32 v9, v17  }
0x1dc: {  	v32 =	vand.u32 $0x7F, v32;
	v17 =	vor.u32 v8, v17;
	v25 =	vld.idx.msk [tilespmem:v25+s10+$0x0], $0xffff;
	v10 =	vsub.f32 v19, v10  }
0x1dd: {  	v46 =	vor.u32 v9, v32;
	v32 =	vor.u32 v8, v32;
	v19 =	vld.idx.msk [tilespmem:v20+s9+$0x0], $0xffff;
	v20 =	vor.u32 v9, v29  }
0x1de: {  	s21 =	sadd.s32 $0xFFFFFFFC, s13;
	s23 =	sadd.s32 $0xFFFFFFFB, s13;
	v29 =	vor.u32 v8, v29;
	v11 =	vsub.f32 v11, v18;
	v27 =	vld.idx.msk [tilespmem:v27+s10+$0x0], $0xffff;
	v10 =	vmul.f32 v10, v10  }
0x1df: {  	v24 =	vadd.s32 s21, v0;
	v26 =	vadd.s32 s23, v0;
	v18 =	vand.u32 $0x7F, v31;
	v23 =	vld.idx.msk [tilespmem:v23+s9+$0x0], $0xffff  }
0x1e0: {  	v11 =	vmul.f32 v11, v11;
	v28 =	vld.idx.msk [tilespmem:v28+s10+$0x0], $0xffff;
	v10 =	vadd.f32 v10, v16;
	v16 =	vsub.f32 v21, v22  }
0x1e1: {  	v17 =	vld.idx.msk [tilespmem:v17+s9+$0x0], $0xffff;
	v21 =	vor.u32 v9, v18;
	v22 =	vand.u32 $0x7F, v30;
	v18 =	vor.u32 v8, v18  }
0x1e2: {  	v20 =	vld.idx.msk [tilespmem:v20+s10+$0x0], $0xffff;
	v10 =	vadd.f32 v11, v10;
	v11 =	vmul.f32 v16, v16;
	v16 =	vsub.f32 v25, v19  }
0x1e3: {  	v19 =	vor.u32 v9, v22;
	v25 =	vand.u32 $0x7F, v26;
	v26 =	vld.idx.msk [tilespmem:v29+s9+$0x0], $0xffff;
	v22 =	vor.u32 v8, v22  }
0x1e4: {  	v47 =	vld.idx.msk [tilespmem:v46+s10+$0x0], $0xffff;
	v10 =	vadd.f32 v11, v10;
	v11 =	vmul.f32 v16, v16;
	v16 =	vsub.f32 v27, v23  }
0x1e5: {  	v24 =	vand.u32 $0x7F, v24;
	v23 =	vor.u32 v9, v25;
	v27 =	vld.idx.msk [tilespmem:v32+s9+$0x0], $0xffff;
	v25 =	vor.u32 v8, v25  }
0x1e6: {  	v21 =	vld.idx.msk [tilespmem:v21+s10+$0x0], $0xffff;
	v10 =	vadd.f32 v11, v10;
	v11 =	vmul.f32 v16, v16;
	v16 =	vsub.f32 v28, v17  }
0x1e7: {  	v15 =	vand.u32 $0x7F, v15;
	v18 =	vld.idx.msk [tilespmem:v18+s9+$0x0], $0xffff;
	v17 =	vor.u32 v9, v24;
	v24 =	vor.u32 v8, v24  }
0x1e8: {  	v19 =	vld.idx.msk [tilespmem:v19+s10+$0x0], $0xffff;
	v10 =	vadd.f32 v11, v10;
	v11 =	vmul.f32 v16, v16;
	v16 =	vsub.f32 v20, v26  }
0x1e9: {  	v14 =	vand.u32 $0x7F, v14;
	v22 =	vld.idx.msk [tilespmem:v22+s9+$0x0], $0xffff;
	v20 =	vor.u32 v9, v15;
	v15 =	vor.u32 v8, v15  }
0x1ea: {  	v23 =	vld.idx.msk [tilespmem:v23+s10+$0x0], $0xffff;
	v10 =	vadd.f32 v11, v10;
	v11 =	vmul.f32 v16, v16;
	v16 =	vsub.f32 v47, v27  }
0x1eb: {  	v13 =	vand.u32 $0x7F, v13;
	v26 =	vor.u32 v9, v14;
	v14 =	vor.u32 v8, v14;
	v25 =	vld.idx.msk [tilespmem:v25+s9+$0x0], $0xffff  }
0x1ec: {  	v17 =	vld.idx.msk [tilespmem:v17+s10+$0x0], $0xffff;
	v10 =	vadd.f32 v11, v10;
	v11 =	vmul.f32 v16, v16;
	v16 =	vsub.f32 v21, v18  }
0x1ed: {  	v12 =	vand.u32 $0x7F, v12;
	v18 =	vor.u32 v9, v13;
	v21 =	vld.idx.msk [tilespmem:v24+s9+$0x0], $0xffff;
	v13 =	vor.u32 v8, v13  }
0x1ee: {  	v20 =	vld.idx.msk [tilespmem:v20+s10+$0x0], $0xffff;
	v10 =	vadd.f32 v11, v10;
	v11 =	vmul.f32 v16, v16;
	v16 =	vsub.f32 v19, v22  }
0x1ef: {  	v9 =	vor.u32 v9, v12;
	v8 =	vor.u32 v8, v12;
	v15 =	vld.idx.msk [tilespmem:v15+s9+$0x0], $0xffff  }
0x1f0: {  	v12 =	vld.idx.msk [tilespmem:v14+s9+$0x0], $0xffff;
	v10 =	vadd.f32 v11, v10;
	v11 =	vmul.f32 v16, v16;
	v16 =	vsub.f32 v23, v25  }
0x1f1: {  	v19 =	vld.idx.msk [tilespmem:v26+s10+$0x0], $0xffff  }
0x1f2: {  	v14 =	vld.idx.msk [tilespmem:v18+s10+$0x0], $0xffff;
	v10 =	vadd.f32 v11, v10;
	v11 =	vmul.f32 v16, v16;
	v16 =	vsub.f32 v17, v21  }
0x1f3: {  	v13 =	vld.idx.msk [tilespmem:v13+s9+$0x0], $0xffff  }
0x1f4: {  	v15 =	vsub.f32 v20, v15;
	v10 =	vadd.f32 v11, v10;
	v11 =	vmul.f32 v16, v16  }
0x1f5: {  	v9 =	vld.idx.msk [tilespmem:v9+s10+$0x0], $0xffff  }
0x1f6: {  	v8 =	vld.idx.msk [tilespmem:v8+s9+$0x0], $0xffff;
	v12 =	vsub.f32 v19, v12;
	v10 =	vadd.f32 v11, v10;
	v11 =	vmul.f32 v15, v15  }
0x1f7: {  	v15 =	vld [tilespmem:$0x40]  }
0x1f8: {  	v10 =	vadd.f32 v11, v10;
	v11 =	vmul.f32 v12, v12;
	v12 =	vsub.f32 v14, v13;
	_ =	sdelay $0x1  }
0x1f9: {  	v10 =	vadd.f32 v11, v10;
	v11 =	vmul.f32 v12, v12  }
0x1fa: {  	v13 =	vsub.f32 v9, v8  }
0x1fb: {  	s28 =	simm.s32 $0x1;
	s29 =	simm.s32 $0x0;
	v9 =	vshll.u32 v15, $0x7;
	v8 =	vadd.f32 v11, v10;
	v11 =	vor.u32 $0x2000, v1  }
0x1fc: {  	v14 =	vadd.s32 s28, v0;
	v12 =	vor.u32 v0, v9;
	v15 =	vor.u32 s29, v11  }
0x1fd: {  	s30 =	simm.s32 $0x2;
	v14 =	vand.u32 $0x7F, v14;
	v10 =	vor.u32 $0x2000, v2;
	v16 =	vor.u32 s29, v12  }
0x1fe: {  	v18 =	vadd.s32 s30, v0;
	v19 =	vor.u32 v10, v14  }
0x1ff: {  	s15 =	simm.s32 $0x3;
	v18 =	vand.u32 $0x7F, v18;
	v14 =	vor.u32 v9, v14  }
0x200: {  	s18 =	simm.s32 $0x4;
	v23 =	vadd.s32 s15, v0;
	v22 =	vor.u32 v10, v18  }
0x201: {  	s19 =	simm.s32 $0x5;
	v26 =	vadd.s32 s18, v0;
	v23 =	vand.u32 $0x7F, v23;
	v18 =	vor.u32 v9, v18;
	v15 =	vld.idx.msk [tilespmem:v15+s10+$0x0], $0xffff  }
0x202: {  	v48 =	vadd.s32 s19, v0;
	s22 =	simm.s32 $0x6;
	s24 =	simm.s32 $0x8;
	v26 =	vand.u32 $0x7F, v26;
	v27 =	vor.u32 v10, v23;
	v16 =	vld.idx.msk [tilespmem:v16+s9+$0x0], $0xffff  }
0x203: {  	s25 =	simm.s32 $0x7;
	v33 =	vadd.s32 s22, v0;
	v35 =	vadd.s32 s24, v0;
	v50 =	vor.u32 v10, v26;
	v19 =	vld.idx.msk [tilespmem:v19+s10+$0x0], $0xffff  }
0x204: {  	v36 =	vadd.s32 s25, v0;
	v33 =	vand.u32 $0x7F, v33;
	v23 =	vor.u32 v9, v23;
	v14 =	vld.idx.msk [tilespmem:v14+s9+$0x0], $0xffff  }
0x205: {  	s20 =	simm.s32 $0xB;
	v36 =	vand.u32 $0x7F, v36;
	s21 =	simm.s32 $0xA;
	v28 =	vand.u32 $0x7F, v48;
	v26 =	vor.u32 v9, v26;
	v22 =	vld.idx.msk [tilespmem:v22+s10+$0x0], $0xffff  }
0x206: {  	v49 =	vadd.s32 s20, v0;
	v51 =	vadd.s32 s21, v0;
	s23 =	simm.s32 $0x9;
	v52 =	vor.u32 v10, v28;
	v18 =	vld.idx.msk [tilespmem:v18+s9+$0x0], $0xffff  }
0x207: {  	v34 =	vadd.s32 s23, v0;
	v28 =	vor.u32 v9, v28;
	v27 =	vld.idx.msk [tilespmem:v27+s10+$0x0], $0xffff;
	v15 =	vsub.f32 v15, v16  }
0x208: {  	v29 =	vand.u32 $0x7F, v49;
	v17 =	vimm.f32 $0.0e+00;
	v53 =	vor.u32 v10, v36;
	v30 =	vld.idx.msk [tilespmem:v50+s10+$0x0], $0xffff  }
0x209: {  	v16 =	vld.idx.msk [tilespmem:v23+s9+$0x0], $0xffff;
	v23 =	vor.u32 v10, v33;
	v14 =	vsub.f32 v19, v14;
	v15 =	vmul.f32 v15, v15  }
0x20a: {  	v36 =	vor.u32 v9, v36;
	v26 =	vld.idx.msk [tilespmem:v26+s9+$0x0], $0xffff;
	v33 =	vor.u32 v9, v33;
	v19 =	vand.u32 $0x7F, v35  }
0x20b: {  	s16 =	simm.s32 $0xC;
	v32 =	vld.idx.msk [tilespmem:v52+s10+$0x0], $0xffff;
	v14 =	vmul.f32 v14, v14;
	v15 =	vadd.f32 v15, v17;
	v17 =	vsub.f32 v22, v18  }
0x20c: {  	v24 =	vadd.s32 s16, v0;
	v28 =	vld.idx.msk [tilespmem:v28+s9+$0x0], $0xffff;
	v18 =	vor.u32 v10, v19;
	v22 =	vand.u32 $0x7F, v34  }
0x20d: {  	s17 =	simm.s32 $0xD;
	v55 =	vld.idx.msk [tilespmem:v53+s10+$0x0], $0xffff;
	v19 =	vor.u32 v9, v19;
	v14 =	vadd.f32 v14, v15;
	v15 =	vmul.f32 v17, v17  }
0x20e: {  	v25 =	vadd.s32 s17, v0;
	v23 =	vld.idx.msk [tilespmem:v23+s10+$0x0], $0xffff;
	v16 =	vsub.f32 v27, v16;
	v17 =	vor.u32 v10, v22  }
0x20f: {  	v27 =	vand.u32 $0x7F, v51;
	v54 =	vld.idx.msk [tilespmem:v33+s9+$0x0], $0xffff;
	v22 =	vor.u32 v9, v22;
	v14 =	vadd.f32 v15, v14  }
0x210: {  	v56 =	vld.idx.msk [tilespmem:v36+s9+$0x0], $0xffff;
	v15 =	vmul.f32 v16, v16;
	v16 =	vsub.f32 v30, v26;
	v26 =	vor.u32 v10, v27  }
0x211: {  	v24 =	vand.u32 $0x7F, v24;
	v25 =	vand.u32 $0x7F, v25;
	v27 =	vor.u32 v9, v27;
	v18 =	vld.idx.msk [tilespmem:v18+s10+$0x0], $0xffff  }
0x212: {  	s31 =	simm.s32 $0xF;
	v19 =	vld.idx.msk [tilespmem:v19+s9+$0x0], $0xffff;
	v14 =	vadd.f32 v15, v14;
	v15 =	vmul.f32 v16, v16;
	v16 =	vsub.f32 v32, v28  }
0x213: {  	v20 =	vadd.s32 s31, v0;
	v57 =	vor.u32 v10, v29;
	v29 =	vor.u32 v9, v29;
	v17 =	vld.idx.msk [tilespmem:v17+s10+$0x0], $0xffff  }
0x214: {  	s14 =	simm.s32 $0xE;
	v22 =	vld.idx.msk [tilespmem:v22+s9+$0x0], $0xffff;
	v14 =	vadd.f32 v15, v14;
	v15 =	vmul.f32 v16, v16;
	v16 =	vsub.f32 v23, v54  }
0x215: {  	v21 =	vadd.s32 s14, v0;
	v23 =	vor.u32 v10, v24;
	v24 =	vor.u32 v9, v24;
	v26 =	vld.idx.msk [tilespmem:v26+s10+$0x0], $0xffff  }
0x216: {  	v27 =	vld.idx.msk [tilespmem:v27+s9+$0x0], $0xffff;
	v14 =	vadd.f32 v15, v14;
	v15 =	vmul.f32 v16, v16;
	v16 =	vsub.f32 v55, v56  }
0x217: {  	v21 =	vand.u32 $0x7F, v21;
	v58 =	vor.u32 v10, v25;
	v25 =	vor.u32 v9, v25  }
0x218: {  	v28 =	vld.idx.msk [tilespmem:v57+s10+$0x0], $0xffff;
	v14 =	vadd.f32 v15, v14;
	v15 =	vmul.f32 v16, v16;
	v16 =	vsub.f32 v18, v19  }
0x219: {  	v18 =	vor.u32 v10, v21;
	v19 =	vand.u32 $0x7F, v20;
	v20 =	vld.idx.msk [tilespmem:v29+s9+$0x0], $0xffff;
	v21 =	vor.u32 v9, v21  }
0x21a: {  	v23 =	vld.idx.msk [tilespmem:v23+s10+$0x0], $0xffff;
	v14 =	vadd.f32 v15, v14;
	v15 =	vmul.f32 v16, v16;
	v16 =	vsub.f32 v17, v22  }
0x21b: {  	v13 =	vmul.f32 v13, v13;
	v24 =	vld.idx.msk [tilespmem:v24+s9+$0x0], $0xffff;
	v22 =	vor.u32 v10, v19;
	v17 =	vsub.f32 v26, v27  }
0x21c: {  	s13 =	simm.s32 $0x1F;
	s28 =	simm.s32 $0x11;
	v59 =	vld.idx.msk [tilespmem:v58+s10+$0x0], $0xffff;
	v26 =	vor.u32 v9, v19;
	v15 =	vadd.f32 v15, v14;
	v16 =	vmul.f32 v16, v16  }
0x21d: {  	v61 =	vadd.s32 s28, v0;
	v8 =	vadd.f32 v13, v8;
	v13 =	vadd.s32 s13, v0;
	v27 =	vld.idx.msk [tilespmem:v25+s9+$0x0], $0xffff  }
0x21e: {  	s26 =	simm.s32 $0x1E;
	s30 =	simm.s32 $0x1D;
	s29 =	simm.s32 $0x1C;
	v60 =	vmul.f32 v17, v17;
	v20 =	vsub.f32 v28, v20;
	v17 =	vld.idx.msk [tilespmem:v18+s10+$0x0], $0xffff;
	v25 =	vadd.f32 v16, v15  }
0x21f: {  	v14 =	vadd.s32 s26, v0;
	v19 =	vld.idx.msk [tilespmem:v21+s9+$0x0], $0xffff;
	v16 =	vadd.s32 s29, v0;
	v15 =	vadd.s32 s30, v0  }
0x220: {  	s15 =	simm.s32 $0x10;
	s31 =	simm.s32 $0x12;
	v63 =	vsub.f32 v23, v24;
	v62 =	vmul.f32 v20, v20;
	v18 =	vld.idx.msk [tilespmem:v22+s10+$0x0], $0xffff;
	v25 =	vadd.f32 v60, v25  }
0x221: {  	v23 =	vadd.s32 s31, v0;
	v20 =	vor.u32 s15, v11;
	v22 =	vand.u32 $0x7F, v61;
	v21 =	vld.idx.msk [tilespmem:v26+s9+$0x0], $0xffff  }
0x222: {  	s14 =	simm.s32 $0x2F;
	v26 =	vsub.f32 v59, v27;
	v24 =	vadd.f32 v62, v25;
	v25 =	vmul.f32 v63, v63  }
.LBB2_10:
0x223: {  	p0 =	sne.s32 s14, $0x7F;
	v27 =	vor.u32 s15, v12;
	v28 =	vor.u32 v10, v22;
	v23 =	vand.u32 $0x7F, v23  }
0x224: {  	s15 =	sadd.s32 $0xFFFFFFF4, s13;
	v17 =	vsub.f32 v17, v19;
	v24 =	vadd.f32 v25, v24;
	v25 =	vmul.f32 v26, v26  }
0x225: {  	v19 =	vor.u32 v9, v22;
	v22 =	vor.u32 v10, v23;
	v26 =	vadd.s32 s15, v0  }
0x226: {  	s15 =	sadd.s32 $0xFFFFFFF5, s13;
	v17 =	vmul.f32 v17, v17;
	v18 =	vsub.f32 v18, v21;
	v24 =	vadd.f32 v25, v24  }
0x227: {  	v21 =	vor.u32 v9, v23;
	v23 =	vand.u32 $0x7F, v26;
	v25 =	vadd.s32 s15, v0;
	v20 =	vld.idx.msk [tilespmem:v20+s10+$0x0], $0xffff  }
0x228: {  	s15 =	sadd.s32 $0xFFFFFFFC, s13;
	v18 =	vmul.f32 v18, v18;
	v26 =	vld.idx.msk [tilespmem:v27+s9+$0x0], $0xffff;
	v27 =	vor.u32 v10, v23;
	v17 =	vadd.f32 v17, v24  }
0x229: {  	s16 =	sadd.s32 $0xFFFFFFF6, s13;
	v25 =	vand.u32 $0x7F, v25;
	v23 =	vor.u32 v9, v23;
	v24 =	vld.idx.msk [tilespmem:v28+s10+$0x0], $0xffff;
	v28 =	vadd.s32 s15, v0  }
0x22a: {  	v30 =	vadd.s32 s16, v0;
	v29 =	vor.u32 v10, v25;
	s15 =	sadd.s32 $0xFFFFFFFB, s13;
	v19 =	vld.idx.msk [tilespmem:v19+s9+$0x0], $0xffff;
	v17 =	vadd.f32 v18, v17  }
0x22b: {  	s17 =	sadd.s32 $0xFFFFFFFA, s13;
	s16 =	sadd.s32 $0xFFFFFFF7, s13;
	v18 =	vld.idx.msk [tilespmem:v22+s10+$0x0], $0xffff;
	v22 =	vor.u32 v9, v25;
	v25 =	vand.u32 $0x7F, v30;
	v30 =	vadd.s32 s15, v0  }
0x22c: {  	v33 =	vadd.s32 s17, v0;
	v32 =	vadd.s32 s16, v0;
	s15 =	sadd.s32 $0xFFFFFFF9, s13;
	v21 =	vld.idx.msk [tilespmem:v21+s9+$0x0], $0xffff;
	v31 =	vor.u32 v10, v25  }
0x22d: {  	s16 =	sadd.s32 $0xFFFFFFF8, s13;
	v32 =	vand.u32 $0x7F, v32;
	s13 =	smov.u32 s14;
	v25 =	vor.u32 v9, v25;
	v34 =	vadd.s32 s15, v0;
	v27 =	vld.idx.msk [tilespmem:v27+s10+$0x0], $0xffff  }
0x22e: {  	v35 =	vadd.s32 s16, v0;
	v20 =	vsub.f32 v20, v26;
	v26 =	vor.u32 v10, v32;
	v23 =	vld.idx.msk [tilespmem:v23+s9+$0x0], $0xffff  }
0x22f: {  	v35 =	vand.u32 $0x7F, v35;
	v32 =	vor.u32 v9, v32;
	v34 =	vand.u32 $0x7F, v34;
	v29 =	vld.idx.msk [tilespmem:v29+s10+$0x0], $0xffff  }
0x230: {  	v20 =	vmul.f32 v20, v20;
	v19 =	vsub.f32 v24, v19;
	v24 =	vor.u32 v10, v35;
	v22 =	vld.idx.msk [tilespmem:v22+s9+$0x0], $0xffff  }
0x231: {  	v33 =	vand.u32 $0x7F, v33;
	v36 =	vor.u32 v10, v34;
	v35 =	vor.u32 v9, v35;
	v31 =	vld.idx.msk [tilespmem:v31+s10+$0x0], $0xffff  }
0x232: {  	v17 =	vadd.f32 v20, v17;
	v19 =	vmul.f32 v19, v19;
	v18 =	vsub.f32 v18, v21;
	v20 =	vld.idx.msk [tilespmem:v25+s9+$0x0], $0xffff  }
0x233: {  	v30 =	vand.u32 $0x7F, v30;
	v25 =	vor.u32 v9, v34;
	v21 =	vld.idx.msk [tilespmem:v26+s10+$0x0], $0xffff;
	v26 =	vor.u32 v10, v33  }
0x234: {  	v17 =	vadd.f32 v19, v17;
	v18 =	vmul.f32 v18, v18;
	v19 =	vsub.f32 v27, v23;
	v23 =	vld.idx.msk [tilespmem:v32+s9+$0x0], $0xffff  }
0x235: {  	v28 =	vand.u32 $0x7F, v28;
	v27 =	vor.u32 v9, v33;
	v32 =	vor.u32 v10, v30;
	v24 =	vld.idx.msk [tilespmem:v24+s10+$0x0], $0xffff  }
0x236: {  	v17 =	vadd.f32 v18, v17;
	v18 =	vmul.f32 v19, v19;
	v19 =	vsub.f32 v29, v22;
	v22 =	vld.idx.msk [tilespmem:v35+s9+$0x0], $0xffff  }
0x237: {  	v16 =	vand.u32 $0x7F, v16;
	v33 =	vor.u32 v10, v28;
	v30 =	vor.u32 v9, v30;
	v29 =	vld.idx.msk [tilespmem:v36+s10+$0x0], $0xffff  }
0x238: {  	v17 =	vadd.f32 v18, v17;
	v18 =	vmul.f32 v19, v19;
	v19 =	vsub.f32 v31, v20;
	v20 =	vld.idx.msk [tilespmem:v25+s9+$0x0], $0xffff  }
0x239: {  	v15 =	vand.u32 $0x7F, v15;
	v25 =	vld.idx.msk [tilespmem:v26+s10+$0x0], $0xffff;
	v26 =	vor.u32 v9, v28;
	v28 =	vor.u32 v10, v16  }
0x23a: {  	v17 =	vadd.f32 v18, v17;
	v18 =	vmul.f32 v19, v19;
	v19 =	vsub.f32 v21, v23;
	v21 =	vld.idx.msk [tilespmem:v27+s9+$0x0], $0xffff  }
0x23b: {  	v14 =	vand.u32 $0x7F, v14;
	v16 =	vor.u32 v9, v16;
	v27 =	vor.u32 v10, v15;
	v23 =	vld.idx.msk [tilespmem:v32+s10+$0x0], $0xffff  }
0x23c: {  	v17 =	vadd.f32 v18, v17;
	v18 =	vmul.f32 v19, v19;
	v19 =	vsub.f32 v24, v22;
	v22 =	vld.idx.msk [tilespmem:v30+s9+$0x0], $0xffff  }
0x23d: {  	v31 =	vand.u32 $0x7F, v13;
	v15 =	vor.u32 v9, v15;
	v30 =	vor.u32 v10, v14;
	v24 =	vld.idx.msk [tilespmem:v33+s10+$0x0], $0xffff  }
0x23e: {  	v13 =	vadd.f32 v18, v17;
	v17 =	vmul.f32 v19, v19;
	v18 =	vsub.f32 v29, v20;
	v19 =	vld.idx.msk [tilespmem:v26+s9+$0x0], $0xffff  }
0x23f: {  	v26 =	vor.u32 v9, v14;
	v20 =	vld.idx.msk [tilespmem:v28+s10+$0x0], $0xffff;
	v28 =	vor.u32 v10, v31  }
0x240: {  	v14 =	vadd.f32 v17, v13;
	v17 =	vmul.f32 v18, v18;
	v18 =	vsub.f32 v25, v21;
	v21 =	vld.idx.msk [tilespmem:v16+s9+$0x0], $0xffff  }
0x241: {  	v13 =	vadd.s32 s14, v0;
	v25 =	vor.u32 v9, v31;
	v27 =	vld.idx.msk [tilespmem:v27+s10+$0x0], $0xffff  }
0x242: {  	s15 =	sadd.s32 $0xFFFFFFFF, s14;
	v16 =	vadd.f32 v17, v14;
	v18 =	vmul.f32 v18, v18;
	v22 =	vsub.f32 v23, v22;
	v29 =	vld.idx.msk [tilespmem:v15+s9+$0x0], $0xffff  }
0x243: {  	s17 =	sadd.s32 $0xFFFFFFFE, s14;
	v14 =	vadd.s32 s15, v0;
	v17 =	vld.idx.msk [tilespmem:v30+s10+$0x0], $0xffff  }
.Ltmp4:
0x244: {  	s16 =	sadd.s32 $0xFFFFFFFD, s14;
	s15 =	sadd.s32 $0xFFFFFFF2, s14;
	v23 =	vadd.f32 v18, v16;
	v22 =	vmul.f32 v22, v22;
	v24 =	vsub.f32 v24, v19;
	v19 =	vld.idx.msk [tilespmem:v26+s9+$0x0], $0xffff;
	(pc) =	sbr.rel @p0 .LBB2_10-.Ltmp4, $4  }
0x245: {  	v15 =	vadd.s32 s17, v0;
	v16 =	vadd.s32 s16, v0;
	v26 =	vadd.s32 s15, v0;
	v18 =	vld.idx.msk [tilespmem:v28+s10+$0x0], $0xffff  }
0x246: {  	s16 =	sadd.s32 $0xFFFFFFF3, s14;
	s15 =	sadd.s32 $0xFFFFFFF1, s14;
	v28 =	vadd.f32 v22, v23;
	v24 =	vmul.f32 v24, v24;
	v30 =	vsub.f32 v20, v21;
	v21 =	vld.idx.msk [tilespmem:v25+s9+$0x0], $0xffff  }
0x247: {  	v20 =	vor.u32 s15, v11;
	v22 =	vand.u32 $0x7F, v26;
	v23 =	vadd.s32 s16, v0  }
0x248: {  	s14 =	sadd.s32 $0x10, s14;
	v24 =	vadd.f32 v24, v28;
	v25 =	vmul.f32 v30, v30;
	v26 =	vsub.f32 v27, v29  }
0x249: {  	v11 =	vor.u32 s15, v12  }
0x24a: {  	v12 =	vor.u32 v10, v22;
	v23 =	vand.u32 $0x7F, v23;
	v17 =	vsub.f32 v17, v19  }
0x24b: {  	s14 =	sadd.s32 $0xFFFFFFF4, s13;
	v19 =	vor.u32 v9, v22;
	v24 =	vadd.f32 v25, v24;
	v25 =	vmul.f32 v26, v26  }
0x24c: {  	s22 =	sadd.s32 $0xFFFFFFF6, s13;
	s24 =	sadd.s32 $0xFFFFFFF7, s13;
	v22 =	vor.u32 v10, v23;
	v26 =	vadd.s32 s14, v0;
	v23 =	vor.u32 v9, v23  }
0x24d: {  	v27 =	vadd.s32 s22, v0;
	v30 =	vadd.s32 s24, v0;
	v17 =	vmul.f32 v17, v17  }
0x24e: {  	s20 =	sadd.s32 $0xFFFFFFF5, s13;
	v20 =	vld.idx.msk [tilespmem:v20+s10+$0x0], $0xffff;
	v18 =	vsub.f32 v18, v21;
	v21 =	vand.u32 $0x7F, v26;
	v24 =	vadd.f32 v25, v24  }
0x24f: {  	v25 =	vadd.s32 s20, v0;
	v26 =	vor.u32 v10, v21;
	v21 =	vor.u32 v9, v21;
	v11 =	vld.idx.msk [tilespmem:v11+s9+$0x0], $0xffff  }
0x250: {  	s16 =	sadd.s32 $0xFFFFFFFA, s13;
	s25 =	sadd.s32 $0xFFFFFFF9, s13;
	v18 =	vmul.f32 v18, v18;
	v17 =	vadd.f32 v17, v24;
	v12 =	vld.idx.msk [tilespmem:v12+s10+$0x0], $0xffff;
	v24 =	vand.u32 $0x7F, v25  }
0x251: {  	v31 =	vadd.s32 s16, v0;
	v32 =	vadd.s32 s25, v0;
	v19 =	vld.idx.msk [tilespmem:v19+s9+$0x0], $0xffff;
	v28 =	vor.u32 v10, v24  }
0x252: {  	s26 =	sadd.s32 $0xFFFFFFF8, s13;
	v22 =	vld.idx.msk [tilespmem:v22+s10+$0x0], $0xffff;
	v24 =	vor.u32 v9, v24;
	v17 =	vadd.f32 v18, v17;
	v18 =	vand.u32 $0x7F, v27  }
0x253: {  	v33 =	vadd.s32 s26, v0;
	v30 =	vand.u32 $0x7F, v30;
	v23 =	vld.idx.msk [tilespmem:v23+s9+$0x0], $0xffff;
	v29 =	vor.u32 v10, v18  }
0x254: {  	v33 =	vand.u32 $0x7F, v33;
	v18 =	vor.u32 v9, v18;
	v26 =	vld.idx.msk [tilespmem:v26+s10+$0x0], $0xffff;
	v11 =	vsub.f32 v20, v11  }
0x255: {  	v49 =	vor.u32 v10, v33;
	v33 =	vor.u32 v9, v33;
	v20 =	vld.idx.msk [tilespmem:v21+s9+$0x0], $0xffff;
	v21 =	vor.u32 v10, v30  }
0x256: {  	s21 =	sadd.s32 $0xFFFFFFFC, s13;
	s23 =	sadd.s32 $0xFFFFFFFB, s13;
	v30 =	vor.u32 v9, v30;
	v12 =	vsub.f32 v12, v19;
	v28 =	vld.idx.msk [tilespmem:v28+s10+$0x0], $0xffff;
	v11 =	vmul.f32 v11, v11  }
0x257: {  	v25 =	vadd.s32 s21, v0;
	v27 =	vadd.s32 s23, v0;
	v19 =	vand.u32 $0x7F, v32;
	v24 =	vld.idx.msk [tilespmem:v24+s9+$0x0], $0xffff  }
0x258: {  	v12 =	vmul.f32 v12, v12;
	v29 =	vld.idx.msk [tilespmem:v29+s10+$0x0], $0xffff;
	v11 =	vadd.f32 v11, v17;
	v17 =	vsub.f32 v22, v23  }
0x259: {  	v18 =	vld.idx.msk [tilespmem:v18+s9+$0x0], $0xffff;
	v22 =	vor.u32 v10, v19;
	v23 =	vand.u32 $0x7F, v31;
	v19 =	vor.u32 v9, v19  }
0x25a: {  	v21 =	vld.idx.msk [tilespmem:v21+s10+$0x0], $0xffff;
	v11 =	vadd.f32 v12, v11;
	v12 =	vmul.f32 v17, v17;
	v17 =	vsub.f32 v26, v20  }
0x25b: {  	v20 =	vor.u32 v10, v23;
	v26 =	vand.u32 $0x7F, v27;
	v27 =	vld.idx.msk [tilespmem:v30+s9+$0x0], $0xffff;
	v23 =	vor.u32 v9, v23  }
0x25c: {  	v50 =	vld.idx.msk [tilespmem:v49+s10+$0x0], $0xffff;
	v11 =	vadd.f32 v12, v11;
	v12 =	vmul.f32 v17, v17;
	v17 =	vsub.f32 v28, v24  }
0x25d: {  	v25 =	vand.u32 $0x7F, v25;
	v24 =	vor.u32 v10, v26;
	v28 =	vld.idx.msk [tilespmem:v33+s9+$0x0], $0xffff;
	v26 =	vor.u32 v9, v26  }
0x25e: {  	v22 =	vld.idx.msk [tilespmem:v22+s10+$0x0], $0xffff;
	v11 =	vadd.f32 v12, v11;
	v12 =	vmul.f32 v17, v17;
	v17 =	vsub.f32 v29, v18  }
0x25f: {  	v16 =	vand.u32 $0x7F, v16;
	v19 =	vld.idx.msk [tilespmem:v19+s9+$0x0], $0xffff;
	v18 =	vor.u32 v10, v25;
	v25 =	vor.u32 v9, v25  }
0x260: {  	v20 =	vld.idx.msk [tilespmem:v20+s10+$0x0], $0xffff;
	v11 =	vadd.f32 v12, v11;
	v12 =	vmul.f32 v17, v17;
	v17 =	vsub.f32 v21, v27  }
0x261: {  	v15 =	vand.u32 $0x7F, v15;
	v23 =	vld.idx.msk [tilespmem:v23+s9+$0x0], $0xffff;
	v21 =	vor.u32 v10, v16;
	v16 =	vor.u32 v9, v16  }
0x262: {  	v24 =	vld.idx.msk [tilespmem:v24+s10+$0x0], $0xffff;
	v11 =	vadd.f32 v12, v11;
	v12 =	vmul.f32 v17, v17;
	v17 =	vsub.f32 v50, v28  }
0x263: {  	v14 =	vand.u32 $0x7F, v14;
	v27 =	vor.u32 v10, v15;
	v15 =	vor.u32 v9, v15;
	v26 =	vld.idx.msk [tilespmem:v26+s9+$0x0], $0xffff  }
0x264: {  	v18 =	vld.idx.msk [tilespmem:v18+s10+$0x0], $0xffff;
	v11 =	vadd.f32 v12, v11;
	v12 =	vmul.f32 v17, v17;
	v17 =	vsub.f32 v22, v19  }
0x265: {  	v13 =	vand.u32 $0x7F, v13;
	v19 =	vor.u32 v10, v14;
	v22 =	vld.idx.msk [tilespmem:v25+s9+$0x0], $0xffff;
	v14 =	vor.u32 v9, v14  }
0x266: {  	v21 =	vld.idx.msk [tilespmem:v21+s10+$0x0], $0xffff;
	v11 =	vadd.f32 v12, v11;
	v12 =	vmul.f32 v17, v17;
	v17 =	vsub.f32 v20, v23  }
0x267: {  	v10 =	vor.u32 v10, v13;
	v9 =	vor.u32 v9, v13;
	v16 =	vld.idx.msk [tilespmem:v16+s9+$0x0], $0xffff  }
0x268: {  	v13 =	vld.idx.msk [tilespmem:v15+s9+$0x0], $0xffff;
	v11 =	vadd.f32 v12, v11;
	v12 =	vmul.f32 v17, v17;
	v17 =	vsub.f32 v24, v26  }
0x269: {  	v20 =	vld.idx.msk [tilespmem:v27+s10+$0x0], $0xffff  }
0x26a: {  	v15 =	vld.idx.msk [tilespmem:v19+s10+$0x0], $0xffff;
	v11 =	vadd.f32 v12, v11;
	v12 =	vmul.f32 v17, v17;
	v17 =	vsub.f32 v18, v22  }
0x26b: {  	v14 =	vld.idx.msk [tilespmem:v14+s9+$0x0], $0xffff  }
0x26c: {  	v16 =	vsub.f32 v21, v16;
	v11 =	vadd.f32 v12, v11;
	v12 =	vmul.f32 v17, v17  }
0x26d: {  	v10 =	vld.idx.msk [tilespmem:v10+s10+$0x0], $0xffff  }
0x26e: {  	v9 =	vld.idx.msk [tilespmem:v9+s9+$0x0], $0xffff;
	v13 =	vsub.f32 v20, v13;
	v11 =	vadd.f32 v12, v11;
	v12 =	vmul.f32 v16, v16  }
0x26f: {  	v16 =	vld [tilespmem:$0x50]  }
0x270: {  	v11 =	vadd.f32 v12, v11;
	v12 =	vmul.f32 v13, v13;
	v13 =	vsub.f32 v15, v14;
	_ =	sdelay $0x1  }
0x271: {  	v11 =	vadd.f32 v12, v11;
	v12 =	vmul.f32 v13, v13  }
0x272: {  	v14 =	vsub.f32 v10, v9  }
0x273: {  	s28 =	simm.s32 $0x1;
	s29 =	simm.s32 $0x0;
	v10 =	vshll.u32 v16, $0x7;
	v9 =	vadd.f32 v12, v11;
	v12 =	vor.u32 $0x2800, v1  }
0x274: {  	v15 =	vadd.s32 s28, v0;
	v13 =	vor.u32 v0, v10;
	v16 =	vor.u32 s29, v12  }
0x275: {  	s30 =	simm.s32 $0x2;
	v15 =	vand.u32 $0x7F, v15;
	v11 =	vor.u32 $0x2800, v2;
	v17 =	vor.u32 s29, v13  }
0x276: {  	v19 =	vadd.s32 s30, v0;
	v20 =	vor.u32 v11, v15  }
0x277: {  	s15 =	simm.s32 $0x3;
	v19 =	vand.u32 $0x7F, v19;
	v15 =	vor.u32 v10, v15  }
0x278: {  	s18 =	simm.s32 $0x4;
	v24 =	vadd.s32 s15, v0;
	v23 =	vor.u32 v11, v19  }
0x279: {  	s22 =	simm.s32 $0x6;
	v27 =	vadd.s32 s18, v0;
	v24 =	vand.u32 $0x7F, v24;
	v19 =	vor.u32 v10, v19;
	v16 =	vld.idx.msk [tilespmem:v16+s10+$0x0], $0xffff  }
0x27a: {  	s24 =	simm.s32 $0x8;
	s25 =	simm.s32 $0x7;
	v34 =	vadd.s32 s22, v0;
	v27 =	vand.u32 $0x7F, v27;
	v28 =	vor.u32 v11, v24;
	v17 =	vld.idx.msk [tilespmem:v17+s9+$0x0], $0xffff  }
0x27b: {  	s19 =	simm.s32 $0x5;
	v36 =	vadd.s32 s24, v0;
	v37 =	vadd.s32 s25, v0;
	v52 =	vor.u32 v11, v27;
	v20 =	vld.idx.msk [tilespmem:v20+s10+$0x0], $0xffff  }
0x27c: {  	v34 =	vand.u32 $0x7F, v34;
	v29 =	vadd.s32 s19, v0;
	v24 =	vor.u32 v10, v24;
	v15 =	vld.idx.msk [tilespmem:v15+s9+$0x0], $0xffff  }
0x27d: {  	s20 =	simm.s32 $0xB;
	v37 =	vand.u32 $0x7F, v37;
	s21 =	simm.s32 $0xA;
	v29 =	vand.u32 $0x7F, v29;
	v27 =	vor.u32 v10, v27;
	v23 =	vld.idx.msk [tilespmem:v23+s10+$0x0], $0xffff  }
0x27e: {  	v51 =	vadd.s32 s20, v0;
	v53 =	vadd.s32 s21, v0;
	s23 =	simm.s32 $0x9;
	v54 =	vor.u32 v11, v29;
	v19 =	vld.idx.msk [tilespmem:v19+s9+$0x0], $0xffff  }
0x27f: {  	v35 =	vadd.s32 s23, v0;
	v29 =	vor.u32 v10, v29;
	v28 =	vld.idx.msk [tilespmem:v28+s10+$0x0], $0xffff;
	v16 =	vsub.f32 v16, v17  }
0x280: {  	v30 =	vand.u32 $0x7F, v51;
	v18 =	vimm.f32 $0.0e+00;
	v55 =	vor.u32 v11, v37;
	v31 =	vld.idx.msk [tilespmem:v52+s10+$0x0], $0xffff  }
0x281: {  	v17 =	vld.idx.msk [tilespmem:v24+s9+$0x0], $0xffff;
	v24 =	vor.u32 v11, v34;
	v15 =	vsub.f32 v20, v15;
	v16 =	vmul.f32 v16, v16  }
0x282: {  	v37 =	vor.u32 v10, v37;
	v27 =	vld.idx.msk [tilespmem:v27+s9+$0x0], $0xffff;
	v34 =	vor.u32 v10, v34;
	v20 =	vand.u32 $0x7F, v36  }
0x283: {  	s16 =	simm.s32 $0xC;
	v33 =	vld.idx.msk [tilespmem:v54+s10+$0x0], $0xffff;
	v15 =	vmul.f32 v15, v15;
	v16 =	vadd.f32 v16, v18;
	v18 =	vsub.f32 v23, v19  }
0x284: {  	v25 =	vadd.s32 s16, v0;
	v29 =	vld.idx.msk [tilespmem:v29+s9+$0x0], $0xffff;
	v19 =	vor.u32 v11, v20;
	v23 =	vand.u32 $0x7F, v35  }
0x285: {  	s17 =	simm.s32 $0xD;
	v57 =	vld.idx.msk [tilespmem:v55+s10+$0x0], $0xffff;
	v20 =	vor.u32 v10, v20;
	v15 =	vadd.f32 v15, v16;
	v16 =	vmul.f32 v18, v18  }
0x286: {  	v26 =	vadd.s32 s17, v0;
	v24 =	vld.idx.msk [tilespmem:v24+s10+$0x0], $0xffff;
	v17 =	vsub.f32 v28, v17;
	v18 =	vor.u32 v11, v23  }
0x287: {  	v28 =	vand.u32 $0x7F, v53;
	v56 =	vld.idx.msk [tilespmem:v34+s9+$0x0], $0xffff;
	v23 =	vor.u32 v10, v23;
	v15 =	vadd.f32 v16, v15  }
0x288: {  	v58 =	vld.idx.msk [tilespmem:v37+s9+$0x0], $0xffff;
	v16 =	vmul.f32 v17, v17;
	v17 =	vsub.f32 v31, v27;
	v27 =	vor.u32 v11, v28  }
0x289: {  	v25 =	vand.u32 $0x7F, v25;
	v26 =	vand.u32 $0x7F, v26;
	v28 =	vor.u32 v10, v28;
	v19 =	vld.idx.msk [tilespmem:v19+s10+$0x0], $0xffff  }
0x28a: {  	s31 =	simm.s32 $0xF;
	v20 =	vld.idx.msk [tilespmem:v20+s9+$0x0], $0xffff;
	v15 =	vadd.f32 v16, v15;
	v16 =	vmul.f32 v17, v17;
	v17 =	vsub.f32 v33, v29  }
0x28b: {  	v21 =	vadd.s32 s31, v0;
	v29 =	vor.u32 v11, v30;
	v30 =	vor.u32 v10, v30;
	v18 =	vld.idx.msk [tilespmem:v18+s10+$0x0], $0xffff  }
0x28c: {  	s14 =	simm.s32 $0xE;
	v23 =	vld.idx.msk [tilespmem:v23+s9+$0x0], $0xffff;
	v15 =	vadd.f32 v16, v15;
	v16 =	vmul.f32 v17, v17;
	v17 =	vsub.f32 v24, v56  }
0x28d: {  	v22 =	vadd.s32 s14, v0;
	v24 =	vor.u32 v11, v25;
	v25 =	vor.u32 v10, v25;
	v27 =	vld.idx.msk [tilespmem:v27+s10+$0x0], $0xffff  }
0x28e: {  	v28 =	vld.idx.msk [tilespmem:v28+s9+$0x0], $0xffff;
	v15 =	vadd.f32 v16, v15;
	v16 =	vmul.f32 v17, v17;
	v17 =	vsub.f32 v57, v58  }
0x28f: {  	v22 =	vand.u32 $0x7F, v22;
	v59 =	vor.u32 v11, v26;
	v26 =	vor.u32 v10, v26  }
0x290: {  	v29 =	vld.idx.msk [tilespmem:v29+s10+$0x0], $0xffff;
	v15 =	vadd.f32 v16, v15;
	v16 =	vmul.f32 v17, v17;
	v17 =	vsub.f32 v19, v20  }
0x291: {  	v19 =	vor.u32 v11, v22;
	v20 =	vand.u32 $0x7F, v21;
	v21 =	vld.idx.msk [tilespmem:v30+s9+$0x0], $0xffff;
	v22 =	vor.u32 v10, v22  }
0x292: {  	v24 =	vld.idx.msk [tilespmem:v24+s10+$0x0], $0xffff;
	v15 =	vadd.f32 v16, v15;
	v16 =	vmul.f32 v17, v17;
	v17 =	vsub.f32 v18, v23  }
0x293: {  	v14 =	vmul.f32 v14, v14;
	v25 =	vld.idx.msk [tilespmem:v25+s9+$0x0], $0xffff;
	v23 =	vor.u32 v11, v20;
	v18 =	vsub.f32 v27, v28  }
0x294: {  	s13 =	simm.s32 $0x1F;
	s26 =	simm.s32 $0x1E;
	v60 =	vld.idx.msk [tilespmem:v59+s10+$0x0], $0xffff;
	v27 =	vor.u32 v10, v20;
	v16 =	vadd.f32 v16, v15;
	v17 =	vmul.f32 v17, v17  }
0x295: {  	v9 =	vadd.f32 v14, v9;
	v14 =	vadd.s32 s13, v0;
	v28 =	vld.idx.msk [tilespmem:v26+s9+$0x0], $0xffff;
	v15 =	vadd.s32 s26, v0  }
0x296: {  	s30 =	simm.s32 $0x1D;
	s28 =	simm.s32 $0x11;
	s29 =	simm.s32 $0x1C;
	v61 =	vmul.f32 v18, v18;
	v21 =	vsub.f32 v29, v21;
	v18 =	vld.idx.msk [tilespmem:v19+s10+$0x0], $0xffff;
	v26 =	vadd.f32 v17, v16  }
0x297: {  	v29 =	vadd.s32 s28, v0;
	v20 =	vld.idx.msk [tilespmem:v22+s9+$0x0], $0xffff;
	v17 =	vadd.s32 s29, v0;
	v16 =	vadd.s32 s30, v0  }
0x298: {  	s15 =	simm.s32 $0x10;
	s31 =	simm.s32 $0x12;
	v63 =	vsub.f32 v24, v25;
	v62 =	vmul.f32 v21, v21;
	v19 =	vld.idx.msk [tilespmem:v23+s10+$0x0], $0xffff;
	v26 =	vadd.f32 v61, v26  }
0x299: {  	v24 =	vadd.s32 s31, v0;
	v21 =	vor.u32 s15, v12;
	v23 =	vand.u32 $0x7F, v29;
	v22 =	vld.idx.msk [tilespmem:v27+s9+$0x0], $0xffff  }
0x29a: {  	s14 =	simm.s32 $0x2F;
	v27 =	vsub.f32 v60, v28;
	v25 =	vadd.f32 v62, v26;
	v26 =	vmul.f32 v63, v63  }
.LBB2_12:
0x29b: {  	p0 =	sne.s32 s14, $0x7F;
	v28 =	vor.u32 s15, v13;
	v29 =	vor.u32 v11, v23;
	v24 =	vand.u32 $0x7F, v24  }
0x29c: {  	s15 =	sadd.s32 $0xFFFFFFF4, s13;
	v18 =	vsub.f32 v18, v20;
	v25 =	vadd.f32 v26, v25;
	v26 =	vmul.f32 v27, v27  }
0x29d: {  	v20 =	vor.u32 v10, v23;
	v23 =	vor.u32 v11, v24;
	v27 =	vadd.s32 s15, v0  }
0x29e: {  	s15 =	sadd.s32 $0xFFFFFFF5, s13;
	v18 =	vmul.f32 v18, v18;
	v19 =	vsub.f32 v19, v22;
	v25 =	vadd.f32 v26, v25  }
0x29f: {  	v22 =	vor.u32 v10, v24;
	v24 =	vand.u32 $0x7F, v27;
	v26 =	vadd.s32 s15, v0;
	v21 =	vld.idx.msk [tilespmem:v21+s10+$0x0], $0xffff  }
0x2a0: {  	s15 =	sadd.s32 $0xFFFFFFFC, s13;
	v19 =	vmul.f32 v19, v19;
	v27 =	vld.idx.msk [tilespmem:v28+s9+$0x0], $0xffff;
	v28 =	vor.u32 v11, v24;
	v18 =	vadd.f32 v18, v25  }
0x2a1: {  	s16 =	sadd.s32 $0xFFFFFFF6, s13;
	v26 =	vand.u32 $0x7F, v26;
	v24 =	vor.u32 v10, v24;
	v25 =	vld.idx.msk [tilespmem:v29+s10+$0x0], $0xffff;
	v29 =	vadd.s32 s15, v0  }
0x2a2: {  	v31 =	vadd.s32 s16, v0;
	v30 =	vor.u32 v11, v26;
	s15 =	sadd.s32 $0xFFFFFFFB, s13;
	v20 =	vld.idx.msk [tilespmem:v20+s9+$0x0], $0xffff;
	v18 =	vadd.f32 v19, v18  }
0x2a3: {  	s17 =	sadd.s32 $0xFFFFFFFA, s13;
	s16 =	sadd.s32 $0xFFFFFFF7, s13;
	v19 =	vld.idx.msk [tilespmem:v23+s10+$0x0], $0xffff;
	v23 =	vor.u32 v10, v26;
	v26 =	vand.u32 $0x7F, v31;
	v31 =	vadd.s32 s15, v0  }
0x2a4: {  	v34 =	vadd.s32 s17, v0;
	v33 =	vadd.s32 s16, v0;
	s15 =	sadd.s32 $0xFFFFFFF9, s13;
	v22 =	vld.idx.msk [tilespmem:v22+s9+$0x0], $0xffff;
	v32 =	vor.u32 v11, v26  }
0x2a5: {  	s16 =	sadd.s32 $0xFFFFFFF8, s13;
	v33 =	vand.u32 $0x7F, v33;
	s13 =	smov.u32 s14;
	v26 =	vor.u32 v10, v26;
	v35 =	vadd.s32 s15, v0;
	v28 =	vld.idx.msk [tilespmem:v28+s10+$0x0], $0xffff  }
0x2a6: {  	v36 =	vadd.s32 s16, v0;
	v21 =	vsub.f32 v21, v27;
	v27 =	vor.u32 v11, v33;
	v24 =	vld.idx.msk [tilespmem:v24+s9+$0x0], $0xffff  }
0x2a7: {  	v36 =	vand.u32 $0x7F, v36;
	v33 =	vor.u32 v10, v33;
	v35 =	vand.u32 $0x7F, v35;
	v30 =	vld.idx.msk [tilespmem:v30+s10+$0x0], $0xffff  }
0x2a8: {  	v21 =	vmul.f32 v21, v21;
	v20 =	vsub.f32 v25, v20;
	v25 =	vor.u32 v11, v36;
	v23 =	vld.idx.msk [tilespmem:v23+s9+$0x0], $0xffff  }
0x2a9: {  	v34 =	vand.u32 $0x7F, v34;
	v37 =	vor.u32 v11, v35;
	v36 =	vor.u32 v10, v36;
	v32 =	vld.idx.msk [tilespmem:v32+s10+$0x0], $0xffff  }
0x2aa: {  	v18 =	vadd.f32 v21, v18;
	v20 =	vmul.f32 v20, v20;
	v19 =	vsub.f32 v19, v22;
	v21 =	vld.idx.msk [tilespmem:v26+s9+$0x0], $0xffff  }
0x2ab: {  	v31 =	vand.u32 $0x7F, v31;
	v26 =	vor.u32 v10, v35;
	v22 =	vld.idx.msk [tilespmem:v27+s10+$0x0], $0xffff;
	v27 =	vor.u32 v11, v34  }
0x2ac: {  	v18 =	vadd.f32 v20, v18;
	v19 =	vmul.f32 v19, v19;
	v20 =	vsub.f32 v28, v24;
	v24 =	vld.idx.msk [tilespmem:v33+s9+$0x0], $0xffff  }
0x2ad: {  	v29 =	vand.u32 $0x7F, v29;
	v28 =	vor.u32 v10, v34;
	v33 =	vor.u32 v11, v31;
	v25 =	vld.idx.msk [tilespmem:v25+s10+$0x0], $0xffff  }
0x2ae: {  	v18 =	vadd.f32 v19, v18;
	v19 =	vmul.f32 v20, v20;
	v20 =	vsub.f32 v30, v23;
	v23 =	vld.idx.msk [tilespmem:v36+s9+$0x0], $0xffff  }
0x2af: {  	v17 =	vand.u32 $0x7F, v17;
	v34 =	vor.u32 v11, v29;
	v31 =	vor.u32 v10, v31;
	v30 =	vld.idx.msk [tilespmem:v37+s10+$0x0], $0xffff  }
0x2b0: {  	v18 =	vadd.f32 v19, v18;
	v19 =	vmul.f32 v20, v20;
	v20 =	vsub.f32 v32, v21;
	v21 =	vld.idx.msk [tilespmem:v26+s9+$0x0], $0xffff  }
0x2b1: {  	v16 =	vand.u32 $0x7F, v16;
	v26 =	vld.idx.msk [tilespmem:v27+s10+$0x0], $0xffff;
	v27 =	vor.u32 v10, v29;
	v29 =	vor.u32 v11, v17  }
0x2b2: {  	v18 =	vadd.f32 v19, v18;
	v19 =	vmul.f32 v20, v20;
	v20 =	vsub.f32 v22, v24;
	v22 =	vld.idx.msk [tilespmem:v28+s9+$0x0], $0xffff  }
0x2b3: {  	v15 =	vand.u32 $0x7F, v15;
	v17 =	vor.u32 v10, v17;
	v28 =	vor.u32 v11, v16;
	v24 =	vld.idx.msk [tilespmem:v33+s10+$0x0], $0xffff  }
0x2b4: {  	v18 =	vadd.f32 v19, v18;
	v19 =	vmul.f32 v20, v20;
	v20 =	vsub.f32 v25, v23;
	v23 =	vld.idx.msk [tilespmem:v31+s9+$0x0], $0xffff  }
0x2b5: {  	v32 =	vand.u32 $0x7F, v14;
	v16 =	vor.u32 v10, v16;
	v31 =	vor.u32 v11, v15;
	v25 =	vld.idx.msk [tilespmem:v34+s10+$0x0], $0xffff  }
0x2b6: {  	v14 =	vadd.f32 v19, v18;
	v18 =	vmul.f32 v20, v20;
	v19 =	vsub.f32 v30, v21;
	v20 =	vld.idx.msk [tilespmem:v27+s9+$0x0], $0xffff  }
0x2b7: {  	v27 =	vor.u32 v10, v15;
	v21 =	vld.idx.msk [tilespmem:v29+s10+$0x0], $0xffff;
	v29 =	vor.u32 v11, v32  }
0x2b8: {  	v15 =	vadd.f32 v18, v14;
	v18 =	vmul.f32 v19, v19;
	v19 =	vsub.f32 v26, v22;
	v22 =	vld.idx.msk [tilespmem:v17+s9+$0x0], $0xffff  }
0x2b9: {  	v14 =	vadd.s32 s14, v0;
	v26 =	vor.u32 v10, v32;
	v28 =	vld.idx.msk [tilespmem:v28+s10+$0x0], $0xffff  }
0x2ba: {  	s15 =	sadd.s32 $0xFFFFFFFF, s14;
	v17 =	vadd.f32 v18, v15;
	v19 =	vmul.f32 v19, v19;
	v23 =	vsub.f32 v24, v23;
	v30 =	vld.idx.msk [tilespmem:v16+s9+$0x0], $0xffff  }
0x2bb: {  	s17 =	sadd.s32 $0xFFFFFFFE, s14;
	v15 =	vadd.s32 s15, v0;
	v18 =	vld.idx.msk [tilespmem:v31+s10+$0x0], $0xffff  }
.Ltmp5:
0x2bc: {  	s16 =	sadd.s32 $0xFFFFFFFD, s14;
	s15 =	sadd.s32 $0xFFFFFFF2, s14;
	v24 =	vadd.f32 v19, v17;
	v23 =	vmul.f32 v23, v23;
	v25 =	vsub.f32 v25, v20;
	v20 =	vld.idx.msk [tilespmem:v27+s9+$0x0], $0xffff;
	(pc) =	sbr.rel @p0 .LBB2_12-.Ltmp5, $4  }
0x2bd: {  	v16 =	vadd.s32 s17, v0;
	v17 =	vadd.s32 s16, v0;
	v27 =	vadd.s32 s15, v0;
	v19 =	vld.idx.msk [tilespmem:v29+s10+$0x0], $0xffff  }
0x2be: {  	s16 =	sadd.s32 $0xFFFFFFF3, s14;
	s15 =	sadd.s32 $0xFFFFFFF1, s14;
	v29 =	vadd.f32 v23, v24;
	v25 =	vmul.f32 v25, v25;
	v31 =	vsub.f32 v21, v22;
	v22 =	vld.idx.msk [tilespmem:v26+s9+$0x0], $0xffff  }
0x2bf: {  	v21 =	vor.u32 s15, v12;
	v23 =	vand.u32 $0x7F, v27;
	v24 =	vadd.s32 s16, v0  }
0x2c0: {  	s14 =	sadd.s32 $0x10, s14;
	v25 =	vadd.f32 v25, v29;
	v26 =	vmul.f32 v31, v31;
	v27 =	vsub.f32 v28, v30  }
0x2c1: {  	v12 =	vor.u32 s15, v13  }
0x2c2: {  	v13 =	vor.u32 v11, v23;
	v24 =	vand.u32 $0x7F, v24;
	v18 =	vsub.f32 v18, v20  }
0x2c3: {  	s14 =	sadd.s32 $0xFFFFFFF4, s13;
	v20 =	vor.u32 v10, v23;
	v25 =	vadd.f32 v26, v25;
	v26 =	vmul.f32 v27, v27  }
0x2c4: {  	s22 =	sadd.s32 $0xFFFFFFF6, s13;
	s24 =	sadd.s32 $0xFFFFFFF7, s13;
	v23 =	vor.u32 v11, v24;
	v27 =	vadd.s32 s14, v0;
	v24 =	vor.u32 v10, v24  }
0x2c5: {  	v28 =	vadd.s32 s22, v0;
	v31 =	vadd.s32 s24, v0;
	v18 =	vmul.f32 v18, v18  }
0x2c6: {  	s20 =	sadd.s32 $0xFFFFFFF5, s13;
	v21 =	vld.idx.msk [tilespmem:v21+s10+$0x0], $0xffff;
	v19 =	vsub.f32 v19, v22;
	v22 =	vand.u32 $0x7F, v27;
	v25 =	vadd.f32 v26, v25  }
0x2c7: {  	v26 =	vadd.s32 s20, v0;
	v27 =	vor.u32 v11, v22;
	v22 =	vor.u32 v10, v22;
	v12 =	vld.idx.msk [tilespmem:v12+s9+$0x0], $0xffff  }
0x2c8: {  	s16 =	sadd.s32 $0xFFFFFFFA, s13;
	s25 =	sadd.s32 $0xFFFFFFF9, s13;
	v19 =	vmul.f32 v19, v19;
	v18 =	vadd.f32 v18, v25;
	v13 =	vld.idx.msk [tilespmem:v13+s10+$0x0], $0xffff;
	v25 =	vand.u32 $0x7F, v26  }
0x2c9: {  	v32 =	vadd.s32 s16, v0;
	v33 =	vadd.s32 s25, v0;
	v20 =	vld.idx.msk [tilespmem:v20+s9+$0x0], $0xffff;
	v29 =	vor.u32 v11, v25  }
0x2ca: {  	s26 =	sadd.s32 $0xFFFFFFF8, s13;
	v23 =	vld.idx.msk [tilespmem:v23+s10+$0x0], $0xffff;
	v25 =	vor.u32 v10, v25;
	v18 =	vadd.f32 v19, v18;
	v19 =	vand.u32 $0x7F, v28  }
0x2cb: {  	v34 =	vadd.s32 s26, v0;
	v31 =	vand.u32 $0x7F, v31;
	v24 =	vld.idx.msk [tilespmem:v24+s9+$0x0], $0xffff;
	v30 =	vor.u32 v11, v19  }
0x2cc: {  	v34 =	vand.u32 $0x7F, v34;
	v19 =	vor.u32 v10, v19;
	v27 =	vld.idx.msk [tilespmem:v27+s10+$0x0], $0xffff;
	v12 =	vsub.f32 v21, v12  }
0x2cd: {  	v52 =	vor.u32 v11, v34;
	v34 =	vor.u32 v10, v34;
	v21 =	vld.idx.msk [tilespmem:v22+s9+$0x0], $0xffff;
	v22 =	vor.u32 v11, v31  }
0x2ce: {  	s21 =	sadd.s32 $0xFFFFFFFC, s13;
	s23 =	sadd.s32 $0xFFFFFFFB, s13;
	v31 =	vor.u32 v10, v31;
	v13 =	vsub.f32 v13, v20;
	v29 =	vld.idx.msk [tilespmem:v29+s10+$0x0], $0xffff;
	v12 =	vmul.f32 v12, v12  }
0x2cf: {  	v26 =	vadd.s32 s21, v0;
	v28 =	vadd.s32 s23, v0;
	v20 =	vand.u32 $0x7F, v33;
	v25 =	vld.idx.msk [tilespmem:v25+s9+$0x0], $0xffff  }
0x2d0: {  	v13 =	vmul.f32 v13, v13;
	v30 =	vld.idx.msk [tilespmem:v30+s10+$0x0], $0xffff;
	v12 =	vadd.f32 v12, v18;
	v18 =	vsub.f32 v23, v24  }
0x2d1: {  	v19 =	vld.idx.msk [tilespmem:v19+s9+$0x0], $0xffff;
	v23 =	vor.u32 v11, v20;
	v24 =	vand.u32 $0x7F, v32;
	v20 =	vor.u32 v10, v20  }
0x2d2: {  	v22 =	vld.idx.msk [tilespmem:v22+s10+$0x0], $0xffff;
	v12 =	vadd.f32 v13, v12;
	v13 =	vmul.f32 v18, v18;
	v18 =	vsub.f32 v27, v21  }
0x2d3: {  	v21 =	vor.u32 v11, v24;
	v27 =	vand.u32 $0x7F, v28;
	v28 =	vld.idx.msk [tilespmem:v31+s9+$0x0], $0xffff;
	v24 =	vor.u32 v10, v24  }
0x2d4: {  	v31 =	vld.idx.msk [tilespmem:v52+s10+$0x0], $0xffff;
	v12 =	vadd.f32 v13, v12;
	v13 =	vmul.f32 v18, v18;
	v18 =	vsub.f32 v29, v25  }
0x2d5: {  	v26 =	vand.u32 $0x7F, v26;
	v25 =	vor.u32 v11, v27;
	v29 =	vld.idx.msk [tilespmem:v34+s9+$0x0], $0xffff;
	v27 =	vor.u32 v10, v27  }
0x2d6: {  	v23 =	vld.idx.msk [tilespmem:v23+s10+$0x0], $0xffff;
	v12 =	vadd.f32 v13, v12;
	v13 =	vmul.f32 v18, v18;
	v18 =	vsub.f32 v30, v19  }
0x2d7: {  	v17 =	vand.u32 $0x7F, v17;
	v20 =	vld.idx.msk [tilespmem:v20+s9+$0x0], $0xffff;
	v19 =	vor.u32 v11, v26;
	v26 =	vor.u32 v10, v26  }
0x2d8: {  	v21 =	vld.idx.msk [tilespmem:v21+s10+$0x0], $0xffff;
	v12 =	vadd.f32 v13, v12;
	v13 =	vmul.f32 v18, v18;
	v18 =	vsub.f32 v22, v28  }
0x2d9: {  	v16 =	vand.u32 $0x7F, v16;
	v24 =	vld.idx.msk [tilespmem:v24+s9+$0x0], $0xffff;
	v22 =	vor.u32 v11, v17;
	v17 =	vor.u32 v10, v17  }
0x2da: {  	v25 =	vld.idx.msk [tilespmem:v25+s10+$0x0], $0xffff;
	v12 =	vadd.f32 v13, v12;
	v13 =	vmul.f32 v18, v18;
	v18 =	vsub.f32 v31, v29  }
0x2db: {  	v15 =	vand.u32 $0x7F, v15;
	v28 =	vor.u32 v11, v16;
	v16 =	vor.u32 v10, v16;
	v27 =	vld.idx.msk [tilespmem:v27+s9+$0x0], $0xffff  }
0x2dc: {  	v19 =	vld.idx.msk [tilespmem:v19+s10+$0x0], $0xffff;
	v12 =	vadd.f32 v13, v12;
	v13 =	vmul.f32 v18, v18;
	v18 =	vsub.f32 v23, v20  }
0x2dd: {  	v14 =	vand.u32 $0x7F, v14;
	v20 =	vor.u32 v11, v15;
	v23 =	vld.idx.msk [tilespmem:v26+s9+$0x0], $0xffff;
	v15 =	vor.u32 v10, v15  }
0x2de: {  	v22 =	vld.idx.msk [tilespmem:v22+s10+$0x0], $0xffff;
	v12 =	vadd.f32 v13, v12;
	v13 =	vmul.f32 v18, v18;
	v18 =	vsub.f32 v21, v24  }
0x2df: {  	v11 =	vor.u32 v11, v14;
	v10 =	vor.u32 v10, v14;
	v17 =	vld.idx.msk [tilespmem:v17+s9+$0x0], $0xffff  }
0x2e0: {  	v14 =	vld.idx.msk [tilespmem:v16+s9+$0x0], $0xffff;
	v12 =	vadd.f32 v13, v12;
	v13 =	vmul.f32 v18, v18;
	v18 =	vsub.f32 v25, v27  }
0x2e1: {  	v21 =	vld.idx.msk [tilespmem:v28+s10+$0x0], $0xffff  }
0x2e2: {  	v16 =	vld.idx.msk [tilespmem:v20+s10+$0x0], $0xffff;
	v12 =	vadd.f32 v13, v12;
	v13 =	vmul.f32 v18, v18;
	v18 =	vsub.f32 v19, v23  }
0x2e3: {  	v15 =	vld.idx.msk [tilespmem:v15+s9+$0x0], $0xffff  }
0x2e4: {  	v17 =	vsub.f32 v22, v17;
	v12 =	vadd.f32 v13, v12;
	v13 =	vmul.f32 v18, v18  }
0x2e5: {  	v11 =	vld.idx.msk [tilespmem:v11+s10+$0x0], $0xffff  }
0x2e6: {  	v10 =	vld.idx.msk [tilespmem:v10+s9+$0x0], $0xffff;
	v14 =	vsub.f32 v21, v14;
	v12 =	vadd.f32 v13, v12;
	v13 =	vmul.f32 v17, v17  }
0x2e7: {  	v17 =	vld [tilespmem:$0x60]  }
0x2e8: {  	v12 =	vadd.f32 v13, v12;
	v13 =	vmul.f32 v14, v14;
	v14 =	vsub.f32 v16, v15;
	_ =	sdelay $0x1  }
0x2e9: {  	v12 =	vadd.f32 v13, v12;
	v13 =	vmul.f32 v14, v14  }
0x2ea: {  	v15 =	vsub.f32 v11, v10  }
0x2eb: {  	s28 =	simm.s32 $0x1;
	s29 =	simm.s32 $0x0;
	v11 =	vshll.u32 v17, $0x7;
	v10 =	vadd.f32 v13, v12;
	v13 =	vor.u32 $0x3000, v1  }
0x2ec: {  	v16 =	vadd.s32 s28, v0;
	v14 =	vor.u32 v0, v11;
	v17 =	vor.u32 s29, v13  }
0x2ed: {  	s30 =	simm.s32 $0x2;
	v16 =	vand.u32 $0x7F, v16;
	v12 =	vor.u32 $0x3000, v2;
	v18 =	vor.u32 s29, v14  }
0x2ee: {  	v20 =	vadd.s32 s30, v0;
	v21 =	vor.u32 v12, v16  }
0x2ef: {  	s15 =	simm.s32 $0x3;
	v20 =	vand.u32 $0x7F, v20;
	v16 =	vor.u32 v11, v16  }
0x2f0: {  	s18 =	simm.s32 $0x4;
	v25 =	vadd.s32 s15, v0;
	v24 =	vor.u32 v12, v20  }
0x2f1: {  	s22 =	simm.s32 $0x6;
	v28 =	vadd.s32 s18, v0;
	v25 =	vand.u32 $0x7F, v25;
	v20 =	vor.u32 v11, v20;
	v17 =	vld.idx.msk [tilespmem:v17+s10+$0x0], $0xffff  }
0x2f2: {  	s24 =	simm.s32 $0x8;
	s25 =	simm.s32 $0x7;
	v35 =	vadd.s32 s22, v0;
	v28 =	vand.u32 $0x7F, v28;
	v29 =	vor.u32 v12, v25;
	v18 =	vld.idx.msk [tilespmem:v18+s9+$0x0], $0xffff  }
0x2f3: {  	s19 =	simm.s32 $0x5;
	v37 =	vadd.s32 s24, v0;
	v38 =	vadd.s32 s25, v0;
	v53 =	vor.u32 v12, v28;
	v21 =	vld.idx.msk [tilespmem:v21+s10+$0x0], $0xffff  }
0x2f4: {  	v35 =	vand.u32 $0x7F, v35;
	v30 =	vadd.s32 s19, v0;
	v25 =	vor.u32 v11, v25;
	v16 =	vld.idx.msk [tilespmem:v16+s9+$0x0], $0xffff  }
0x2f5: {  	v38 =	vand.u32 $0x7F, v38;
	s21 =	simm.s32 $0xA;
	s23 =	simm.s32 $0x9;
	v30 =	vand.u32 $0x7F, v30;
	v28 =	vor.u32 v11, v28;
	v24 =	vld.idx.msk [tilespmem:v24+s10+$0x0], $0xffff  }
0x2f6: {  	s20 =	simm.s32 $0xB;
	v54 =	vadd.s32 s21, v0;
	v36 =	vadd.s32 s23, v0;
	v55 =	vor.u32 v12, v30;
	v20 =	vld.idx.msk [tilespmem:v20+s9+$0x0], $0xffff  }
0x2f7: {  	v31 =	vadd.s32 s20, v0;
	v30 =	vor.u32 v11, v30;
	v29 =	vld.idx.msk [tilespmem:v29+s10+$0x0], $0xffff;
	v17 =	vsub.f32 v17, v18  }
0x2f8: {  	v31 =	vand.u32 $0x7F, v31;
	v19 =	vimm.f32 $0.0e+00;
	v56 =	vor.u32 v12, v38;
	v32 =	vld.idx.msk [tilespmem:v53+s10+$0x0], $0xffff  }
0x2f9: {  	v18 =	vld.idx.msk [tilespmem:v25+s9+$0x0], $0xffff;
	v25 =	vor.u32 v12, v35;
	v16 =	vsub.f32 v21, v16;
	v17 =	vmul.f32 v17, v17  }
0x2fa: {  	v38 =	vor.u32 v11, v38;
	v28 =	vld.idx.msk [tilespmem:v28+s9+$0x0], $0xffff;
	v35 =	vor.u32 v11, v35;
	v21 =	vand.u32 $0x7F, v37  }
0x2fb: {  	s16 =	simm.s32 $0xC;
	v34 =	vld.idx.msk [tilespmem:v55+s10+$0x0], $0xffff;
	v16 =	vmul.f32 v16, v16;
	v17 =	vadd.f32 v17, v19;
	v19 =	vsub.f32 v24, v20  }
0x2fc: {  	v26 =	vadd.s32 s16, v0;
	v30 =	vld.idx.msk [tilespmem:v30+s9+$0x0], $0xffff;
	v20 =	vor.u32 v12, v21;
	v24 =	vand.u32 $0x7F, v36  }
0x2fd: {  	s17 =	simm.s32 $0xD;
	v58 =	vld.idx.msk [tilespmem:v56+s10+$0x0], $0xffff;
	v21 =	vor.u32 v11, v21;
	v16 =	vadd.f32 v16, v17;
	v17 =	vmul.f32 v19, v19  }
0x2fe: {  	v27 =	vadd.s32 s17, v0;
	v25 =	vld.idx.msk [tilespmem:v25+s10+$0x0], $0xffff;
	v18 =	vsub.f32 v29, v18;
	v19 =	vor.u32 v12, v24  }
0x2ff: {  	v29 =	vand.u32 $0x7F, v54;
	v57 =	vld.idx.msk [tilespmem:v35+s9+$0x0], $0xffff;
	v24 =	vor.u32 v11, v24;
	v16 =	vadd.f32 v17, v16  }
0x300: {  	v59 =	vld.idx.msk [tilespmem:v38+s9+$0x0], $0xffff;
	v17 =	vmul.f32 v18, v18;
	v18 =	vsub.f32 v32, v28;
	v28 =	vor.u32 v12, v29  }
0x301: {  	v26 =	vand.u32 $0x7F, v26;
	v27 =	vand.u32 $0x7F, v27;
	v29 =	vor.u32 v11, v29;
	v20 =	vld.idx.msk [tilespmem:v20+s10+$0x0], $0xffff  }
0x302: {  	s31 =	simm.s32 $0xF;
	v21 =	vld.idx.msk [tilespmem:v21+s9+$0x0], $0xffff;
	v16 =	vadd.f32 v17, v16;
	v17 =	vmul.f32 v18, v18;
	v18 =	vsub.f32 v34, v30  }
0x303: {  	v22 =	vadd.s32 s31, v0;
	v30 =	vor.u32 v12, v31;
	v31 =	vor.u32 v11, v31;
	v19 =	vld.idx.msk [tilespmem:v19+s10+$0x0], $0xffff  }
0x304: {  	s14 =	simm.s32 $0xE;
	v24 =	vld.idx.msk [tilespmem:v24+s9+$0x0], $0xffff;
	v16 =	vadd.f32 v17, v16;
	v17 =	vmul.f32 v18, v18;
	v18 =	vsub.f32 v25, v57  }
0x305: {  	v23 =	vadd.s32 s14, v0;
	v25 =	vor.u32 v12, v26;
	v26 =	vor.u32 v11, v26;
	v28 =	vld.idx.msk [tilespmem:v28+s10+$0x0], $0xffff  }
0x306: {  	v29 =	vld.idx.msk [tilespmem:v29+s9+$0x0], $0xffff;
	v16 =	vadd.f32 v17, v16;
	v17 =	vmul.f32 v18, v18;
	v18 =	vsub.f32 v58, v59  }
0x307: {  	v23 =	vand.u32 $0x7F, v23;
	v60 =	vor.u32 v12, v27;
	v27 =	vor.u32 v11, v27  }
0x308: {  	v30 =	vld.idx.msk [tilespmem:v30+s10+$0x0], $0xffff;
	v16 =	vadd.f32 v17, v16;
	v17 =	vmul.f32 v18, v18;
	v18 =	vsub.f32 v20, v21  }
0x309: {  	v20 =	vor.u32 v12, v23;
	v21 =	vand.u32 $0x7F, v22;
	v22 =	vld.idx.msk [tilespmem:v31+s9+$0x0], $0xffff;
	v23 =	vor.u32 v11, v23  }
0x30a: {  	v25 =	vld.idx.msk [tilespmem:v25+s10+$0x0], $0xffff;
	v16 =	vadd.f32 v17, v16;
	v17 =	vmul.f32 v18, v18;
	v18 =	vsub.f32 v19, v24  }
0x30b: {  	v15 =	vmul.f32 v15, v15;
	v26 =	vld.idx.msk [tilespmem:v26+s9+$0x0], $0xffff;
	v24 =	vor.u32 v12, v21;
	v19 =	vsub.f32 v28, v29  }
0x30c: {  	s13 =	simm.s32 $0x1F;
	s26 =	simm.s32 $0x1E;
	v31 =	vld.idx.msk [tilespmem:v60+s10+$0x0], $0xffff;
	v28 =	vor.u32 v11, v21;
	v17 =	vadd.f32 v17, v16;
	v18 =	vmul.f32 v18, v18  }
0x30d: {  	v10 =	vadd.f32 v15, v10;
	v15 =	vadd.s32 s13, v0;
	v29 =	vld.idx.msk [tilespmem:v27+s9+$0x0], $0xffff;
	v16 =	vadd.s32 s26, v0  }
0x30e: {  	s30 =	simm.s32 $0x1D;
	s28 =	simm.s32 $0x11;
	s29 =	simm.s32 $0x1C;
	v61 =	vmul.f32 v19, v19;
	v22 =	vsub.f32 v30, v22;
	v19 =	vld.idx.msk [tilespmem:v20+s10+$0x0], $0xffff;
	v27 =	vadd.f32 v18, v17  }
0x30f: {  	v30 =	vadd.s32 s28, v0;
	v21 =	vld.idx.msk [tilespmem:v23+s9+$0x0], $0xffff;
	v18 =	vadd.s32 s29, v0;
	v17 =	vadd.s32 s30, v0  }
0x310: {  	s15 =	simm.s32 $0x10;
	s31 =	simm.s32 $0x12;
	v63 =	vsub.f32 v25, v26;
	v62 =	vmul.f32 v22, v22;
	v20 =	vld.idx.msk [tilespmem:v24+s10+$0x0], $0xffff;
	v27 =	vadd.f32 v61, v27  }
0x311: {  	v25 =	vadd.s32 s31, v0;
	v22 =	vor.u32 s15, v13;
	v24 =	vand.u32 $0x7F, v30;
	v23 =	vld.idx.msk [tilespmem:v28+s9+$0x0], $0xffff  }
0x312: {  	s14 =	simm.s32 $0x2F;
	v28 =	vsub.f32 v31, v29;
	v26 =	vadd.f32 v62, v27;
	v27 =	vmul.f32 v63, v63  }
.LBB2_14:
0x313: {  	p0 =	sne.s32 s14, $0x7F;
	v29 =	vor.u32 s15, v14;
	v30 =	vor.u32 v12, v24;
	v25 =	vand.u32 $0x7F, v25  }
0x314: {  	s15 =	sadd.s32 $0xFFFFFFF4, s13;
	v19 =	vsub.f32 v19, v21;
	v26 =	vadd.f32 v27, v26;
	v27 =	vmul.f32 v28, v28  }
0x315: {  	v21 =	vor.u32 v11, v24;
	v24 =	vor.u32 v12, v25;
	v28 =	vadd.s32 s15, v0  }
0x316: {  	s15 =	sadd.s32 $0xFFFFFFF5, s13;
	v19 =	vmul.f32 v19, v19;
	v20 =	vsub.f32 v20, v23;
	v26 =	vadd.f32 v27, v26  }
0x317: {  	v23 =	vor.u32 v11, v25;
	v25 =	vand.u32 $0x7F, v28;
	v27 =	vadd.s32 s15, v0;
	v22 =	vld.idx.msk [tilespmem:v22+s10+$0x0], $0xffff  }
0x318: {  	s15 =	sadd.s32 $0xFFFFFFFC, s13;
	v20 =	vmul.f32 v20, v20;
	v28 =	vld.idx.msk [tilespmem:v29+s9+$0x0], $0xffff;
	v29 =	vor.u32 v12, v25;
	v19 =	vadd.f32 v19, v26  }
0x319: {  	s16 =	sadd.s32 $0xFFFFFFF6, s13;
	v27 =	vand.u32 $0x7F, v27;
	v25 =	vor.u32 v11, v25;
	v26 =	vld.idx.msk [tilespmem:v30+s10+$0x0], $0xffff;
	v30 =	vadd.s32 s15, v0  }
0x31a: {  	v32 =	vadd.s32 s16, v0;
	v31 =	vor.u32 v12, v27;
	s15 =	sadd.s32 $0xFFFFFFFB, s13;
	v21 =	vld.idx.msk [tilespmem:v21+s9+$0x0], $0xffff;
	v19 =	vadd.f32 v20, v19  }
0x31b: {  	s17 =	sadd.s32 $0xFFFFFFFA, s13;
	s16 =	sadd.s32 $0xFFFFFFF7, s13;
	v20 =	vld.idx.msk [tilespmem:v24+s10+$0x0], $0xffff;
	v24 =	vor.u32 v11, v27;
	v27 =	vand.u32 $0x7F, v32;
	v32 =	vadd.s32 s15, v0  }
0x31c: {  	v35 =	vadd.s32 s17, v0;
	v34 =	vadd.s32 s16, v0;
	s15 =	sadd.s32 $0xFFFFFFF9, s13;
	v23 =	vld.idx.msk [tilespmem:v23+s9+$0x0], $0xffff;
	v33 =	vor.u32 v12, v27  }
0x31d: {  	s16 =	sadd.s32 $0xFFFFFFF8, s13;
	v34 =	vand.u32 $0x7F, v34;
	s13 =	smov.u32 s14;
	v27 =	vor.u32 v11, v27;
	v36 =	vadd.s32 s15, v0;
	v29 =	vld.idx.msk [tilespmem:v29+s10+$0x0], $0xffff  }
0x31e: {  	v37 =	vadd.s32 s16, v0;
	v22 =	vsub.f32 v22, v28;
	v28 =	vor.u32 v12, v34;
	v25 =	vld.idx.msk [tilespmem:v25+s9+$0x0], $0xffff  }
0x31f: {  	v37 =	vand.u32 $0x7F, v37;
	v34 =	vor.u32 v11, v34;
	v36 =	vand.u32 $0x7F, v36;
	v31 =	vld.idx.msk [tilespmem:v31+s10+$0x0], $0xffff  }
0x320: {  	v22 =	vmul.f32 v22, v22;
	v21 =	vsub.f32 v26, v21;
	v26 =	vor.u32 v12, v37;
	v24 =	vld.idx.msk [tilespmem:v24+s9+$0x0], $0xffff  }
0x321: {  	v35 =	vand.u32 $0x7F, v35;
	v38 =	vor.u32 v12, v36;
	v37 =	vor.u32 v11, v37;
	v33 =	vld.idx.msk [tilespmem:v33+s10+$0x0], $0xffff  }
0x322: {  	v19 =	vadd.f32 v22, v19;
	v21 =	vmul.f32 v21, v21;
	v20 =	vsub.f32 v20, v23;
	v22 =	vld.idx.msk [tilespmem:v27+s9+$0x0], $0xffff  }
0x323: {  	v32 =	vand.u32 $0x7F, v32;
	v27 =	vor.u32 v11, v36;
	v23 =	vld.idx.msk [tilespmem:v28+s10+$0x0], $0xffff;
	v28 =	vor.u32 v12, v35  }
0x324: {  	v19 =	vadd.f32 v21, v19;
	v20 =	vmul.f32 v20, v20;
	v21 =	vsub.f32 v29, v25;
	v25 =	vld.idx.msk [tilespmem:v34+s9+$0x0], $0xffff  }
0x325: {  	v30 =	vand.u32 $0x7F, v30;
	v29 =	vor.u32 v11, v35;
	v34 =	vor.u32 v12, v32;
	v26 =	vld.idx.msk [tilespmem:v26+s10+$0x0], $0xffff  }
0x326: {  	v19 =	vadd.f32 v20, v19;
	v20 =	vmul.f32 v21, v21;
	v21 =	vsub.f32 v31, v24;
	v24 =	vld.idx.msk [tilespmem:v37+s9+$0x0], $0xffff  }
0x327: {  	v18 =	vand.u32 $0x7F, v18;
	v35 =	vor.u32 v12, v30;
	v32 =	vor.u32 v11, v32;
	v31 =	vld.idx.msk [tilespmem:v38+s10+$0x0], $0xffff  }
0x328: {  	v19 =	vadd.f32 v20, v19;
	v20 =	vmul.f32 v21, v21;
	v21 =	vsub.f32 v33, v22;
	v22 =	vld.idx.msk [tilespmem:v27+s9+$0x0], $0xffff  }
0x329: {  	v17 =	vand.u32 $0x7F, v17;
	v27 =	vld.idx.msk [tilespmem:v28+s10+$0x0], $0xffff;
	v28 =	vor.u32 v11, v30;
	v30 =	vor.u32 v12, v18  }
0x32a: {  	v19 =	vadd.f32 v20, v19;
	v20 =	vmul.f32 v21, v21;
	v21 =	vsub.f32 v23, v25;
	v23 =	vld.idx.msk [tilespmem:v29+s9+$0x0], $0xffff  }
0x32b: {  	v16 =	vand.u32 $0x7F, v16;
	v18 =	vor.u32 v11, v18;
	v29 =	vor.u32 v12, v17;
	v25 =	vld.idx.msk [tilespmem:v34+s10+$0x0], $0xffff  }
0x32c: {  	v19 =	vadd.f32 v20, v19;
	v20 =	vmul.f32 v21, v21;
	v21 =	vsub.f32 v26, v24;
	v24 =	vld.idx.msk [tilespmem:v32+s9+$0x0], $0xffff  }
0x32d: {  	v33 =	vand.u32 $0x7F, v15;
	v17 =	vor.u32 v11, v17;
	v32 =	vor.u32 v12, v16;
	v26 =	vld.idx.msk [tilespmem:v35+s10+$0x0], $0xffff  }
0x32e: {  	v15 =	vadd.f32 v20, v19;
	v19 =	vmul.f32 v21, v21;
	v20 =	vsub.f32 v31, v22;
	v21 =	vld.idx.msk [tilespmem:v28+s9+$0x0], $0xffff  }
0x32f: {  	v28 =	vor.u32 v11, v16;
	v22 =	vld.idx.msk [tilespmem:v30+s10+$0x0], $0xffff;
	v30 =	vor.u32 v12, v33  }
0x330: {  	v16 =	vadd.f32 v19, v15;
	v19 =	vmul.f32 v20, v20;
	v20 =	vsub.f32 v27, v23;
	v23 =	vld.idx.msk [tilespmem:v18+s9+$0x0], $0xffff  }
0x331: {  	v15 =	vadd.s32 s14, v0;
	v27 =	vor.u32 v11, v33;
	v29 =	vld.idx.msk [tilespmem:v29+s10+$0x0], $0xffff  }
0x332: {  	s15 =	sadd.s32 $0xFFFFFFFF, s14;
	v18 =	vadd.f32 v19, v16;
	v20 =	vmul.f32 v20, v20;
	v24 =	vsub.f32 v25, v24;
	v31 =	vld.idx.msk [tilespmem:v17+s9+$0x0], $0xffff  }
0x333: {  	s17 =	sadd.s32 $0xFFFFFFFE, s14;
	v16 =	vadd.s32 s15, v0;
	v19 =	vld.idx.msk [tilespmem:v32+s10+$0x0], $0xffff  }
.Ltmp6:
0x334: {  	s16 =	sadd.s32 $0xFFFFFFFD, s14;
	s15 =	sadd.s32 $0xFFFFFFF2, s14;
	v25 =	vadd.f32 v20, v18;
	v24 =	vmul.f32 v24, v24;
	v26 =	vsub.f32 v26, v21;
	v21 =	vld.idx.msk [tilespmem:v28+s9+$0x0], $0xffff;
	(pc) =	sbr.rel @p0 .LBB2_14-.Ltmp6, $4  }
0x335: {  	v17 =	vadd.s32 s17, v0;
	v18 =	vadd.s32 s16, v0;
	v28 =	vadd.s32 s15, v0;
	v20 =	vld.idx.msk [tilespmem:v30+s10+$0x0], $0xffff  }
0x336: {  	s16 =	sadd.s32 $0xFFFFFFF3, s14;
	s15 =	sadd.s32 $0xFFFFFFF1, s14;
	v30 =	vadd.f32 v24, v25;
	v26 =	vmul.f32 v26, v26;
	v32 =	vsub.f32 v22, v23;
	v23 =	vld.idx.msk [tilespmem:v27+s9+$0x0], $0xffff  }
0x337: {  	v22 =	vor.u32 s15, v13;
	v24 =	vand.u32 $0x7F, v28;
	v25 =	vadd.s32 s16, v0  }
0x338: {  	s14 =	sadd.s32 $0x10, s14;
	v26 =	vadd.f32 v26, v30;
	v27 =	vmul.f32 v32, v32;
	v28 =	vsub.f32 v29, v31  }
0x339: {  	v13 =	vor.u32 s15, v14  }
0x33a: {  	v14 =	vor.u32 v12, v24;
	v25 =	vand.u32 $0x7F, v25;
	v19 =	vsub.f32 v19, v21  }
0x33b: {  	s14 =	sadd.s32 $0xFFFFFFF4, s13;
	v21 =	vor.u32 v11, v24;
	v26 =	vadd.f32 v27, v26;
	v27 =	vmul.f32 v28, v28  }
0x33c: {  	s22 =	sadd.s32 $0xFFFFFFF6, s13;
	s24 =	sadd.s32 $0xFFFFFFF7, s13;
	v24 =	vor.u32 v12, v25;
	v28 =	vadd.s32 s14, v0;
	v25 =	vor.u32 v11, v25  }
0x33d: {  	v29 =	vadd.s32 s22, v0;
	v32 =	vadd.s32 s24, v0;
	v19 =	vmul.f32 v19, v19  }
0x33e: {  	s20 =	sadd.s32 $0xFFFFFFF5, s13;
	v22 =	vld.idx.msk [tilespmem:v22+s10+$0x0], $0xffff;
	v20 =	vsub.f32 v20, v23;
	v23 =	vand.u32 $0x7F, v28;
	v26 =	vadd.f32 v27, v26  }
0x33f: {  	v27 =	vadd.s32 s20, v0;
	v28 =	vor.u32 v12, v23;
	v23 =	vor.u32 v11, v23;
	v13 =	vld.idx.msk [tilespmem:v13+s9+$0x0], $0xffff  }
0x340: {  	s16 =	sadd.s32 $0xFFFFFFFA, s13;
	s25 =	sadd.s32 $0xFFFFFFF9, s13;
	v20 =	vmul.f32 v20, v20;
	v19 =	vadd.f32 v19, v26;
	v14 =	vld.idx.msk [tilespmem:v14+s10+$0x0], $0xffff;
	v26 =	vand.u32 $0x7F, v27  }
0x341: {  	v33 =	vadd.s32 s16, v0;
	v34 =	vadd.s32 s25, v0;
	v21 =	vld.idx.msk [tilespmem:v21+s9+$0x0], $0xffff;
	v30 =	vor.u32 v12, v26  }
0x342: {  	s26 =	sadd.s32 $0xFFFFFFF8, s13;
	v24 =	vld.idx.msk [tilespmem:v24+s10+$0x0], $0xffff;
	v26 =	vor.u32 v11, v26;
	v19 =	vadd.f32 v20, v19;
	v20 =	vand.u32 $0x7F, v29  }
0x343: {  	v35 =	vadd.s32 s26, v0;
	v32 =	vand.u32 $0x7F, v32;
	v25 =	vld.idx.msk [tilespmem:v25+s9+$0x0], $0xffff;
	v31 =	vor.u32 v12, v20  }
0x344: {  	v35 =	vand.u32 $0x7F, v35;
	v20 =	vor.u32 v11, v20;
	v28 =	vld.idx.msk [tilespmem:v28+s10+$0x0], $0xffff;
	v13 =	vsub.f32 v22, v13  }
0x345: {  	v50 =	vor.u32 v12, v35;
	v35 =	vor.u32 v11, v35;
	v22 =	vld.idx.msk [tilespmem:v23+s9+$0x0], $0xffff;
	v23 =	vor.u32 v12, v32  }
0x346: {  	s21 =	sadd.s32 $0xFFFFFFFC, s13;
	s23 =	sadd.s32 $0xFFFFFFFB, s13;
	v32 =	vor.u32 v11, v32;
	v14 =	vsub.f32 v14, v21;
	v30 =	vld.idx.msk [tilespmem:v30+s10+$0x0], $0xffff;
	v13 =	vmul.f32 v13, v13  }
0x347: {  	v27 =	vadd.s32 s21, v0;
	v29 =	vadd.s32 s23, v0;
	v21 =	vand.u32 $0x7F, v34;
	v26 =	vld.idx.msk [tilespmem:v26+s9+$0x0], $0xffff  }
0x348: {  	v14 =	vmul.f32 v14, v14;
	v31 =	vld.idx.msk [tilespmem:v31+s10+$0x0], $0xffff;
	v13 =	vadd.f32 v13, v19;
	v19 =	vsub.f32 v24, v25  }
0x349: {  	v20 =	vld.idx.msk [tilespmem:v20+s9+$0x0], $0xffff;
	v24 =	vor.u32 v12, v21;
	v25 =	vand.u32 $0x7F, v33;
	v21 =	vor.u32 v11, v21  }
0x34a: {  	v23 =	vld.idx.msk [tilespmem:v23+s10+$0x0], $0xffff;
	v13 =	vadd.f32 v14, v13;
	v14 =	vmul.f32 v19, v19;
	v19 =	vsub.f32 v28, v22  }
0x34b: {  	v22 =	vor.u32 v12, v25;
	v28 =	vand.u32 $0x7F, v29;
	v29 =	vld.idx.msk [tilespmem:v32+s9+$0x0], $0xffff;
	v25 =	vor.u32 v11, v25  }
0x34c: {  	v51 =	vld.idx.msk [tilespmem:v50+s10+$0x0], $0xffff;
	v13 =	vadd.f32 v14, v13;
	v14 =	vmul.f32 v19, v19;
	v19 =	vsub.f32 v30, v26  }
0x34d: {  	v27 =	vand.u32 $0x7F, v27;
	v26 =	vor.u32 v12, v28;
	v30 =	vld.idx.msk [tilespmem:v35+s9+$0x0], $0xffff;
	v28 =	vor.u32 v11, v28  }
0x34e: {  	v24 =	vld.idx.msk [tilespmem:v24+s10+$0x0], $0xffff;
	v13 =	vadd.f32 v14, v13;
	v14 =	vmul.f32 v19, v19;
	v19 =	vsub.f32 v31, v20  }
0x34f: {  	v18 =	vand.u32 $0x7F, v18;
	v21 =	vld.idx.msk [tilespmem:v21+s9+$0x0], $0xffff;
	v20 =	vor.u32 v12, v27;
	v27 =	vor.u32 v11, v27  }
0x350: {  	v22 =	vld.idx.msk [tilespmem:v22+s10+$0x0], $0xffff;
	v13 =	vadd.f32 v14, v13;
	v14 =	vmul.f32 v19, v19;
	v19 =	vsub.f32 v23, v29  }
0x351: {  	v17 =	vand.u32 $0x7F, v17;
	v25 =	vld.idx.msk [tilespmem:v25+s9+$0x0], $0xffff;
	v23 =	vor.u32 v12, v18;
	v18 =	vor.u32 v11, v18  }
0x352: {  	v26 =	vld.idx.msk [tilespmem:v26+s10+$0x0], $0xffff;
	v13 =	vadd.f32 v14, v13;
	v14 =	vmul.f32 v19, v19;
	v19 =	vsub.f32 v51, v30  }
0x353: {  	v16 =	vand.u32 $0x7F, v16;
	v29 =	vor.u32 v12, v17;
	v17 =	vor.u32 v11, v17;
	v28 =	vld.idx.msk [tilespmem:v28+s9+$0x0], $0xffff  }
0x354: {  	v20 =	vld.idx.msk [tilespmem:v20+s10+$0x0], $0xffff;
	v13 =	vadd.f32 v14, v13;
	v14 =	vmul.f32 v19, v19;
	v19 =	vsub.f32 v24, v21  }
0x355: {  	v15 =	vand.u32 $0x7F, v15;
	v21 =	vor.u32 v12, v16;
	v24 =	vld.idx.msk [tilespmem:v27+s9+$0x0], $0xffff;
	v16 =	vor.u32 v11, v16  }
0x356: {  	v23 =	vld.idx.msk [tilespmem:v23+s10+$0x0], $0xffff;
	v13 =	vadd.f32 v14, v13;
	v14 =	vmul.f32 v19, v19;
	v19 =	vsub.f32 v22, v25  }
0x357: {  	v12 =	vor.u32 v12, v15;
	v11 =	vor.u32 v11, v15;
	v18 =	vld.idx.msk [tilespmem:v18+s9+$0x0], $0xffff  }
0x358: {  	v15 =	vld.idx.msk [tilespmem:v17+s9+$0x0], $0xffff;
	v13 =	vadd.f32 v14, v13;
	v14 =	vmul.f32 v19, v19;
	v19 =	vsub.f32 v26, v28  }
0x359: {  	v22 =	vld.idx.msk [tilespmem:v29+s10+$0x0], $0xffff  }
0x35a: {  	v17 =	vld.idx.msk [tilespmem:v21+s10+$0x0], $0xffff;
	v13 =	vadd.f32 v14, v13;
	v14 =	vmul.f32 v19, v19;
	v19 =	vsub.f32 v20, v24  }
0x35b: {  	v16 =	vld.idx.msk [tilespmem:v16+s9+$0x0], $0xffff  }
0x35c: {  	v18 =	vsub.f32 v23, v18;
	v13 =	vadd.f32 v14, v13;
	v14 =	vmul.f32 v19, v19  }
0x35d: {  	v12 =	vld.idx.msk [tilespmem:v12+s10+$0x0], $0xffff  }
0x35e: {  	v11 =	vld.idx.msk [tilespmem:v11+s9+$0x0], $0xffff;
	v15 =	vsub.f32 v22, v15;
	v13 =	vadd.f32 v14, v13;
	v14 =	vmul.f32 v18, v18  }
0x35f: {  	v18 =	vld [tilespmem:$0x70]  }
0x360: {  	v13 =	vadd.f32 v14, v13;
	v14 =	vmul.f32 v15, v15;
	v15 =	vsub.f32 v17, v16;
	_ =	sdelay $0x1  }
0x361: {  	v13 =	vadd.f32 v14, v13;
	v14 =	vmul.f32 v15, v15  }
0x362: {  	v16 =	vsub.f32 v12, v11  }
0x363: {  	s28 =	simm.s32 $0x1;
	s29 =	simm.s32 $0x0;
	v11 =	vshll.u32 v18, $0x7;
	v13 =	vadd.f32 v14, v13;
	v14 =	vor.u32 $0x3800, v1  }
0x364: {  	v17 =	vadd.s32 s28, v0;
	v15 =	vor.u32 v0, v11;
	v18 =	vor.u32 s29, v14  }
0x365: {  	s30 =	simm.s32 $0x2;
	v12 =	vor.u32 $0x3800, v2;
	v17 =	vand.u32 $0x7F, v17;
	v19 =	vor.u32 s29, v15  }
0x366: {  	v21 =	vadd.s32 s30, v0;
	v22 =	vor.u32 v12, v17  }
0x367: {  	s15 =	simm.s32 $0x3;
	v21 =	vand.u32 $0x7F, v21;
	v17 =	vor.u32 v11, v17  }
0x368: {  	s18 =	simm.s32 $0x4;
	v26 =	vadd.s32 s15, v0;
	v25 =	vor.u32 v12, v21  }
0x369: {  	s22 =	simm.s32 $0x6;
	v29 =	vadd.s32 s18, v0;
	v26 =	vand.u32 $0x7F, v26;
	v21 =	vor.u32 v11, v21;
	v18 =	vld.idx.msk [tilespmem:v18+s10+$0x0], $0xffff  }
0x36a: {  	s19 =	simm.s32 $0x5;
	s24 =	simm.s32 $0x8;
	v36 =	vadd.s32 s22, v0;
	v29 =	vand.u32 $0x7F, v29;
	v30 =	vor.u32 v12, v26;
	v19 =	vld.idx.msk [tilespmem:v19+s9+$0x0], $0xffff  }
0x36b: {  	s25 =	simm.s32 $0x7;
	v38 =	vadd.s32 s24, v0;
	v31 =	vadd.s32 s19, v0;
	v53 =	vor.u32 v12, v29;
	v22 =	vld.idx.msk [tilespmem:v22+s10+$0x0], $0xffff  }
0x36c: {  	v39 =	vadd.s32 s25, v0;
	v31 =	vand.u32 $0x7F, v31;
	v26 =	vor.u32 v11, v26;
	v17 =	vld.idx.msk [tilespmem:v17+s9+$0x0], $0xffff  }
0x36d: {  	s20 =	simm.s32 $0xB;
	v36 =	vand.u32 $0x7F, v36;
	v39 =	vand.u32 $0x7F, v39;
	s21 =	simm.s32 $0xA;
	v55 =	vor.u32 v12, v31;
	v25 =	vld.idx.msk [tilespmem:v25+s10+$0x0], $0xffff  }
0x36e: {  	v52 =	vadd.s32 s20, v0;
	v54 =	vadd.s32 s21, v0;
	s23 =	simm.s32 $0x9;
	v29 =	vor.u32 v11, v29;
	v21 =	vld.idx.msk [tilespmem:v21+s9+$0x0], $0xffff  }
0x36f: {  	v37 =	vadd.s32 s23, v0;
	v56 =	vor.u32 v12, v39;
	v30 =	vld.idx.msk [tilespmem:v30+s10+$0x0], $0xffff;
	v18 =	vsub.f32 v18, v19  }
0x370: {  	v32 =	vand.u32 $0x7F, v52;
	v20 =	vimm.f32 $0.0e+00;
	v31 =	vor.u32 v11, v31;
	v33 =	vld.idx.msk [tilespmem:v53+s10+$0x0], $0xffff  }
0x371: {  	v17 =	vsub.f32 v22, v17;
	v19 =	vld.idx.msk [tilespmem:v26+s9+$0x0], $0xffff;
	v26 =	vor.u32 v12, v36;
	v18 =	vmul.f32 v18, v18  }
0x372: {  	v39 =	vor.u32 v11, v39;
	v35 =	vld.idx.msk [tilespmem:v55+s10+$0x0], $0xffff;
	v22 =	vand.u32 $0x7F, v38;
	v36 =	vor.u32 v11, v36  }
0x373: {  	s17 =	simm.s32 $0xD;
	v29 =	vld.idx.msk [tilespmem:v29+s9+$0x0], $0xffff;
	v17 =	vmul.f32 v17, v17;
	v18 =	vadd.f32 v18, v20;
	v20 =	vsub.f32 v25, v21  }
0x374: {  	v28 =	vadd.s32 s17, v0;
	v58 =	vld.idx.msk [tilespmem:v56+s10+$0x0], $0xffff;
	v21 =	vor.u32 v12, v22;
	v25 =	vand.u32 $0x7F, v37  }
0x375: {  	v31 =	vld.idx.msk [tilespmem:v31+s9+$0x0], $0xffff;
	v22 =	vor.u32 v11, v22;
	v17 =	vadd.f32 v17, v18;
	v18 =	vmul.f32 v20, v20  }
0x376: {  	v28 =	vand.u32 $0x7F, v28;
	v26 =	vld.idx.msk [tilespmem:v26+s10+$0x0], $0xffff;
	v19 =	vsub.f32 v30, v19;
	v20 =	vor.u32 v12, v25  }
0x377: {  	v30 =	vand.u32 $0x7F, v54;
	v57 =	vld.idx.msk [tilespmem:v36+s9+$0x0], $0xffff;
	v25 =	vor.u32 v11, v25;
	v17 =	vadd.f32 v18, v17  }
0x378: {  	s16 =	simm.s32 $0xC;
	v59 =	vld.idx.msk [tilespmem:v39+s9+$0x0], $0xffff;
	v18 =	vmul.f32 v19, v19;
	v19 =	vsub.f32 v33, v29;
	v29 =	vor.u32 v12, v30  }
0x379: {  	v27 =	vadd.s32 s16, v0;
	v60 =	vor.u32 v12, v28;
	v30 =	vor.u32 v11, v30;
	v21 =	vld.idx.msk [tilespmem:v21+s10+$0x0], $0xffff  }
0x37a: {  	v22 =	vld.idx.msk [tilespmem:v22+s9+$0x0], $0xffff;
	v17 =	vadd.f32 v18, v17;
	v18 =	vmul.f32 v19, v19;
	v19 =	vsub.f32 v35, v31  }
0x37b: {  	v27 =	vand.u32 $0x7F, v27;
	v31 =	vor.u32 v12, v32;
	v32 =	vor.u32 v11, v32;
	v20 =	vld.idx.msk [tilespmem:v20+s10+$0x0], $0xffff  }
0x37c: {  	s14 =	simm.s32 $0xE;
	v25 =	vld.idx.msk [tilespmem:v25+s9+$0x0], $0xffff;
	v17 =	vadd.f32 v18, v17;
	v18 =	vmul.f32 v19, v19;
	v19 =	vsub.f32 v26, v57  }
0x37d: {  	v24 =	vadd.s32 s14, v0;
	v26 =	vor.u32 v12, v27;
	v27 =	vor.u32 v11, v27;
	v29 =	vld.idx.msk [tilespmem:v29+s10+$0x0], $0xffff  }
0x37e: {  	s31 =	simm.s32 $0xF;
	v30 =	vld.idx.msk [tilespmem:v30+s9+$0x0], $0xffff;
	v17 =	vadd.f32 v18, v17;
	v18 =	vmul.f32 v19, v19;
	v19 =	vsub.f32 v58, v59  }
0x37f: {  	v23 =	vadd.s32 s31, v0;
	v24 =	vand.u32 $0x7F, v24;
	v28 =	vor.u32 v11, v28;
	v61 =	vld.idx.msk [tilespmem:v60+s10+$0x0], $0xffff  }
0x380: {  	v31 =	vld.idx.msk [tilespmem:v31+s10+$0x0], $0xffff;
	v17 =	vadd.f32 v18, v17;
	v18 =	vmul.f32 v19, v19;
	v19 =	vsub.f32 v21, v22  }
0x381: {  	v21 =	vor.u32 v12, v24;
	v22 =	vand.u32 $0x7F, v23;
	v23 =	vld.idx.msk [tilespmem:v32+s9+$0x0], $0xffff;
	v24 =	vor.u32 v11, v24  }
0x382: {  	v26 =	vld.idx.msk [tilespmem:v26+s10+$0x0], $0xffff;
	v17 =	vadd.f32 v18, v17;
	v18 =	vmul.f32 v19, v19;
	v19 =	vsub.f32 v20, v25  }
0x383: {  	v16 =	vmul.f32 v16, v16;
	v27 =	vld.idx.msk [tilespmem:v27+s9+$0x0], $0xffff;
	v25 =	vor.u32 v12, v22;
	v20 =	vsub.f32 v29, v30  }
0x384: {  	s13 =	simm.s32 $0x1F;
	s28 =	simm.s32 $0x11;
	v29 =	vor.u32 v11, v22;
	v30 =	vld.idx.msk [tilespmem:v28+s9+$0x0], $0xffff;
	v18 =	vadd.f32 v18, v17;
	v19 =	vmul.f32 v19, v19  }
0x385: {  	v62 =	vadd.s32 s28, v0;
	v13 =	vadd.f32 v16, v13;
	v16 =	vadd.s32 s13, v0  }
0x386: {  	s26 =	simm.s32 $0x1E;
	s30 =	simm.s32 $0x1D;
	s29 =	simm.s32 $0x1C;
	v28 =	vmul.f32 v20, v20;
	v31 =	vsub.f32 v31, v23;
	v20 =	vld.idx.msk [tilespmem:v21+s10+$0x0], $0xffff;
	v22 =	vadd.f32 v19, v18  }
0x387: {  	v17 =	vadd.s32 s26, v0;
	v23 =	vld.idx.msk [tilespmem:v24+s9+$0x0], $0xffff;
	v19 =	vadd.s32 s29, v0;
	v18 =	vadd.s32 s30, v0  }
0x388: {  	s31 =	simm.s32 $0x12;
	v63 =	vsub.f32 v26, v27;
	v31 =	vmul.f32 v31, v31;
	v21 =	vld.idx.msk [tilespmem:v25+s10+$0x0], $0xffff;
	v28 =	vadd.f32 v28, v22  }
0x389: {  	s15 =	simm.s32 $0x10;
	v26 =	vadd.s32 s31, v0;
	v25 =	vand.u32 $0x7F, v62;
	v24 =	vld.idx.msk [tilespmem:v29+s9+$0x0], $0xffff;
	v29 =	vsub.f32 v61, v30  }
0x38a: {  	s14 =	simm.s32 $0x2F;
	v22 =	vor.u32 s15, v14;
	v27 =	vadd.f32 v31, v28;
	v28 =	vmul.f32 v63, v63  }
.LBB2_16:
0x38b: {  	p0 =	sne.s32 s14, $0x7F;
	v30 =	vor.u32 s15, v15;
	v31 =	vor.u32 v12, v25;
	v26 =	vand.u32 $0x7F, v26  }
0x38c: {  	s15 =	sadd.s32 $0xFFFFFFF4, s13;
	v20 =	vsub.f32 v20, v23;
	v27 =	vadd.f32 v28, v27;
	v28 =	vmul.f32 v29, v29  }
0x38d: {  	v23 =	vor.u32 v11, v25;
	v25 =	vor.u32 v12, v26;
	v29 =	vadd.s32 s15, v0  }
0x38e: {  	s15 =	sadd.s32 $0xFFFFFFF5, s13;
	v20 =	vmul.f32 v20, v20;
	v21 =	vsub.f32 v21, v24;
	v27 =	vadd.f32 v28, v27  }
0x38f: {  	v24 =	vor.u32 v11, v26;
	v26 =	vand.u32 $0x7F, v29;
	v28 =	vadd.s32 s15, v0;
	v22 =	vld.idx.msk [tilespmem:v22+s10+$0x0], $0xffff  }
0x390: {  	s15 =	sadd.s32 $0xFFFFFFFC, s13;
	v21 =	vmul.f32 v21, v21;
	v29 =	vld.idx.msk [tilespmem:v30+s9+$0x0], $0xffff;
	v30 =	vor.u32 v12, v26;
	v20 =	vadd.f32 v20, v27  }
0x391: {  	s16 =	sadd.s32 $0xFFFFFFF6, s13;
	v28 =	vand.u32 $0x7F, v28;
	v26 =	vor.u32 v11, v26;
	v27 =	vld.idx.msk [tilespmem:v31+s10+$0x0], $0xffff;
	v31 =	vadd.s32 s15, v0  }
0x392: {  	v33 =	vadd.s32 s16, v0;
	v32 =	vor.u32 v12, v28;
	s15 =	sadd.s32 $0xFFFFFFFB, s13;
	v23 =	vld.idx.msk [tilespmem:v23+s9+$0x0], $0xffff;
	v20 =	vadd.f32 v21, v20  }
0x393: {  	s17 =	sadd.s32 $0xFFFFFFFA, s13;
	s16 =	sadd.s32 $0xFFFFFFF7, s13;
	v21 =	vld.idx.msk [tilespmem:v25+s10+$0x0], $0xffff;
	v25 =	vor.u32 v11, v28;
	v28 =	vand.u32 $0x7F, v33;
	v33 =	vadd.s32 s15, v0  }
0x394: {  	v36 =	vadd.s32 s17, v0;
	v35 =	vadd.s32 s16, v0;
	s15 =	sadd.s32 $0xFFFFFFF9, s13;
	v24 =	vld.idx.msk [tilespmem:v24+s9+$0x0], $0xffff;
	v34 =	vor.u32 v12, v28  }
0x395: {  	s16 =	sadd.s32 $0xFFFFFFF8, s13;
	v35 =	vand.u32 $0x7F, v35;
	s13 =	smov.u32 s14;
	v28 =	vor.u32 v11, v28;
	v37 =	vadd.s32 s15, v0;
	v30 =	vld.idx.msk [tilespmem:v30+s10+$0x0], $0xffff  }
0x396: {  	v38 =	vadd.s32 s16, v0;
	v22 =	vsub.f32 v22, v29;
	v29 =	vor.u32 v12, v35;
	v26 =	vld.idx.msk [tilespmem:v26+s9+$0x0], $0xffff  }
0x397: {  	v38 =	vand.u32 $0x7F, v38;
	v35 =	vor.u32 v11, v35;
	v37 =	vand.u32 $0x7F, v37;
	v32 =	vld.idx.msk [tilespmem:v32+s10+$0x0], $0xffff  }
0x398: {  	v22 =	vmul.f32 v22, v22;
	v23 =	vsub.f32 v27, v23;
	v27 =	vor.u32 v12, v38;
	v25 =	vld.idx.msk [tilespmem:v25+s9+$0x0], $0xffff  }
0x399: {  	v36 =	vand.u32 $0x7F, v36;
	v39 =	vor.u32 v12, v37;
	v38 =	vor.u32 v11, v38;
	v34 =	vld.idx.msk [tilespmem:v34+s10+$0x0], $0xffff  }
0x39a: {  	v20 =	vadd.f32 v22, v20;
	v22 =	vmul.f32 v23, v23;
	v21 =	vsub.f32 v21, v24;
	v23 =	vld.idx.msk [tilespmem:v28+s9+$0x0], $0xffff  }
0x39b: {  	v33 =	vand.u32 $0x7F, v33;
	v28 =	vor.u32 v11, v37;
	v24 =	vld.idx.msk [tilespmem:v29+s10+$0x0], $0xffff;
	v29 =	vor.u32 v12, v36  }
0x39c: {  	v20 =	vadd.f32 v22, v20;
	v21 =	vmul.f32 v21, v21;
	v22 =	vsub.f32 v30, v26;
	v26 =	vld.idx.msk [tilespmem:v35+s9+$0x0], $0xffff  }
0x39d: {  	v31 =	vand.u32 $0x7F, v31;
	v30 =	vor.u32 v11, v36;
	v35 =	vor.u32 v12, v33;
	v27 =	vld.idx.msk [tilespmem:v27+s10+$0x0], $0xffff  }
0x39e: {  	v20 =	vadd.f32 v21, v20;
	v21 =	vmul.f32 v22, v22;
	v22 =	vsub.f32 v32, v25;
	v25 =	vld.idx.msk [tilespmem:v38+s9+$0x0], $0xffff  }
0x39f: {  	v19 =	vand.u32 $0x7F, v19;
	v36 =	vor.u32 v12, v31;
	v33 =	vor.u32 v11, v33;
	v32 =	vld.idx.msk [tilespmem:v39+s10+$0x0], $0xffff  }
0x3a0: {  	v20 =	vadd.f32 v21, v20;
	v21 =	vmul.f32 v22, v22;
	v22 =	vsub.f32 v34, v23;
	v23 =	vld.idx.msk [tilespmem:v28+s9+$0x0], $0xffff  }
0x3a1: {  	v18 =	vand.u32 $0x7F, v18;
	v28 =	vld.idx.msk [tilespmem:v29+s10+$0x0], $0xffff;
	v29 =	vor.u32 v11, v31;
	v31 =	vor.u32 v12, v19  }
0x3a2: {  	v20 =	vadd.f32 v21, v20;
	v21 =	vmul.f32 v22, v22;
	v22 =	vsub.f32 v24, v26;
	v24 =	vld.idx.msk [tilespmem:v30+s9+$0x0], $0xffff  }
0x3a3: {  	v17 =	vand.u32 $0x7F, v17;
	v19 =	vor.u32 v11, v19;
	v30 =	vor.u32 v12, v18;
	v26 =	vld.idx.msk [tilespmem:v35+s10+$0x0], $0xffff  }
0x3a4: {  	v20 =	vadd.f32 v21, v20;
	v21 =	vmul.f32 v22, v22;
	v22 =	vsub.f32 v27, v25;
	v25 =	vld.idx.msk [tilespmem:v33+s9+$0x0], $0xffff  }
0x3a5: {  	v34 =	vand.u32 $0x7F, v16;
	v18 =	vor.u32 v11, v18;
	v33 =	vor.u32 v12, v17;
	v27 =	vld.idx.msk [tilespmem:v36+s10+$0x0], $0xffff  }
0x3a6: {  	v16 =	vadd.f32 v21, v20;
	v20 =	vmul.f32 v22, v22;
	v21 =	vsub.f32 v32, v23;
	v22 =	vld.idx.msk [tilespmem:v29+s9+$0x0], $0xffff  }
0x3a7: {  	v23 =	vor.u32 v11, v17;
	v29 =	vld.idx.msk [tilespmem:v31+s10+$0x0], $0xffff;
	v31 =	vor.u32 v12, v34  }
0x3a8: {  	v17 =	vadd.f32 v20, v16;
	v20 =	vmul.f32 v21, v21;
	v21 =	vsub.f32 v28, v24;
	v24 =	vld.idx.msk [tilespmem:v19+s9+$0x0], $0xffff  }
0x3a9: {  	v16 =	vadd.s32 s14, v0;
	v28 =	vor.u32 v11, v34;
	v30 =	vld.idx.msk [tilespmem:v30+s10+$0x0], $0xffff  }
0x3aa: {  	s15 =	sadd.s32 $0xFFFFFFFF, s14;
	v19 =	vadd.f32 v20, v17;
	v21 =	vmul.f32 v21, v21;
	v25 =	vsub.f32 v26, v25;
	v32 =	vld.idx.msk [tilespmem:v18+s9+$0x0], $0xffff  }
0x3ab: {  	s17 =	sadd.s32 $0xFFFFFFFE, s14;
	v17 =	vadd.s32 s15, v0;
	v20 =	vld.idx.msk [tilespmem:v33+s10+$0x0], $0xffff  }
.Ltmp7:
0x3ac: {  	s16 =	sadd.s32 $0xFFFFFFFD, s14;
	s15 =	sadd.s32 $0xFFFFFFF2, s14;
	v26 =	vadd.f32 v21, v19;
	v25 =	vmul.f32 v25, v25;
	v22 =	vsub.f32 v27, v22;
	v23 =	vld.idx.msk [tilespmem:v23+s9+$0x0], $0xffff;
	(pc) =	sbr.rel @p0 .LBB2_16-.Ltmp7, $4  }
0x3ad: {  	v18 =	vadd.s32 s17, v0;
	v27 =	vadd.s32 s15, v0;
	v19 =	vadd.s32 s16, v0;
	v21 =	vld.idx.msk [tilespmem:v31+s10+$0x0], $0xffff  }
0x3ae: {  	s15 =	sadd.s32 $0xFFFFFFF1, s14;
	s16 =	sadd.s32 $0xFFFFFFF3, s14;
	v31 =	vadd.f32 v25, v26;
	v33 =	vmul.f32 v22, v22;
	v29 =	vsub.f32 v29, v24;
	v24 =	vld.idx.msk [tilespmem:v28+s9+$0x0], $0xffff  }
0x3af: {  	v22 =	vor.u32 s15, v14;
	v25 =	vand.u32 $0x7F, v27;
	v26 =	vadd.s32 s16, v0  }
0x3b0: {  	s14 =	sadd.s32 $0x10, s14;
	v27 =	vadd.f32 v33, v31;
	v28 =	vmul.f32 v29, v29;
	v29 =	vsub.f32 v30, v32  }
0x3b1: {  	v14 =	vor.u32 s15, v15;
	v63 =	vor.u32 v12, v25  }
0x3b2: {  	v26 =	vand.u32 $0x7F, v26;
	v20 =	vsub.f32 v20, v23;
	v33 =	vor.u32 v11, v25  }
0x3b3: {  	v19 =	vand.u32 $0x7F, v19;
	v18 =	vand.u32 $0x7F, v18;
	v17 =	vand.u32 $0x7F, v17  }
0x3b4: {  	v16 =	vand.u32 $0x7F, v16;
	v5 =	vmax.f32 v5, $9.999999680e-21;
	v6 =	vmax.f32 v6, $9.999999680e-21  }
0x3b5: {  	s14 =	sadd.s32 $0xFFFFFFF4, s13;
	s26 =	sadd.s32 $0xFFFFFFF6, s13;
	v7 =	vmax.f32 v7, $9.999999680e-21;
	v8 =	vmax.f32 v8, $9.999999680e-21;
	v34 =	vor.u32 v12, v26  }
0x3b6: {  	s28 =	sadd.s32 $0xFFFFFFFB, s13;
	v35 =	vadd.s32 s14, v0;
	v36 =	vor.u32 v11, v26;
	v31 =	vadd.s32 s26, v0  }
0x3b7: {  	v22 =	vld.idx.msk [tilespmem:v22+s10+$0x0], $0xffff;
	v44 =	vadd.s32 s28, v0;
	v37 =	vand.u32 $0x7F, v35;
	v43 =	vand.u32 $0x7F, v31  }
0x3b8: {  	s24 =	sadd.s32 $0xFFFFFFF5, s13;
	v31 =	vand.u32 $0x7F, v44;
	v44 =	vor.u32 v12, v17;
	v17 =	vor.u32 v11, v17;
	v14 =	vld.idx.msk [tilespmem:v14+s9+$0x0], $0xffff  }
0x3b9: {  	v32 =	vmul.f32 v29, v29;
	v38 =	vadd.s32 s24, v0;
	v29 =	vor.u32 v12, v37;
	v15 =	vld.idx.msk [tilespmem:v63+s10+$0x0], $0xffff  }
0x3ba: {  	v9 =	vmax.f32 v9, $9.999999680e-21;
	v39 =	vand.u32 $0x7F, v38;
	v26 =	vor.u32 v11, v37;
	v41 =	vld.idx.msk [tilespmem:v33+s9+$0x0], $0xffff  }
0x3bb: {  	s30 =	sadd.s32 $0xFFFFFFF9, s13;
	v27 =	vadd.f32 v28, v27;
	v20 =	vmul.f32 v20, v20;
	v30 =	vor.u32 v12, v39;
	v25 =	vld.idx.msk [tilespmem:v34+s10+$0x0], $0xffff  }
0x3bc: {  	v21 =	vsub.f32 v21, v24;
	v35 =	vadd.s32 s30, v0;
	v42 =	vor.u32 v11, v39;
	v24 =	vld.idx.msk [tilespmem:v36+s9+$0x0], $0xffff  }
0x3bd: {  	v27 =	vadd.f32 v32, v27;
	v32 =	vor.u32 v12, v43;
	v35 =	vand.u32 $0x7F, v35;
	v17 =	vld.idx.msk [tilespmem:v17+s9+$0x0], $0xffff  }
0x3be: {  	s29 =	sadd.s32 $0xFFFFFFF7, s13;
	v10 =	vmax.f32 v10, $9.999999680e-21;
	v13 =	vmax.f32 v13, $9.999999680e-21;
	v37 =	vor.u32 v12, v35;
	v29 =	vld.idx.msk [tilespmem:v29+s10+$0x0], $0xffff  }
0x3bf: {  	s25 =	sadd.s32 $0xFFFFFFFC, s13;
	v20 =	vadd.f32 v20, v27;
	v33 =	vadd.s32 s29, v0;
	v27 =	vor.u32 v11, v43;
	v26 =	vld.idx.msk [tilespmem:v26+s9+$0x0], $0xffff  }
0x3c0: {  	v40 =	vadd.s32 s25, v0;
	v49 =	vor.u32 v11, v35;
	v33 =	vand.u32 $0x7F, v33;
	v30 =	vld.idx.msk [tilespmem:v30+s10+$0x0], $0xffff  }
0x3c1: {  	s31 =	sadd.s32 $0xFFFFFFF8, s13;
	v28 =	vand.u32 $0x7F, v40;
	v55 =	vor.u32 v12, v31;
	v45 =	vor.u32 v12, v33;
	v23 =	vld.idx.msk [tilespmem:v42+s9+$0x0], $0xffff  }
0x3c2: {  	s16 =	sadd.s32 $0xFFFFFFFA, s13;
	v59 =	vor.u32 v11, v31;
	v36 =	vadd.s32 s31, v0;
	v33 =	vor.u32 v11, v33;
	v32 =	vld.idx.msk [tilespmem:v32+s10+$0x0], $0xffff  }
0x3c3: {  	v60 =	vor.u32 v12, v28;
	v34 =	vadd.s32 s16, v0;
	v36 =	vand.u32 $0x7F, v36;
	v63 =	vld.idx.msk [tilespmem:v37+s10+$0x0], $0xffff  }
0x3c4: {  	v21 =	vmul.f32 v21, v21;
	v34 =	vand.u32 $0x7F, v34;
	v46 =	vor.u32 v12, v36;
	v48 =	vld.idx.msk [tilespmem:v27+s9+$0x0], $0xffff  }
0x3c5: {  	v36 =	vor.u32 v11, v36;
	v14 =	vsub.f32 v22, v14;
	v47 =	vsub.f32 v25, v24;
	v25 =	vld.idx.msk [tilespmem:v49+s9+$0x0], $0xffff  }
0x3c6: {  	v28 =	vor.u32 v11, v28;
	v39 =	vor.u32 v12, v18;
	v50 =	vor.u32 v12, v34;
	v22 =	vld.idx.msk [tilespmem:v45+s10+$0x0], $0xffff  }
0x3c7: {  	v20 =	vadd.f32 v21, v20;
	v15 =	vsub.f32 v15, v41;
	v14 =	vmul.f32 v14, v14;
	v53 =	vld.idx.msk [tilespmem:v33+s9+$0x0], $0xffff  }
0x3c8: {  	v18 =	vor.u32 v11, v18;
	v31 =	vshrl.u32 v13, $0x1;
	v54 =	vor.u32 v11, v34;
	v45 =	vld.idx.msk [tilespmem:v55+s10+$0x0], $0xffff  }
0x3c9: {  	v49 =	vmul.f32 $5.000000000e-01, v5;
	v15 =	vmul.f32 v15, v15;
	v21 =	vld.idx.msk [tilespmem:v46+s10+$0x0], $0xffff;
	v14 =	vadd.f32 v14, v20  }
0x3ca: {  	v55 =	vshrl.u32 v6, $0x1;
	v51 =	vmul.f32 v47, v47;
	v52 =	vsub.f32 v29, v26;
	v58 =	vld.idx.msk [tilespmem:v36+s9+$0x0], $0xffff  }
0x3cb: {  	v57 =	vsub.f32 v30, v23;
	v36 =	vor.u32 v12, v19;
	v40 =	vld.idx.msk [tilespmem:v50+s10+$0x0], $0xffff;
	v14 =	vadd.f32 v15, v14  }
0x3cc: {  	v19 =	vor.u32 v11, v19;
	v47 =	vld.idx.msk [tilespmem:v59+s9+$0x0], $0xffff;
	v26 =	vsub.s32 $0x5F3759DF, v55;
	v59 =	vor.u32 v12, v16  }
0x3cd: {  	v50 =	vld.idx.msk [tilespmem:v60+s10+$0x0], $0xffff;
	v60 =	vor.u32 v11, v16;
	v56 =	vmul.f32 v52, v52;
	v14 =	vadd.f32 v51, v14  }
0x3ce: {  	v43 =	vld.idx.msk [tilespmem:v54+s9+$0x0], $0xffff;
	v61 =	vmul.f32 v57, v57;
	v62 =	vsub.f32 v32, v48;
	v48 =	vshrl.u32 v5, $0x1  }
0x3cf: {  	v30 =	vld.idx.msk [tilespmem:v44+s10+$0x0], $0xffff;
	v32 =	vmul.f32 $5.000000000e-01, v13;
	v51 =	vsub.s32 $0x5F3759DF, v48;
	v14 =	vadd.f32 v56, v14  }
0x3d0: {  	v52 =	vld.idx.msk [tilespmem:v28+s9+$0x0], $0xffff;
	v24 =	vsub.f32 v63, v25;
	v38 =	vsub.f32 v22, v53;
	v53 =	vmul.f32 v51, v49  }
0x3d1: {  	v37 =	vmul.f32 v62, v62;
	v22 =	vld.idx.msk [tilespmem:v39+s10+$0x0], $0xffff;
	v39 =	vmul.f32 $5.000000000e-01, v7;
	v14 =	vadd.f32 v61, v14  }
0x3d2: {  	v42 =	vsub.f32 v21, v58;
	v24 =	vmul.f32 v24, v24;
	v54 =	vld.idx.msk [tilespmem:v36+s10+$0x0], $0xffff;
	v57 =	vmul.f32 v51, v53  }
0x3d3: {  	v21 =	vsub.f32 v40, v43;
	v19 =	vld.idx.msk [tilespmem:v19+s9+$0x0], $0xffff;
	v41 =	vmul.f32 v38, v38;
	v14 =	vadd.f32 v37, v14  }
0x3d4: {  	v20 =	vsub.f32 v45, v47;
	v12 =	vld.idx.msk [tilespmem:v59+s10+$0x0], $0xffff;
	v46 =	vmul.f32 v42, v42;
	v62 =	vsub.f32 $1.500000000e+00, v57  }
0x3d5: {  	v11 =	vld.idx.msk [tilespmem:v60+s9+$0x0], $0xffff;
	v56 =	vmul.f32 $5.000000000e-01, v6;
	v21 =	vmul.f32 v21, v21;
	v14 =	vadd.f32 v41, v14  }
0x3d6: {  	v17 =	vsub.f32 v30, v17;
	v20 =	vmul.f32 v20, v20;
	v15 =	vmul.f32 v51, v62  }
0x3d7: {  	v28 =	vsub.f32 v50, v52;
	v58 =	vmul.f32 v26, v56;
	v14 =	vadd.f32 v46, v14  }
0x3d8: {  	v38 =	vshrl.u32 v7, $0x1;
	v17 =	vmul.f32 v17, v17;
	v35 =	vmul.f32 v15, v49  }
0x3d9: {  	v61 =	vld.idx.msk [tilespmem:v18+s9+$0x0], $0xffff;
	v34 =	vmul.f32 v28, v28;
	v63 =	vmul.f32 v26, v58;
	v14 =	vadd.f32 v24, v14  }
0x3da: {  	v19 =	vsub.f32 v54, v19;
	v11 =	vsub.f32 v12, v11;
	v36 =	vmul.f32 v35, v15  }
0x3db: {  	v57 =	vmul.f32 $5.000000000e-01, v9;
	v33 =	vsub.f32 $1.500000000e+00, v63;
	v14 =	vadd.f32 v21, v14  }
0x3dc: {  	v19 =	vmul.f32 v19, v19;
	v11 =	vmul.f32 v11, v11;
	v21 =	vsub.f32 $1.500000000e+00, v36  }
0x3dd: {  	v62 =	vmul.f32 $5.000000000e-01, v10;
	v14 =	vadd.f32 v20, v14;
	v20 =	vmul.f32 v26, v33  }
0x3de: {  	v41 =	vsub.s32 $0x5F3759DF, v38;
	v16 =	vsub.f32 v22, v61;
	v15 =	vmul.f32 v21, v15  }
0x3df: {  	v42 =	vmul.f32 v41, v39;
	v14 =	vadd.f32 v34, v14;
	v37 =	vmul.f32 v20, v56  }
0x3e0: {  	v16 =	vmul.f32 v16, v16;
	v24 =	vsub.s32 $0x5F3759DF, v31;
	v44 =	vmul.f32 v15, v49  }
0x3e1: {  	v40 =	vmul.f32 v37, v20;
	v14 =	vadd.f32 v19, v14;
	v19 =	vmul.f32 v41, v42  }
0x3e2: {  	v48 =	vshrl.u32 v8, $0x1;
	v33 =	vmul.f32 v24, v32;
	v45 =	vmul.f32 v44, v15  }
0x3e3: {  	v49 =	vmul.f32 $5.000000000e-01, v8;
	v43 =	vsub.f32 $1.500000000e+00, v40;
	v46 =	vsub.f32 $1.500000000e+00, v19  }
0x3e4: {  	v26 =	vmul.f32 v24, v33;
	v14 =	vadd.f32 v16, v14;
	v16 =	vsub.f32 $1.500000000e+00, v45  }
0x3e5: {  	v12 =	vmul.f32 v43, v20;
	v18 =	vmul.f32 v41, v46;
	v20 =	vsub.s32 $0x5F3759DF, v48  }
0x3e6: {  	v14 =	vadd.f32 v17, v14;
	v15 =	vmul.f32 v16, v15;
	v50 =	vmul.f32 v20, v49  }
0x3e7: {  	v61 =	vshrl.u32 v10, $0x1;
	v47 =	vmul.f32 v12, v56;
	v51 =	vmul.f32 v18, v39  }
0x3e8: {  	v11 =	vadd.f32 v11, v14;
	v5 =	vmul.f32 v15, v5;
	v56 =	vshrl.u32 v9, $0x1  }
0x3e9: {  	v53 =	vmul.f32 v20, v50;
	v59 =	vsub.s32 $0x5F3759DF, v56;
	v19 =	vmul.f32 v47, v12  }
0x3ea: {  	v54 =	vmul.f32 v51, v18;
	v16 =	vmul.f32 v59, v57;
	v11 =	vmax.f32 v11, $9.999999680e-21  }
0x3eb: {  	v55 =	vsub.f32 $1.500000000e+00, v53;
	v34 =	vshrl.u32 v11, $0x1;
	v35 =	vmul.f32 $5.000000000e-01, v11  }
0x3ec: {  	v52 =	vsub.f32 $1.500000000e+00, v19;
	v14 =	vsub.f32 $1.500000000e+00, v54;
	v16 =	vmul.f32 v59, v16  }
0x3ed: {  	v19 =	vsub.s32 $0x5F3759DF, v61;
	v37 =	vsub.s32 $0x5F3759DF, v34;
	v58 =	vmul.f32 v20, v55  }
0x3ee: {  	v30 =	vmul.f32 v19, v62;
	v27 =	vmul.f32 v37, v35  }
0x3ef: {  	v12 =	vmul.f32 v52, v12;
	v14 =	vmul.f32 v14, v18;
	v16 =	vsub.f32 $1.500000000e+00, v16  }
0x3f0: {  	v60 =	vmul.f32 v58, v49;
	v23 =	vmul.f32 v19, v30  }
0x3f1: {  	v40 =	vmul.f32 v37, v27;
	v15 =	vmul.f32 v59, v16  }
0x3f2: {  	v63 =	vmul.f32 v14, v39;
	v18 =	vmul.f32 v60, v58;
	v36 =	vsub.f32 $1.500000000e+00, v23  }
0x3f3: {  	v6 =	vmul.f32 v12, v6;
	v38 =	vmul.f32 v15, v57  }
0x3f4: {  	v22 =	vmul.f32 v63, v14;
	v18 =	vsub.f32 $1.500000000e+00, v18;
	v16 =	vmul.f32 v19, v36  }
0x3f5: {  	v39 =	vsub.f32 $1.500000000e+00, v26;
	v19 =	vsub.f32 $1.500000000e+00, v40;
	v41 =	vmul.f32 v38, v15  }
0x3f6: {  	v22 =	vsub.f32 $1.500000000e+00, v22;
	v12 =	vmul.f32 v18, v58;
	v42 =	vmul.f32 v16, v62  }
0x3f7: {  	v5 =	vsub.f32 $1.000000000e+00, v5;
	v18 =	vmul.f32 v24, v39;
	v19 =	vmul.f32 v37, v19  }
0x3f8: {  	v43 =	vsub.f32 $1.500000000e+00, v41;
	v14 =	vmul.f32 v22, v14;
	v21 =	vmul.f32 v12, v49  }
0x3f9: {  	v44 =	vmul.f32 v42, v16;
	v45 =	vmul.f32 v18, v32  }
0x3fa: {  	v5 =	vmax.f32 v5, $0.0e+00;
	v48 =	vmul.f32 v19, v35;
	v15 =	vmul.f32 v43, v15  }
0x3fb: {  	v21 =	vmul.f32 v21, v12;
	v46 =	vsub.f32 $1.500000000e+00, v44;
	v47 =	vmul.f32 v45, v18  }
0x3fc: {  	v6 =	vsub.f32 $1.000000000e+00, v6;
	v50 =	vmul.f32 v48, v19;
	v17 =	vmul.f32 v15, v57  }
0x3fd: {  	v7 =	vmul.f32 v14, v7;
	v16 =	vmul.f32 v46, v16;
	v49 =	vsub.f32 $1.500000000e+00, v47  }
0x3fe: {  	v21 =	vsub.f32 $1.500000000e+00, v21;
	v52 =	vsub.f32 $1.500000000e+00, v50;
	v17 =	vmul.f32 v17, v15  }
0x3ff: {  	v6 =	vmax.f32 v6, $0.0e+00;
	v20 =	vmul.f32 v16, v62;
	v51 =	vmul.f32 v49, v18  }
0x400: {  	v5 =	vadd.f32 v6, v5;
	v12 =	vmul.f32 v21, v12;
	v18 =	vmul.f32 v52, v19  }
0x401: {  	v17 =	vsub.f32 $1.500000000e+00, v17;
	v20 =	vmul.f32 v20, v16;
	v6 =	vmul.f32 v51, v32  }
0x402: {  	v7 =	vsub.f32 $1.000000000e+00, v7;
	v8 =	vmul.f32 v12, v8;
	v55 =	vmul.f32 v18, v35  }
0x403: {  	v53 =	vmul.f32 v17, v15;
	v54 =	vsub.f32 $1.500000000e+00, v20;
	v6 =	vmul.f32 v6, v51  }
0x404: {  	v7 =	vmax.f32 v7, $0.0e+00;
	v8 =	vsub.f32 $1.000000000e+00, v8;
	v57 =	vmul.f32 v55, v18  }
0x405: {  	v9 =	vmul.f32 v53, v9;
	v56 =	vmul.f32 v54, v16;
	v6 =	vsub.f32 $1.500000000e+00, v6  }
0x406: {  	v5 =	vadd.f32 v7, v5;
	v7 =	vmax.f32 v8, $0.0e+00;
	v60 =	vsub.f32 $1.500000000e+00, v57  }
0x407: {  	v58 =	vsub.f32 $1.000000000e+00, v9;
	v59 =	vmul.f32 v56, v10;
	v6 =	vmul.f32 v6, v51  }
0x408: {  	v5 =	vadd.f32 v7, v5;
	v62 =	vmul.f32 v60, v18  }
0x409: {  	v7 =	vmax.f32 v58, $0.0e+00;
	v61 =	vsub.f32 $1.000000000e+00, v59;
	v6 =	vmul.f32 v6, v13  }
0x40a: {  	v5 =	vadd.f32 v7, v5  }
0x40b: {  	v63 =	vmul.f32 v62, v11;
	v7 =	vmax.f32 v61, $0.0e+00;
	v6 =	vsub.f32 $1.000000000e+00, v6  }
0x40c: {  	v5 =	vadd.f32 v7, v5  }
0x40d: {  	v7 =	vsub.f32 $1.000000000e+00, v63;
	v6 =	vmax.f32 v6, $0.0e+00  }
0x40e: {  	v5 =	vadd.f32 v6, v5  }
0x40f: {  	v6 =	vmax.f32 v7, $0.0e+00  }
0x410: {  	s12 =	sadd.s32 $0x1, s12;
	v5 =	vadd.f32 v6, v5  }
0x411: {  	p0 =	sne.s32 s12, s7  }
.Ltmp8:
0x412: {  	[tilespmem:$0xC080] =	vst v5;
	(pc) =	sbr.rel @p0 .LBB2_1-.Ltmp8, $4  }
0x413: {  	[hbm4b:s6+s3] =	stream.linear.scatter [tilespmem:s11], [sflag:$0x1], $0x80, $0x38;
	[tilespmem:$0xC100] =	vst v63  }
0x414: {  	_ =	swait.ge [sflag:s8], $0x80  }
0x415: {  	[sflag:s8] =	ssyncset.done $0x0  }
0x416: {  	[sflag:s8] =	ssyncadd.s32 $0xFFFFFF80  }
0x417: {  	_ =	sfence.sel $0x180000  }
0x418: {  	[bflag:$0x0] =	sbarrier.arrive $0xFFFF  }
0x419: {  	p0 =	sne.s32 s1, $0x0;
	_ =	strace $0x90000047  }
0x41a: {  	s0 =	sadd.s32 @!p0 $0x100000, s0;
	[bflag:$0x2] =	sbarrier.arrive $0xFFFF  }
0x41b: {  	[sflag:s0] =	ssyncadd.tile.s32 @!p0 $0x1;
	_ =	shalt  }
.Lfunc_end2:
_tile_overlayer_lowered:
.L_overlay_start_2:
0x41c: {  	(tag) =	ssettag $0x2  }
0x41d: {  	s0 =	rddreg [dreg:$0x0];
	s2 =	stileid.u32  }
0x41e: {  	s1 =	rddreg [dreg:$0x1];
	p0 =	sne.s32 s2, $0x0  }
0x41f: {  	s3 =	rddreg [dreg:$0x2];
	[bflag:$0x3] =	sbarrier.arrive $0xFFFF;
	s2 =	simm.s32 @!p0 $0x1C01  }
0x420: {  	[timem:s3], [sflag:s2] =	dma.local @!p0 [hbm:s0], s1  }
0x421: {  	s0 =	simm.s32 @!p0 $0x1  }
0x422: {  	_ =	swait.ge @!p0 [sflag:s0], s1  }
0x423: {  	s1 =	ssub.s32 @!p0 $0x0, s1;
	[sflag:s0] =	ssyncset.done @!p0 $0x0  }
0x424: {  	[sflag:s0] =	ssyncadd.s32 @!p0 s1  }
0x425: {  	[bflag:$0x3] =	sbarrier.arrive $0xFFFF  }
0x426: {  	_ =	shalt  }

</sc_bundles>
